<compile_context>
chip_gen: v7x
topology: tpu7x:2x2x1
jax: 0.10.2.dev20260603
libtpu: 0.0.44.dev20260713+nightly
codegen_flags: <defaults>
</compile_context>

<pallas_src>
import functools

import jax
import jax.numpy as jnp
import numpy as np
from jax import lax
from jax.experimental import pallas as pl
from jax.experimental.pallas import tpu as pltpu
from jax.experimental.pallas import tpu_sc as plsc

_LO_PRESS = [100.0, 150, 200, 250, 300, 350, 400, 450, 500, 550]
_HI_PRESS = [200.0, 400, 600, 800, 1000, 1200, 1400, 1600, 1800, 2000]
_COM_SPEED = np.array([
    [2000.0, 2000, 2000, 2000, 2000, 2000, 2000, 2000, 2000, 2000],
    [1600, 1600, 1600, 1600, 1600, 1700, 1800, 1900, 2000, 2000],
    [1200, 1200, 1200, 1200, 1200, 1200, 1200, 1200, 1600, 2000],
    [900, 900, 950, 1000, 1050, 1100, 1150, 1200, 1600, 2000],
    [800, 800, 800, 800, 900, 1000, 1100, 1200, 1600, 2000],
    [800, 800, 800, 800, 800, 900, 1050, 1200, 1600, 2000],
    [800, 800, 800, 800, 800, 800, 1000, 1200, 1600, 2000],
    [800, 800, 800, 800, 800, 800, 950, 1200, 1600, 2000],
    [800, 800, 800, 800, 800, 800, 900, 1200, 1600, 2000],
    [800, 800, 800, 800, 800, 800, 850, 1200, 1600, 2000]], dtype=np.float32)

_TFLAT = np.zeros((128,), np.float32)
_TFLAT[:100] = _COM_SPEED.reshape(-1)

_TILE = 4096
_NC, _NS = 2, 16
_NW = _NC * _NS



def _sc_interp_body(lo_hbm, hi_hbm, out_hbm, lo_v, hi_v, tab_v, out_v):
    chunk = out_v.shape[0]
    B = chunk * _NW
    wid = lax.axis_index("s") * _NC + lax.axis_index("c")
    base = wid * chunk
    pltpu.sync_copy(lo_hbm.at[pl.ds(base, chunk)], lo_v)
    pltpu.sync_copy(hi_hbm.at[pl.ds(base, chunk)], hi_v)
    pltpu.sync_copy(lo_hbm.at[pl.ds(B, 128)], tab_v)
    for i in range(chunk // 16):
        lo = lo_v[pl.ds(i * 16, 16)]
        hi = hi_v[pl.ds(i * 16, 16)]
        u1 = (lo - 100.0) * (1.0 / 50.0)
        u2 = (hi - 200.0) * (1.0 / 200.0)
        t1 = u1.astype(jnp.int32)
        t2 = u2.astype(jnp.int32)
        c1 = t1 + jnp.where(t1.astype(jnp.float32) < u1, 1, 0)
        c2 = t2 + jnp.where(t2.astype(jnp.float32) < u2, 1, 0)
        i1 = jnp.clip(c1 - 1, 0, 8)
        i2 = jnp.clip(c2 - 1, 0, 8)
        idx = i1 * 10 + i2
        q11 = plsc.load_gather(tab_v, [idx])
        q12 = plsc.load_gather(tab_v, [idx + 1])
        q21 = plsc.load_gather(tab_v, [idx + 10])
        q22 = plsc.load_gather(tab_v, [idx + 11])
        i1f = i1.astype(jnp.float32)
        i2f = i2.astype(jnp.float32)
        xr = (lo - (100.0 + 50.0 * i1f)) / 50.0
        yr = (hi - (200.0 + 200.0 * i2f)) / 200.0
        r1 = xr * (q21 - q11) + q11
        r2 = xr * (q22 - q12) + q12
        out_v[pl.ds(i * 16, 16)] = yr * (r2 - r1) + r1
    pltpu.sync_copy(out_v, out_hbm.at[pl.ds(base, chunk)])


def _sc_interp(lo_ext, hi):
    B = hi.shape[0]
    chunk = B // _NW
    mesh = plsc.VectorSubcoreMesh(core_axis_name="c", subcore_axis_name="s",
                                  num_cores=_NC, num_subcores=_NS)
    return pl.kernel(
        _sc_interp_body,
        out_type=jax.ShapeDtypeStruct((B,), jnp.float32),
        mesh=mesh,
        compiler_params=pltpu.CompilerParams(needs_layout_passes=False),
        scratch_types=[
            pltpu.VMEM((chunk,), jnp.float32),
            pltpu.VMEM((chunk,), jnp.float32),
            pltpu.VMEM((128,), jnp.float32),
            pltpu.VMEM((chunk,), jnp.float32),
        ],
    )(lo_ext, hi)



def _mlp_kernel(xt_ref, v12t_ref, ball_ref, w31_ref, w41_ref,
                w32_ref, w42_ref, out_ref):
    bf = jnp.bfloat16
    xt = xt_ref[...]
    b12t = ball_ref[0:512, :]
    b31t = ball_ref[512:768, :]
    b41t = ball_ref[768:1024, :]
    blastt = ball_ref[1024:1026, :]
    h = jnp.tanh(jnp.dot(v12t_ref[...], xt,
                         preferred_element_type=jnp.float32) + b12t)
    h1 = jnp.tanh(jnp.dot(w31_ref[...], h[:256, :],
                          preferred_element_type=jnp.float32) + b31t)
    h2 = jnp.tanh(jnp.dot(w41_ref[...], h[256:, :],
                          preferred_element_type=jnp.float32) + b41t)
    o1 = jnp.dot(w32_ref[...], h1,
                 preferred_element_type=jnp.float32)
    o2 = jnp.dot(w42_ref[...], h2,
                 preferred_element_type=jnp.float32)
    out_ref[...] = jnp.concatenate([o1, o2], axis=0) + blastt


def kernel(x, W3_0, b3_0, W3_1, b3_1, W3_2, b3_2,
           W4_0, b4_0, W4_1, b4_1, W4_2, b4_2):
    B = x.shape[0]
    f = jnp.float32
    s1t = np.zeros((6, 7), np.float32)
    for j, c in enumerate([4, 6, 2, 5, 1, 3]):
        s1t[j, c] = 1.0
    s2t = np.zeros((2, 7), np.float32)
    s2t[0, 4] = 1.0; s2t[0, 5] = -1.0
    s2t[1, 3] = 1.0; s2t[1, 2] = -1.0
    v12t = jnp.concatenate(
        [jnp.dot(W3_0, jnp.asarray(s1t)), jnp.dot(W4_0, jnp.asarray(s2t))],
        axis=0)
    ball = jnp.concatenate([b3_0, b4_0, b3_1, b4_1, b3_2, b4_2,
                            jnp.zeros((6,), f)])[:, None]

    col0 = _sc_interp(jnp.concatenate([x[:, 1], jnp.asarray(_TFLAT)]),
                      x[:, 2])

    out2t = pl.pallas_call(
        _mlp_kernel,
        grid=(B // _TILE,),
        in_specs=[
            pl.BlockSpec((7, _TILE), lambda i: (0, i)),
            pl.BlockSpec((512, 7), lambda i: (0, 0)),
            pl.BlockSpec((1032, 1), lambda i: (0, 0)),
            pl.BlockSpec((256, 256), lambda i: (0, 0)),
            pl.BlockSpec((256, 256), lambda i: (0, 0)),
            pl.BlockSpec((1, 256), lambda i: (0, 0)),
            pl.BlockSpec((1, 256), lambda i: (0, 0)),
        ],
        out_specs=pl.BlockSpec((2, _TILE), lambda i: (0, i)),
        out_shape=jax.ShapeDtypeStruct((2, B), f),
    )(x.T, v12t, ball, W3_1, W4_1, W3_2, W4_2)

    return jnp.concatenate([col0[None, :], out2t], axis=0).T

# --- scband reference (transcript-rebuilt; emitter-appended) ---
"""Pipeline reference for scband-my-model-12738873000491 (READ-ONLY COPY).

The authoritative reference and input builder live on the scoring server;
editing this copy changes nothing except your own understanding.
"""

import jax, jax.numpy as jnp
import numpy as np

LO_PRESS = jnp.array([100.0, 150, 200, 250, 300, 350, 400, 450, 500, 550], dtype=jnp.float32)
HI_PRESS = jnp.array([200.0, 400, 600, 800, 1000, 1200, 1400, 1600, 1800, 2000], dtype=jnp.float32)
COM_SPEED = jnp.array([
    [2000.0, 2000, 2000, 2000, 2000, 2000, 2000, 2000, 2000, 2000],
    [1600, 1600, 1600, 1600, 1600, 1700, 1800, 1900, 2000, 2000],
    [1200, 1200, 1200, 1200, 1200, 1200, 1200, 1200, 1600, 2000],
    [900, 900, 950, 1000, 1050, 1100, 1150, 1200, 1600, 2000],
    [800, 800, 800, 800, 900, 1000, 1100, 1200, 1600, 2000],
    [800, 800, 800, 800, 800, 900, 1050, 1200, 1600, 2000],
    [800, 800, 800, 800, 800, 800, 1000, 1200, 1600, 2000],
    [800, 800, 800, 800, 800, 800, 950, 1200, 1600, 2000],
    [800, 800, 800, 800, 800, 800, 900, 1200, 1600, 2000],
    [800, 800, 800, 800, 800, 800, 850, 1200, 1600, 2000]], dtype=jnp.float32)

def _mlp(x, W0, b0, W1, b1, W2, b2):
    h = jnp.tanh(x @ W0.T + b0)
    h = jnp.tanh(h @ W1.T + b1)
    return h @ W2.T + b2

def _inter2d(x1t, x2t, yt, x1, x2):
    i1 = jnp.clip(jnp.searchsorted(x1t, x1, side='left') - 1, 0, x1t.shape[0] - 2)
    i2 = jnp.clip(jnp.searchsorted(x2t, x2, side='left') - 1, 0, x2t.shape[0] - 2)
    Q11 = yt[i1, i2]
    Q12 = yt[i1, i2 + 1]
    Q21 = yt[i1 + 1, i2]
    Q22 = yt[i1 + 1, i2 + 1]
    xr = (x1 - x1t[i1]) / (x1t[i1 + 1] - x1t[i1])
    yr = (x2 - x2t[i2]) / (x2t[i2 + 1] - x2t[i2])
    R1 = xr * (Q21 - Q11) + Q11
    R2 = xr * (Q22 - Q12) + Q12
    return yr * (R2 - R1) + R1

def setup_inputs(seed: int = 0):
    key = jax.random.key(seed)
    ks = jax.random.split(key, 13)
    B = 16384
    x = jax.random.normal(ks[0], (B, 7), dtype=jnp.float32)
    def lin(k, fo, fi):
        return jax.random.normal(k, (fo, fi), dtype=jnp.float32) * (1.0 / np.sqrt(fi))
    return {
        'x': x,
        'W3_0': lin(ks[1], 256, 6), 'b3_0': jnp.zeros((256,), jnp.float32),
        'W3_1': lin(ks[2], 256, 256), 'b3_1': jnp.zeros((256,), jnp.float32),
        'W3_2': lin(ks[3], 1, 256), 'b3_2': jnp.zeros((1,), jnp.float32),
        'W4_0': lin(ks[4], 256, 2), 'b4_0': jnp.zeros((256,), jnp.float32),
        'W4_1': lin(ks[5], 256, 256), 'b4_1': jnp.zeros((256,), jnp.float32),
        'W4_2': lin(ks[6], 1, 256), 'b4_2': jnp.zeros((1,), jnp.float32),
    }

def reference(x, W3_0, b3_0, W3_1, b3_1, W3_2, b3_2, W4_0, b4_0, W4_1, b4_1, W4_2, b4_2):
    lo_pressure = x[:, 1]
    hi_pressure = x[:, 2]
    aim_hi_pressure = x[:, 3]
    temp_p_h_2 = x[:, 4]
    temp_p_h_1 = x[:, 5]
    temp_p_h_5 = x[:, 6]
    diff_hi_pressure = aim_hi_pressure - hi_pressure
    dif_temp_p_h = temp_p_h_2 - temp_p_h_1
    com_speed_min = _inter2d(LO_PRESS, HI_PRESS, COM_SPEED, lo_pressure, hi_pressure)
    use_x1 = jnp.stack([temp_p_h_2, temp_p_h_5, hi_pressure, temp_p_h_1, lo_pressure, aim_hi_pressure], axis=1)
    Part1 = _mlp(use_x1, W3_0, b3_0, W3_1, b3_1, W3_2, b3_2)
    use_x2 = jnp.stack([dif_temp_p_h, diff_hi_pressure], axis=1)
    Part2 = _mlp(use_x2, W4_0, b4_0, W4_1, b4_1, W4_2, b4_2)
    return jnp.concatenate([com_speed_min[:, None], Part1, Part2], axis=1)

if __name__ == "__main__":
    import jax
    _d = setup_inputs()
    print(jax.jit(kernel)(*tuple(_d.values())))

</pallas_src>

<mosaic_0001>
#map = affine_map<(d0, d1) -> (0)>
module attributes {stable_mosaic.version = 14 : i64} {
  func.func @_sc_interp_body(%arg0: i32, %arg1: i32, %arg2: memref<16512xf32, #tpu.memory_space<hbm>>, %arg3: memref<16384xf32, #tpu.memory_space<hbm>>, %arg4: memref<16384xf32, #tpu.memory_space<hbm>>, %arg5: memref<512xf32, #tpu.memory_space<vmem>>, %arg6: memref<512xf32, #tpu.memory_space<vmem>>, %arg7: memref<128xf32, #tpu.memory_space<vmem>>, %arg8: memref<512xf32, #tpu.memory_space<vmem>>) attributes {dimension_semantics = [#tpu.dimension_semantics<core_parallel>, #tpu.dimension_semantics<subcore_parallel>], iteration_bounds = array<i64: 2, 16>, scalar_prefetch = 0 : i64, scratch_operands = 4 : i64, tpu.core_type = #tpu.core_type<sc_vector_subcore>, window_params = [{transform_indices = #map}, {transform_indices = #map}, {transform_indices = #map}]} {
    %mul3A = arith.constant 2 : i32
    %mul3A_0 = arith.muli %arg1, %mul3A : i32
    %add3A = arith.addi %mul3A_0, %arg0 : i32
    %mul3A_1 = arith.constant 512 : i32
    %mul3A_2 = arith.muli %add3A, %mul3A_1 : i32
    "tpu.region"() ({
      %run_scoped3A = tpu.sem_alloc : memref<!tpu.dma_semaphore, #tpu.memory_space<semaphore_mem>>
      %dma_start3A = tpu.memref_slice %arg2[%mul3A_2] : memref<16512xf32, #tpu.memory_space<hbm>> -> memref<512xf32, #tpu.memory_space<hbm>>
      %dma_start3A_3255 = tpu.memref_slice %arg2[%mul3A_2] : memref<16512xf32, #tpu.memory_space<hbm>> -> memref<512xf32, #tpu.memory_space<hbm>>
      tpu.enqueue_dma source(%dma_start3A_3255 : memref<512xf32, #tpu.memory_space<hbm>>) target(%arg5 : memref<512xf32, #tpu.memory_space<vmem>>) target_semaphore(%run_scoped3A : memref<!tpu.dma_semaphore, #tpu.memory_space<semaphore_mem>>)
      %dma_wait3A = tpu.memref_slice %arg2[%mul3A_2] : memref<16512xf32, #tpu.memory_space<hbm>> -> memref<512xf32, #tpu.memory_space<hbm>>
      %dma_wait3A_3256 = tpu.memref_slice %arg2[%mul3A_2] : memref<16512xf32, #tpu.memory_space<hbm>> -> memref<512xf32, #tpu.memory_space<hbm>>
      tpu.wait_dma2 semaphore(%run_scoped3A : memref<!tpu.dma_semaphore, #tpu.memory_space<semaphore_mem>>) src(%dma_wait3A_3256 : memref<512xf32, #tpu.memory_space<hbm>>) dst(%arg5 : memref<512xf32, #tpu.memory_space<vmem>>)
      tpu.yield
    }) : () -> ()
    "tpu.region"() ({
      %run_scoped3A = tpu.sem_alloc : memref<!tpu.dma_semaphore, #tpu.memory_space<semaphore_mem>>
      %dma_start3A = tpu.memref_slice %arg3[%mul3A_2] : memref<16384xf32, #tpu.memory_space<hbm>> -> memref<512xf32, #tpu.memory_space<hbm>>
      %dma_start3A_3255 = tpu.memref_slice %arg3[%mul3A_2] : memref<16384xf32, #tpu.memory_space<hbm>> -> memref<512xf32, #tpu.memory_space<hbm>>
      tpu.enqueue_dma source(%dma_start3A_3255 : memref<512xf32, #tpu.memory_space<hbm>>) target(%arg6 : memref<512xf32, #tpu.memory_space<vmem>>) target_semaphore(%run_scoped3A : memref<!tpu.dma_semaphore, #tpu.memory_space<semaphore_mem>>)
      %dma_wait3A = tpu.memref_slice %arg3[%mul3A_2] : memref<16384xf32, #tpu.memory_space<hbm>> -> memref<512xf32, #tpu.memory_space<hbm>>
      %dma_wait3A_3256 = tpu.memref_slice %arg3[%mul3A_2] : memref<16384xf32, #tpu.memory_space<hbm>> -> memref<512xf32, #tpu.memory_space<hbm>>
      tpu.wait_dma2 semaphore(%run_scoped3A : memref<!tpu.dma_semaphore, #tpu.memory_space<semaphore_mem>>) src(%dma_wait3A_3256 : memref<512xf32, #tpu.memory_space<hbm>>) dst(%arg6 : memref<512xf32, #tpu.memory_space<vmem>>)
      tpu.yield
    }) : () -> ()
    "tpu.region"() ({
      %run_scoped3A = tpu.sem_alloc : memref<!tpu.dma_semaphore, #tpu.memory_space<semaphore_mem>>
      %dma_start3A = arith.constant 16384 : i32
      %dma_start3A_3255 = tpu.memref_slice %arg2[%dma_start3A] : memref<16512xf32, #tpu.memory_space<hbm>> -> memref<128xf32, #tpu.memory_space<hbm>>
      %dma_start3A_3256 = arith.constant 16384 : i32
      %dma_start3A_3257 = tpu.memref_slice %arg2[%dma_start3A_3256] : memref<16512xf32, #tpu.memory_space<hbm>> -> memref<128xf32, #tpu.memory_space<hbm>>
      tpu.enqueue_dma source(%dma_start3A_3257 : memref<128xf32, #tpu.memory_space<hbm>>) target(%arg7 : memref<128xf32, #tpu.memory_space<vmem>>) target_semaphore(%run_scoped3A : memref<!tpu.dma_semaphore, #tpu.memory_space<semaphore_mem>>)
      %dma_wait3A = arith.constant 16384 : i32
      %dma_wait3A_3258 = tpu.memref_slice %arg2[%dma_wait3A] : memref<16512xf32, #tpu.memory_space<hbm>> -> memref<128xf32, #tpu.memory_space<hbm>>
      %dma_wait3A_3259 = arith.constant 16384 : i32
      %dma_wait3A_3260 = tpu.memref_slice %arg2[%dma_wait3A_3259] : memref<16512xf32, #tpu.memory_space<hbm>> -> memref<128xf32, #tpu.memory_space<hbm>>
      tpu.wait_dma2 semaphore(%run_scoped3A : memref<!tpu.dma_semaphore, #tpu.memory_space<semaphore_mem>>) src(%dma_wait3A_3260 : memref<128xf32, #tpu.memory_space<hbm>>) dst(%arg7 : memref<128xf32, #tpu.memory_space<vmem>>)
      tpu.yield
    }) : () -> ()
    %get3A = arith.constant 0 : index
    %get3A_3 = tpu.vector_load %arg5[%get3A] {strides = array<i32>} : memref<512xf32, #tpu.memory_space<vmem>>, vector<16xf32>,
    %get3A_4 = arith.constant 0 : index
    %get3A_5 = tpu.vector_load %arg6[%get3A_4] {strides = array<i32>} : memref<512xf32, #tpu.memory_space<vmem>>, vector<16xf32>,
    %sub3A = arith.constant 1.000000e+02 : f32
    %sub3A_6 = vector.broadcast %sub3A : f32 to vector<16xf32>
    %sub3A_7 = arith.subf %get3A_3, %sub3A_6 : vector<16xf32>
    %mul3A_8 = arith.constant 2.000000e-02 : f32
    %mul3A_9 = vector.broadcast %mul3A_8 : f32 to vector<16xf32>
    %mul3A_10 = arith.mulf %sub3A_7, %mul3A_9 : vector<16xf32>
    %sub3A_11 = arith.constant 2.000000e+02 : f32
    %sub3A_12 = vector.broadcast %sub3A_11 : f32 to vector<16xf32>
    %sub3A_13 = arith.subf %get3A_5, %sub3A_12 : vector<16xf32>
    %mul3A_14 = arith.constant 5.000000e-03 : f32
    %mul3A_15 = vector.broadcast %mul3A_14 : f32 to vector<16xf32>
    %mul3A_16 = arith.mulf %sub3A_13, %mul3A_15 : vector<16xf32>
    %convert_element_type3A = arith.fptosi %mul3A_10 : vector<16xf32> to vector<16xi32>
    %convert_element_type3A_17 = arith.fptosi %mul3A_16 : vector<16xf32> to vector<16xi32>
    %convert_element_type3A_18 = arith.sitofp %convert_element_type3A : vector<16xi32> to vector<16xf32>
    %lt3A = arith.cmpf olt, %convert_element_type3A_18, %mul3A_10 : vector<16xf32>
    %jit3A = arith.constant 1 : i32
    %jit3A_19 = arith.constant 0 : i32
    %broadcast_in_dim3A = vector.broadcast %jit3A : i32 to vector<16xi32>
    %broadcast_in_dim3A_20 = vector.broadcast %jit3A_19 : i32 to vector<16xi32>
    %select_n3A = arith.select %lt3A, %broadcast_in_dim3A, %broadcast_in_dim3A_20 : vector<16xi1>, vector<16xi32>
    %add3A_21 = arith.addi %convert_element_type3A, %select_n3A : vector<16xi32>
    %convert_element_type3A_22 = arith.sitofp %convert_element_type3A_17 : vector<16xi32> to vector<16xf32>
    %lt3A_23 = arith.cmpf olt, %convert_element_type3A_22, %mul3A_16 : vector<16xf32>
    %jit3A_24 = arith.constant 1 : i32
    %jit3A_25 = arith.constant 0 : i32
    %broadcast_in_dim3A_26 = vector.broadcast %jit3A_24 : i32 to vector<16xi32>
    %broadcast_in_dim3A_27 = vector.broadcast %jit3A_25 : i32 to vector<16xi32>
    %select_n3A_28 = arith.select %lt3A_23, %broadcast_in_dim3A_26, %broadcast_in_dim3A_27 : vector<16xi1>, vector<16xi32>
    %add3A_29 = arith.addi %convert_element_type3A_17, %select_n3A_28 : vector<16xi32>
    %sub3A_30 = arith.constant 1 : i32
    %sub3A_31 = vector.broadcast %sub3A_30 : i32 to vector<16xi32>
    %sub3A_32 = arith.subi %add3A_21, %sub3A_31 : vector<16xi32>
    %jit3A_33 = arith.constant 0 : i32
    %jit3A_34 = arith.constant 8 : i32
    %max3A = vector.broadcast %jit3A_33 : i32 to vector<16xi32>
    %max3A_35 = arith.maxsi %max3A, %sub3A_32 : vector<16xi32>
    %min3A = vector.broadcast %jit3A_34 : i32 to vector<16xi32>
    %min3A_36 = arith.minsi %min3A, %max3A_35 : vector<16xi32>
    %sub3A_37 = arith.constant 1 : i32
    %sub3A_38 = vector.broadcast %sub3A_37 : i32 to vector<16xi32>
    %sub3A_39 = arith.subi %add3A_29, %sub3A_38 : vector<16xi32>
    %jit3A_40 = arith.constant 0 : i32
    %jit3A_41 = arith.constant 8 : i32
    %max3A_42 = vector.broadcast %jit3A_40 : i32 to vector<16xi32>
    %max3A_43 = arith.maxsi %max3A_42, %sub3A_39 : vector<16xi32>
    %min3A_44 = vector.broadcast %jit3A_41 : i32 to vector<16xi32>
    %min3A_45 = arith.minsi %min3A_44, %max3A_43 : vector<16xi32>
    %mul3A_46 = arith.constant 10 : i32
    %mul3A_47 = vector.broadcast %mul3A_46 : i32 to vector<16xi32>
    %mul3A_48 = arith.muli %min3A_36, %mul3A_47 : vector<16xi32>
    %add3A_49 = arith.addi %mul3A_48, %min3A_45 : vector<16xi32>
    %gather3A = tpu.vector_load_idx %arg7[%add3A_49] : memref<128xf32, #tpu.memory_space<vmem>>[vector<16xi32>], vector<16xf32>,
    %add3A_50 = arith.constant 1 : i32
    %add3A_51 = vector.broadcast %add3A_50 : i32 to vector<16xi32>
    %add3A_52 = arith.addi %add3A_49, %add3A_51 : vector<16xi32>
    %gather3A_53 = tpu.vector_load_idx %arg7[%add3A_52] : memref<128xf32, #tpu.memory_space<vmem>>[vector<16xi32>], vector<16xf32>,
    %add3A_54 = arith.constant 10 : i32
    %add3A_55 = vector.broadcast %add3A_54 : i32 to vector<16xi32>
    %add3A_56 = arith.addi %add3A_49, %add3A_55 : vector<16xi32>
    %gather3A_57 = tpu.vector_load_idx %arg7[%add3A_56] : memref<128xf32, #tpu.memory_space<vmem>>[vector<16xi32>], vector<16xf32>,
    %add3A_58 = arith.constant 11 : i32
    %add3A_59 = vector.broadcast %add3A_58 : i32 to vector<16xi32>
    %add3A_60 = arith.addi %add3A_49, %add3A_59 : vector<16xi32>
    %gather3A_61 = tpu.vector_load_idx %arg7[%add3A_60] : memref<128xf32, #tpu.memory_space<vmem>>[vector<16xi32>], vector<16xf32>,
    %convert_element_type3A_62 = arith.sitofp %min3A_36 : vector<16xi32> to vector<16xf32>
    %convert_element_type3A_63 = arith.sitofp %min3A_45 : vector<16xi32> to vector<16xf32>
    %mul3A_64 = arith.constant 5.000000e+01 : f32
    %mul3A_65 = vector.broadcast %mul3A_64 : f32 to vector<16xf32>
    %mul3A_66 = arith.mulf %mul3A_65, %convert_element_type3A_62 : vector<16xf32>
    %add3A_67 = arith.constant 1.000000e+02 : f32
    %add3A_68 = vector.broadcast %add3A_67 : f32 to vector<16xf32>
    %add3A_69 = arith.addf %add3A_68, %mul3A_66 : vector<16xf32>
    %sub3A_70 = arith.subf %get3A_3, %add3A_69 : vector<16xf32>
    %div3A = arith.constant 5.000000e+01 : f32
    %div3A_71 = vector.broadcast %div3A : f32 to vector<16xf32>
    %div3A_72 = arith.divf %sub3A_70, %div3A_71 : vector<16xf32>
    %mul3A_73 = arith.constant 2.000000e+02 : f32
    %mul3A_74 = vector.broadcast %mul3A_73 : f32 to vector<16xf32>
    %mul3A_75 = arith.mulf %mul3A_74, %convert_element_type3A_63 : vector<16xf32>
    %add3A_76 = arith.constant 2.000000e+02 : f32
    %add3A_77 = vector.broadcast %add3A_76 : f32 to vector<16xf32>
    %add3A_78 = arith.addf %add3A_77, %mul3A_75 : vector<16xf32>
    %sub3A_79 = arith.subf %get3A_5, %add3A_78 : vector<16xf32>
    %div3A_80 = arith.constant 2.000000e+02 : f32
    %div3A_81 = vector.broadcast %div3A_80 : f32 to vector<16xf32>
    %div3A_82 = arith.divf %sub3A_79, %div3A_81 : vector<16xf32>
    %sub3A_83 = arith.subf %gather3A_57, %gather3A : vector<16xf32>
    %mul3A_84 = arith.mulf %div3A_72, %sub3A_83 : vector<16xf32>
    %add3A_85 = arith.addf %mul3A_84, %gather3A : vector<16xf32>
    %sub3A_86 = arith.subf %gather3A_61, %gather3A_53 : vector<16xf32>
    %mul3A_87 = arith.mulf %div3A_72, %sub3A_86 : vector<16xf32>
    %add3A_88 = arith.addf %mul3A_87, %gather3A_53 : vector<16xf32>
    %sub3A_89 = arith.subf %add3A_88, %add3A_85 : vector<16xf32>
    %mul3A_90 = arith.mulf %div3A_82, %sub3A_89 : vector<16xf32>
    %add3A_91 = arith.addf %mul3A_90, %add3A_85 : vector<16xf32>
    %swap3A = arith.constant 0 : index
    %swap3A_92 = tpu.vector_load %arg8[%swap3A] {strides = array<i32>} : memref<512xf32, #tpu.memory_space<vmem>>, vector<16xf32>,
    tpu.vector_store %arg8[%swap3A], %add3A_91 {strides = array<i32>} : memref<512xf32, #tpu.memory_space<vmem>>, vector<16xf32>,
    %get3A_93 = arith.constant 16 : index
    %get3A_94 = tpu.vector_load %arg5[%get3A_93] {strides = array<i32>} : memref<512xf32, #tpu.memory_space<vmem>>, vector<16xf32>,
    %get3A_95 = arith.constant 16 : index
    %get3A_96 = tpu.vector_load %arg6[%get3A_95] {strides = array<i32>} : memref<512xf32, #tpu.memory_space<vmem>>, vector<16xf32>,
    %sub3A_97 = arith.constant 1.000000e+02 : f32
    %sub3A_98 = vector.broadcast %sub3A_97 : f32 to vector<16xf32>
    %sub3A_99 = arith.subf %get3A_94, %sub3A_98 : vector<16xf32>
    %mul3A_100 = arith.constant 2.000000e-02 : f32
    %mul3A_101 = vector.broadcast %mul3A_100 : f32 to vector<16xf32>
    %mul3A_102 = arith.mulf %sub3A_99, %mul3A_101 : vector<16xf32>
    %sub3A_103 = arith.constant 2.000000e+02 : f32
    %sub3A_104 = vector.broadcast %sub3A_103 : f32 to vector<16xf32>
    %sub3A_105 = arith.subf %get3A_96, %sub3A_104 : vector<16xf32>
    %mul3A_106 = arith.constant 5.000000e-03 : f32
    %mul3A_107 = vector.broadcast %mul3A_106 : f32 to vector<16xf32>
    %mul3A_108 = arith.mulf %sub3A_105, %mul3A_107 : vector<16xf32>
    %convert_element_type3A_109 = arith.fptosi %mul3A_102 : vector<16xf32> to vector<16xi32>
    %convert_element_type3A_110 = arith.fptosi %mul3A_108 : vector<16xf32> to vector<16xi32>
    %convert_element_type3A_111 = arith.sitofp %convert_element_type3A_109 : vector<16xi32> to vector<16xf32>
    %lt3A_112 = arith.cmpf olt, %convert_element_type3A_111, %mul3A_102 : vector<16xf32>
    %jit3A_113 = arith.constant 1 : i32
    %jit3A_114 = arith.constant 0 : i32
    %broadcast_in_dim3A_115 = vector.broadcast %jit3A_113 : i32 to vector<16xi32>
    %broadcast_in_dim3A_116 = vector.broadcast %jit3A_114 : i32 to vector<16xi32>
    %select_n3A_117 = arith.select %lt3A_112, %broadcast_in_dim3A_115, %broadcast_in_dim3A_116 : vector<16xi1>, vector<16xi32>
    %add3A_118 = arith.addi %convert_element_type3A_109, %select_n3A_117 : vector<16xi32>
    %convert_element_type3A_119 = arith.sitofp %convert_element_type3A_110 : vector<16xi32> to vector<16xf32>
    %lt3A_120 = arith.cmpf olt, %convert_element_type3A_119, %mul3A_108 : vector<16xf32>
    %jit3A_121 = arith.constant 1 : i32
    %jit3A_122 = arith.constant 0 : i32
    %broadcast_in_dim3A_123 = vector.broadcast %jit3A_121 : i32 to vector<16xi32>
    %broadcast_in_dim3A_124 = vector.broadcast %jit3A_122 : i32 to vector<16xi32>
    %select_n3A_125 = arith.select %lt3A_120, %broadcast_in_dim3A_123, %broadcast_in_dim3A_124 : vector<16xi1>, vector<16xi32>
    %add3A_126 = arith.addi %convert_element_type3A_110, %select_n3A_125 : vector<16xi32>
    %sub3A_127 = arith.constant 1 : i32
    %sub3A_128 = vector.broadcast %sub3A_127 : i32 to vector<16xi32>
    %sub3A_129 = arith.subi %add3A_118, %sub3A_128 : vector<16xi32>
    %jit3A_130 = arith.constant 0 : i32
    %jit3A_131 = arith.constant 8 : i32
    %max3A_132 = vector.broadcast %jit3A_130 : i32 to vector<16xi32>
    %max3A_133 = arith.maxsi %max3A_132, %sub3A_129 : vector<16xi32>
    %min3A_134 = vector.broadcast %jit3A_131 : i32 to vector<16xi32>
    %min3A_135 = arith.minsi %min3A_134, %max3A_133 : vector<16xi32>
    %sub3A_136 = arith.constant 1 : i32
    %sub3A_137 = vector.broadcast %sub3A_136 : i32 to vector<16xi32>
    %sub3A_138 = arith.subi %add3A_126, %sub3A_137 : vector<16xi32>
    %jit3A_139 = arith.constant 0 : i32
    %jit3A_140 = arith.constant 8 : i32
    %max3A_141 = vector.broadcast %jit3A_139 : i32 to vector<16xi32>
    %max3A_142 = arith.maxsi %max3A_141, %sub3A_138 : vector<16xi32>
    %min3A_143 = vector.broadcast %jit3A_140 : i32 to vector<16xi32>
    %min3A_144 = arith.minsi %min3A_143, %max3A_142 : vector<16xi32>
    %mul3A_145 = arith.constant 10 : i32
    %mul3A_146 = vector.broadcast %mul3A_145 : i32 to vector<16xi32>
    %mul3A_147 = arith.muli %min3A_135, %mul3A_146 : vector<16xi32>
    %add3A_148 = arith.addi %mul3A_147, %min3A_144 : vector<16xi32>
    %gather3A_149 = tpu.vector_load_idx %arg7[%add3A_148] : memref<128xf32, #tpu.memory_space<vmem>>[vector<16xi32>], vector<16xf32>,
    %add3A_150 = arith.constant 1 : i32
    %add3A_151 = vector.broadcast %add3A_150 : i32 to vector<16xi32>
    %add3A_152 = arith.addi %add3A_148, %add3A_151 : vector<16xi32>
    %gather3A_153 = tpu.vector_load_idx %arg7[%add3A_152] : memref<128xf32, #tpu.memory_space<vmem>>[vector<16xi32>], vector<16xf32>,
    %add3A_154 = arith.constant 10 : i32
    %add3A_155 = vector.broadcast %add3A_154 : i32 to vector<16xi32>
    %add3A_156 = arith.addi %add3A_148, %add3A_155 : vector<16xi32>
    %gather3A_157 = tpu.vector_load_idx %arg7[%add3A_156] : memref<128xf32, #tpu.memory_space<vmem>>[vector<16xi32>], vector<16xf32>,
    %add3A_158 = arith.constant 11 : i32
    %add3A_159 = vector.broadcast %add3A_158 : i32 to vector<16xi32>
    %add3A_160 = arith.addi %add3A_148, %add3A_159 : vector<16xi32>
    %gather3A_161 = tpu.vector_load_idx %arg7[%add3A_160] : memref<128xf32, #tpu.memory_space<vmem>>[vector<16xi32>], vector<16xf32>,
    %convert_element_type3A_162 = arith.sitofp %min3A_135 : vector<16xi32> to vector<16xf32>
    %convert_element_type3A_163 = arith.sitofp %min3A_144 : vector<16xi32> to vector<16xf32>
    %mul3A_164 = arith.constant 5.000000e+01 : f32
    %mul3A_165 = vector.broadcast %mul3A_164 : f32 to vector<16xf32>
    %mul3A_166 = arith.mulf %mul3A_165, %convert_element_type3A_162 : vector<16xf32>
    %add3A_167 = arith.constant 1.000000e+02 : f32
    %add3A_168 = vector.broadcast %add3A_167 : f32 to vector<16xf32>
    %add3A_169 = arith.addf %add3A_168, %mul3A_166 : vector<16xf32>
    %sub3A_170 = arith.subf %get3A_94, %add3A_169 : vector<16xf32>
    %div3A_171 = arith.constant 5.000000e+01 : f32
    %div3A_172 = vector.broadcast %div3A_171 : f32 to vector<16xf32>
    %div3A_173 = arith.divf %sub3A_170, %div3A_172 : vector<16xf32>
    %mul3A_174 = arith.constant 2.000000e+02 : f32
    %mul3A_175 = vector.broadcast %mul3A_174 : f32 to vector<16xf32>
    %mul3A_176 = arith.mulf %mul3A_175, %convert_element_type3A_163 : vector<16xf32>
    %add3A_177 = arith.constant 2.000000e+02 : f32
    %add3A_178 = vector.broadcast %add3A_177 : f32 to vector<16xf32>
    %add3A_179 = arith.addf %add3A_178, %mul3A_176 : vector<16xf32>
    %sub3A_180 = arith.subf %get3A_96, %add3A_179 : vector<16xf32>
    %div3A_181 = arith.constant 2.000000e+02 : f32
    %div3A_182 = vector.broadcast %div3A_181 : f32 to vector<16xf32>
    %div3A_183 = arith.divf %sub3A_180, %div3A_182 : vector<16xf32>
    %sub3A_184 = arith.subf %gather3A_157, %gather3A_149 : vector<16xf32>
    %mul3A_185 = arith.mulf %div3A_173, %sub3A_184 : vector<16xf32>
    %add3A_186 = arith.addf %mul3A_185, %gather3A_149 : vector<16xf32>
    %sub3A_187 = arith.subf %gather3A_161, %gather3A_153 : vector<16xf32>
    %mul3A_188 = arith.mulf %div3A_173, %sub3A_187 : vector<16xf32>
    %add3A_189 = arith.addf %mul3A_188, %gather3A_153 : vector<16xf32>
    %sub3A_190 = arith.subf %add3A_189, %add3A_186 : vector<16xf32>
    %mul3A_191 = arith.mulf %div3A_183, %sub3A_190 : vector<16xf32>
    %add3A_192 = arith.addf %mul3A_191, %add3A_186 : vector<16xf32>
    %swap3A_193 = arith.constant 16 : index
    %swap3A_194 = tpu.vector_load %arg8[%swap3A_193] {strides = array<i32>} : memref<512xf32, #tpu.memory_space<vmem>>, vector<16xf32>,
    tpu.vector_store %arg8[%swap3A_193], %add3A_192 {strides = array<i32>} : memref<512xf32, #tpu.memory_space<vmem>>, vector<16xf32>,
    %get3A_195 = arith.constant 32 : index
    %get3A_196 = tpu.vector_load %arg5[%get3A_195] {strides = array<i32>} : memref<512xf32, #tpu.memory_space<vmem>>, vector<16xf32>,
    %get3A_197 = arith.constant 32 : index
    %get3A_198 = tpu.vector_load %arg6[%get3A_197] {strides = array<i32>} : memref<512xf32, #tpu.memory_space<vmem>>, vector<16xf32>,
    %sub3A_199 = arith.constant 1.000000e+02 : f32
    %sub3A_200 = vector.broadcast %sub3A_199 : f32 to vector<16xf32>
    %sub3A_201 = arith.subf %get3A_196, %sub3A_200 : vector<16xf32>
    %mul3A_202 = arith.constant 2.000000e-02 : f32
    %mul3A_203 = vector.broadcast %mul3A_202 : f32 to vector<16xf32>
    %mul3A_204 = arith.mulf %sub3A_201, %mul3A_203 : vector<16xf32>
    %sub3A_205 = arith.constant 2.000000e+02 : f32
    %sub3A_206 = vector.broadcast %sub3A_205 : f32 to vector<16xf32>
    %sub3A_207 = arith.subf %get3A_198, %sub3A_206 : vector<16xf32>
    %mul3A_208 = arith.constant 5.000000e-03 : f32
    %mul3A_209 = vector.broadcast %mul3A_208 : f32 to vector<16xf32>
    %mul3A_210 = arith.mulf %sub3A_207, %mul3A_209 : vector<16xf32>
    %convert_element_type3A_211 = arith.fptosi %mul3A_204 : vector<16xf32> to vector<16xi32>
    %convert_element_type3A_212 = arith.fptosi %mul3A_210 : vector<16xf32> to vector<16xi32>
    %convert_element_type3A_213 = arith.sitofp %convert_element_type3A_211 : vector<16xi32> to vector<16xf32>
    %lt3A_214 = arith.cmpf olt, %convert_element_type3A_213, %mul3A_204 : vector<16xf32>
    %jit3A_215 = arith.constant 1 : i32
    %jit3A_216 = arith.constant 0 : i32
    %broadcast_in_dim3A_217 = vector.broadcast %jit3A_215 : i32 to vector<16xi32>
    %broadcast_in_dim3A_218 = vector.broadcast %jit3A_216 : i32 to vector<16xi32>
    %select_n3A_219 = arith.select %lt3A_214, %broadcast_in_dim3A_217, %broadcast_in_dim3A_218 : vector<16xi1>, vector<16xi32>
    %add3A_220 = arith.addi %convert_element_type3A_211, %select_n3A_219 : vector<16xi32>
    %convert_element_type3A_221 = arith.sitofp %convert_element_type3A_212 : vector<16xi32> to vector<16xf32>
    %lt3A_222 = arith.cmpf olt, %convert_element_type3A_221, %mul3A_210 : vector<16xf32>
    %jit3A_223 = arith.constant 1 : i32
    %jit3A_224 = arith.constant 0 : i32
    %broadcast_in_dim3A_225 = vector.broadcast %jit3A_223 : i32 to vector<16xi32>
    %broadcast_in_dim3A_226 = vector.broadcast %jit3A_224 : i32 to vector<16xi32>
    %select_n3A_227 = arith.select %lt3A_222, %broadcast_in_dim3A_225, %broadcast_in_dim3A_226 : vector<16xi1>, vector<16xi32>
    %add3A_228 = arith.addi %convert_element_type3A_212, %select_n3A_227 : vector<16xi32>
    %sub3A_229 = arith.constant 1 : i32
    %sub3A_230 = vector.broadcast %sub3A_229 : i32 to vector<16xi32>
    %sub3A_231 = arith.subi %add3A_220, %sub3A_230 : vector<16xi32>
    %jit3A_232 = arith.constant 0 : i32
    %jit3A_233 = arith.constant 8 : i32
    %max3A_234 = vector.broadcast %jit3A_232 : i32 to vector<16xi32>
    %max3A_235 = arith.maxsi %max3A_234, %sub3A_231 : vector<16xi32>
    %min3A_236 = vector.broadcast %jit3A_233 : i32 to vector<16xi32>
    %min3A_237 = arith.minsi %min3A_236, %max3A_235 : vector<16xi32>
    %sub3A_238 = arith.constant 1 : i32
    %sub3A_239 = vector.broadcast %sub3A_238 : i32 to vector<16xi32>
    %sub3A_240 = arith.subi %add3A_228, %sub3A_239 : vector<16xi32>
    %jit3A_241 = arith.constant 0 : i32
    %jit3A_242 = arith.constant 8 : i32
    %max3A_243 = vector.broadcast %jit3A_241 : i32 to vector<16xi32>
    %max3A_244 = arith.maxsi %max3A_243, %sub3A_240 : vector<16xi32>
    %min3A_245 = vector.broadcast %jit3A_242 : i32 to vector<16xi32>
    %min3A_246 = arith.minsi %min3A_245, %max3A_244 : vector<16xi32>
    %mul3A_247 = arith.constant 10 : i32
    %mul3A_248 = vector.broadcast %mul3A_247 : i32 to vector<16xi32>
    %mul3A_249 = arith.muli %min3A_237, %mul3A_248 : vector<16xi32>
    %add3A_250 = arith.addi %mul3A_249, %min3A_246 : vector<16xi32>
    %gather3A_251 = tpu.vector_load_idx %arg7[%add3A_250] : memref<128xf32, #tpu.memory_space<vmem>>[vector<16xi32>], vector<16xf32>,
    %add3A_252 = arith.constant 1 : i32
    %add3A_253 = vector.broadcast %add3A_252 : i32 to vector<16xi32>
    %add3A_254 = arith.addi %add3A_250, %add3A_253 : vector<16xi32>
    %gather3A_255 = tpu.vector_load_idx %arg7[%add3A_254] : memref<128xf32, #tpu.memory_space<vmem>>[vector<16xi32>], vector<16xf32>,
    %add3A_256 = arith.constant 10 : i32
    %add3A_257 = vector.broadcast %add3A_256 : i32 to vector<16xi32>
    %add3A_258 = arith.addi %add3A_250, %add3A_257 : vector<16xi32>
    %gather3A_259 = tpu.vector_load_idx %arg7[%add3A_258] : memref<128xf32, #tpu.memory_space<vmem>>[vector<16xi32>], vector<16xf32>,
    %add3A_260 = arith.constant 11 : i32
    %add3A_261 = vector.broadcast %add3A_260 : i32 to vector<16xi32>
    %add3A_262 = arith.addi %add3A_250, %add3A_261 : vector<16xi32>
    %gather3A_263 = tpu.vector_load_idx %arg7[%add3A_262] : memref<128xf32, #tpu.memory_space<vmem>>[vector<16xi32>], vector<16xf32>,
    %convert_element_type3A_264 = arith.sitofp %min3A_237 : vector<16xi32> to vector<16xf32>
    %convert_element_type3A_265 = arith.sitofp %min3A_246 : vector<16xi32> to vector<16xf32>
    %mul3A_266 = arith.constant 5.000000e+01 : f32
    %mul3A_267 = vector.broadcast %mul3A_266 : f32 to vector<16xf32>
    %mul3A_268 = arith.mulf %mul3A_267, %convert_element_type3A_264 : vector<16xf32>
    %add3A_269 = arith.constant 1.000000e+02 : f32
    %add3A_270 = vector.broadcast %add3A_269 : f32 to vector<16xf32>
    %add3A_271 = arith.addf %add3A_270, %mul3A_268 : vector<16xf32>
    %sub3A_272 = arith.subf %get3A_196, %add3A_271 : vector<16xf32>
    %div3A_273 = arith.constant 5.000000e+01 : f32
    %div3A_274 = vector.broadcast %div3A_273 : f32 to vector<16xf32>
    %div3A_275 = arith.divf %sub3A_272, %div3A_274 : vector<16xf32>
    %mul3A_276 = arith.constant 2.000000e+02 : f32
    %mul3A_277 = vector.broadcast %mul3A_276 : f32 to vector<16xf32>
    %mul3A_278 = arith.mulf %mul3A_277, %convert_element_type3A_265 : vector<16xf32>
    %add3A_279 = arith.constant 2.000000e+02 : f32
    %add3A_280 = vector.broadcast %add3A_279 : f32 to vector<16xf32>
    %add3A_281 = arith.addf %add3A_280, %mul3A_278 : vector<16xf32>
    %sub3A_282 = arith.subf %get3A_198, %add3A_281 : vector<16xf32>
    %div3A_283 = arith.constant 2.000000e+02 : f32
    %div3A_284 = vector.broadcast %div3A_283 : f32 to vector<16xf32>
    %div3A_285 = arith.divf %sub3A_282, %div3A_284 : vector<16xf32>
    %sub3A_286 = arith.subf %gather3A_259, %gather3A_251 : vector<16xf32>
    %mul3A_287 = arith.mulf %div3A_275, %sub3A_286 : vector<16xf32>
    %add3A_288 = arith.addf %mul3A_287, %gather3A_251 : vector<16xf32>
    %sub3A_289 = arith.subf %gather3A_263, %gather3A_255 : vector<16xf32>
    %mul3A_290 = arith.mulf %div3A_275, %sub3A_289 : vector<16xf32>
    %add3A_291 = arith.addf %mul3A_290, %gather3A_255 : vector<16xf32>
    %sub3A_292 = arith.subf %add3A_291, %add3A_288 : vector<16xf32>
    %mul3A_293 = arith.mulf %div3A_285, %sub3A_292 : vector<16xf32>
    %add3A_294 = arith.addf %mul3A_293, %add3A_288 : vector<16xf32>
    %swap3A_295 = arith.constant 32 : index
    %swap3A_296 = tpu.vector_load %arg8[%swap3A_295] {strides = array<i32>} : memref<512xf32, #tpu.memory_space<vmem>>, vector<16xf32>,
    tpu.vector_store %arg8[%swap3A_295], %add3A_294 {strides = array<i32>} : memref<512xf32, #tpu.memory_space<vmem>>, vector<16xf32>,
    %get3A_297 = arith.constant 48 : index
    %get3A_298 = tpu.vector_load %arg5[%get3A_297] {strides = array<i32>} : memref<512xf32, #tpu.memory_space<vmem>>, vector<16xf32>,
    %get3A_299 = arith.constant 48 : index
    %get3A_300 = tpu.vector_load %arg6[%get3A_299] {strides = array<i32>} : memref<512xf32, #tpu.memory_space<vmem>>, vector<16xf32>,
    %sub3A_301 = arith.constant 1.000000e+02 : f32
    %sub3A_302 = vector.broadcast %sub3A_301 : f32 to vector<16xf32>
    %sub3A_303 = arith.subf %get3A_298, %sub3A_302 : vector<16xf32>
    %mul3A_304 = arith.constant 2.000000e-02 : f32
    %mul3A_305 = vector.broadcast %mul3A_304 : f32 to vector<16xf32>
    %mul3A_306 = arith.mulf %sub3A_303, %mul3A_305 : vector<16xf32>
    %sub3A_307 = arith.constant 2.000000e+02 : f32
    %sub3A_308 = vector.broadcast %sub3A_307 : f32 to vector<16xf32>
    %sub3A_309 = arith.subf %get3A_300, %sub3A_308 : vector<16xf32>
    %mul3A_310 = arith.constant 5.000000e-03 : f32
    %mul3A_311 = vector.broadcast %mul3A_310 : f32 to vector<16xf32>
    %mul3A_312 = arith.mulf %sub3A_309, %mul3A_311 : vector<16xf32>
    %convert_element_type3A_313 = arith.fptosi %mul3A_306 : vector<16xf32> to vector<16xi32>
    %convert_element_type3A_314 = arith.fptosi %mul3A_312 : vector<16xf32> to vector<16xi32>
    %convert_element_type3A_315 = arith.sitofp %convert_element_type3A_313 : vector<16xi32> to vector<16xf32>
    %lt3A_316 = arith.cmpf olt, %convert_element_type3A_315, %mul3A_306 : vector<16xf32>
    %jit3A_317 = arith.constant 1 : i32
    %jit3A_318 = arith.constant 0 : i32
    %broadcast_in_dim3A_319 = vector.broadcast %jit3A_317 : i32 to vector<16xi32>
    %broadcast_in_dim3A_320 = vector.broadcast %jit3A_318 : i32 to vector<16xi32>
    %select_n3A_321 = arith.select %lt3A_316, %broadcast_in_dim3A_319, %broadcast_in_dim3A_320 : vector<16xi1>, vector<16xi32>
    %add3A_322 = arith.addi %convert_element_type3A_313, %select_n3A_321 : vector<16xi32>
    %convert_element_type3A_323 = arith.sitofp %convert_element_type3A_314 : vector<16xi32> to vector<16xf32>
    %lt3A_324 = arith.cmpf olt, %convert_element_type3A_323, %mul3A_312 : vector<16xf32>
    %jit3A_325 = arith.constant 1 : i32
    %jit3A_326 = arith.constant 0 : i32
    %broadcast_in_dim3A_327 = vector.broadcast %jit3A_325 : i32 to vector<16xi32>
    %broadcast_in_dim3A_328 = vector.broadcast %jit3A_326 : i32 to vector<16xi32>
    %select_n3A_329 = arith.select %lt3A_324, %broadcast_in_dim3A_327, %broadcast_in_dim3A_328 : vector<16xi1>, vector<16xi32>
    %add3A_330 = arith.addi %convert_element_type3A_314, %select_n3A_329 : vector<16xi32>
    %sub3A_331 = arith.constant 1 : i32
    %sub3A_332 = vector.broadcast %sub3A_331 : i32 to vector<16xi32>
    %sub3A_333 = arith.subi %add3A_322, %sub3A_332 : vector<16xi32>
    %jit3A_334 = arith.constant 0 : i32
    %jit3A_335 = arith.constant 8 : i32
    %max3A_336 = vector.broadcast %jit3A_334 : i32 to vector<16xi32>
    %max3A_337 = arith.maxsi %max3A_336, %sub3A_333 : vector<16xi32>
    %min3A_338 = vector.broadcast %jit3A_335 : i32 to vector<16xi32>
    %min3A_339 = arith.minsi %min3A_338, %max3A_337 : vector<16xi32>
    %sub3A_340 = arith.constant 1 : i32
    %sub3A_341 = vector.broadcast %sub3A_340 : i32 to vector<16xi32>
    %sub3A_342 = arith.subi %add3A_330, %sub3A_341 : vector<16xi32>
    %jit3A_343 = arith.constant 0 : i32
    %jit3A_344 = arith.constant 8 : i32
    %max3A_345 = vector.broadcast %jit3A_343 : i32 to vector<16xi32>
    %max3A_346 = arith.maxsi %max3A_345, %sub3A_342 : vector<16xi32>
    %min3A_347 = vector.broadcast %jit3A_344 : i32 to vector<16xi32>
    %min3A_348 = arith.minsi %min3A_347, %max3A_346 : vector<16xi32>
    %mul3A_349 = arith.constant 10 : i32
    %mul3A_350 = vector.broadcast %mul3A_349 : i32 to vector<16xi32>
    %mul3A_351 = arith.muli %min3A_339, %mul3A_350 : vector<16xi32>
    %add3A_352 = arith.addi %mul3A_351, %min3A_348 : vector<16xi32>
    %gather3A_353 = tpu.vector_load_idx %arg7[%add3A_352] : memref<128xf32, #tpu.memory_space<vmem>>[vector<16xi32>], vector<16xf32>,
    %add3A_354 = arith.constant 1 : i32
    %add3A_355 = vector.broadcast %add3A_354 : i32 to vector<16xi32>
    %add3A_356 = arith.addi %add3A_352, %add3A_355 : vector<16xi32>
    %gather3A_357 = tpu.vector_load_idx %arg7[%add3A_356] : memref<128xf32, #tpu.memory_space<vmem>>[vector<16xi32>], vector<16xf32>,
    %add3A_358 = arith.constant 10 : i32
    %add3A_359 = vector.broadcast %add3A_358 : i32 to vector<16xi32>
    %add3A_360 = arith.addi %add3A_352, %add3A_359 : vector<16xi32>
    %gather3A_361 = tpu.vector_load_idx %arg7[%add3A_360] : memref<128xf32, #tpu.memory_space<vmem>>[vector<16xi32>], vector<16xf32>,
    %add3A_362 = arith.constant 11 : i32
    %add3A_363 = vector.broadcast %add3A_362 : i32 to vector<16xi32>
    %add3A_364 = arith.addi %add3A_352, %add3A_363 : vector<16xi32>
    %gather3A_365 = tpu.vector_load_idx %arg7[%add3A_364] : memref<128xf32, #tpu.memory_space<vmem>>[vector<16xi32>], vector<16xf32>,
    %convert_element_type3A_366 = arith.sitofp %min3A_339 : vector<16xi32> to vector<16xf32>
    %convert_element_type3A_367 = arith.sitofp %min3A_348 : vector<16xi32> to vector<16xf32>
    %mul3A_368 = arith.constant 5.000000e+01 : f32
    %mul3A_369 = vector.broadcast %mul3A_368 : f32 to vector<16xf32>
    %mul3A_370 = arith.mulf %mul3A_369, %convert_element_type3A_366 : vector<16xf32>
    %add3A_371 = arith.constant 1.000000e+02 : f32
    %add3A_372 = vector.broadcast %add3A_371 : f32 to vector<16xf32>
    %add3A_373 = arith.addf %add3A_372, %mul3A_370 : vector<16xf32>
    %sub3A_374 = arith.subf %get3A_298, %add3A_373 : vector<16xf32>
    %div3A_375 = arith.constant 5.000000e+01 : f32
    %div3A_376 = vector.broadcast %div3A_375 : f32 to vector<16xf32>
    %div3A_377 = arith.divf %sub3A_374, %div3A_376 : vector<16xf32>
    %mul3A_378 = arith.constant 2.000000e+02 : f32
    %mul3A_379 = vector.broadcast %mul3A_378 : f32 to vector<16xf32>
    %mul3A_380 = arith.mulf %mul3A_379, %convert_element_type3A_367 : vector<16xf32>
    %add3A_381 = arith.constant 2.000000e+02 : f32
    %add3A_382 = vector.broadcast %add3A_381 : f32 to vector<16xf32>
    %add3A_383 = arith.addf %add3A_382, %mul3A_380 : vector<16xf32>
    %sub3A_384 = arith.subf %get3A_300, %add3A_383 : vector<16xf32>
    %div3A_385 = arith.constant 2.000000e+02 : f32
    %div3A_386 = vector.broadcast %div3A_385 : f32 to vector<16xf32>
    %div3A_387 = arith.divf %sub3A_384, %div3A_386 : vector<16xf32>
    %sub3A_388 = arith.subf %gather3A_361, %gather3A_353 : vector<16xf32>
    %mul3A_389 = arith.mulf %div3A_377, %sub3A_388 : vector<16xf32>
    %add3A_390 = arith.addf %mul3A_389, %gather3A_353 : vector<16xf32>
    %sub3A_391 = arith.subf %gather3A_365, %gather3A_357 : vector<16xf32>
    %mul3A_392 = arith.mulf %div3A_377, %sub3A_391 : vector<16xf32>
    %add3A_393 = arith.addf %mul3A_392, %gather3A_357 : vector<16xf32>
    %sub3A_394 = arith.subf %add3A_393, %add3A_390 : vector<16xf32>
    %mul3A_395 = arith.mulf %div3A_387, %sub3A_394 : vector<16xf32>
    %add3A_396 = arith.addf %mul3A_395, %add3A_390 : vector<16xf32>
    %swap3A_397 = arith.constant 48 : index
    %swap3A_398 = tpu.vector_load %arg8[%swap3A_397] {strides = array<i32>} : memref<512xf32, #tpu.memory_space<vmem>>, vector<16xf32>,
    tpu.vector_store %arg8[%swap3A_397], %add3A_396 {strides = array<i32>} : memref<512xf32, #tpu.memory_space<vmem>>, vector<16xf32>,
    %get3A_399 = arith.constant 64 : index
    %get3A_400 = tpu.vector_load %arg5[%get3A_399] {strides = array<i32>} : memref<512xf32, #tpu.memory_space<vmem>>, vector<16xf32>,
    %get3A_401 = arith.constant 64 : index
    %get3A_402 = tpu.vector_load %arg6[%get3A_401] {strides = array<i32>} : memref<512xf32, #tpu.memory_space<vmem>>, vector<16xf32>,
    %sub3A_403 = arith.constant 1.000000e+02 : f32
    %sub3A_404 = vector.broadcast %sub3A_403 : f32 to vector<16xf32>
    %sub3A_405 = arith.subf %get3A_400, %sub3A_404 : vector<16xf32>
    %mul3A_406 = arith.constant 2.000000e-02 : f32
    %mul3A_407 = vector.broadcast %mul3A_406 : f32 to vector<16xf32>
    %mul3A_408 = arith.mulf %sub3A_405, %mul3A_407 : vector<16xf32>
    %sub3A_409 = arith.constant 2.000000e+02 : f32
    %sub3A_410 = vector.broadcast %sub3A_409 : f32 to vector<16xf32>
    %sub3A_411 = arith.subf %get3A_402, %sub3A_410 : vector<16xf32>
    %mul3A_412 = arith.constant 5.000000e-03 : f32
    %mul3A_413 = vector.broadcast %mul3A_412 : f32 to vector<16xf32>
    %mul3A_414 = arith.mulf %sub3A_411, %mul3A_413 : vector<16xf32>
    %convert_element_type3A_415 = arith.fptosi %mul3A_408 : vector<16xf32> to vector<16xi32>
    %convert_element_type3A_416 = arith.fptosi %mul3A_414 : vector<16xf32> to vector<16xi32>
    %convert_element_type3A_417 = arith.sitofp %convert_element_type3A_415 : vector<16xi32> to vector<16xf32>
    %lt3A_418 = arith.cmpf olt, %convert_element_type3A_417, %mul3A_408 : vector<16xf32>
    %jit3A_419 = arith.constant 1 : i32
    %jit3A_420 = arith.constant 0 : i32
    %broadcast_in_dim3A_421 = vector.broadcast %jit3A_419 : i32 to vector<16xi32>
    %broadcast_in_dim3A_422 = vector.broadcast %jit3A_420 : i32 to vector<16xi32>
    %select_n3A_423 = arith.select %lt3A_418, %broadcast_in_dim3A_421, %broadcast_in_dim3A_422 : vector<16xi1>, vector<16xi32>
    %add3A_424 = arith.addi %convert_element_type3A_415, %select_n3A_423 : vector<16xi32>
    %convert_element_type3A_425 = arith.sitofp %convert_element_type3A_416 : vector<16xi32> to vector<16xf32>
    %lt3A_426 = arith.cmpf olt, %convert_element_type3A_425, %mul3A_414 : vector<16xf32>
    %jit3A_427 = arith.constant 1 : i32
    %jit3A_428 = arith.constant 0 : i32
    %broadcast_in_dim3A_429 = vector.broadcast %jit3A_427 : i32 to vector<16xi32>
    %broadcast_in_dim3A_430 = vector.broadcast %jit3A_428 : i32 to vector<16xi32>
    %select_n3A_431 = arith.select %lt3A_426, %broadcast_in_dim3A_429, %broadcast_in_dim3A_430 : vector<16xi1>, vector<16xi32>
    %add3A_432 = arith.addi %convert_element_type3A_416, %select_n3A_431 : vector<16xi32>
    %sub3A_433 = arith.constant 1 : i32
    %sub3A_434 = vector.broadcast %sub3A_433 : i32 to vector<16xi32>
    %sub3A_435 = arith.subi %add3A_424, %sub3A_434 : vector<16xi32>
    %jit3A_436 = arith.constant 0 : i32
    %jit3A_437 = arith.constant 8 : i32
    %max3A_438 = vector.broadcast %jit3A_436 : i32 to vector<16xi32>
    %max3A_439 = arith.maxsi %max3A_438, %sub3A_435 : vector<16xi32>
    %min3A_440 = vector.broadcast %jit3A_437 : i32 to vector<16xi32>
    %min3A_441 = arith.minsi %min3A_440, %max3A_439 : vector<16xi32>
    %sub3A_442 = arith.constant 1 : i32
    %sub3A_443 = vector.broadcast %sub3A_442 : i32 to vector<16xi32>
    %sub3A_444 = arith.subi %add3A_432, %sub3A_443 : vector<16xi32>
    %jit3A_445 = arith.constant 0 : i32
    %jit3A_446 = arith.constant 8 : i32
    %max3A_447 = vector.broadcast %jit3A_445 : i32 to vector<16xi32>
    %max3A_448 = arith.maxsi %max3A_447, %sub3A_444 : vector<16xi32>
    %min3A_449 = vector.broadcast %jit3A_446 : i32 to vector<16xi32>
    %min3A_450 = arith.minsi %min3A_449, %max3A_448 : vector<16xi32>
    %mul3A_451 = arith.constant 10 : i32
    %mul3A_452 = vector.broadcast %mul3A_451 : i32 to vector<16xi32>
    %mul3A_453 = arith.muli %min3A_441, %mul3A_452 : vector<16xi32>
    %add3A_454 = arith.addi %mul3A_453, %min3A_450 : vector<16xi32>
    %gather3A_455 = tpu.vector_load_idx %arg7[%add3A_454] : memref<128xf32, #tpu.memory_space<vmem>>[vector<16xi32>], vector<16xf32>,
    %add3A_456 = arith.constant 1 : i32
    %add3A_457 = vector.broadcast %add3A_456 : i32 to vector<16xi32>
    %add3A_458 = arith.addi %add3A_454, %add3A_457 : vector<16xi32>
    %gather3A_459 = tpu.vector_load_idx %arg7[%add3A_458] : memref<128xf32, #tpu.memory_space<vmem>>[vector<16xi32>], vector<16xf32>,
    %add3A_460 = arith.constant 10 : i32
    %add3A_461 = vector.broadcast %add3A_460 : i32 to vector<16xi32>
    %add3A_462 = arith.addi %add3A_454, %add3A_461 : vector<16xi32>
    %gather3A_463 = tpu.vector_load_idx %arg7[%add3A_462] : memref<128xf32, #tpu.memory_space<vmem>>[vector<16xi32>], vector<16xf32>,
    %add3A_464 = arith.constant 11 : i32
    %add3A_465 = vector.broadcast %add3A_464 : i32 to vector<16xi32>
    %add3A_466 = arith.addi %add3A_454, %add3A_465 : vector<16xi32>
    %gather3A_467 = tpu.vector_load_idx %arg7[%add3A_466] : memref<128xf32, #tpu.memory_space<vmem>>[vector<16xi32>], vector<16xf32>,
    %convert_element_type3A_468 = arith.sitofp %min3A_441 : vector<16xi32> to vector<16xf32>
    %convert_element_type3A_469 = arith.sitofp %min3A_450 : vector<16xi32> to vector<16xf32>
    %mul3A_470 = arith.constant 5.000000e+01 : f32
    %mul3A_471 = vector.broadcast %mul3A_470 : f32 to vector<16xf32>
    %mul3A_472 = arith.mulf %mul3A_471, %convert_element_type3A_468 : vector<16xf32>
    %add3A_473 = arith.constant 1.000000e+02 : f32
    %add3A_474 = vector.broadcast %add3A_473 : f32 to vector<16xf32>
    %add3A_475 = arith.addf %add3A_474, %mul3A_472 : vector<16xf32>
    %sub3A_476 = arith.subf %get3A_400, %add3A_475 : vector<16xf32>
    %div3A_477 = arith.constant 5.000000e+01 : f32
    %div3A_478 = vector.broadcast %div3A_477 : f32 to vector<16xf32>
    %div3A_479 = arith.divf %sub3A_476, %div3A_478 : vector<16xf32>
    %mul3A_480 = arith.constant 2.000000e+02 : f32
    %mul3A_481 = vector.broadcast %mul3A_480 : f32 to vector<16xf32>
    %mul3A_482 = arith.mulf %mul3A_481, %convert_element_type3A_469 : vector<16xf32>
    %add3A_483 = arith.constant 2.000000e+02 : f32
    %add3A_484 = vector.broadcast %add3A_483 : f32 to vector<16xf32>
    %add3A_485 = arith.addf %add3A_484, %mul3A_482 : vector<16xf32>
    %sub3A_486 = arith.subf %get3A_402, %add3A_485 : vector<16xf32>
    %div3A_487 = arith.constant 2.000000e+02 : f32
    %div3A_488 = vector.broadcast %div3A_487 : f32 to vector<16xf32>
    %div3A_489 = arith.divf %sub3A_486, %div3A_488 : vector<16xf32>
    %sub3A_490 = arith.subf %gather3A_463, %gather3A_455 : vector<16xf32>
    %mul3A_491 = arith.mulf %div3A_479, %sub3A_490 : vector<16xf32>
    %add3A_492 = arith.addf %mul3A_491, %gather3A_455 : vector<16xf32>
    %sub3A_493 = arith.subf %gather3A_467, %gather3A_459 : vector<16xf32>
    %mul3A_494 = arith.mulf %div3A_479, %sub3A_493 : vector<16xf32>
    %add3A_495 = arith.addf %mul3A_494, %gather3A_459 : vector<16xf32>
    %sub3A_496 = arith.subf %add3A_495, %add3A_492 : vector<16xf32>
    %mul3A_497 = arith.mulf %div3A_489, %sub3A_496 : vector<16xf32>
    %add3A_498 = arith.addf %mul3A_497, %add3A_492 : vector<16xf32>
    %swap3A_499 = arith.constant 64 : index
    %swap3A_500 = tpu.vector_load %arg8[%swap3A_499] {strides = array<i32>} : memref<512xf32, #tpu.memory_space<vmem>>, vector<16xf32>,
    tpu.vector_store %arg8[%swap3A_499], %add3A_498 {strides = array<i32>} : memref<512xf32, #tpu.memory_space<vmem>>, vector<16xf32>,
    %get3A_501 = arith.constant 80 : index
    %get3A_502 = tpu.vector_load %arg5[%get3A_501] {strides = array<i32>} : memref<512xf32, #tpu.memory_space<vmem>>, vector<16xf32>,
    %get3A_503 = arith.constant 80 : index
    %get3A_504 = tpu.vector_load %arg6[%get3A_503] {strides = array<i32>} : memref<512xf32, #tpu.memory_space<vmem>>, vector<16xf32>,
    %sub3A_505 = arith.constant 1.000000e+02 : f32
    %sub3A_506 = vector.broadcast %sub3A_505 : f32 to vector<16xf32>
    %sub3A_507 = arith.subf %get3A_502, %sub3A_506 : vector<16xf32>
    %mul3A_508 = arith.constant 2.000000e-02 : f32
    %mul3A_509 = vector.broadcast %mul3A_508 : f32 to vector<16xf32>
    %mul3A_510 = arith.mulf %sub3A_507, %mul3A_509 : vector<16xf32>
    %sub3A_511 = arith.constant 2.000000e+02 : f32
    %sub3A_512 = vector.broadcast %sub3A_511 : f32 to vector<16xf32>
    %sub3A_513 = arith.subf %get3A_504, %sub3A_512 : vector<16xf32>
    %mul3A_514 = arith.constant 5.000000e-03 : f32
    %mul3A_515 = vector.broadcast %mul3A_514 : f32 to vector<16xf32>
    %mul3A_516 = arith.mulf %sub3A_513, %mul3A_515 : vector<16xf32>
    %convert_element_type3A_517 = arith.fptosi %mul3A_510 : vector<16xf32> to vector<16xi32>
    %convert_element_type3A_518 = arith.fptosi %mul3A_516 : vector<16xf32> to vector<16xi32>
    %convert_element_type3A_519 = arith.sitofp %convert_element_type3A_517 : vector<16xi32> to vector<16xf32>
    %lt3A_520 = arith.cmpf olt, %convert_element_type3A_519, %mul3A_510 : vector<16xf32>
    %jit3A_521 = arith.constant 1 : i32
    %jit3A_522 = arith.constant 0 : i32
    %broadcast_in_dim3A_523 = vector.broadcast %jit3A_521 : i32 to vector<16xi32>
    %broadcast_in_dim3A_524 = vector.broadcast %jit3A_522 : i32 to vector<16xi32>
    %select_n3A_525 = arith.select %lt3A_520, %broadcast_in_dim3A_523, %broadcast_in_dim3A_524 : vector<16xi1>, vector<16xi32>
    %add3A_526 = arith.addi %convert_element_type3A_517, %select_n3A_525 : vector<16xi32>
    %convert_element_type3A_527 = arith.sitofp %convert_element_type3A_518 : vector<16xi32> to vector<16xf32>
    %lt3A_528 = arith.cmpf olt, %convert_element_type3A_527, %mul3A_516 : vector<16xf32>
    %jit3A_529 = arith.constant 1 : i32
    %jit3A_530 = arith.constant 0 : i32
    %broadcast_in_dim3A_531 = vector.broadcast %jit3A_529 : i32 to vector<16xi32>
    %broadcast_in_dim3A_532 = vector.broadcast %jit3A_530 : i32 to vector<16xi32>
    %select_n3A_533 = arith.select %lt3A_528, %broadcast_in_dim3A_531, %broadcast_in_dim3A_532 : vector<16xi1>, vector<16xi32>
    %add3A_534 = arith.addi %convert_element_type3A_518, %select_n3A_533 : vector<16xi32>
    %sub3A_535 = arith.constant 1 : i32
    %sub3A_536 = vector.broadcast %sub3A_535 : i32 to vector<16xi32>
    %sub3A_537 = arith.subi %add3A_526, %sub3A_536 : vector<16xi32>
    %jit3A_538 = arith.constant 0 : i32
    %jit3A_539 = arith.constant 8 : i32
    %max3A_540 = vector.broadcast %jit3A_538 : i32 to vector<16xi32>
    %max3A_541 = arith.maxsi %max3A_540, %sub3A_537 : vector<16xi32>
    %min3A_542 = vector.broadcast %jit3A_539 : i32 to vector<16xi32>
    %min3A_543 = arith.minsi %min3A_542, %max3A_541 : vector<16xi32>
    %sub3A_544 = arith.constant 1 : i32
    %sub3A_545 = vector.broadcast %sub3A_544 : i32 to vector<16xi32>
    %sub3A_546 = arith.subi %add3A_534, %sub3A_545 : vector<16xi32>
    %jit3A_547 = arith.constant 0 : i32
    %jit3A_548 = arith.constant 8 : i32
    %max3A_549 = vector.broadcast %jit3A_547 : i32 to vector<16xi32>
    %max3A_550 = arith.maxsi %max3A_549, %sub3A_546 : vector<16xi32>
    %min3A_551 = vector.broadcast %jit3A_548 : i32 to vector<16xi32>
    %min3A_552 = arith.minsi %min3A_551, %max3A_550 : vector<16xi32>
    %mul3A_553 = arith.constant 10 : i32
    %mul3A_554 = vector.broadcast %mul3A_553 : i32 to vector<16xi32>
    %mul3A_555 = arith.muli %min3A_543, %mul3A_554 : vector<16xi32>
    %add3A_556 = arith.addi %mul3A_555, %min3A_552 : vector<16xi32>
    %gather3A_557 = tpu.vector_load_idx %arg7[%add3A_556] : memref<128xf32, #tpu.memory_space<vmem>>[vector<16xi32>], vector<16xf32>,
    %add3A_558 = arith.constant 1 : i32
    %add3A_559 = vector.broadcast %add3A_558 : i32 to vector<16xi32>
    %add3A_560 = arith.addi %add3A_556, %add3A_559 : vector<16xi32>
    %gather3A_561 = tpu.vector_load_idx %arg7[%add3A_560] : memref<128xf32, #tpu.memory_space<vmem>>[vector<16xi32>], vector<16xf32>,
    %add3A_562 = arith.constant 10 : i32
    %add3A_563 = vector.broadcast %add3A_562 : i32 to vector<16xi32>
    %add3A_564 = arith.addi %add3A_556, %add3A_563 : vector<16xi32>
    %gather3A_565 = tpu.vector_load_idx %arg7[%add3A_564] : memref<128xf32, #tpu.memory_space<vmem>>[vector<16xi32>], vector<16xf32>,
    %add3A_566 = arith.constant 11 : i32
    %add3A_567 = vector.broadcast %add3A_566 : i32 to vector<16xi32>
    %add3A_568 = arith.addi %add3A_556, %add3A_567 : vector<16xi32>
    %gather3A_569 = tpu.vector_load_idx %arg7[%add3A_568] : memref<128xf32, #tpu.memory_space<vmem>>[vector<16xi32>], vector<16xf32>,
    %convert_element_type3A_570 = arith.sitofp %min3A_543 : vector<16xi32> to vector<16xf32>
    %convert_element_type3A_571 = arith.sitofp %min3A_552 : vector<16xi32> to vector<16xf32>
    %mul3A_572 = arith.constant 5.000000e+01 : f32
    %mul3A_573 = vector.broadcast %mul3A_572 : f32 to vector<16xf32>
    %mul3A_574 = arith.mulf %mul3A_573, %convert_element_type3A_570 : vector<16xf32>
    %add3A_575 = arith.constant 1.000000e+02 : f32
    %add3A_576 = vector.broadcast %add3A_575 : f32 to vector<16xf32>
    %add3A_577 = arith.addf %add3A_576, %mul3A_574 : vector<16xf32>
    %sub3A_578 = arith.subf %get3A_502, %add3A_577 : vector<16xf32>
    %div3A_579 = arith.constant 5.000000e+01 : f32
    %div3A_580 = vector.broadcast %div3A_579 : f32 to vector<16xf32>
    %div3A_581 = arith.divf %sub3A_578, %div3A_580 : vector<16xf32>
    %mul3A_582 = arith.constant 2.000000e+02 : f32
    %mul3A_583 = vector.broadcast %mul3A_582 : f32 to vector<16xf32>
    %mul3A_584 = arith.mulf %mul3A_583, %convert_element_type3A_571 : vector<16xf32>
    %add3A_585 = arith.constant 2.000000e+02 : f32
    %add3A_586 = vector.broadcast %add3A_585 : f32 to vector<16xf32>
    %add3A_587 = arith.addf %add3A_586, %mul3A_584 : vector<16xf32>
    %sub3A_588 = arith.subf %get3A_504, %add3A_587 : vector<16xf32>
    %div3A_589 = arith.constant 2.000000e+02 : f32
    %div3A_590 = vector.broadcast %div3A_589 : f32 to vector<16xf32>
    %div3A_591 = arith.divf %sub3A_588, %div3A_590 : vector<16xf32>
    %sub3A_592 = arith.subf %gather3A_565, %gather3A_557 : vector<16xf32>
    %mul3A_593 = arith.mulf %div3A_581, %sub3A_592 : vector<16xf32>
    %add3A_594 = arith.addf %mul3A_593, %gather3A_557 : vector<16xf32>
    %sub3A_595 = arith.subf %gather3A_569, %gather3A_561 : vector<16xf32>
    %mul3A_596 = arith.mulf %div3A_581, %sub3A_595 : vector<16xf32>
    %add3A_597 = arith.addf %mul3A_596, %gather3A_561 : vector<16xf32>
    %sub3A_598 = arith.subf %add3A_597, %add3A_594 : vector<16xf32>
    %mul3A_599 = arith.mulf %div3A_591, %sub3A_598 : vector<16xf32>
    %add3A_600 = arith.addf %mul3A_599, %add3A_594 : vector<16xf32>
    %swap3A_601 = arith.constant 80 : index
    %swap3A_602 = tpu.vector_load %arg8[%swap3A_601] {strides = array<i32>} : memref<512xf32, #tpu.memory_space<vmem>>, vector<16xf32>,
    tpu.vector_store %arg8[%swap3A_601], %add3A_600 {strides = array<i32>} : memref<512xf32, #tpu.memory_space<vmem>>, vector<16xf32>,
    %get3A_603 = arith.constant 96 : index
    %get3A_604 = tpu.vector_load %arg5[%get3A_603] {strides = array<i32>} : memref<512xf32, #tpu.memory_space<vmem>>, vector<16xf32>,
    %get3A_605 = arith.constant 96 : index
    %get3A_606 = tpu.vector_load %arg6[%get3A_605] {strides = array<i32>} : memref<512xf32, #tpu.memory_space<vmem>>, vector<16xf32>,
    %sub3A_607 = arith.constant 1.000000e+02 : f32
    %sub3A_608 = vector.broadcast %sub3A_607 : f32 to vector<16xf32>
    %sub3A_609 = arith.subf %get3A_604, %sub3A_608 : vector<16xf32>
    %mul3A_610 = arith.constant 2.000000e-02 : f32
    %mul3A_611 = vector.broadcast %mul3A_610 : f32 to vector<16xf32>
    %mul3A_612 = arith.mulf %sub3A_609, %mul3A_611 : vector<16xf32>
    %sub3A_613 = arith.constant 2.000000e+02 : f32
    %sub3A_614 = vector.broadcast %sub3A_613 : f32 to vector<16xf32>
    %sub3A_615 = arith.subf %get3A_606, %sub3A_614 : vector<16xf32>
    %mul3A_616 = arith.constant 5.000000e-03 : f32
    %mul3A_617 = vector.broadcast %mul3A_616 : f32 to vector<16xf32>
    %mul3A_618 = arith.mulf %sub3A_615, %mul3A_617 : vector<16xf32>
    %convert_element_type3A_619 = arith.fptosi %mul3A_612 : vector<16xf32> to vector<16xi32>
    %convert_element_type3A_620 = arith.fptosi %mul3A_618 : vector<16xf32> to vector<16xi32>
    %convert_element_type3A_621 = arith.sitofp %convert_element_type3A_619 : vector<16xi32> to vector<16xf32>
    %lt3A_622 = arith.cmpf olt, %convert_element_type3A_621, %mul3A_612 : vector<16xf32>
    %jit3A_623 = arith.constant 1 : i32
    %jit3A_624 = arith.constant 0 : i32
    %broadcast_in_dim3A_625 = vector.broadcast %jit3A_623 : i32 to vector<16xi32>
    %broadcast_in_dim3A_626 = vector.broadcast %jit3A_624 : i32 to vector<16xi32>
    %select_n3A_627 = arith.select %lt3A_622, %broadcast_in_dim3A_625, %broadcast_in_dim3A_626 : vector<16xi1>, vector<16xi32>
    %add3A_628 = arith.addi %convert_element_type3A_619, %select_n3A_627 : vector<16xi32>
    %convert_element_type3A_629 = arith.sitofp %convert_element_type3A_620 : vector<16xi32> to vector<16xf32>
    %lt3A_630 = arith.cmpf olt, %convert_element_type3A_629, %mul3A_618 : vector<16xf32>
    %jit3A_631 = arith.constant 1 : i32
    %jit3A_632 = arith.constant 0 : i32
    %broadcast_in_dim3A_633 = vector.broadcast %jit3A_631 : i32 to vector<16xi32>
    %broadcast_in_dim3A_634 = vector.broadcast %jit3A_632 : i32 to vector<16xi32>
    %select_n3A_635 = arith.select %lt3A_630, %broadcast_in_dim3A_633, %broadcast_in_dim3A_634 : vector<16xi1>, vector<16xi32>
    %add3A_636 = arith.addi %convert_element_type3A_620, %select_n3A_635 : vector<16xi32>
    %sub3A_637 = arith.constant 1 : i32
    %sub3A_638 = vector.broadcast %sub3A_637 : i32 to vector<16xi32>
    %sub3A_639 = arith.subi %add3A_628, %sub3A_638 : vector<16xi32>
    %jit3A_640 = arith.constant 0 : i32
    %jit3A_641 = arith.constant 8 : i32
    %max3A_642 = vector.broadcast %jit3A_640 : i32 to vector<16xi32>
    %max3A_643 = arith.maxsi %max3A_642, %sub3A_639 : vector<16xi32>
    %min3A_644 = vector.broadcast %jit3A_641 : i32 to vector<16xi32>
    %min3A_645 = arith.minsi %min3A_644, %max3A_643 : vector<16xi32>
    %sub3A_646 = arith.constant 1 : i32
    %sub3A_647 = vector.broadcast %sub3A_646 : i32 to vector<16xi32>
    %sub3A_648 = arith.subi %add3A_636, %sub3A_647 : vector<16xi32>
    %jit3A_649 = arith.constant 0 : i32
    %jit3A_650 = arith.constant 8 : i32
    %max3A_651 = vector.broadcast %jit3A_649 : i32 to vector<16xi32>
    %max3A_652 = arith.maxsi %max3A_651, %sub3A_648 : vector<16xi32>
    %min3A_653 = vector.broadcast %jit3A_650 : i32 to vector<16xi32>
    %min3A_654 = arith.minsi %min3A_653, %max3A_652 : vector<16xi32>
    %mul3A_655 = arith.constant 10 : i32
    %mul3A_656 = vector.broadcast %mul3A_655 : i32 to vector<16xi32>
    %mul3A_657 = arith.muli %min3A_645, %mul3A_656 : vector<16xi32>
    %add3A_658 = arith.addi %mul3A_657, %min3A_654 : vector<16xi32>
    %gather3A_659 = tpu.vector_load_idx %arg7[%add3A_658] : memref<128xf32, #tpu.memory_space<vmem>>[vector<16xi32>], vector<16xf32>,
    %add3A_660 = arith.constant 1 : i32
    %add3A_661 = vector.broadcast %add3A_660 : i32 to vector<16xi32>
    %add3A_662 = arith.addi %add3A_658, %add3A_661 : vector<16xi32>
    %gather3A_663 = tpu.vector_load_idx %arg7[%add3A_662] : memref<128xf32, #tpu.memory_space<vmem>>[vector<16xi32>], vector<16xf32>,
    %add3A_664 = arith.constant 10 : i32
    %add3A_665 = vector.broadcast %add3A_664 : i32 to vector<16xi32>
    %add3A_666 = arith.addi %add3A_658, %add3A_665 : vector<16xi32>
    %gather3A_667 = tpu.vector_load_idx %arg7[%add3A_666] : memref<128xf32, #tpu.memory_space<vmem>>[vector<16xi32>], vector<16xf32>,
    %add3A_668 = arith.constant 11 : i32
    %add3A_669 = vector.broadcast %add3A_668 : i32 to vector<16xi32>
    %add3A_670 = arith.addi %add3A_658, %add3A_669 : vector<16xi32>
    %gather3A_671 = tpu.vector_load_idx %arg7[%add3A_670] : memref<128xf32, #tpu.memory_space<vmem>>[vector<16xi32>], vector<16xf32>,
    %convert_element_type3A_672 = arith.sitofp %min3A_645 : vector<16xi32> to vector<16xf32>
    %convert_element_type3A_673 = arith.sitofp %min3A_654 : vector<16xi32> to vector<16xf32>
    %mul3A_674 = arith.constant 5.000000e+01 : f32
    %mul3A_675 = vector.broadcast %mul3A_674 : f32 to vector<16xf32>
    %mul3A_676 = arith.mulf %mul3A_675, %convert_element_type3A_672 : vector<16xf32>
    %add3A_677 = arith.constant 1.000000e+02 : f32
    %add3A_678 = vector.broadcast %add3A_677 : f32 to vector<16xf32>
    %add3A_679 = arith.addf %add3A_678, %mul3A_676 : vector<16xf32>
    %sub3A_680 = arith.subf %get3A_604, %add3A_679 : vector<16xf32>
    %div3A_681 = arith.constant 5.000000e+01 : f32
    %div3A_682 = vector.broadcast %div3A_681 : f32 to vector<16xf32>
    %div3A_683 = arith.divf %sub3A_680, %div3A_682 : vector<16xf32>
    %mul3A_684 = arith.constant 2.000000e+02 : f32
    %mul3A_685 = vector.broadcast %mul3A_684 : f32 to vector<16xf32>
    %mul3A_686 = arith.mulf %mul3A_685, %convert_element_type3A_673 : vector<16xf32>
    %add3A_687 = arith.constant 2.000000e+02 : f32
    %add3A_688 = vector.broadcast %add3A_687 : f32 to vector<16xf32>
    %add3A_689 = arith.addf %add3A_688, %mul3A_686 : vector<16xf32>
    %sub3A_690 = arith.subf %get3A_606, %add3A_689 : vector<16xf32>
    %div3A_691 = arith.constant 2.000000e+02 : f32
    %div3A_692 = vector.broadcast %div3A_691 : f32 to vector<16xf32>
    %div3A_693 = arith.divf %sub3A_690, %div3A_692 : vector<16xf32>
    %sub3A_694 = arith.subf %gather3A_667, %gather3A_659 : vector<16xf32>
    %mul3A_695 = arith.mulf %div3A_683, %sub3A_694 : vector<16xf32>
    %add3A_696 = arith.addf %mul3A_695, %gather3A_659 : vector<16xf32>
    %sub3A_697 = arith.subf %gather3A_671, %gather3A_663 : vector<16xf32>
    %mul3A_698 = arith.mulf %div3A_683, %sub3A_697 : vector<16xf32>
    %add3A_699 = arith.addf %mul3A_698, %gather3A_663 : vector<16xf32>
    %sub3A_700 = arith.subf %add3A_699, %add3A_696 : vector<16xf32>
    %mul3A_701 = arith.mulf %div3A_693, %sub3A_700 : vector<16xf32>
    %add3A_702 = arith.addf %mul3A_701, %add3A_696 : vector<16xf32>
    %swap3A_703 = arith.constant 96 : index
    %swap3A_704 = tpu.vector_load %arg8[%swap3A_703] {strides = array<i32>} : memref<512xf32, #tpu.memory_space<vmem>>, vector<16xf32>,
    tpu.vector_store %arg8[%swap3A_703], %add3A_702 {strides = array<i32>} : memref<512xf32, #tpu.memory_space<vmem>>, vector<16xf32>,
    %get3A_705 = arith.constant 112 : index
    %get3A_706 = tpu.vector_load %arg5[%get3A_705] {strides = array<i32>} : memref<512xf32, #tpu.memory_space<vmem>>, vector<16xf32>,
    %get3A_707 = arith.constant 112 : index
    %get3A_708 = tpu.vector_load %arg6[%get3A_707] {strides = array<i32>} : memref<512xf32, #tpu.memory_space<vmem>>, vector<16xf32>,
    %sub3A_709 = arith.constant 1.000000e+02 : f32
    %sub3A_710 = vector.broadcast %sub3A_709 : f32 to vector<16xf32>
    %sub3A_711 = arith.subf %get3A_706, %sub3A_710 : vector<16xf32>
    %mul3A_712 = arith.constant 2.000000e-02 : f32
    %mul3A_713 = vector.broadcast %mul3A_712 : f32 to vector<16xf32>
    %mul3A_714 = arith.mulf %sub3A_711, %mul3A_713 : vector<16xf32>
    %sub3A_715 = arith.constant 2.000000e+02 : f32
    %sub3A_716 = vector.broadcast %sub3A_715 : f32 to vector<16xf32>
    %sub3A_717 = arith.subf %get3A_708, %sub3A_716 : vector<16xf32>
    %mul3A_718 = arith.constant 5.000000e-03 : f32
    %mul3A_719 = vector.broadcast %mul3A_718 : f32 to vector<16xf32>
    %mul3A_720 = arith.mulf %sub3A_717, %mul3A_719 : vector<16xf32>
    %convert_element_type3A_721 = arith.fptosi %mul3A_714 : vector<16xf32> to vector<16xi32>
    %convert_element_type3A_722 = arith.fptosi %mul3A_720 : vector<16xf32> to vector<16xi32>
    %convert_element_type3A_723 = arith.sitofp %convert_element_type3A_721 : vector<16xi32> to vector<16xf32>
    %lt3A_724 = arith.cmpf olt, %convert_element_type3A_723, %mul3A_714 : vector<16xf32>
    %jit3A_725 = arith.constant 1 : i32
    %jit3A_726 = arith.constant 0 : i32
    %broadcast_in_dim3A_727 = vector.broadcast %jit3A_725 : i32 to vector<16xi32>
    %broadcast_in_dim3A_728 = vector.broadcast %jit3A_726 : i32 to vector<16xi32>
    %select_n3A_729 = arith.select %lt3A_724, %broadcast_in_dim3A_727, %broadcast_in_dim3A_728 : vector<16xi1>, vector<16xi32>
    %add3A_730 = arith.addi %convert_element_type3A_721, %select_n3A_729 : vector<16xi32>
    %convert_element_type3A_731 = arith.sitofp %convert_element_type3A_722 : vector<16xi32> to vector<16xf32>
    %lt3A_732 = arith.cmpf olt, %convert_element_type3A_731, %mul3A_720 : vector<16xf32>
    %jit3A_733 = arith.constant 1 : i32
    %jit3A_734 = arith.constant 0 : i32
    %broadcast_in_dim3A_735 = vector.broadcast %jit3A_733 : i32 to vector<16xi32>
    %broadcast_in_dim3A_736 = vector.broadcast %jit3A_734 : i32 to vector<16xi32>
    %select_n3A_737 = arith.select %lt3A_732, %broadcast_in_dim3A_735, %broadcast_in_dim3A_736 : vector<16xi1>, vector<16xi32>
    %add3A_738 = arith.addi %convert_element_type3A_722, %select_n3A_737 : vector<16xi32>
    %sub3A_739 = arith.constant 1 : i32
    %sub3A_740 = vector.broadcast %sub3A_739 : i32 to vector<16xi32>
    %sub3A_741 = arith.subi %add3A_730, %sub3A_740 : vector<16xi32>
    %jit3A_742 = arith.constant 0 : i32
    %jit3A_743 = arith.constant 8 : i32
    %max3A_744 = vector.broadcast %jit3A_742 : i32 to vector<16xi32>
    %max3A_745 = arith.maxsi %max3A_744, %sub3A_741 : vector<16xi32>
    %min3A_746 = vector.broadcast %jit3A_743 : i32 to vector<16xi32>
    %min3A_747 = arith.minsi %min3A_746, %max3A_745 : vector<16xi32>
    %sub3A_748 = arith.constant 1 : i32
    %sub3A_749 = vector.broadcast %sub3A_748 : i32 to vector<16xi32>
    %sub3A_750 = arith.subi %add3A_738, %sub3A_749 : vector<16xi32>
    %jit3A_751 = arith.constant 0 : i32
    %jit3A_752 = arith.constant 8 : i32
    %max3A_753 = vector.broadcast %jit3A_751 : i32 to vector<16xi32>
    %max3A_754 = arith.maxsi %max3A_753, %sub3A_750 : vector<16xi32>
    %min3A_755 = vector.broadcast %jit3A_752 : i32 to vector<16xi32>
    %min3A_756 = arith.minsi %min3A_755, %max3A_754 : vector<16xi32>
    %mul3A_757 = arith.constant 10 : i32
    %mul3A_758 = vector.broadcast %mul3A_757 : i32 to vector<16xi32>
    %mul3A_759 = arith.muli %min3A_747, %mul3A_758 : vector<16xi32>
    %add3A_760 = arith.addi %mul3A_759, %min3A_756 : vector<16xi32>
    %gather3A_761 = tpu.vector_load_idx %arg7[%add3A_760] : memref<128xf32, #tpu.memory_space<vmem>>[vector<16xi32>], vector<16xf32>,
    %add3A_762 = arith.constant 1 : i32
    %add3A_763 = vector.broadcast %add3A_762 : i32 to vector<16xi32>
    %add3A_764 = arith.addi %add3A_760, %add3A_763 : vector<16xi32>
    %gather3A_765 = tpu.vector_load_idx %arg7[%add3A_764] : memref<128xf32, #tpu.memory_space<vmem>>[vector<16xi32>], vector<16xf32>,
    %add3A_766 = arith.constant 10 : i32
    %add3A_767 = vector.broadcast %add3A_766 : i32 to vector<16xi32>
    %add3A_768 = arith.addi %add3A_760, %add3A_767 : vector<16xi32>
    %gather3A_769 = tpu.vector_load_idx %arg7[%add3A_768] : memref<128xf32, #tpu.memory_space<vmem>>[vector<16xi32>], vector<16xf32>,
    %add3A_770 = arith.constant 11 : i32
    %add3A_771 = vector.broadcast %add3A_770 : i32 to vector<16xi32>
    %add3A_772 = arith.addi %add3A_760, %add3A_771 : vector<16xi32>
    %gather3A_773 = tpu.vector_load_idx %arg7[%add3A_772] : memref<128xf32, #tpu.memory_space<vmem>>[vector<16xi32>], vector<16xf32>,
    %convert_element_type3A_774 = arith.sitofp %min3A_747 : vector<16xi32> to vector<16xf32>
    %convert_element_type3A_775 = arith.sitofp %min3A_756 : vector<16xi32> to vector<16xf32>
    %mul3A_776 = arith.constant 5.000000e+01 : f32
    %mul3A_777 = vector.broadcast %mul3A_776 : f32 to vector<16xf32>
    %mul3A_778 = arith.mulf %mul3A_777, %convert_element_type3A_774 : vector<16xf32>
    %add3A_779 = arith.constant 1.000000e+02 : f32
    %add3A_780 = vector.broadcast %add3A_779 : f32 to vector<16xf32>
    %add3A_781 = arith.addf %add3A_780, %mul3A_778 : vector<16xf32>
    %sub3A_782 = arith.subf %get3A_706, %add3A_781 : vector<16xf32>
    %div3A_783 = arith.constant 5.000000e+01 : f32
    %div3A_784 = vector.broadcast %div3A_783 : f32 to vector<16xf32>
    %div3A_785 = arith.divf %sub3A_782, %div3A_784 : vector<16xf32>
    %mul3A_786 = arith.constant 2.000000e+02 : f32
    %mul3A_787 = vector.broadcast %mul3A_786 : f32 to vector<16xf32>
    %mul3A_788 = arith.mulf %mul3A_787, %convert_element_type3A_775 : vector<16xf32>
    %add3A_789 = arith.constant 2.000000e+02 : f32
    %add3A_790 = vector.broadcast %add3A_789 : f32 to vector<16xf32>
    %add3A_791 = arith.addf %add3A_790, %mul3A_788 : vector<16xf32>
    %sub3A_792 = arith.subf %get3A_708, %add3A_791 : vector<16xf32>
    %div3A_793 = arith.constant 2.000000e+02 : f32
    %div3A_794 = vector.broadcast %div3A_793 : f32 to vector<16xf32>
    %div3A_795 = arith.divf %sub3A_792, %div3A_794 : vector<16xf32>
    %sub3A_796 = arith.subf %gather3A_769, %gather3A_761 : vector<16xf32>
    %mul3A_797 = arith.mulf %div3A_785, %sub3A_796 : vector<16xf32>
    %add3A_798 = arith.addf %mul3A_797, %gather3A_761 : vector<16xf32>
    %sub3A_799 = arith.subf %gather3A_773, %gather3A_765 : vector<16xf32>
    %mul3A_800 = arith.mulf %div3A_785, %sub3A_799 : vector<16xf32>
    %add3A_801 = arith.addf %mul3A_800, %gather3A_765 : vector<16xf32>
    %sub3A_802 = arith.subf %add3A_801, %add3A_798 : vector<16xf32>
    %mul3A_803 = arith.mulf %div3A_795, %sub3A_802 : vector<16xf32>
    %add3A_804 = arith.addf %mul3A_803, %add3A_798 : vector<16xf32>
    %swap3A_805 = arith.constant 112 : index
    %swap3A_806 = tpu.vector_load %arg8[%swap3A_805] {strides = array<i32>} : memref<512xf32, #tpu.memory_space<vmem>>, vector<16xf32>,
    tpu.vector_store %arg8[%swap3A_805], %add3A_804 {strides = array<i32>} : memref<512xf32, #tpu.memory_space<vmem>>, vector<16xf32>,
    %get3A_807 = arith.constant 128 : index
    %get3A_808 = tpu.vector_load %arg5[%get3A_807] {strides = array<i32>} : memref<512xf32, #tpu.memory_space<vmem>>, vector<16xf32>,
    %get3A_809 = arith.constant 128 : index
    %get3A_810 = tpu.vector_load %arg6[%get3A_809] {strides = array<i32>} : memref<512xf32, #tpu.memory_space<vmem>>, vector<16xf32>,
    %sub3A_811 = arith.constant 1.000000e+02 : f32
    %sub3A_812 = vector.broadcast %sub3A_811 : f32 to vector<16xf32>
    %sub3A_813 = arith.subf %get3A_808, %sub3A_812 : vector<16xf32>
    %mul3A_814 = arith.constant 2.000000e-02 : f32
    %mul3A_815 = vector.broadcast %mul3A_814 : f32 to vector<16xf32>
    %mul3A_816 = arith.mulf %sub3A_813, %mul3A_815 : vector<16xf32>
    %sub3A_817 = arith.constant 2.000000e+02 : f32
    %sub3A_818 = vector.broadcast %sub3A_817 : f32 to vector<16xf32>
    %sub3A_819 = arith.subf %get3A_810, %sub3A_818 : vector<16xf32>
    %mul3A_820 = arith.constant 5.000000e-03 : f32
    %mul3A_821 = vector.broadcast %mul3A_820 : f32 to vector<16xf32>
    %mul3A_822 = arith.mulf %sub3A_819, %mul3A_821 : vector<16xf32>
    %convert_element_type3A_823 = arith.fptosi %mul3A_816 : vector<16xf32> to vector<16xi32>
    %convert_element_type3A_824 = arith.fptosi %mul3A_822 : vector<16xf32> to vector<16xi32>
    %convert_element_type3A_825 = arith.sitofp %convert_element_type3A_823 : vector<16xi32> to vector<16xf32>
    %lt3A_826 = arith.cmpf olt, %convert_element_type3A_825, %mul3A_816 : vector<16xf32>
    %jit3A_827 = arith.constant 1 : i32
    %jit3A_828 = arith.constant 0 : i32
    %broadcast_in_dim3A_829 = vector.broadcast %jit3A_827 : i32 to vector<16xi32>
    %broadcast_in_dim3A_830 = vector.broadcast %jit3A_828 : i32 to vector<16xi32>
    %select_n3A_831 = arith.select %lt3A_826, %broadcast_in_dim3A_829, %broadcast_in_dim3A_830 : vector<16xi1>, vector<16xi32>
    %add3A_832 = arith.addi %convert_element_type3A_823, %select_n3A_831 : vector<16xi32>
    %convert_element_type3A_833 = arith.sitofp %convert_element_type3A_824 : vector<16xi32> to vector<16xf32>
    %lt3A_834 = arith.cmpf olt, %convert_element_type3A_833, %mul3A_822 : vector<16xf32>
    %jit3A_835 = arith.constant 1 : i32
    %jit3A_836 = arith.constant 0 : i32
    %broadcast_in_dim3A_837 = vector.broadcast %jit3A_835 : i32 to vector<16xi32>
    %broadcast_in_dim3A_838 = vector.broadcast %jit3A_836 : i32 to vector<16xi32>
    %select_n3A_839 = arith.select %lt3A_834, %broadcast_in_dim3A_837, %broadcast_in_dim3A_838 : vector<16xi1>, vector<16xi32>
    %add3A_840 = arith.addi %convert_element_type3A_824, %select_n3A_839 : vector<16xi32>
    %sub3A_841 = arith.constant 1 : i32
    %sub3A_842 = vector.broadcast %sub3A_841 : i32 to vector<16xi32>
    %sub3A_843 = arith.subi %add3A_832, %sub3A_842 : vector<16xi32>
    %jit3A_844 = arith.constant 0 : i32
    %jit3A_845 = arith.constant 8 : i32
    %max3A_846 = vector.broadcast %jit3A_844 : i32 to vector<16xi32>
    %max3A_847 = arith.maxsi %max3A_846, %sub3A_843 : vector<16xi32>
    %min3A_848 = vector.broadcast %jit3A_845 : i32 to vector<16xi32>
    %min3A_849 = arith.minsi %min3A_848, %max3A_847 : vector<16xi32>
    %sub3A_850 = arith.constant 1 : i32
    %sub3A_851 = vector.broadcast %sub3A_850 : i32 to vector<16xi32>
    %sub3A_852 = arith.subi %add3A_840, %sub3A_851 : vector<16xi32>
    %jit3A_853 = arith.constant 0 : i32
    %jit3A_854 = arith.constant 8 : i32
    %max3A_855 = vector.broadcast %jit3A_853 : i32 to vector<16xi32>
    %max3A_856 = arith.maxsi %max3A_855, %sub3A_852 : vector<16xi32>
    %min3A_857 = vector.broadcast %jit3A_854 : i32 to vector<16xi32>
    %min3A_858 = arith.minsi %min3A_857, %max3A_856 : vector<16xi32>
    %mul3A_859 = arith.constant 10 : i32
    %mul3A_860 = vector.broadcast %mul3A_859 : i32 to vector<16xi32>
    %mul3A_861 = arith.muli %min3A_849, %mul3A_860 : vector<16xi32>
    %add3A_862 = arith.addi %mul3A_861, %min3A_858 : vector<16xi32>
    %gather3A_863 = tpu.vector_load_idx %arg7[%add3A_862] : memref<128xf32, #tpu.memory_space<vmem>>[vector<16xi32>], vector<16xf32>,
    %add3A_864 = arith.constant 1 : i32
    %add3A_865 = vector.broadcast %add3A_864 : i32 to vector<16xi32>
    %add3A_866 = arith.addi %add3A_862, %add3A_865 : vector<16xi32>
    %gather3A_867 = tpu.vector_load_idx %arg7[%add3A_866] : memref<128xf32, #tpu.memory_space<vmem>>[vector<16xi32>], vector<16xf32>,
    %add3A_868 = arith.constant 10 : i32
    %add3A_869 = vector.broadcast %add3A_868 : i32 to vector<16xi32>
    %add3A_870 = arith.addi %add3A_862, %add3A_869 : vector<16xi32>
    %gather3A_871 = tpu.vector_load_idx %arg7[%add3A_870] : memref<128xf32, #tpu.memory_space<vmem>>[vector<16xi32>], vector<16xf32>,
    %add3A_872 = arith.constant 11 : i32
    %add3A_873 = vector.broadcast %add3A_872 : i32 to vector<16xi32>
    %add3A_874 = arith.addi %add3A_862, %add3A_873 : vector<16xi32>
    %gather3A_875 = tpu.vector_load_idx %arg7[%add3A_874] : memref<128xf32, #tpu.memory_space<vmem>>[vector<16xi32>], vector<16xf32>,
    %convert_element_type3A_876 = arith.sitofp %min3A_849 : vector<16xi32> to vector<16xf32>
    %convert_element_type3A_877 = arith.sitofp %min3A_858 : vector<16xi32> to vector<16xf32>
    %mul3A_878 = arith.constant 5.000000e+01 : f32
    %mul3A_879 = vector.broadcast %mul3A_878 : f32 to vector<16xf32>
    %mul3A_880 = arith.mulf %mul3A_879, %convert_element_type3A_876 : vector<16xf32>
    %add3A_881 = arith.constant 1.000000e+02 : f32
    %add3A_882 = vector.broadcast %add3A_881 : f32 to vector<16xf32>
    %add3A_883 = arith.addf %add3A_882, %mul3A_880 : vector<16xf32>
    %sub3A_884 = arith.subf %get3A_808, %add3A_883 : vector<16xf32>
    %div3A_885 = arith.constant 5.000000e+01 : f32
    %div3A_886 = vector.broadcast %div3A_885 : f32 to vector<16xf32>
    %div3A_887 = arith.divf %sub3A_884, %div3A_886 : vector<16xf32>
    %mul3A_888 = arith.constant 2.000000e+02 : f32
    %mul3A_889 = vector.broadcast %mul3A_888 : f32 to vector<16xf32>
    %mul3A_890 = arith.mulf %mul3A_889, %convert_element_type3A_877 : vector<16xf32>
    %add3A_891 = arith.constant 2.000000e+02 : f32
    %add3A_892 = vector.broadcast %add3A_891 : f32 to vector<16xf32>
    %add3A_893 = arith.addf %add3A_892, %mul3A_890 : vector<16xf32>
    %sub3A_894 = arith.subf %get3A_810, %add3A_893 : vector<16xf32>
    %div3A_895 = arith.constant 2.000000e+02 : f32
    %div3A_896 = vector.broadcast %div3A_895 : f32 to vector<16xf32>
    %div3A_897 = arith.divf %sub3A_894, %div3A_896 : vector<16xf32>
    %sub3A_898 = arith.subf %gather3A_871, %gather3A_863 : vector<16xf32>
    %mul3A_899 = arith.mulf %div3A_887, %sub3A_898 : vector<16xf32>
    %add3A_900 = arith.addf %mul3A_899, %gather3A_863 : vector<16xf32>
    %sub3A_901 = arith.subf %gather3A_875, %gather3A_867 : vector<16xf32>
    %mul3A_902 = arith.mulf %div3A_887, %sub3A_901 : vector<16xf32>
    %add3A_903 = arith.addf %mul3A_902, %gather3A_867 : vector<16xf32>
    %sub3A_904 = arith.subf %add3A_903, %add3A_900 : vector<16xf32>
    %mul3A_905 = arith.mulf %div3A_897, %sub3A_904 : vector<16xf32>
    %add3A_906 = arith.addf %mul3A_905, %add3A_900 : vector<16xf32>
    %swap3A_907 = arith.constant 128 : index
    %swap3A_908 = tpu.vector_load %arg8[%swap3A_907] {strides = array<i32>} : memref<512xf32, #tpu.memory_space<vmem>>, vector<16xf32>,
    tpu.vector_store %arg8[%swap3A_907], %add3A_906 {strides = array<i32>} : memref<512xf32, #tpu.memory_space<vmem>>, vector<16xf32>,
    %get3A_909 = arith.constant 144 : index
    %get3A_910 = tpu.vector_load %arg5[%get3A_909] {strides = array<i32>} : memref<512xf32, #tpu.memory_space<vmem>>, vector<16xf32>,
    %get3A_911 = arith.constant 144 : index
    %get3A_912 = tpu.vector_load %arg6[%get3A_911] {strides = array<i32>} : memref<512xf32, #tpu.memory_space<vmem>>, vector<16xf32>,
    %sub3A_913 = arith.constant 1.000000e+02 : f32
    %sub3A_914 = vector.broadcast %sub3A_913 : f32 to vector<16xf32>
    %sub3A_915 = arith.subf %get3A_910, %sub3A_914 : vector<16xf32>
    %mul3A_916 = arith.constant 2.000000e-02 : f32
    %mul3A_917 = vector.broadcast %mul3A_916 : f32 to vector<16xf32>
    %mul3A_918 = arith.mulf %sub3A_915, %mul3A_917 : vector<16xf32>
    %sub3A_919 = arith.constant 2.000000e+02 : f32
    %sub3A_920 = vector.broadcast %sub3A_919 : f32 to vector<16xf32>
    %sub3A_921 = arith.subf %get3A_912, %sub3A_920 : vector<16xf32>
    %mul3A_922 = arith.constant 5.000000e-03 : f32
    %mul3A_923 = vector.broadcast %mul3A_922 : f32 to vector<16xf32>
    %mul3A_924 = arith.mulf %sub3A_921, %mul3A_923 : vector<16xf32>
    %convert_element_type3A_925 = arith.fptosi %mul3A_918 : vector<16xf32> to vector<16xi32>
    %convert_element_type3A_926 = arith.fptosi %mul3A_924 : vector<16xf32> to vector<16xi32>
    %convert_element_type3A_927 = arith.sitofp %convert_element_type3A_925 : vector<16xi32> to vector<16xf32>
    %lt3A_928 = arith.cmpf olt, %convert_element_type3A_927, %mul3A_918 : vector<16xf32>
    %jit3A_929 = arith.constant 1 : i32
    %jit3A_930 = arith.constant 0 : i32
    %broadcast_in_dim3A_931 = vector.broadcast %jit3A_929 : i32 to vector<16xi32>
    %broadcast_in_dim3A_932 = vector.broadcast %jit3A_930 : i32 to vector<16xi32>
    %select_n3A_933 = arith.select %lt3A_928, %broadcast_in_dim3A_931, %broadcast_in_dim3A_932 : vector<16xi1>, vector<16xi32>
    %add3A_934 = arith.addi %convert_element_type3A_925, %select_n3A_933 : vector<16xi32>
    %convert_element_type3A_935 = arith.sitofp %convert_element_type3A_926 : vector<16xi32> to vector<16xf32>
    %lt3A_936 = arith.cmpf olt, %convert_element_type3A_935, %mul3A_924 : vector<16xf32>
    %jit3A_937 = arith.constant 1 : i32
    %jit3A_938 = arith.constant 0 : i32
    %broadcast_in_dim3A_939 = vector.broadcast %jit3A_937 : i32 to vector<16xi32>
    %broadcast_in_dim3A_940 = vector.broadcast %jit3A_938 : i32 to vector<16xi32>
    %select_n3A_941 = arith.select %lt3A_936, %broadcast_in_dim3A_939, %broadcast_in_dim3A_940 : vector<16xi1>, vector<16xi32>
    %add3A_942 = arith.addi %convert_element_type3A_926, %select_n3A_941 : vector<16xi32>
    %sub3A_943 = arith.constant 1 : i32
    %sub3A_944 = vector.broadcast %sub3A_943 : i32 to vector<16xi32>
    %sub3A_945 = arith.subi %add3A_934, %sub3A_944 : vector<16xi32>
    %jit3A_946 = arith.constant 0 : i32
    %jit3A_947 = arith.constant 8 : i32
    %max3A_948 = vector.broadcast %jit3A_946 : i32 to vector<16xi32>
    %max3A_949 = arith.maxsi %max3A_948, %sub3A_945 : vector<16xi32>
    %min3A_950 = vector.broadcast %jit3A_947 : i32 to vector<16xi32>
    %min3A_951 = arith.minsi %min3A_950, %max3A_949 : vector<16xi32>
    %sub3A_952 = arith.constant 1 : i32
    %sub3A_953 = vector.broadcast %sub3A_952 : i32 to vector<16xi32>
    %sub3A_954 = arith.subi %add3A_942, %sub3A_953 : vector<16xi32>
    %jit3A_955 = arith.constant 0 : i32
    %jit3A_956 = arith.constant 8 : i32
    %max3A_957 = vector.broadcast %jit3A_955 : i32 to vector<16xi32>
    %max3A_958 = arith.maxsi %max3A_957, %sub3A_954 : vector<16xi32>
    %min3A_959 = vector.broadcast %jit3A_956 : i32 to vector<16xi32>
    %min3A_960 = arith.minsi %min3A_959, %max3A_958 : vector<16xi32>
    %mul3A_961 = arith.constant 10 : i32
    %mul3A_962 = vector.broadcast %mul3A_961 : i32 to vector<16xi32>
    %mul3A_963 = arith.muli %min3A_951, %mul3A_962 : vector<16xi32>
    %add3A_964 = arith.addi %mul3A_963, %min3A_960 : vector<16xi32>
    %gather3A_965 = tpu.vector_load_idx %arg7[%add3A_964] : memref<128xf32, #tpu.memory_space<vmem>>[vector<16xi32>], vector<16xf32>,
    %add3A_966 = arith.constant 1 : i32
    %add3A_967 = vector.broadcast %add3A_966 : i32 to vector<16xi32>
    %add3A_968 = arith.addi %add3A_964, %add3A_967 : vector<16xi32>
    %gather3A_969 = tpu.vector_load_idx %arg7[%add3A_968] : memref<128xf32, #tpu.memory_space<vmem>>[vector<16xi32>], vector<16xf32>,
    %add3A_970 = arith.constant 10 : i32
    %add3A_971 = vector.broadcast %add3A_970 : i32 to vector<16xi32>
    %add3A_972 = arith.addi %add3A_964, %add3A_971 : vector<16xi32>
    %gather3A_973 = tpu.vector_load_idx %arg7[%add3A_972] : memref<128xf32, #tpu.memory_space<vmem>>[vector<16xi32>], vector<16xf32>,
    %add3A_974 = arith.constant 11 : i32
    %add3A_975 = vector.broadcast %add3A_974 : i32 to vector<16xi32>
    %add3A_976 = arith.addi %add3A_964, %add3A_975 : vector<16xi32>
    %gather3A_977 = tpu.vector_load_idx %arg7[%add3A_976] : memref<128xf32, #tpu.memory_space<vmem>>[vector<16xi32>], vector<16xf32>,
    %convert_element_type3A_978 = arith.sitofp %min3A_951 : vector<16xi32> to vector<16xf32>
    %convert_element_type3A_979 = arith.sitofp %min3A_960 : vector<16xi32> to vector<16xf32>
    %mul3A_980 = arith.constant 5.000000e+01 : f32
    %mul3A_981 = vector.broadcast %mul3A_980 : f32 to vector<16xf32>
    %mul3A_982 = arith.mulf %mul3A_981, %convert_element_type3A_978 : vector<16xf32>
    %add3A_983 = arith.constant 1.000000e+02 : f32
    %add3A_984 = vector.broadcast %add3A_983 : f32 to vector<16xf32>
    %add3A_985 = arith.addf %add3A_984, %mul3A_982 : vector<16xf32>
    %sub3A_986 = arith.subf %get3A_910, %add3A_985 : vector<16xf32>
    %div3A_987 = arith.constant 5.000000e+01 : f32
    %div3A_988 = vector.broadcast %div3A_987 : f32 to vector<16xf32>
    %div3A_989 = arith.divf %sub3A_986, %div3A_988 : vector<16xf32>
    %mul3A_990 = arith.constant 2.000000e+02 : f32
    %mul3A_991 = vector.broadcast %mul3A_990 : f32 to vector<16xf32>
    %mul3A_992 = arith.mulf %mul3A_991, %convert_element_type3A_979 : vector<16xf32>
    %add3A_993 = arith.constant 2.000000e+02 : f32
    %add3A_994 = vector.broadcast %add3A_993 : f32 to vector<16xf32>
    %add3A_995 = arith.addf %add3A_994, %mul3A_992 : vector<16xf32>
    %sub3A_996 = arith.subf %get3A_912, %add3A_995 : vector<16xf32>
    %div3A_997 = arith.constant 2.000000e+02 : f32
    %div3A_998 = vector.broadcast %div3A_997 : f32 to vector<16xf32>
    %div3A_999 = arith.divf %sub3A_996, %div3A_998 : vector<16xf32>
    %sub3A_1000 = arith.subf %gather3A_973, %gather3A_965 : vector<16xf32>
    %mul3A_1001 = arith.mulf %div3A_989, %sub3A_1000 : vector<16xf32>
    %add3A_1002 = arith.addf %mul3A_1001, %gather3A_965 : vector<16xf32>
    %sub3A_1003 = arith.subf %gather3A_977, %gather3A_969 : vector<16xf32>
    %mul3A_1004 = arith.mulf %div3A_989, %sub3A_1003 : vector<16xf32>
    %add3A_1005 = arith.addf %mul3A_1004, %gather3A_969 : vector<16xf32>
    %sub3A_1006 = arith.subf %add3A_1005, %add3A_1002 : vector<16xf32>
    %mul3A_1007 = arith.mulf %div3A_999, %sub3A_1006 : vector<16xf32>
    %add3A_1008 = arith.addf %mul3A_1007, %add3A_1002 : vector<16xf32>
    %swap3A_1009 = arith.constant 144 : index
    %swap3A_1010 = tpu.vector_load %arg8[%swap3A_1009] {strides = array<i32>} : memref<512xf32, #tpu.memory_space<vmem>>, vector<16xf32>,
    tpu.vector_store %arg8[%swap3A_1009], %add3A_1008 {strides = array<i32>} : memref<512xf32, #tpu.memory_space<vmem>>, vector<16xf32>,
    %get3A_1011 = arith.constant 160 : index
    %get3A_1012 = tpu.vector_load %arg5[%get3A_1011] {strides = array<i32>} : memref<512xf32, #tpu.memory_space<vmem>>, vector<16xf32>,
    %get3A_1013 = arith.constant 160 : index
    %get3A_1014 = tpu.vector_load %arg6[%get3A_1013] {strides = array<i32>} : memref<512xf32, #tpu.memory_space<vmem>>, vector<16xf32>,
    %sub3A_1015 = arith.constant 1.000000e+02 : f32
    %sub3A_1016 = vector.broadcast %sub3A_1015 : f32 to vector<16xf32>
    %sub3A_1017 = arith.subf %get3A_1012, %sub3A_1016 : vector<16xf32>
    %mul3A_1018 = arith.constant 2.000000e-02 : f32
    %mul3A_1019 = vector.broadcast %mul3A_1018 : f32 to vector<16xf32>
    %mul3A_1020 = arith.mulf %sub3A_1017, %mul3A_1019 : vector<16xf32>
    %sub3A_1021 = arith.constant 2.000000e+02 : f32
    %sub3A_1022 = vector.broadcast %sub3A_1021 : f32 to vector<16xf32>
    %sub3A_1023 = arith.subf %get3A_1014, %sub3A_1022 : vector<16xf32>
    %mul3A_1024 = arith.constant 5.000000e-03 : f32
    %mul3A_1025 = vector.broadcast %mul3A_1024 : f32 to vector<16xf32>
    %mul3A_1026 = arith.mulf %sub3A_1023, %mul3A_1025 : vector<16xf32>
    %convert_element_type3A_1027 = arith.fptosi %mul3A_1020 : vector<16xf32> to vector<16xi32>
    %convert_element_type3A_1028 = arith.fptosi %mul3A_1026 : vector<16xf32> to vector<16xi32>
    %convert_element_type3A_1029 = arith.sitofp %convert_element_type3A_1027 : vector<16xi32> to vector<16xf32>
    %lt3A_1030 = arith.cmpf olt, %convert_element_type3A_1029, %mul3A_1020 : vector<16xf32>
    %jit3A_1031 = arith.constant 1 : i32
    %jit3A_1032 = arith.constant 0 : i32
    %broadcast_in_dim3A_1033 = vector.broadcast %jit3A_1031 : i32 to vector<16xi32>
    %broadcast_in_dim3A_1034 = vector.broadcast %jit3A_1032 : i32 to vector<16xi32>
    %select_n3A_1035 = arith.select %lt3A_1030, %broadcast_in_dim3A_1033, %broadcast_in_dim3A_1034 : vector<16xi1>, vector<16xi32>
    %add3A_1036 = arith.addi %convert_element_type3A_1027, %select_n3A_1035 : vector<16xi32>
    %convert_element_type3A_1037 = arith.sitofp %convert_element_type3A_1028 : vector<16xi32> to vector<16xf32>
    %lt3A_1038 = arith.cmpf olt, %convert_element_type3A_1037, %mul3A_1026 : vector<16xf32>
    %jit3A_1039 = arith.constant 1 : i32
    %jit3A_1040 = arith.constant 0 : i32
    %broadcast_in_dim3A_1041 = vector.broadcast %jit3A_1039 : i32 to vector<16xi32>
    %broadcast_in_dim3A_1042 = vector.broadcast %jit3A_1040 : i32 to vector<16xi32>
    %select_n3A_1043 = arith.select %lt3A_1038, %broadcast_in_dim3A_1041, %broadcast_in_dim3A_1042 : vector<16xi1>, vector<16xi32>
    %add3A_1044 = arith.addi %convert_element_type3A_1028, %select_n3A_1043 : vector<16xi32>
    %sub3A_1045 = arith.constant 1 : i32
    %sub3A_1046 = vector.broadcast %sub3A_1045 : i32 to vector<16xi32>
    %sub3A_1047 = arith.subi %add3A_1036, %sub3A_1046 : vector<16xi32>
    %jit3A_1048 = arith.constant 0 : i32
    %jit3A_1049 = arith.constant 8 : i32
    %max3A_1050 = vector.broadcast %jit3A_1048 : i32 to vector<16xi32>
    %max3A_1051 = arith.maxsi %max3A_1050, %sub3A_1047 : vector<16xi32>
    %min3A_1052 = vector.broadcast %jit3A_1049 : i32 to vector<16xi32>
    %min3A_1053 = arith.minsi %min3A_1052, %max3A_1051 : vector<16xi32>
    %sub3A_1054 = arith.constant 1 : i32
    %sub3A_1055 = vector.broadcast %sub3A_1054 : i32 to vector<16xi32>
    %sub3A_1056 = arith.subi %add3A_1044, %sub3A_1055 : vector<16xi32>
    %jit3A_1057 = arith.constant 0 : i32
    %jit3A_1058 = arith.constant 8 : i32
    %max3A_1059 = vector.broadcast %jit3A_1057 : i32 to vector<16xi32>
    %max3A_1060 = arith.maxsi %max3A_1059, %sub3A_1056 : vector<16xi32>
    %min3A_1061 = vector.broadcast %jit3A_1058 : i32 to vector<16xi32>
    %min3A_1062 = arith.minsi %min3A_1061, %max3A_1060 : vector<16xi32>
    %mul3A_1063 = arith.constant 10 : i32
    %mul3A_1064 = vector.broadcast %mul3A_1063 : i32 to vector<16xi32>
    %mul3A_1065 = arith.muli %min3A_1053, %mul3A_1064 : vector<16xi32>
    %add3A_1066 = arith.addi %mul3A_1065, %min3A_1062 : vector<16xi32>
    %gather3A_1067 = tpu.vector_load_idx %arg7[%add3A_1066] : memref<128xf32, #tpu.memory_space<vmem>>[vector<16xi32>], vector<16xf32>,
    %add3A_1068 = arith.constant 1 : i32
    %add3A_1069 = vector.broadcast %add3A_1068 : i32 to vector<16xi32>
    %add3A_1070 = arith.addi %add3A_1066, %add3A_1069 : vector<16xi32>
    %gather3A_1071 = tpu.vector_load_idx %arg7[%add3A_1070] : memref<128xf32, #tpu.memory_space<vmem>>[vector<16xi32>], vector<16xf32>,
    %add3A_1072 = arith.constant 10 : i32
    %add3A_1073 = vector.broadcast %add3A_1072 : i32 to vector<16xi32>
    %add3A_1074 = arith.addi %add3A_1066, %add3A_1073 : vector<16xi32>
    %gather3A_1075 = tpu.vector_load_idx %arg7[%add3A_1074] : memref<128xf32, #tpu.memory_space<vmem>>[vector<16xi32>], vector<16xf32>,
    %add3A_1076 = arith.constant 11 : i32
    %add3A_1077 = vector.broadcast %add3A_1076 : i32 to vector<16xi32>
    %add3A_1078 = arith.addi %add3A_1066, %add3A_1077 : vector<16xi32>
    %gather3A_1079 = tpu.vector_load_idx %arg7[%add3A_1078] : memref<128xf32, #tpu.memory_space<vmem>>[vector<16xi32>], vector<16xf32>,
    %convert_element_type3A_1080 = arith.sitofp %min3A_1053 : vector<16xi32> to vector<16xf32>
    %convert_element_type3A_1081 = arith.sitofp %min3A_1062 : vector<16xi32> to vector<16xf32>
    %mul3A_1082 = arith.constant 5.000000e+01 : f32
    %mul3A_1083 = vector.broadcast %mul3A_1082 : f32 to vector<16xf32>
    %mul3A_1084 = arith.mulf %mul3A_1083, %convert_element_type3A_1080 : vector<16xf32>
    %add3A_1085 = arith.constant 1.000000e+02 : f32
    %add3A_1086 = vector.broadcast %add3A_1085 : f32 to vector<16xf32>
    %add3A_1087 = arith.addf %add3A_1086, %mul3A_1084 : vector<16xf32>
    %sub3A_1088 = arith.subf %get3A_1012, %add3A_1087 : vector<16xf32>
    %div3A_1089 = arith.constant 5.000000e+01 : f32
    %div3A_1090 = vector.broadcast %div3A_1089 : f32 to vector<16xf32>
    %div3A_1091 = arith.divf %sub3A_1088, %div3A_1090 : vector<16xf32>
    %mul3A_1092 = arith.constant 2.000000e+02 : f32
    %mul3A_1093 = vector.broadcast %mul3A_1092 : f32 to vector<16xf32>
    %mul3A_1094 = arith.mulf %mul3A_1093, %convert_element_type3A_1081 : vector<16xf32>
    %add3A_1095 = arith.constant 2.000000e+02 : f32
    %add3A_1096 = vector.broadcast %add3A_1095 : f32 to vector<16xf32>
    %add3A_1097 = arith.addf %add3A_1096, %mul3A_1094 : vector<16xf32>
    %sub3A_1098 = arith.subf %get3A_1014, %add3A_1097 : vector<16xf32>
    %div3A_1099 = arith.constant 2.000000e+02 : f32
    %div3A_1100 = vector.broadcast %div3A_1099 : f32 to vector<16xf32>
    %div3A_1101 = arith.divf %sub3A_1098, %div3A_1100 : vector<16xf32>
    %sub3A_1102 = arith.subf %gather3A_1075, %gather3A_1067 : vector<16xf32>
    %mul3A_1103 = arith.mulf %div3A_1091, %sub3A_1102 : vector<16xf32>
    %add3A_1104 = arith.addf %mul3A_1103, %gather3A_1067 : vector<16xf32>
    %sub3A_1105 = arith.subf %gather3A_1079, %gather3A_1071 : vector<16xf32>
    %mul3A_1106 = arith.mulf %div3A_1091, %sub3A_1105 : vector<16xf32>
    %add3A_1107 = arith.addf %mul3A_1106, %gather3A_1071 : vector<16xf32>
    %sub3A_1108 = arith.subf %add3A_1107, %add3A_1104 : vector<16xf32>
    %mul3A_1109 = arith.mulf %div3A_1101, %sub3A_1108 : vector<16xf32>
    %add3A_1110 = arith.addf %mul3A_1109, %add3A_1104 : vector<16xf32>
    %swap3A_1111 = arith.constant 160 : index
    %swap3A_1112 = tpu.vector_load %arg8[%swap3A_1111] {strides = array<i32>} : memref<512xf32, #tpu.memory_space<vmem>>, vector<16xf32>,
    tpu.vector_store %arg8[%swap3A_1111], %add3A_1110 {strides = array<i32>} : memref<512xf32, #tpu.memory_space<vmem>>, vector<16xf32>,
    %get3A_1113 = arith.constant 176 : index
    %get3A_1114 = tpu.vector_load %arg5[%get3A_1113] {strides = array<i32>} : memref<512xf32, #tpu.memory_space<vmem>>, vector<16xf32>,
    %get3A_1115 = arith.constant 176 : index
    %get3A_1116 = tpu.vector_load %arg6[%get3A_1115] {strides = array<i32>} : memref<512xf32, #tpu.memory_space<vmem>>, vector<16xf32>,
    %sub3A_1117 = arith.constant 1.000000e+02 : f32
    %sub3A_1118 = vector.broadcast %sub3A_1117 : f32 to vector<16xf32>
    %sub3A_1119 = arith.subf %get3A_1114, %sub3A_1118 : vector<16xf32>
    %mul3A_1120 = arith.constant 2.000000e-02 : f32
    %mul3A_1121 = vector.broadcast %mul3A_1120 : f32 to vector<16xf32>
    %mul3A_1122 = arith.mulf %sub3A_1119, %mul3A_1121 : vector<16xf32>
    %sub3A_1123 = arith.constant 2.000000e+02 : f32
    %sub3A_1124 = vector.broadcast %sub3A_1123 : f32 to vector<16xf32>
    %sub3A_1125 = arith.subf %get3A_1116, %sub3A_1124 : vector<16xf32>
    %mul3A_1126 = arith.constant 5.000000e-03 : f32
    %mul3A_1127 = vector.broadcast %mul3A_1126 : f32 to vector<16xf32>
    %mul3A_1128 = arith.mulf %sub3A_1125, %mul3A_1127 : vector<16xf32>
    %convert_element_type3A_1129 = arith.fptosi %mul3A_1122 : vector<16xf32> to vector<16xi32>
    %convert_element_type3A_1130 = arith.fptosi %mul3A_1128 : vector<16xf32> to vector<16xi32>
    %convert_element_type3A_1131 = arith.sitofp %convert_element_type3A_1129 : vector<16xi32> to vector<16xf32>
    %lt3A_1132 = arith.cmpf olt, %convert_element_type3A_1131, %mul3A_1122 : vector<16xf32>
    %jit3A_1133 = arith.constant 1 : i32
    %jit3A_1134 = arith.constant 0 : i32
    %broadcast_in_dim3A_1135 = vector.broadcast %jit3A_1133 : i32 to vector<16xi32>
    %broadcast_in_dim3A_1136 = vector.broadcast %jit3A_1134 : i32 to vector<16xi32>
    %select_n3A_1137 = arith.select %lt3A_1132, %broadcast_in_dim3A_1135, %broadcast_in_dim3A_1136 : vector<16xi1>, vector<16xi32>
    %add3A_1138 = arith.addi %convert_element_type3A_1129, %select_n3A_1137 : vector<16xi32>
    %convert_element_type3A_1139 = arith.sitofp %convert_element_type3A_1130 : vector<16xi32> to vector<16xf32>
    %lt3A_1140 = arith.cmpf olt, %convert_element_type3A_1139, %mul3A_1128 : vector<16xf32>
    %jit3A_1141 = arith.constant 1 : i32
    %jit3A_1142 = arith.constant 0 : i32
    %broadcast_in_dim3A_1143 = vector.broadcast %jit3A_1141 : i32 to vector<16xi32>
    %broadcast_in_dim3A_1144 = vector.broadcast %jit3A_1142 : i32 to vector<16xi32>
    %select_n3A_1145 = arith.select %lt3A_1140, %broadcast_in_dim3A_1143, %broadcast_in_dim3A_1144 : vector<16xi1>, vector<16xi32>
    %add3A_1146 = arith.addi %convert_element_type3A_1130, %select_n3A_1145 : vector<16xi32>
    %sub3A_1147 = arith.constant 1 : i32
    %sub3A_1148 = vector.broadcast %sub3A_1147 : i32 to vector<16xi32>
    %sub3A_1149 = arith.subi %add3A_1138, %sub3A_1148 : vector<16xi32>
    %jit3A_1150 = arith.constant 0 : i32
    %jit3A_1151 = arith.constant 8 : i32
    %max3A_1152 = vector.broadcast %jit3A_1150 : i32 to vector<16xi32>
    %max3A_1153 = arith.maxsi %max3A_1152, %sub3A_1149 : vector<16xi32>
    %min3A_1154 = vector.broadcast %jit3A_1151 : i32 to vector<16xi32>
    %min3A_1155 = arith.minsi %min3A_1154, %max3A_1153 : vector<16xi32>
    %sub3A_1156 = arith.constant 1 : i32
    %sub3A_1157 = vector.broadcast %sub3A_1156 : i32 to vector<16xi32>
    %sub3A_1158 = arith.subi %add3A_1146, %sub3A_1157 : vector<16xi32>
    %jit3A_1159 = arith.constant 0 : i32
    %jit3A_1160 = arith.constant 8 : i32
    %max3A_1161 = vector.broadcast %jit3A_1159 : i32 to vector<16xi32>
    %max3A_1162 = arith.maxsi %max3A_1161, %sub3A_1158 : vector<16xi32>
    %min3A_1163 = vector.broadcast %jit3A_1160 : i32 to vector<16xi32>
    %min3A_1164 = arith.minsi %min3A_1163, %max3A_1162 : vector<16xi32>
    %mul3A_1165 = arith.constant 10 : i32
    %mul3A_1166 = vector.broadcast %mul3A_1165 : i32 to vector<16xi32>
    %mul3A_1167 = arith.muli %min3A_1155, %mul3A_1166 : vector<16xi32>
    %add3A_1168 = arith.addi %mul3A_1167, %min3A_1164 : vector<16xi32>
    %gather3A_1169 = tpu.vector_load_idx %arg7[%add3A_1168] : memref<128xf32, #tpu.memory_space<vmem>>[vector<16xi32>], vector<16xf32>,
    %add3A_1170 = arith.constant 1 : i32
    %add3A_1171 = vector.broadcast %add3A_1170 : i32 to vector<16xi32>
    %add3A_1172 = arith.addi %add3A_1168, %add3A_1171 : vector<16xi32>
    %gather3A_1173 = tpu.vector_load_idx %arg7[%add3A_1172] : memref<128xf32, #tpu.memory_space<vmem>>[vector<16xi32>], vector<16xf32>,
    %add3A_1174 = arith.constant 10 : i32
    %add3A_1175 = vector.broadcast %add3A_1174 : i32 to vector<16xi32>
    %add3A_1176 = arith.addi %add3A_1168, %add3A_1175 : vector<16xi32>
    %gather3A_1177 = tpu.vector_load_idx %arg7[%add3A_1176] : memref<128xf32, #tpu.memory_space<vmem>>[vector<16xi32>], vector<16xf32>,
    %add3A_1178 = arith.constant 11 : i32
    %add3A_1179 = vector.broadcast %add3A_1178 : i32 to vector<16xi32>
    %add3A_1180 = arith.addi %add3A_1168, %add3A_1179 : vector<16xi32>
    %gather3A_1181 = tpu.vector_load_idx %arg7[%add3A_1180] : memref<128xf32, #tpu.memory_space<vmem>>[vector<16xi32>], vector<16xf32>,
    %convert_element_type3A_1182 = arith.sitofp %min3A_1155 : vector<16xi32> to vector<16xf32>
    %convert_element_type3A_1183 = arith.sitofp %min3A_1164 : vector<16xi32> to vector<16xf32>
    %mul3A_1184 = arith.constant 5.000000e+01 : f32
    %mul3A_1185 = vector.broadcast %mul3A_1184 : f32 to vector<16xf32>
    %mul3A_1186 = arith.mulf %mul3A_1185, %convert_element_type3A_1182 : vector<16xf32>
    %add3A_1187 = arith.constant 1.000000e+02 : f32
    %add3A_1188 = vector.broadcast %add3A_1187 : f32 to vector<16xf32>
    %add3A_1189 = arith.addf %add3A_1188, %mul3A_1186 : vector<16xf32>
    %sub3A_1190 = arith.subf %get3A_1114, %add3A_1189 : vector<16xf32>
    %div3A_1191 = arith.constant 5.000000e+01 : f32
    %div3A_1192 = vector.broadcast %div3A_1191 : f32 to vector<16xf32>
    %div3A_1193 = arith.divf %sub3A_1190, %div3A_1192 : vector<16xf32>
    %mul3A_1194 = arith.constant 2.000000e+02 : f32
    %mul3A_1195 = vector.broadcast %mul3A_1194 : f32 to vector<16xf32>
    %mul3A_1196 = arith.mulf %mul3A_1195, %convert_element_type3A_1183 : vector<16xf32>
    %add3A_1197 = arith.constant 2.000000e+02 : f32
    %add3A_1198 = vector.broadcast %add3A_1197 : f32 to vector<16xf32>
    %add3A_1199 = arith.addf %add3A_1198, %mul3A_1196 : vector<16xf32>
    %sub3A_1200 = arith.subf %get3A_1116, %add3A_1199 : vector<16xf32>
    %div3A_1201 = arith.constant 2.000000e+02 : f32
    %div3A_1202 = vector.broadcast %div3A_1201 : f32 to vector<16xf32>
    %div3A_1203 = arith.divf %sub3A_1200, %div3A_1202 : vector<16xf32>
    %sub3A_1204 = arith.subf %gather3A_1177, %gather3A_1169 : vector<16xf32>
    %mul3A_1205 = arith.mulf %div3A_1193, %sub3A_1204 : vector<16xf32>
    %add3A_1206 = arith.addf %mul3A_1205, %gather3A_1169 : vector<16xf32>
    %sub3A_1207 = arith.subf %gather3A_1181, %gather3A_1173 : vector<16xf32>
    %mul3A_1208 = arith.mulf %div3A_1193, %sub3A_1207 : vector<16xf32>
    %add3A_1209 = arith.addf %mul3A_1208, %gather3A_1173 : vector<16xf32>
    %sub3A_1210 = arith.subf %add3A_1209, %add3A_1206 : vector<16xf32>
    %mul3A_1211 = arith.mulf %div3A_1203, %sub3A_1210 : vector<16xf32>
    %add3A_1212 = arith.addf %mul3A_1211, %add3A_1206 : vector<16xf32>
    %swap3A_1213 = arith.constant 176 : index
    %swap3A_1214 = tpu.vector_load %arg8[%swap3A_1213] {strides = array<i32>} : memref<512xf32, #tpu.memory_space<vmem>>, vector<16xf32>,
    tpu.vector_store %arg8[%swap3A_1213], %add3A_1212 {strides = array<i32>} : memref<512xf32, #tpu.memory_space<vmem>>, vector<16xf32>,
    %get3A_1215 = arith.constant 192 : index
    %get3A_1216 = tpu.vector_load %arg5[%get3A_1215] {strides = array<i32>} : memref<512xf32, #tpu.memory_space<vmem>>, vector<16xf32>,
    %get3A_1217 = arith.constant 192 : index
    %get3A_1218 = tpu.vector_load %arg6[%get3A_1217] {strides = array<i32>} : memref<512xf32, #tpu.memory_space<vmem>>, vector<16xf32>,
    %sub3A_1219 = arith.constant 1.000000e+02 : f32
    %sub3A_1220 = vector.broadcast %sub3A_1219 : f32 to vector<16xf32>
    %sub3A_1221 = arith.subf %get3A_1216, %sub3A_1220 : vector<16xf32>
    %mul3A_1222 = arith.constant 2.000000e-02 : f32
    %mul3A_1223 = vector.broadcast %mul3A_1222 : f32 to vector<16xf32>
    %mul3A_1224 = arith.mulf %sub3A_1221, %mul3A_1223 : vector<16xf32>
    %sub3A_1225 = arith.constant 2.000000e+02 : f32
    %sub3A_1226 = vector.broadcast %sub3A_1225 : f32 to vector<16xf32>
    %sub3A_1227 = arith.subf %get3A_1218, %sub3A_1226 : vector<16xf32>
    %mul3A_1228 = arith.constant 5.000000e-03 : f32
    %mul3A_1229 = vector.broadcast %mul3A_1228 : f32 to vector<16xf32>
    %mul3A_1230 = arith.mulf %sub3A_1227, %mul3A_1229 : vector<16xf32>
    %convert_element_type3A_1231 = arith.fptosi %mul3A_1224 : vector<16xf32> to vector<16xi32>
    %convert_element_type3A_1232 = arith.fptosi %mul3A_1230 : vector<16xf32> to vector<16xi32>
    %convert_element_type3A_1233 = arith.sitofp %convert_element_type3A_1231 : vector<16xi32> to vector<16xf32>
    %lt3A_1234 = arith.cmpf olt, %convert_element_type3A_1233, %mul3A_1224 : vector<16xf32>
    %jit3A_1235 = arith.constant 1 : i32
    %jit3A_1236 = arith.constant 0 : i32
    %broadcast_in_dim3A_1237 = vector.broadcast %jit3A_1235 : i32 to vector<16xi32>
    %broadcast_in_dim3A_1238 = vector.broadcast %jit3A_1236 : i32 to vector<16xi32>
    %select_n3A_1239 = arith.select %lt3A_1234, %broadcast_in_dim3A_1237, %broadcast_in_dim3A_1238 : vector<16xi1>, vector<16xi32>
    %add3A_1240 = arith.addi %convert_element_type3A_1231, %select_n3A_1239 : vector<16xi32>
    %convert_element_type3A_1241 = arith.sitofp %convert_element_type3A_1232 : vector<16xi32> to vector<16xf32>
    %lt3A_1242 = arith.cmpf olt, %convert_element_type3A_1241, %mul3A_1230 : vector<16xf32>
    %jit3A_1243 = arith.constant 1 : i32
    %jit3A_1244 = arith.constant 0 : i32
    %broadcast_in_dim3A_1245 = vector.broadcast %jit3A_1243 : i32 to vector<16xi32>
    %broadcast_in_dim3A_1246 = vector.broadcast %jit3A_1244 : i32 to vector<16xi32>
    %select_n3A_1247 = arith.select %lt3A_1242, %broadcast_in_dim3A_1245, %broadcast_in_dim3A_1246 : vector<16xi1>, vector<16xi32>
    %add3A_1248 = arith.addi %convert_element_type3A_1232, %select_n3A_1247 : vector<16xi32>
    %sub3A_1249 = arith.constant 1 : i32
    %sub3A_1250 = vector.broadcast %sub3A_1249 : i32 to vector<16xi32>
    %sub3A_1251 = arith.subi %add3A_1240, %sub3A_1250 : vector<16xi32>
    %jit3A_1252 = arith.constant 0 : i32
    %jit3A_1253 = arith.constant 8 : i32
    %max3A_1254 = vector.broadcast %jit3A_1252 : i32 to vector<16xi32>
    %max3A_1255 = arith.maxsi %max3A_1254, %sub3A_1251 : vector<16xi32>
    %min3A_1256 = vector.broadcast %jit3A_1253 : i32 to vector<16xi32>
    %min3A_1257 = arith.minsi %min3A_1256, %max3A_1255 : vector<16xi32>
    %sub3A_1258 = arith.constant 1 : i32
    %sub3A_1259 = vector.broadcast %sub3A_1258 : i32 to vector<16xi32>
    %sub3A_1260 = arith.subi %add3A_1248, %sub3A_1259 : vector<16xi32>
    %jit3A_1261 = arith.constant 0 : i32
    %jit3A_1262 = arith.constant 8 : i32
    %max3A_1263 = vector.broadcast %jit3A_1261 : i32 to vector<16xi32>
    %max3A_1264 = arith.maxsi %max3A_1263, %sub3A_1260 : vector<16xi32>
    %min3A_1265 = vector.broadcast %jit3A_1262 : i32 to vector<16xi32>
    %min3A_1266 = arith.minsi %min3A_1265, %max3A_1264 : vector<16xi32>
    %mul3A_1267 = arith.constant 10 : i32
    %mul3A_1268 = vector.broadcast %mul3A_1267 : i32 to vector<16xi32>
    %mul3A_1269 = arith.muli %min3A_1257, %mul3A_1268 : vector<16xi32>
    %add3A_1270 = arith.addi %mul3A_1269, %min3A_1266 : vector<16xi32>
    %gather3A_1271 = tpu.vector_load_idx %arg7[%add3A_1270] : memref<128xf32, #tpu.memory_space<vmem>>[vector<16xi32>], vector<16xf32>,
    %add3A_1272 = arith.constant 1 : i32
    %add3A_1273 = vector.broadcast %add3A_1272 : i32 to vector<16xi32>
    %add3A_1274 = arith.addi %add3A_1270, %add3A_1273 : vector<16xi32>
    %gather3A_1275 = tpu.vector_load_idx %arg7[%add3A_1274] : memref<128xf32, #tpu.memory_space<vmem>>[vector<16xi32>], vector<16xf32>,
    %add3A_1276 = arith.constant 10 : i32
    %add3A_1277 = vector.broadcast %add3A_1276 : i32 to vector<16xi32>
    %add3A_1278 = arith.addi %add3A_1270, %add3A_1277 : vector<16xi32>
    %gather3A_1279 = tpu.vector_load_idx %arg7[%add3A_1278] : memref<128xf32, #tpu.memory_space<vmem>>[vector<16xi32>], vector<16xf32>,
    %add3A_1280 = arith.constant 11 : i32
    %add3A_1281 = vector.broadcast %add3A_1280 : i32 to vector<16xi32>
    %add3A_1282 = arith.addi %add3A_1270, %add3A_1281 : vector<16xi32>
    %gather3A_1283 = tpu.vector_load_idx %arg7[%add3A_1282] : memref<128xf32, #tpu.memory_space<vmem>>[vector<16xi32>], vector<16xf32>,
    %convert_element_type3A_1284 = arith.sitofp %min3A_1257 : vector<16xi32> to vector<16xf32>
    %convert_element_type3A_1285 = arith.sitofp %min3A_1266 : vector<16xi32> to vector<16xf32>
    %mul3A_1286 = arith.constant 5.000000e+01 : f32
    %mul3A_1287 = vector.broadcast %mul3A_1286 : f32 to vector<16xf32>
    %mul3A_1288 = arith.mulf %mul3A_1287, %convert_element_type3A_1284 : vector<16xf32>
    %add3A_1289 = arith.constant 1.000000e+02 : f32
    %add3A_1290 = vector.broadcast %add3A_1289 : f32 to vector<16xf32>
    %add3A_1291 = arith.addf %add3A_1290, %mul3A_1288 : vector<16xf32>
    %sub3A_1292 = arith.subf %get3A_1216, %add3A_1291 : vector<16xf32>
    %div3A_1293 = arith.constant 5.000000e+01 : f32
    %div3A_1294 = vector.broadcast %div3A_1293 : f32 to vector<16xf32>
    %div3A_1295 = arith.divf %sub3A_1292, %div3A_1294 : vector<16xf32>
    %mul3A_1296 = arith.constant 2.000000e+02 : f32
    %mul3A_1297 = vector.broadcast %mul3A_1296 : f32 to vector<16xf32>
    %mul3A_1298 = arith.mulf %mul3A_1297, %convert_element_type3A_1285 : vector<16xf32>
    %add3A_1299 = arith.constant 2.000000e+02 : f32
    %add3A_1300 = vector.broadcast %add3A_1299 : f32 to vector<16xf32>
    %add3A_1301 = arith.addf %add3A_1300, %mul3A_1298 : vector<16xf32>
    %sub3A_1302 = arith.subf %get3A_1218, %add3A_1301 : vector<16xf32>
    %div3A_1303 = arith.constant 2.000000e+02 : f32
    %div3A_1304 = vector.broadcast %div3A_1303 : f32 to vector<16xf32>
    %div3A_1305 = arith.divf %sub3A_1302, %div3A_1304 : vector<16xf32>
    %sub3A_1306 = arith.subf %gather3A_1279, %gather3A_1271 : vector<16xf32>
    %mul3A_1307 = arith.mulf %div3A_1295, %sub3A_1306 : vector<16xf32>
    %add3A_1308 = arith.addf %mul3A_1307, %gather3A_1271 : vector<16xf32>
    %sub3A_1309 = arith.subf %gather3A_1283, %gather3A_1275 : vector<16xf32>
    %mul3A_1310 = arith.mulf %div3A_1295, %sub3A_1309 : vector<16xf32>
    %add3A_1311 = arith.addf %mul3A_1310, %gather3A_1275 : vector<16xf32>
    %sub3A_1312 = arith.subf %add3A_1311, %add3A_1308 : vector<16xf32>
    %mul3A_1313 = arith.mulf %div3A_1305, %sub3A_1312 : vector<16xf32>
    %add3A_1314 = arith.addf %mul3A_1313, %add3A_1308 : vector<16xf32>
    %swap3A_1315 = arith.constant 192 : index
    %swap3A_1316 = tpu.vector_load %arg8[%swap3A_1315] {strides = array<i32>} : memref<512xf32, #tpu.memory_space<vmem>>, vector<16xf32>,
    tpu.vector_store %arg8[%swap3A_1315], %add3A_1314 {strides = array<i32>} : memref<512xf32, #tpu.memory_space<vmem>>, vector<16xf32>,
    %get3A_1317 = arith.constant 208 : index
    %get3A_1318 = tpu.vector_load %arg5[%get3A_1317] {strides = array<i32>} : memref<512xf32, #tpu.memory_space<vmem>>, vector<16xf32>,
    %get3A_1319 = arith.constant 208 : index
    %get3A_1320 = tpu.vector_load %arg6[%get3A_1319] {strides = array<i32>} : memref<512xf32, #tpu.memory_space<vmem>>, vector<16xf32>,
    %sub3A_1321 = arith.constant 1.000000e+02 : f32
    %sub3A_1322 = vector.broadcast %sub3A_1321 : f32 to vector<16xf32>
    %sub3A_1323 = arith.subf %get3A_1318, %sub3A_1322 : vector<16xf32>
    %mul3A_1324 = arith.constant 2.000000e-02 : f32
    %mul3A_1325 = vector.broadcast %mul3A_1324 : f32 to vector<16xf32>
    %mul3A_1326 = arith.mulf %sub3A_1323, %mul3A_1325 : vector<16xf32>
    %sub3A_1327 = arith.constant 2.000000e+02 : f32
    %sub3A_1328 = vector.broadcast %sub3A_1327 : f32 to vector<16xf32>
    %sub3A_1329 = arith.subf %get3A_1320, %sub3A_1328 : vector<16xf32>
    %mul3A_1330 = arith.constant 5.000000e-03 : f32
    %mul3A_1331 = vector.broadcast %mul3A_1330 : f32 to vector<16xf32>
    %mul3A_1332 = arith.mulf %sub3A_1329, %mul3A_1331 : vector<16xf32>
    %convert_element_type3A_1333 = arith.fptosi %mul3A_1326 : vector<16xf32> to vector<16xi32>
    %convert_element_type3A_1334 = arith.fptosi %mul3A_1332 : vector<16xf32> to vector<16xi32>
    %convert_element_type3A_1335 = arith.sitofp %convert_element_type3A_1333 : vector<16xi32> to vector<16xf32>
    %lt3A_1336 = arith.cmpf olt, %convert_element_type3A_1335, %mul3A_1326 : vector<16xf32>
    %jit3A_1337 = arith.constant 1 : i32
    %jit3A_1338 = arith.constant 0 : i32
    %broadcast_in_dim3A_1339 = vector.broadcast %jit3A_1337 : i32 to vector<16xi32>
    %broadcast_in_dim3A_1340 = vector.broadcast %jit3A_1338 : i32 to vector<16xi32>
    %select_n3A_1341 = arith.select %lt3A_1336, %broadcast_in_dim3A_1339, %broadcast_in_dim3A_1340 : vector<16xi1>, vector<16xi32>
    %add3A_1342 = arith.addi %convert_element_type3A_1333, %select_n3A_1341 : vector<16xi32>
    %convert_element_type3A_1343 = arith.sitofp %convert_element_type3A_1334 : vector<16xi32> to vector<16xf32>
    %lt3A_1344 = arith.cmpf olt, %convert_element_type3A_1343, %mul3A_1332 : vector<16xf32>
    %jit3A_1345 = arith.constant 1 : i32
    %jit3A_1346 = arith.constant 0 : i32
    %broadcast_in_dim3A_1347 = vector.broadcast %jit3A_1345 : i32 to vector<16xi32>
    %broadcast_in_dim3A_1348 = vector.broadcast %jit3A_1346 : i32 to vector<16xi32>
    %select_n3A_1349 = arith.select %lt3A_1344, %broadcast_in_dim3A_1347, %broadcast_in_dim3A_1348 : vector<16xi1>, vector<16xi32>
    %add3A_1350 = arith.addi %convert_element_type3A_1334, %select_n3A_1349 : vector<16xi32>
    %sub3A_1351 = arith.constant 1 : i32
    %sub3A_1352 = vector.broadcast %sub3A_1351 : i32 to vector<16xi32>
    %sub3A_1353 = arith.subi %add3A_1342, %sub3A_1352 : vector<16xi32>
    %jit3A_1354 = arith.constant 0 : i32
    %jit3A_1355 = arith.constant 8 : i32
    %max3A_1356 = vector.broadcast %jit3A_1354 : i32 to vector<16xi32>
    %max3A_1357 = arith.maxsi %max3A_1356, %sub3A_1353 : vector<16xi32>
    %min3A_1358 = vector.broadcast %jit3A_1355 : i32 to vector<16xi32>
    %min3A_1359 = arith.minsi %min3A_1358, %max3A_1357 : vector<16xi32>
    %sub3A_1360 = arith.constant 1 : i32
    %sub3A_1361 = vector.broadcast %sub3A_1360 : i32 to vector<16xi32>
    %sub3A_1362 = arith.subi %add3A_1350, %sub3A_1361 : vector<16xi32>
    %jit3A_1363 = arith.constant 0 : i32
    %jit3A_1364 = arith.constant 8 : i32
    %max3A_1365 = vector.broadcast %jit3A_1363 : i32 to vector<16xi32>
    %max3A_1366 = arith.maxsi %max3A_1365, %sub3A_1362 : vector<16xi32>
    %min3A_1367 = vector.broadcast %jit3A_1364 : i32 to vector<16xi32>
    %min3A_1368 = arith.minsi %min3A_1367, %max3A_1366 : vector<16xi32>
    %mul3A_1369 = arith.constant 10 : i32
    %mul3A_1370 = vector.broadcast %mul3A_1369 : i32 to vector<16xi32>
    %mul3A_1371 = arith.muli %min3A_1359, %mul3A_1370 : vector<16xi32>
    %add3A_1372 = arith.addi %mul3A_1371, %min3A_1368 : vector<16xi32>
    %gather3A_1373 = tpu.vector_load_idx %arg7[%add3A_1372] : memref<128xf32, #tpu.memory_space<vmem>>[vector<16xi32>], vector<16xf32>,
    %add3A_1374 = arith.constant 1 : i32
    %add3A_1375 = vector.broadcast %add3A_1374 : i32 to vector<16xi32>
    %add3A_1376 = arith.addi %add3A_1372, %add3A_1375 : vector<16xi32>
    %gather3A_1377 = tpu.vector_load_idx %arg7[%add3A_1376] : memref<128xf32, #tpu.memory_space<vmem>>[vector<16xi32>], vector<16xf32>,
    %add3A_1378 = arith.constant 10 : i32
    %add3A_1379 = vector.broadcast %add3A_1378 : i32 to vector<16xi32>
    %add3A_1380 = arith.addi %add3A_1372, %add3A_1379 : vector<16xi32>
    %gather3A_1381 = tpu.vector_load_idx %arg7[%add3A_1380] : memref<128xf32, #tpu.memory_space<vmem>>[vector<16xi32>], vector<16xf32>,
    %add3A_1382 = arith.constant 11 : i32
    %add3A_1383 = vector.broadcast %add3A_1382 : i32 to vector<16xi32>
    %add3A_1384 = arith.addi %add3A_1372, %add3A_1383 : vector<16xi32>
    %gather3A_1385 = tpu.vector_load_idx %arg7[%add3A_1384] : memref<128xf32, #tpu.memory_space<vmem>>[vector<16xi32>], vector<16xf32>,
    %convert_element_type3A_1386 = arith.sitofp %min3A_1359 : vector<16xi32> to vector<16xf32>
    %convert_element_type3A_1387 = arith.sitofp %min3A_1368 : vector<16xi32> to vector<16xf32>
    %mul3A_1388 = arith.constant 5.000000e+01 : f32
    %mul3A_1389 = vector.broadcast %mul3A_1388 : f32 to vector<16xf32>
    %mul3A_1390 = arith.mulf %mul3A_1389, %convert_element_type3A_1386 : vector<16xf32>
    %add3A_1391 = arith.constant 1.000000e+02 : f32
    %add3A_1392 = vector.broadcast %add3A_1391 : f32 to vector<16xf32>
    %add3A_1393 = arith.addf %add3A_1392, %mul3A_1390 : vector<16xf32>
    %sub3A_1394 = arith.subf %get3A_1318, %add3A_1393 : vector<16xf32>
    %div3A_1395 = arith.constant 5.000000e+01 : f32
    %div3A_1396 = vector.broadcast %div3A_1395 : f32 to vector<16xf32>
    %div3A_1397 = arith.divf %sub3A_1394, %div3A_1396 : vector<16xf32>
    %mul3A_1398 = arith.constant 2.000000e+02 : f32
    %mul3A_1399 = vector.broadcast %mul3A_1398 : f32 to vector<16xf32>
    %mul3A_1400 = arith.mulf %mul3A_1399, %convert_element_type3A_1387 : vector<16xf32>
    %add3A_1401 = arith.constant 2.000000e+02 : f32
    %add3A_1402 = vector.broadcast %add3A_1401 : f32 to vector<16xf32>
    %add3A_1403 = arith.addf %add3A_1402, %mul3A_1400 : vector<16xf32>
    %sub3A_1404 = arith.subf %get3A_1320, %add3A_1403 : vector<16xf32>
    %div3A_1405 = arith.constant 2.000000e+02 : f32
    %div3A_1406 = vector.broadcast %div3A_1405 : f32 to vector<16xf32>
    %div3A_1407 = arith.divf %sub3A_1404, %div3A_1406 : vector<16xf32>
    %sub3A_1408 = arith.subf %gather3A_1381, %gather3A_1373 : vector<16xf32>
    %mul3A_1409 = arith.mulf %div3A_1397, %sub3A_1408 : vector<16xf32>
    %add3A_1410 = arith.addf %mul3A_1409, %gather3A_1373 : vector<16xf32>
    %sub3A_1411 = arith.subf %gather3A_1385, %gather3A_1377 : vector<16xf32>
    %mul3A_1412 = arith.mulf %div3A_1397, %sub3A_1411 : vector<16xf32>
    %add3A_1413 = arith.addf %mul3A_1412, %gather3A_1377 : vector<16xf32>
    %sub3A_1414 = arith.subf %add3A_1413, %add3A_1410 : vector<16xf32>
    %mul3A_1415 = arith.mulf %div3A_1407, %sub3A_1414 : vector<16xf32>
    %add3A_1416 = arith.addf %mul3A_1415, %add3A_1410 : vector<16xf32>
    %swap3A_1417 = arith.constant 208 : index
    %swap3A_1418 = tpu.vector_load %arg8[%swap3A_1417] {strides = array<i32>} : memref<512xf32, #tpu.memory_space<vmem>>, vector<16xf32>,
    tpu.vector_store %arg8[%swap3A_1417], %add3A_1416 {strides = array<i32>} : memref<512xf32, #tpu.memory_space<vmem>>, vector<16xf32>,
    %get3A_1419 = arith.constant 224 : index
    %get3A_1420 = tpu.vector_load %arg5[%get3A_1419] {strides = array<i32>} : memref<512xf32, #tpu.memory_space<vmem>>, vector<16xf32>,
    %get3A_1421 = arith.constant 224 : index
    %get3A_1422 = tpu.vector_load %arg6[%get3A_1421] {strides = array<i32>} : memref<512xf32, #tpu.memory_space<vmem>>, vector<16xf32>,
    %sub3A_1423 = arith.constant 1.000000e+02 : f32
    %sub3A_1424 = vector.broadcast %sub3A_1423 : f32 to vector<16xf32>
    %sub3A_1425 = arith.subf %get3A_1420, %sub3A_1424 : vector<16xf32>
    %mul3A_1426 = arith.constant 2.000000e-02 : f32
    %mul3A_1427 = vector.broadcast %mul3A_1426 : f32 to vector<16xf32>
    %mul3A_1428 = arith.mulf %sub3A_1425, %mul3A_1427 : vector<16xf32>
    %sub3A_1429 = arith.constant 2.000000e+02 : f32
    %sub3A_1430 = vector.broadcast %sub3A_1429 : f32 to vector<16xf32>
    %sub3A_1431 = arith.subf %get3A_1422, %sub3A_1430 : vector<16xf32>
    %mul3A_1432 = arith.constant 5.000000e-03 : f32
    %mul3A_1433 = vector.broadcast %mul3A_1432 : f32 to vector<16xf32>
    %mul3A_1434 = arith.mulf %sub3A_1431, %mul3A_1433 : vector<16xf32>
    %convert_element_type3A_1435 = arith.fptosi %mul3A_1428 : vector<16xf32> to vector<16xi32>
    %convert_element_type3A_1436 = arith.fptosi %mul3A_1434 : vector<16xf32> to vector<16xi32>
    %convert_element_type3A_1437 = arith.sitofp %convert_element_type3A_1435 : vector<16xi32> to vector<16xf32>
    %lt3A_1438 = arith.cmpf olt, %convert_element_type3A_1437, %mul3A_1428 : vector<16xf32>
    %jit3A_1439 = arith.constant 1 : i32
    %jit3A_1440 = arith.constant 0 : i32
    %broadcast_in_dim3A_1441 = vector.broadcast %jit3A_1439 : i32 to vector<16xi32>
    %broadcast_in_dim3A_1442 = vector.broadcast %jit3A_1440 : i32 to vector<16xi32>
    %select_n3A_1443 = arith.select %lt3A_1438, %broadcast_in_dim3A_1441, %broadcast_in_dim3A_1442 : vector<16xi1>, vector<16xi32>
    %add3A_1444 = arith.addi %convert_element_type3A_1435, %select_n3A_1443 : vector<16xi32>
    %convert_element_type3A_1445 = arith.sitofp %convert_element_type3A_1436 : vector<16xi32> to vector<16xf32>
    %lt3A_1446 = arith.cmpf olt, %convert_element_type3A_1445, %mul3A_1434 : vector<16xf32>
    %jit3A_1447 = arith.constant 1 : i32
    %jit3A_1448 = arith.constant 0 : i32
    %broadcast_in_dim3A_1449 = vector.broadcast %jit3A_1447 : i32 to vector<16xi32>
    %broadcast_in_dim3A_1450 = vector.broadcast %jit3A_1448 : i32 to vector<16xi32>
    %select_n3A_1451 = arith.select %lt3A_1446, %broadcast_in_dim3A_1449, %broadcast_in_dim3A_1450 : vector<16xi1>, vector<16xi32>
    %add3A_1452 = arith.addi %convert_element_type3A_1436, %select_n3A_1451 : vector<16xi32>
    %sub3A_1453 = arith.constant 1 : i32
    %sub3A_1454 = vector.broadcast %sub3A_1453 : i32 to vector<16xi32>
    %sub3A_1455 = arith.subi %add3A_1444, %sub3A_1454 : vector<16xi32>
    %jit3A_1456 = arith.constant 0 : i32
    %jit3A_1457 = arith.constant 8 : i32
    %max3A_1458 = vector.broadcast %jit3A_1456 : i32 to vector<16xi32>
    %max3A_1459 = arith.maxsi %max3A_1458, %sub3A_1455 : vector<16xi32>
    %min3A_1460 = vector.broadcast %jit3A_1457 : i32 to vector<16xi32>
    %min3A_1461 = arith.minsi %min3A_1460, %max3A_1459 : vector<16xi32>
    %sub3A_1462 = arith.constant 1 : i32
    %sub3A_1463 = vector.broadcast %sub3A_1462 : i32 to vector<16xi32>
    %sub3A_1464 = arith.subi %add3A_1452, %sub3A_1463 : vector<16xi32>
    %jit3A_1465 = arith.constant 0 : i32
    %jit3A_1466 = arith.constant 8 : i32
    %max3A_1467 = vector.broadcast %jit3A_1465 : i32 to vector<16xi32>
    %max3A_1468 = arith.maxsi %max3A_1467, %sub3A_1464 : vector<16xi32>
    %min3A_1469 = vector.broadcast %jit3A_1466 : i32 to vector<16xi32>
    %min3A_1470 = arith.minsi %min3A_1469, %max3A_1468 : vector<16xi32>
    %mul3A_1471 = arith.constant 10 : i32
    %mul3A_1472 = vector.broadcast %mul3A_1471 : i32 to vector<16xi32>
    %mul3A_1473 = arith.muli %min3A_1461, %mul3A_1472 : vector<16xi32>
    %add3A_1474 = arith.addi %mul3A_1473, %min3A_1470 : vector<16xi32>
    %gather3A_1475 = tpu.vector_load_idx %arg7[%add3A_1474] : memref<128xf32, #tpu.memory_space<vmem>>[vector<16xi32>], vector<16xf32>,
    %add3A_1476 = arith.constant 1 : i32
    %add3A_1477 = vector.broadcast %add3A_1476 : i32 to vector<16xi32>
    %add3A_1478 = arith.addi %add3A_1474, %add3A_1477 : vector<16xi32>
    %gather3A_1479 = tpu.vector_load_idx %arg7[%add3A_1478] : memref<128xf32, #tpu.memory_space<vmem>>[vector<16xi32>], vector<16xf32>,
    %add3A_1480 = arith.constant 10 : i32
    %add3A_1481 = vector.broadcast %add3A_1480 : i32 to vector<16xi32>
    %add3A_1482 = arith.addi %add3A_1474, %add3A_1481 : vector<16xi32>
    %gather3A_1483 = tpu.vector_load_idx %arg7[%add3A_1482] : memref<128xf32, #tpu.memory_space<vmem>>[vector<16xi32>], vector<16xf32>,
    %add3A_1484 = arith.constant 11 : i32
    %add3A_1485 = vector.broadcast %add3A_1484 : i32 to vector<16xi32>
    %add3A_1486 = arith.addi %add3A_1474, %add3A_1485 : vector<16xi32>
    %gather3A_1487 = tpu.vector_load_idx %arg7[%add3A_1486] : memref<128xf32, #tpu.memory_space<vmem>>[vector<16xi32>], vector<16xf32>,
    %convert_element_type3A_1488 = arith.sitofp %min3A_1461 : vector<16xi32> to vector<16xf32>
    %convert_element_type3A_1489 = arith.sitofp %min3A_1470 : vector<16xi32> to vector<16xf32>
    %mul3A_1490 = arith.constant 5.000000e+01 : f32
    %mul3A_1491 = vector.broadcast %mul3A_1490 : f32 to vector<16xf32>
    %mul3A_1492 = arith.mulf %mul3A_1491, %convert_element_type3A_1488 : vector<16xf32>
    %add3A_1493 = arith.constant 1.000000e+02 : f32
    %add3A_1494 = vector.broadcast %add3A_1493 : f32 to vector<16xf32>
    %add3A_1495 = arith.addf %add3A_1494, %mul3A_1492 : vector<16xf32>
    %sub3A_1496 = arith.subf %get3A_1420, %add3A_1495 : vector<16xf32>
    %div3A_1497 = arith.constant 5.000000e+01 : f32
    %div3A_1498 = vector.broadcast %div3A_1497 : f32 to vector<16xf32>
    %div3A_1499 = arith.divf %sub3A_1496, %div3A_1498 : vector<16xf32>
    %mul3A_1500 = arith.constant 2.000000e+02 : f32
    %mul3A_1501 = vector.broadcast %mul3A_1500 : f32 to vector<16xf32>
    %mul3A_1502 = arith.mulf %mul3A_1501, %convert_element_type3A_1489 : vector<16xf32>
    %add3A_1503 = arith.constant 2.000000e+02 : f32
    %add3A_1504 = vector.broadcast %add3A_1503 : f32 to vector<16xf32>
    %add3A_1505 = arith.addf %add3A_1504, %mul3A_1502 : vector<16xf32>
    %sub3A_1506 = arith.subf %get3A_1422, %add3A_1505 : vector<16xf32>
    %div3A_1507 = arith.constant 2.000000e+02 : f32
    %div3A_1508 = vector.broadcast %div3A_1507 : f32 to vector<16xf32>
    %div3A_1509 = arith.divf %sub3A_1506, %div3A_1508 : vector<16xf32>
    %sub3A_1510 = arith.subf %gather3A_1483, %gather3A_1475 : vector<16xf32>
    %mul3A_1511 = arith.mulf %div3A_1499, %sub3A_1510 : vector<16xf32>
    %add3A_1512 = arith.addf %mul3A_1511, %gather3A_1475 : vector<16xf32>
    %sub3A_1513 = arith.subf %gather3A_1487, %gather3A_1479 : vector<16xf32>
    %mul3A_1514 = arith.mulf %div3A_1499, %sub3A_1513 : vector<16xf32>
    %add3A_1515 = arith.addf %mul3A_1514, %gather3A_1479 : vector<16xf32>
    %sub3A_1516 = arith.subf %add3A_1515, %add3A_1512 : vector<16xf32>
    %mul3A_1517 = arith.mulf %div3A_1509, %sub3A_1516 : vector<16xf32>
    %add3A_1518 = arith.addf %mul3A_1517, %add3A_1512 : vector<16xf32>
    %swap3A_1519 = arith.constant 224 : index
    %swap3A_1520 = tpu.vector_load %arg8[%swap3A_1519] {strides = array<i32>} : memref<512xf32, #tpu.memory_space<vmem>>, vector<16xf32>,
    tpu.vector_store %arg8[%swap3A_1519], %add3A_1518 {strides = array<i32>} : memref<512xf32, #tpu.memory_space<vmem>>, vector<16xf32>,
    %get3A_1521 = arith.constant 240 : index
    %get3A_1522 = tpu.vector_load %arg5[%get3A_1521] {strides = array<i32>} : memref<512xf32, #tpu.memory_space<vmem>>, vector<16xf32>,
    %get3A_1523 = arith.constant 240 : index
    %get3A_1524 = tpu.vector_load %arg6[%get3A_1523] {strides = array<i32>} : memref<512xf32, #tpu.memory_space<vmem>>, vector<16xf32>,
    %sub3A_1525 = arith.constant 1.000000e+02 : f32
    %sub3A_1526 = vector.broadcast %sub3A_1525 : f32 to vector<16xf32>
    %sub3A_1527 = arith.subf %get3A_1522, %sub3A_1526 : vector<16xf32>
    %mul3A_1528 = arith.constant 2.000000e-02 : f32
    %mul3A_1529 = vector.broadcast %mul3A_1528 : f32 to vector<16xf32>
    %mul3A_1530 = arith.mulf %sub3A_1527, %mul3A_1529 : vector<16xf32>
    %sub3A_1531 = arith.constant 2.000000e+02 : f32
    %sub3A_1532 = vector.broadcast %sub3A_1531 : f32 to vector<16xf32>
    %sub3A_1533 = arith.subf %get3A_1524, %sub3A_1532 : vector<16xf32>
    %mul3A_1534 = arith.constant 5.000000e-03 : f32
    %mul3A_1535 = vector.broadcast %mul3A_1534 : f32 to vector<16xf32>
    %mul3A_1536 = arith.mulf %sub3A_1533, %mul3A_1535 : vector<16xf32>
    %convert_element_type3A_1537 = arith.fptosi %mul3A_1530 : vector<16xf32> to vector<16xi32>
    %convert_element_type3A_1538 = arith.fptosi %mul3A_1536 : vector<16xf32> to vector<16xi32>
    %convert_element_type3A_1539 = arith.sitofp %convert_element_type3A_1537 : vector<16xi32> to vector<16xf32>
    %lt3A_1540 = arith.cmpf olt, %convert_element_type3A_1539, %mul3A_1530 : vector<16xf32>
    %jit3A_1541 = arith.constant 1 : i32
    %jit3A_1542 = arith.constant 0 : i32
    %broadcast_in_dim3A_1543 = vector.broadcast %jit3A_1541 : i32 to vector<16xi32>
    %broadcast_in_dim3A_1544 = vector.broadcast %jit3A_1542 : i32 to vector<16xi32>
    %select_n3A_1545 = arith.select %lt3A_1540, %broadcast_in_dim3A_1543, %broadcast_in_dim3A_1544 : vector<16xi1>, vector<16xi32>
    %add3A_1546 = arith.addi %convert_element_type3A_1537, %select_n3A_1545 : vector<16xi32>
    %convert_element_type3A_1547 = arith.sitofp %convert_element_type3A_1538 : vector<16xi32> to vector<16xf32>
    %lt3A_1548 = arith.cmpf olt, %convert_element_type3A_1547, %mul3A_1536 : vector<16xf32>
    %jit3A_1549 = arith.constant 1 : i32
    %jit3A_1550 = arith.constant 0 : i32
    %broadcast_in_dim3A_1551 = vector.broadcast %jit3A_1549 : i32 to vector<16xi32>
    %broadcast_in_dim3A_1552 = vector.broadcast %jit3A_1550 : i32 to vector<16xi32>
    %select_n3A_1553 = arith.select %lt3A_1548, %broadcast_in_dim3A_1551, %broadcast_in_dim3A_1552 : vector<16xi1>, vector<16xi32>
    %add3A_1554 = arith.addi %convert_element_type3A_1538, %select_n3A_1553 : vector<16xi32>
    %sub3A_1555 = arith.constant 1 : i32
    %sub3A_1556 = vector.broadcast %sub3A_1555 : i32 to vector<16xi32>
    %sub3A_1557 = arith.subi %add3A_1546, %sub3A_1556 : vector<16xi32>
    %jit3A_1558 = arith.constant 0 : i32
    %jit3A_1559 = arith.constant 8 : i32
    %max3A_1560 = vector.broadcast %jit3A_1558 : i32 to vector<16xi32>
    %max3A_1561 = arith.maxsi %max3A_1560, %sub3A_1557 : vector<16xi32>
    %min3A_1562 = vector.broadcast %jit3A_1559 : i32 to vector<16xi32>
    %min3A_1563 = arith.minsi %min3A_1562, %max3A_1561 : vector<16xi32>
    %sub3A_1564 = arith.constant 1 : i32
    %sub3A_1565 = vector.broadcast %sub3A_1564 : i32 to vector<16xi32>
    %sub3A_1566 = arith.subi %add3A_1554, %sub3A_1565 : vector<16xi32>
    %jit3A_1567 = arith.constant 0 : i32
    %jit3A_1568 = arith.constant 8 : i32
    %max3A_1569 = vector.broadcast %jit3A_1567 : i32 to vector<16xi32>
    %max3A_1570 = arith.maxsi %max3A_1569, %sub3A_1566 : vector<16xi32>
    %min3A_1571 = vector.broadcast %jit3A_1568 : i32 to vector<16xi32>
    %min3A_1572 = arith.minsi %min3A_1571, %max3A_1570 : vector<16xi32>
    %mul3A_1573 = arith.constant 10 : i32
    %mul3A_1574 = vector.broadcast %mul3A_1573 : i32 to vector<16xi32>
    %mul3A_1575 = arith.muli %min3A_1563, %mul3A_1574 : vector<16xi32>
    %add3A_1576 = arith.addi %mul3A_1575, %min3A_1572 : vector<16xi32>
    %gather3A_1577 = tpu.vector_load_idx %arg7[%add3A_1576] : memref<128xf32, #tpu.memory_space<vmem>>[vector<16xi32>], vector<16xf32>,
    %add3A_1578 = arith.constant 1 : i32
    %add3A_1579 = vector.broadcast %add3A_1578 : i32 to vector<16xi32>
    %add3A_1580 = arith.addi %add3A_1576, %add3A_1579 : vector<16xi32>
    %gather3A_1581 = tpu.vector_load_idx %arg7[%add3A_1580] : memref<128xf32, #tpu.memory_space<vmem>>[vector<16xi32>], vector<16xf32>,
    %add3A_1582 = arith.constant 10 : i32
    %add3A_1583 = vector.broadcast %add3A_1582 : i32 to vector<16xi32>
    %add3A_1584 = arith.addi %add3A_1576, %add3A_1583 : vector<16xi32>
    %gather3A_1585 = tpu.vector_load_idx %arg7[%add3A_1584] : memref<128xf32, #tpu.memory_space<vmem>>[vector<16xi32>], vector<16xf32>,
    %add3A_1586 = arith.constant 11 : i32
    %add3A_1587 = vector.broadcast %add3A_1586 : i32 to vector<16xi32>
    %add3A_1588 = arith.addi %add3A_1576, %add3A_1587 : vector<16xi32>
    %gather3A_1589 = tpu.vector_load_idx %arg7[%add3A_1588] : memref<128xf32, #tpu.memory_space<vmem>>[vector<16xi32>], vector<16xf32>,
    %convert_element_type3A_1590 = arith.sitofp %min3A_1563 : vector<16xi32> to vector<16xf32>
    %convert_element_type3A_1591 = arith.sitofp %min3A_1572 : vector<16xi32> to vector<16xf32>
    %mul3A_1592 = arith.constant 5.000000e+01 : f32
    %mul3A_1593 = vector.broadcast %mul3A_1592 : f32 to vector<16xf32>
    %mul3A_1594 = arith.mulf %mul3A_1593, %convert_element_type3A_1590 : vector<16xf32>
    %add3A_1595 = arith.constant 1.000000e+02 : f32
    %add3A_1596 = vector.broadcast %add3A_1595 : f32 to vector<16xf32>
    %add3A_1597 = arith.addf %add3A_1596, %mul3A_1594 : vector<16xf32>
    %sub3A_1598 = arith.subf %get3A_1522, %add3A_1597 : vector<16xf32>
    %div3A_1599 = arith.constant 5.000000e+01 : f32
    %div3A_1600 = vector.broadcast %div3A_1599 : f32 to vector<16xf32>
    %div3A_1601 = arith.divf %sub3A_1598, %div3A_1600 : vector<16xf32>
    %mul3A_1602 = arith.constant 2.000000e+02 : f32
    %mul3A_1603 = vector.broadcast %mul3A_1602 : f32 to vector<16xf32>
    %mul3A_1604 = arith.mulf %mul3A_1603, %convert_element_type3A_1591 : vector<16xf32>
    %add3A_1605 = arith.constant 2.000000e+02 : f32
    %add3A_1606 = vector.broadcast %add3A_1605 : f32 to vector<16xf32>
    %add3A_1607 = arith.addf %add3A_1606, %mul3A_1604 : vector<16xf32>
    %sub3A_1608 = arith.subf %get3A_1524, %add3A_1607 : vector<16xf32>
    %div3A_1609 = arith.constant 2.000000e+02 : f32
    %div3A_1610 = vector.broadcast %div3A_1609 : f32 to vector<16xf32>
    %div3A_1611 = arith.divf %sub3A_1608, %div3A_1610 : vector<16xf32>
    %sub3A_1612 = arith.subf %gather3A_1585, %gather3A_1577 : vector<16xf32>
    %mul3A_1613 = arith.mulf %div3A_1601, %sub3A_1612 : vector<16xf32>
    %add3A_1614 = arith.addf %mul3A_1613, %gather3A_1577 : vector<16xf32>
    %sub3A_1615 = arith.subf %gather3A_1589, %gather3A_1581 : vector<16xf32>
    %mul3A_1616 = arith.mulf %div3A_1601, %sub3A_1615 : vector<16xf32>
    %add3A_1617 = arith.addf %mul3A_1616, %gather3A_1581 : vector<16xf32>
    %sub3A_1618 = arith.subf %add3A_1617, %add3A_1614 : vector<16xf32>
    %mul3A_1619 = arith.mulf %div3A_1611, %sub3A_1618 : vector<16xf32>
    %add3A_1620 = arith.addf %mul3A_1619, %add3A_1614 : vector<16xf32>
    %swap3A_1621 = arith.constant 240 : index
    %swap3A_1622 = tpu.vector_load %arg8[%swap3A_1621] {strides = array<i32>} : memref<512xf32, #tpu.memory_space<vmem>>, vector<16xf32>,
    tpu.vector_store %arg8[%swap3A_1621], %add3A_1620 {strides = array<i32>} : memref<512xf32, #tpu.memory_space<vmem>>, vector<16xf32>,
    %get3A_1623 = arith.constant 256 : index
    %get3A_1624 = tpu.vector_load %arg5[%get3A_1623] {strides = array<i32>} : memref<512xf32, #tpu.memory_space<vmem>>, vector<16xf32>,
    %get3A_1625 = arith.constant 256 : index
    %get3A_1626 = tpu.vector_load %arg6[%get3A_1625] {strides = array<i32>} : memref<512xf32, #tpu.memory_space<vmem>>, vector<16xf32>,
    %sub3A_1627 = arith.constant 1.000000e+02 : f32
    %sub3A_1628 = vector.broadcast %sub3A_1627 : f32 to vector<16xf32>
    %sub3A_1629 = arith.subf %get3A_1624, %sub3A_1628 : vector<16xf32>
    %mul3A_1630 = arith.constant 2.000000e-02 : f32
    %mul3A_1631 = vector.broadcast %mul3A_1630 : f32 to vector<16xf32>
    %mul3A_1632 = arith.mulf %sub3A_1629, %mul3A_1631 : vector<16xf32>
    %sub3A_1633 = arith.constant 2.000000e+02 : f32
    %sub3A_1634 = vector.broadcast %sub3A_1633 : f32 to vector<16xf32>
    %sub3A_1635 = arith.subf %get3A_1626, %sub3A_1634 : vector<16xf32>
    %mul3A_1636 = arith.constant 5.000000e-03 : f32
    %mul3A_1637 = vector.broadcast %mul3A_1636 : f32 to vector<16xf32>
    %mul3A_1638 = arith.mulf %sub3A_1635, %mul3A_1637 : vector<16xf32>
    %convert_element_type3A_1639 = arith.fptosi %mul3A_1632 : vector<16xf32> to vector<16xi32>
    %convert_element_type3A_1640 = arith.fptosi %mul3A_1638 : vector<16xf32> to vector<16xi32>
    %convert_element_type3A_1641 = arith.sitofp %convert_element_type3A_1639 : vector<16xi32> to vector<16xf32>
    %lt3A_1642 = arith.cmpf olt, %convert_element_type3A_1641, %mul3A_1632 : vector<16xf32>
    %jit3A_1643 = arith.constant 1 : i32
    %jit3A_1644 = arith.constant 0 : i32
    %broadcast_in_dim3A_1645 = vector.broadcast %jit3A_1643 : i32 to vector<16xi32>
    %broadcast_in_dim3A_1646 = vector.broadcast %jit3A_1644 : i32 to vector<16xi32>
    %select_n3A_1647 = arith.select %lt3A_1642, %broadcast_in_dim3A_1645, %broadcast_in_dim3A_1646 : vector<16xi1>, vector<16xi32>
    %add3A_1648 = arith.addi %convert_element_type3A_1639, %select_n3A_1647 : vector<16xi32>
    %convert_element_type3A_1649 = arith.sitofp %convert_element_type3A_1640 : vector<16xi32> to vector<16xf32>
    %lt3A_1650 = arith.cmpf olt, %convert_element_type3A_1649, %mul3A_1638 : vector<16xf32>
    %jit3A_1651 = arith.constant 1 : i32
    %jit3A_1652 = arith.constant 0 : i32
    %broadcast_in_dim3A_1653 = vector.broadcast %jit3A_1651 : i32 to vector<16xi32>
    %broadcast_in_dim3A_1654 = vector.broadcast %jit3A_1652 : i32 to vector<16xi32>
    %select_n3A_1655 = arith.select %lt3A_1650, %broadcast_in_dim3A_1653, %broadcast_in_dim3A_1654 : vector<16xi1>, vector<16xi32>
    %add3A_1656 = arith.addi %convert_element_type3A_1640, %select_n3A_1655 : vector<16xi32>
    %sub3A_1657 = arith.constant 1 : i32
    %sub3A_1658 = vector.broadcast %sub3A_1657 : i32 to vector<16xi32>
    %sub3A_1659 = arith.subi %add3A_1648, %sub3A_1658 : vector<16xi32>
    %jit3A_1660 = arith.constant 0 : i32
    %jit3A_1661 = arith.constant 8 : i32
    %max3A_1662 = vector.broadcast %jit3A_1660 : i32 to vector<16xi32>
    %max3A_1663 = arith.maxsi %max3A_1662, %sub3A_1659 : vector<16xi32>
    %min3A_1664 = vector.broadcast %jit3A_1661 : i32 to vector<16xi32>
    %min3A_1665 = arith.minsi %min3A_1664, %max3A_1663 : vector<16xi32>
    %sub3A_1666 = arith.constant 1 : i32
    %sub3A_1667 = vector.broadcast %sub3A_1666 : i32 to vector<16xi32>
    %sub3A_1668 = arith.subi %add3A_1656, %sub3A_1667 : vector<16xi32>
    %jit3A_1669 = arith.constant 0 : i32
    %jit3A_1670 = arith.constant 8 : i32
    %max3A_1671 = vector.broadcast %jit3A_1669 : i32 to vector<16xi32>
    %max3A_1672 = arith.maxsi %max3A_1671, %sub3A_1668 : vector<16xi32>
    %min3A_1673 = vector.broadcast %jit3A_1670 : i32 to vector<16xi32>
    %min3A_1674 = arith.minsi %min3A_1673, %max3A_1672 : vector<16xi32>
    %mul3A_1675 = arith.constant 10 : i32
    %mul3A_1676 = vector.broadcast %mul3A_1675 : i32 to vector<16xi32>
    %mul3A_1677 = arith.muli %min3A_1665, %mul3A_1676 : vector<16xi32>
    %add3A_1678 = arith.addi %mul3A_1677, %min3A_1674 : vector<16xi32>
    %gather3A_1679 = tpu.vector_load_idx %arg7[%add3A_1678] : memref<128xf32, #tpu.memory_space<vmem>>[vector<16xi32>], vector<16xf32>,
    %add3A_1680 = arith.constant 1 : i32
    %add3A_1681 = vector.broadcast %add3A_1680 : i32 to vector<16xi32>
    %add3A_1682 = arith.addi %add3A_1678, %add3A_1681 : vector<16xi32>
    %gather3A_1683 = tpu.vector_load_idx %arg7[%add3A_1682] : memref<128xf32, #tpu.memory_space<vmem>>[vector<16xi32>], vector<16xf32>,
    %add3A_1684 = arith.constant 10 : i32
    %add3A_1685 = vector.broadcast %add3A_1684 : i32 to vector<16xi32>
    %add3A_1686 = arith.addi %add3A_1678, %add3A_1685 : vector<16xi32>
    %gather3A_1687 = tpu.vector_load_idx %arg7[%add3A_1686] : memref<128xf32, #tpu.memory_space<vmem>>[vector<16xi32>], vector<16xf32>,
    %add3A_1688 = arith.constant 11 : i32
    %add3A_1689 = vector.broadcast %add3A_1688 : i32 to vector<16xi32>
    %add3A_1690 = arith.addi %add3A_1678, %add3A_1689 : vector<16xi32>
    %gather3A_1691 = tpu.vector_load_idx %arg7[%add3A_1690] : memref<128xf32, #tpu.memory_space<vmem>>[vector<16xi32>], vector<16xf32>,
    %convert_element_type3A_1692 = arith.sitofp %min3A_1665 : vector<16xi32> to vector<16xf32>
    %convert_element_type3A_1693 = arith.sitofp %min3A_1674 : vector<16xi32> to vector<16xf32>
    %mul3A_1694 = arith.constant 5.000000e+01 : f32
    %mul3A_1695 = vector.broadcast %mul3A_1694 : f32 to vector<16xf32>
    %mul3A_1696 = arith.mulf %mul3A_1695, %convert_element_type3A_1692 : vector<16xf32>
    %add3A_1697 = arith.constant 1.000000e+02 : f32
    %add3A_1698 = vector.broadcast %add3A_1697 : f32 to vector<16xf32>
    %add3A_1699 = arith.addf %add3A_1698, %mul3A_1696 : vector<16xf32>
    %sub3A_1700 = arith.subf %get3A_1624, %add3A_1699 : vector<16xf32>
    %div3A_1701 = arith.constant 5.000000e+01 : f32
    %div3A_1702 = vector.broadcast %div3A_1701 : f32 to vector<16xf32>
    %div3A_1703 = arith.divf %sub3A_1700, %div3A_1702 : vector<16xf32>
    %mul3A_1704 = arith.constant 2.000000e+02 : f32
    %mul3A_1705 = vector.broadcast %mul3A_1704 : f32 to vector<16xf32>
    %mul3A_1706 = arith.mulf %mul3A_1705, %convert_element_type3A_1693 : vector<16xf32>
    %add3A_1707 = arith.constant 2.000000e+02 : f32
    %add3A_1708 = vector.broadcast %add3A_1707 : f32 to vector<16xf32>
    %add3A_1709 = arith.addf %add3A_1708, %mul3A_1706 : vector<16xf32>
    %sub3A_1710 = arith.subf %get3A_1626, %add3A_1709 : vector<16xf32>
    %div3A_1711 = arith.constant 2.000000e+02 : f32
    %div3A_1712 = vector.broadcast %div3A_1711 : f32 to vector<16xf32>
    %div3A_1713 = arith.divf %sub3A_1710, %div3A_1712 : vector<16xf32>
    %sub3A_1714 = arith.subf %gather3A_1687, %gather3A_1679 : vector<16xf32>
    %mul3A_1715 = arith.mulf %div3A_1703, %sub3A_1714 : vector<16xf32>
    %add3A_1716 = arith.addf %mul3A_1715, %gather3A_1679 : vector<16xf32>
    %sub3A_1717 = arith.subf %gather3A_1691, %gather3A_1683 : vector<16xf32>
    %mul3A_1718 = arith.mulf %div3A_1703, %sub3A_1717 : vector<16xf32>
    %add3A_1719 = arith.addf %mul3A_1718, %gather3A_1683 : vector<16xf32>
    %sub3A_1720 = arith.subf %add3A_1719, %add3A_1716 : vector<16xf32>
    %mul3A_1721 = arith.mulf %div3A_1713, %sub3A_1720 : vector<16xf32>
    %add3A_1722 = arith.addf %mul3A_1721, %add3A_1716 : vector<16xf32>
    %swap3A_1723 = arith.constant 256 : index
    %swap3A_1724 = tpu.vector_load %arg8[%swap3A_1723] {strides = array<i32>} : memref<512xf32, #tpu.memory_space<vmem>>, vector<16xf32>,
    tpu.vector_store %arg8[%swap3A_1723], %add3A_1722 {strides = array<i32>} : memref<512xf32, #tpu.memory_space<vmem>>, vector<16xf32>,
    %get3A_1725 = arith.constant 272 : index
    %get3A_1726 = tpu.vector_load %arg5[%get3A_1725] {strides = array<i32>} : memref<512xf32, #tpu.memory_space<vmem>>, vector<16xf32>,
    %get3A_1727 = arith.constant 272 : index
    %get3A_1728 = tpu.vector_load %arg6[%get3A_1727] {strides = array<i32>} : memref<512xf32, #tpu.memory_space<vmem>>, vector<16xf32>,
    %sub3A_1729 = arith.constant 1.000000e+02 : f32
    %sub3A_1730 = vector.broadcast %sub3A_1729 : f32 to vector<16xf32>
    %sub3A_1731 = arith.subf %get3A_1726, %sub3A_1730 : vector<16xf32>
    %mul3A_1732 = arith.constant 2.000000e-02 : f32
    %mul3A_1733 = vector.broadcast %mul3A_1732 : f32 to vector<16xf32>
    %mul3A_1734 = arith.mulf %sub3A_1731, %mul3A_1733 : vector<16xf32>
    %sub3A_1735 = arith.constant 2.000000e+02 : f32
    %sub3A_1736 = vector.broadcast %sub3A_1735 : f32 to vector<16xf32>
    %sub3A_1737 = arith.subf %get3A_1728, %sub3A_1736 : vector<16xf32>
    %mul3A_1738 = arith.constant 5.000000e-03 : f32
    %mul3A_1739 = vector.broadcast %mul3A_1738 : f32 to vector<16xf32>
    %mul3A_1740 = arith.mulf %sub3A_1737, %mul3A_1739 : vector<16xf32>
    %convert_element_type3A_1741 = arith.fptosi %mul3A_1734 : vector<16xf32> to vector<16xi32>
    %convert_element_type3A_1742 = arith.fptosi %mul3A_1740 : vector<16xf32> to vector<16xi32>
    %convert_element_type3A_1743 = arith.sitofp %convert_element_type3A_1741 : vector<16xi32> to vector<16xf32>
    %lt3A_1744 = arith.cmpf olt, %convert_element_type3A_1743, %mul3A_1734 : vector<16xf32>
    %jit3A_1745 = arith.constant 1 : i32
    %jit3A_1746 = arith.constant 0 : i32
    %broadcast_in_dim3A_1747 = vector.broadcast %jit3A_1745 : i32 to vector<16xi32>
    %broadcast_in_dim3A_1748 = vector.broadcast %jit3A_1746 : i32 to vector<16xi32>
    %select_n3A_1749 = arith.select %lt3A_1744, %broadcast_in_dim3A_1747, %broadcast_in_dim3A_1748 : vector<16xi1>, vector<16xi32>
    %add3A_1750 = arith.addi %convert_element_type3A_1741, %select_n3A_1749 : vector<16xi32>
    %convert_element_type3A_1751 = arith.sitofp %convert_element_type3A_1742 : vector<16xi32> to vector<16xf32>
    %lt3A_1752 = arith.cmpf olt, %convert_element_type3A_1751, %mul3A_1740 : vector<16xf32>
    %jit3A_1753 = arith.constant 1 : i32
    %jit3A_1754 = arith.constant 0 : i32
    %broadcast_in_dim3A_1755 = vector.broadcast %jit3A_1753 : i32 to vector<16xi32>
    %broadcast_in_dim3A_1756 = vector.broadcast %jit3A_1754 : i32 to vector<16xi32>
    %select_n3A_1757 = arith.select %lt3A_1752, %broadcast_in_dim3A_1755, %broadcast_in_dim3A_1756 : vector<16xi1>, vector<16xi32>
    %add3A_1758 = arith.addi %convert_element_type3A_1742, %select_n3A_1757 : vector<16xi32>
    %sub3A_1759 = arith.constant 1 : i32
    %sub3A_1760 = vector.broadcast %sub3A_1759 : i32 to vector<16xi32>
    %sub3A_1761 = arith.subi %add3A_1750, %sub3A_1760 : vector<16xi32>
    %jit3A_1762 = arith.constant 0 : i32
    %jit3A_1763 = arith.constant 8 : i32
    %max3A_1764 = vector.broadcast %jit3A_1762 : i32 to vector<16xi32>
    %max3A_1765 = arith.maxsi %max3A_1764, %sub3A_1761 : vector<16xi32>
    %min3A_1766 = vector.broadcast %jit3A_1763 : i32 to vector<16xi32>
    %min3A_1767 = arith.minsi %min3A_1766, %max3A_1765 : vector<16xi32>
    %sub3A_1768 = arith.constant 1 : i32
    %sub3A_1769 = vector.broadcast %sub3A_1768 : i32 to vector<16xi32>
    %sub3A_1770 = arith.subi %add3A_1758, %sub3A_1769 : vector<16xi32>
    %jit3A_1771 = arith.constant 0 : i32
    %jit3A_1772 = arith.constant 8 : i32
    %max3A_1773 = vector.broadcast %jit3A_1771 : i32 to vector<16xi32>
    %max3A_1774 = arith.maxsi %max3A_1773, %sub3A_1770 : vector<16xi32>
    %min3A_1775 = vector.broadcast %jit3A_1772 : i32 to vector<16xi32>
    %min3A_1776 = arith.minsi %min3A_1775, %max3A_1774 : vector<16xi32>
    %mul3A_1777 = arith.constant 10 : i32
    %mul3A_1778 = vector.broadcast %mul3A_1777 : i32 to vector<16xi32>
    %mul3A_1779 = arith.muli %min3A_1767, %mul3A_1778 : vector<16xi32>
    %add3A_1780 = arith.addi %mul3A_1779, %min3A_1776 : vector<16xi32>
    %gather3A_1781 = tpu.vector_load_idx %arg7[%add3A_1780] : memref<128xf32, #tpu.memory_space<vmem>>[vector<16xi32>], vector<16xf32>,
    %add3A_1782 = arith.constant 1 : i32
    %add3A_1783 = vector.broadcast %add3A_1782 : i32 to vector<16xi32>
    %add3A_1784 = arith.addi %add3A_1780, %add3A_1783 : vector<16xi32>
    %gather3A_1785 = tpu.vector_load_idx %arg7[%add3A_1784] : memref<128xf32, #tpu.memory_space<vmem>>[vector<16xi32>], vector<16xf32>,
    %add3A_1786 = arith.constant 10 : i32
    %add3A_1787 = vector.broadcast %add3A_1786 : i32 to vector<16xi32>
    %add3A_1788 = arith.addi %add3A_1780, %add3A_1787 : vector<16xi32>
    %gather3A_1789 = tpu.vector_load_idx %arg7[%add3A_1788] : memref<128xf32, #tpu.memory_space<vmem>>[vector<16xi32>], vector<16xf32>,
    %add3A_1790 = arith.constant 11 : i32
    %add3A_1791 = vector.broadcast %add3A_1790 : i32 to vector<16xi32>
    %add3A_1792 = arith.addi %add3A_1780, %add3A_1791 : vector<16xi32>
    %gather3A_1793 = tpu.vector_load_idx %arg7[%add3A_1792] : memref<128xf32, #tpu.memory_space<vmem>>[vector<16xi32>], vector<16xf32>,
    %convert_element_type3A_1794 = arith.sitofp %min3A_1767 : vector<16xi32> to vector<16xf32>
    %convert_element_type3A_1795 = arith.sitofp %min3A_1776 : vector<16xi32> to vector<16xf32>
    %mul3A_1796 = arith.constant 5.000000e+01 : f32
    %mul3A_1797 = vector.broadcast %mul3A_1796 : f32 to vector<16xf32>
    %mul3A_1798 = arith.mulf %mul3A_1797, %convert_element_type3A_1794 : vector<16xf32>
    %add3A_1799 = arith.constant 1.000000e+02 : f32
    %add3A_1800 = vector.broadcast %add3A_1799 : f32 to vector<16xf32>
    %add3A_1801 = arith.addf %add3A_1800, %mul3A_1798 : vector<16xf32>
    %sub3A_1802 = arith.subf %get3A_1726, %add3A_1801 : vector<16xf32>
    %div3A_1803 = arith.constant 5.000000e+01 : f32
    %div3A_1804 = vector.broadcast %div3A_1803 : f32 to vector<16xf32>
    %div3A_1805 = arith.divf %sub3A_1802, %div3A_1804 : vector<16xf32>
    %mul3A_1806 = arith.constant 2.000000e+02 : f32
    %mul3A_1807 = vector.broadcast %mul3A_1806 : f32 to vector<16xf32>
    %mul3A_1808 = arith.mulf %mul3A_1807, %convert_element_type3A_1795 : vector<16xf32>
    %add3A_1809 = arith.constant 2.000000e+02 : f32
    %add3A_1810 = vector.broadcast %add3A_1809 : f32 to vector<16xf32>
    %add3A_1811 = arith.addf %add3A_1810, %mul3A_1808 : vector<16xf32>
    %sub3A_1812 = arith.subf %get3A_1728, %add3A_1811 : vector<16xf32>
    %div3A_1813 = arith.constant 2.000000e+02 : f32
    %div3A_1814 = vector.broadcast %div3A_1813 : f32 to vector<16xf32>
    %div3A_1815 = arith.divf %sub3A_1812, %div3A_1814 : vector<16xf32>
    %sub3A_1816 = arith.subf %gather3A_1789, %gather3A_1781 : vector<16xf32>
    %mul3A_1817 = arith.mulf %div3A_1805, %sub3A_1816 : vector<16xf32>
    %add3A_1818 = arith.addf %mul3A_1817, %gather3A_1781 : vector<16xf32>
    %sub3A_1819 = arith.subf %gather3A_1793, %gather3A_1785 : vector<16xf32>
    %mul3A_1820 = arith.mulf %div3A_1805, %sub3A_1819 : vector<16xf32>
    %add3A_1821 = arith.addf %mul3A_1820, %gather3A_1785 : vector<16xf32>
    %sub3A_1822 = arith.subf %add3A_1821, %add3A_1818 : vector<16xf32>
    %mul3A_1823 = arith.mulf %div3A_1815, %sub3A_1822 : vector<16xf32>
    %add3A_1824 = arith.addf %mul3A_1823, %add3A_1818 : vector<16xf32>
    %swap3A_1825 = arith.constant 272 : index
    %swap3A_1826 = tpu.vector_load %arg8[%swap3A_1825] {strides = array<i32>} : memref<512xf32, #tpu.memory_space<vmem>>, vector<16xf32>,
    tpu.vector_store %arg8[%swap3A_1825], %add3A_1824 {strides = array<i32>} : memref<512xf32, #tpu.memory_space<vmem>>, vector<16xf32>,
    %get3A_1827 = arith.constant 288 : index
    %get3A_1828 = tpu.vector_load %arg5[%get3A_1827] {strides = array<i32>} : memref<512xf32, #tpu.memory_space<vmem>>, vector<16xf32>,
    %get3A_1829 = arith.constant 288 : index
    %get3A_1830 = tpu.vector_load %arg6[%get3A_1829] {strides = array<i32>} : memref<512xf32, #tpu.memory_space<vmem>>, vector<16xf32>,
    %sub3A_1831 = arith.constant 1.000000e+02 : f32
    %sub3A_1832 = vector.broadcast %sub3A_1831 : f32 to vector<16xf32>
    %sub3A_1833 = arith.subf %get3A_1828, %sub3A_1832 : vector<16xf32>
    %mul3A_1834 = arith.constant 2.000000e-02 : f32
    %mul3A_1835 = vector.broadcast %mul3A_1834 : f32 to vector<16xf32>
    %mul3A_1836 = arith.mulf %sub3A_1833, %mul3A_1835 : vector<16xf32>
    %sub3A_1837 = arith.constant 2.000000e+02 : f32
    %sub3A_1838 = vector.broadcast %sub3A_1837 : f32 to vector<16xf32>
    %sub3A_1839 = arith.subf %get3A_1830, %sub3A_1838 : vector<16xf32>
    %mul3A_1840 = arith.constant 5.000000e-03 : f32
    %mul3A_1841 = vector.broadcast %mul3A_1840 : f32 to vector<16xf32>
    %mul3A_1842 = arith.mulf %sub3A_1839, %mul3A_1841 : vector<16xf32>
    %convert_element_type3A_1843 = arith.fptosi %mul3A_1836 : vector<16xf32> to vector<16xi32>
    %convert_element_type3A_1844 = arith.fptosi %mul3A_1842 : vector<16xf32> to vector<16xi32>
    %convert_element_type3A_1845 = arith.sitofp %convert_element_type3A_1843 : vector<16xi32> to vector<16xf32>
    %lt3A_1846 = arith.cmpf olt, %convert_element_type3A_1845, %mul3A_1836 : vector<16xf32>
    %jit3A_1847 = arith.constant 1 : i32
    %jit3A_1848 = arith.constant 0 : i32
    %broadcast_in_dim3A_1849 = vector.broadcast %jit3A_1847 : i32 to vector<16xi32>
    %broadcast_in_dim3A_1850 = vector.broadcast %jit3A_1848 : i32 to vector<16xi32>
    %select_n3A_1851 = arith.select %lt3A_1846, %broadcast_in_dim3A_1849, %broadcast_in_dim3A_1850 : vector<16xi1>, vector<16xi32>
    %add3A_1852 = arith.addi %convert_element_type3A_1843, %select_n3A_1851 : vector<16xi32>
    %convert_element_type3A_1853 = arith.sitofp %convert_element_type3A_1844 : vector<16xi32> to vector<16xf32>
    %lt3A_1854 = arith.cmpf olt, %convert_element_type3A_1853, %mul3A_1842 : vector<16xf32>
    %jit3A_1855 = arith.constant 1 : i32
    %jit3A_1856 = arith.constant 0 : i32
    %broadcast_in_dim3A_1857 = vector.broadcast %jit3A_1855 : i32 to vector<16xi32>
    %broadcast_in_dim3A_1858 = vector.broadcast %jit3A_1856 : i32 to vector<16xi32>
    %select_n3A_1859 = arith.select %lt3A_1854, %broadcast_in_dim3A_1857, %broadcast_in_dim3A_1858 : vector<16xi1>, vector<16xi32>
    %add3A_1860 = arith.addi %convert_element_type3A_1844, %select_n3A_1859 : vector<16xi32>
    %sub3A_1861 = arith.constant 1 : i32
    %sub3A_1862 = vector.broadcast %sub3A_1861 : i32 to vector<16xi32>
    %sub3A_1863 = arith.subi %add3A_1852, %sub3A_1862 : vector<16xi32>
    %jit3A_1864 = arith.constant 0 : i32
    %jit3A_1865 = arith.constant 8 : i32
    %max3A_1866 = vector.broadcast %jit3A_1864 : i32 to vector<16xi32>
    %max3A_1867 = arith.maxsi %max3A_1866, %sub3A_1863 : vector<16xi32>
    %min3A_1868 = vector.broadcast %jit3A_1865 : i32 to vector<16xi32>
    %min3A_1869 = arith.minsi %min3A_1868, %max3A_1867 : vector<16xi32>
    %sub3A_1870 = arith.constant 1 : i32
    %sub3A_1871 = vector.broadcast %sub3A_1870 : i32 to vector<16xi32>
    %sub3A_1872 = arith.subi %add3A_1860, %sub3A_1871 : vector<16xi32>
    %jit3A_1873 = arith.constant 0 : i32
    %jit3A_1874 = arith.constant 8 : i32
    %max3A_1875 = vector.broadcast %jit3A_1873 : i32 to vector<16xi32>
    %max3A_1876 = arith.maxsi %max3A_1875, %sub3A_1872 : vector<16xi32>
    %min3A_1877 = vector.broadcast %jit3A_1874 : i32 to vector<16xi32>
    %min3A_1878 = arith.minsi %min3A_1877, %max3A_1876 : vector<16xi32>
    %mul3A_1879 = arith.constant 10 : i32
    %mul3A_1880 = vector.broadcast %mul3A_1879 : i32 to vector<16xi32>
    %mul3A_1881 = arith.muli %min3A_1869, %mul3A_1880 : vector<16xi32>
    %add3A_1882 = arith.addi %mul3A_1881, %min3A_1878 : vector<16xi32>
    %gather3A_1883 = tpu.vector_load_idx %arg7[%add3A_1882] : memref<128xf32, #tpu.memory_space<vmem>>[vector<16xi32>], vector<16xf32>,
    %add3A_1884 = arith.constant 1 : i32
    %add3A_1885 = vector.broadcast %add3A_1884 : i32 to vector<16xi32>
    %add3A_1886 = arith.addi %add3A_1882, %add3A_1885 : vector<16xi32>
    %gather3A_1887 = tpu.vector_load_idx %arg7[%add3A_1886] : memref<128xf32, #tpu.memory_space<vmem>>[vector<16xi32>], vector<16xf32>,
    %add3A_1888 = arith.constant 10 : i32
    %add3A_1889 = vector.broadcast %add3A_1888 : i32 to vector<16xi32>
    %add3A_1890 = arith.addi %add3A_1882, %add3A_1889 : vector<16xi32>
    %gather3A_1891 = tpu.vector_load_idx %arg7[%add3A_1890] : memref<128xf32, #tpu.memory_space<vmem>>[vector<16xi32>], vector<16xf32>,
    %add3A_1892 = arith.constant 11 : i32
    %add3A_1893 = vector.broadcast %add3A_1892 : i32 to vector<16xi32>
    %add3A_1894 = arith.addi %add3A_1882, %add3A_1893 : vector<16xi32>
    %gather3A_1895 = tpu.vector_load_idx %arg7[%add3A_1894] : memref<128xf32, #tpu.memory_space<vmem>>[vector<16xi32>], vector<16xf32>,
    %convert_element_type3A_1896 = arith.sitofp %min3A_1869 : vector<16xi32> to vector<16xf32>
    %convert_element_type3A_1897 = arith.sitofp %min3A_1878 : vector<16xi32> to vector<16xf32>
    %mul3A_1898 = arith.constant 5.000000e+01 : f32
    %mul3A_1899 = vector.broadcast %mul3A_1898 : f32 to vector<16xf32>
    %mul3A_1900 = arith.mulf %mul3A_1899, %convert_element_type3A_1896 : vector<16xf32>
    %add3A_1901 = arith.constant 1.000000e+02 : f32
    %add3A_1902 = vector.broadcast %add3A_1901 : f32 to vector<16xf32>
    %add3A_1903 = arith.addf %add3A_1902, %mul3A_1900 : vector<16xf32>
    %sub3A_1904 = arith.subf %get3A_1828, %add3A_1903 : vector<16xf32>
    %div3A_1905 = arith.constant 5.000000e+01 : f32
    %div3A_1906 = vector.broadcast %div3A_1905 : f32 to vector<16xf32>
    %div3A_1907 = arith.divf %sub3A_1904, %div3A_1906 : vector<16xf32>
    %mul3A_1908 = arith.constant 2.000000e+02 : f32
    %mul3A_1909 = vector.broadcast %mul3A_1908 : f32 to vector<16xf32>
    %mul3A_1910 = arith.mulf %mul3A_1909, %convert_element_type3A_1897 : vector<16xf32>
    %add3A_1911 = arith.constant 2.000000e+02 : f32
    %add3A_1912 = vector.broadcast %add3A_1911 : f32 to vector<16xf32>
    %add3A_1913 = arith.addf %add3A_1912, %mul3A_1910 : vector<16xf32>
    %sub3A_1914 = arith.subf %get3A_1830, %add3A_1913 : vector<16xf32>
    %div3A_1915 = arith.constant 2.000000e+02 : f32
    %div3A_1916 = vector.broadcast %div3A_1915 : f32 to vector<16xf32>
    %div3A_1917 = arith.divf %sub3A_1914, %div3A_1916 : vector<16xf32>
    %sub3A_1918 = arith.subf %gather3A_1891, %gather3A_1883 : vector<16xf32>
    %mul3A_1919 = arith.mulf %div3A_1907, %sub3A_1918 : vector<16xf32>
    %add3A_1920 = arith.addf %mul3A_1919, %gather3A_1883 : vector<16xf32>
    %sub3A_1921 = arith.subf %gather3A_1895, %gather3A_1887 : vector<16xf32>
    %mul3A_1922 = arith.mulf %div3A_1907, %sub3A_1921 : vector<16xf32>
    %add3A_1923 = arith.addf %mul3A_1922, %gather3A_1887 : vector<16xf32>
    %sub3A_1924 = arith.subf %add3A_1923, %add3A_1920 : vector<16xf32>
    %mul3A_1925 = arith.mulf %div3A_1917, %sub3A_1924 : vector<16xf32>
    %add3A_1926 = arith.addf %mul3A_1925, %add3A_1920 : vector<16xf32>
    %swap3A_1927 = arith.constant 288 : index
    %swap3A_1928 = tpu.vector_load %arg8[%swap3A_1927] {strides = array<i32>} : memref<512xf32, #tpu.memory_space<vmem>>, vector<16xf32>,
    tpu.vector_store %arg8[%swap3A_1927], %add3A_1926 {strides = array<i32>} : memref<512xf32, #tpu.memory_space<vmem>>, vector<16xf32>,
    %get3A_1929 = arith.constant 304 : index
    %get3A_1930 = tpu.vector_load %arg5[%get3A_1929] {strides = array<i32>} : memref<512xf32, #tpu.memory_space<vmem>>, vector<16xf32>,
    %get3A_1931 = arith.constant 304 : index
    %get3A_1932 = tpu.vector_load %arg6[%get3A_1931] {strides = array<i32>} : memref<512xf32, #tpu.memory_space<vmem>>, vector<16xf32>,
    %sub3A_1933 = arith.constant 1.000000e+02 : f32
    %sub3A_1934 = vector.broadcast %sub3A_1933 : f32 to vector<16xf32>
    %sub3A_1935 = arith.subf %get3A_1930, %sub3A_1934 : vector<16xf32>
    %mul3A_1936 = arith.constant 2.000000e-02 : f32
    %mul3A_1937 = vector.broadcast %mul3A_1936 : f32 to vector<16xf32>
    %mul3A_1938 = arith.mulf %sub3A_1935, %mul3A_1937 : vector<16xf32>
    %sub3A_1939 = arith.constant 2.000000e+02 : f32
    %sub3A_1940 = vector.broadcast %sub3A_1939 : f32 to vector<16xf32>
    %sub3A_1941 = arith.subf %get3A_1932, %sub3A_1940 : vector<16xf32>
    %mul3A_1942 = arith.constant 5.000000e-03 : f32
    %mul3A_1943 = vector.broadcast %mul3A_1942 : f32 to vector<16xf32>
    %mul3A_1944 = arith.mulf %sub3A_1941, %mul3A_1943 : vector<16xf32>
    %convert_element_type3A_1945 = arith.fptosi %mul3A_1938 : vector<16xf32> to vector<16xi32>
    %convert_element_type3A_1946 = arith.fptosi %mul3A_1944 : vector<16xf32> to vector<16xi32>
    %convert_element_type3A_1947 = arith.sitofp %convert_element_type3A_1945 : vector<16xi32> to vector<16xf32>
    %lt3A_1948 = arith.cmpf olt, %convert_element_type3A_1947, %mul3A_1938 : vector<16xf32>
    %jit3A_1949 = arith.constant 1 : i32
    %jit3A_1950 = arith.constant 0 : i32
    %broadcast_in_dim3A_1951 = vector.broadcast %jit3A_1949 : i32 to vector<16xi32>
    %broadcast_in_dim3A_1952 = vector.broadcast %jit3A_1950 : i32 to vector<16xi32>
    %select_n3A_1953 = arith.select %lt3A_1948, %broadcast_in_dim3A_1951, %broadcast_in_dim3A_1952 : vector<16xi1>, vector<16xi32>
    %add3A_1954 = arith.addi %convert_element_type3A_1945, %select_n3A_1953 : vector<16xi32>
    %convert_element_type3A_1955 = arith.sitofp %convert_element_type3A_1946 : vector<16xi32> to vector<16xf32>
    %lt3A_1956 = arith.cmpf olt, %convert_element_type3A_1955, %mul3A_1944 : vector<16xf32>
    %jit3A_1957 = arith.constant 1 : i32
    %jit3A_1958 = arith.constant 0 : i32
    %broadcast_in_dim3A_1959 = vector.broadcast %jit3A_1957 : i32 to vector<16xi32>
    %broadcast_in_dim3A_1960 = vector.broadcast %jit3A_1958 : i32 to vector<16xi32>
    %select_n3A_1961 = arith.select %lt3A_1956, %broadcast_in_dim3A_1959, %broadcast_in_dim3A_1960 : vector<16xi1>, vector<16xi32>
    %add3A_1962 = arith.addi %convert_element_type3A_1946, %select_n3A_1961 : vector<16xi32>
    %sub3A_1963 = arith.constant 1 : i32
    %sub3A_1964 = vector.broadcast %sub3A_1963 : i32 to vector<16xi32>
    %sub3A_1965 = arith.subi %add3A_1954, %sub3A_1964 : vector<16xi32>
    %jit3A_1966 = arith.constant 0 : i32
    %jit3A_1967 = arith.constant 8 : i32
    %max3A_1968 = vector.broadcast %jit3A_1966 : i32 to vector<16xi32>
    %max3A_1969 = arith.maxsi %max3A_1968, %sub3A_1965 : vector<16xi32>
    %min3A_1970 = vector.broadcast %jit3A_1967 : i32 to vector<16xi32>
    %min3A_1971 = arith.minsi %min3A_1970, %max3A_1969 : vector<16xi32>
    %sub3A_1972 = arith.constant 1 : i32
    %sub3A_1973 = vector.broadcast %sub3A_1972 : i32 to vector<16xi32>
    %sub3A_1974 = arith.subi %add3A_1962, %sub3A_1973 : vector<16xi32>
    %jit3A_1975 = arith.constant 0 : i32
    %jit3A_1976 = arith.constant 8 : i32
    %max3A_1977 = vector.broadcast %jit3A_1975 : i32 to vector<16xi32>
    %max3A_1978 = arith.maxsi %max3A_1977, %sub3A_1974 : vector<16xi32>
    %min3A_1979 = vector.broadcast %jit3A_1976 : i32 to vector<16xi32>
    %min3A_1980 = arith.minsi %min3A_1979, %max3A_1978 : vector<16xi32>
    %mul3A_1981 = arith.constant 10 : i32
    %mul3A_1982 = vector.broadcast %mul3A_1981 : i32 to vector<16xi32>
    %mul3A_1983 = arith.muli %min3A_1971, %mul3A_1982 : vector<16xi32>
    %add3A_1984 = arith.addi %mul3A_1983, %min3A_1980 : vector<16xi32>
    %gather3A_1985 = tpu.vector_load_idx %arg7[%add3A_1984] : memref<128xf32, #tpu.memory_space<vmem>>[vector<16xi32>], vector<16xf32>,
    %add3A_1986 = arith.constant 1 : i32
    %add3A_1987 = vector.broadcast %add3A_1986 : i32 to vector<16xi32>
    %add3A_1988 = arith.addi %add3A_1984, %add3A_1987 : vector<16xi32>
    %gather3A_1989 = tpu.vector_load_idx %arg7[%add3A_1988] : memref<128xf32, #tpu.memory_space<vmem>>[vector<16xi32>], vector<16xf32>,
    %add3A_1990 = arith.constant 10 : i32
    %add3A_1991 = vector.broadcast %add3A_1990 : i32 to vector<16xi32>
    %add3A_1992 = arith.addi %add3A_1984, %add3A_1991 : vector<16xi32>
    %gather3A_1993 = tpu.vector_load_idx %arg7[%add3A_1992] : memref<128xf32, #tpu.memory_space<vmem>>[vector<16xi32>], vector<16xf32>,
    %add3A_1994 = arith.constant 11 : i32
    %add3A_1995 = vector.broadcast %add3A_1994 : i32 to vector<16xi32>
    %add3A_1996 = arith.addi %add3A_1984, %add3A_1995 : vector<16xi32>
    %gather3A_1997 = tpu.vector_load_idx %arg7[%add3A_1996] : memref<128xf32, #tpu.memory_space<vmem>>[vector<16xi32>], vector<16xf32>,
    %convert_element_type3A_1998 = arith.sitofp %min3A_1971 : vector<16xi32> to vector<16xf32>
    %convert_element_type3A_1999 = arith.sitofp %min3A_1980 : vector<16xi32> to vector<16xf32>
    %mul3A_2000 = arith.constant 5.000000e+01 : f32
    %mul3A_2001 = vector.broadcast %mul3A_2000 : f32 to vector<16xf32>
    %mul3A_2002 = arith.mulf %mul3A_2001, %convert_element_type3A_1998 : vector<16xf32>
    %add3A_2003 = arith.constant 1.000000e+02 : f32
    %add3A_2004 = vector.broadcast %add3A_2003 : f32 to vector<16xf32>
    %add3A_2005 = arith.addf %add3A_2004, %mul3A_2002 : vector<16xf32>
    %sub3A_2006 = arith.subf %get3A_1930, %add3A_2005 : vector<16xf32>
    %div3A_2007 = arith.constant 5.000000e+01 : f32
    %div3A_2008 = vector.broadcast %div3A_2007 : f32 to vector<16xf32>
    %div3A_2009 = arith.divf %sub3A_2006, %div3A_2008 : vector<16xf32>
    %mul3A_2010 = arith.constant 2.000000e+02 : f32
    %mul3A_2011 = vector.broadcast %mul3A_2010 : f32 to vector<16xf32>
    %mul3A_2012 = arith.mulf %mul3A_2011, %convert_element_type3A_1999 : vector<16xf32>
    %add3A_2013 = arith.constant 2.000000e+02 : f32
    %add3A_2014 = vector.broadcast %add3A_2013 : f32 to vector<16xf32>
    %add3A_2015 = arith.addf %add3A_2014, %mul3A_2012 : vector<16xf32>
    %sub3A_2016 = arith.subf %get3A_1932, %add3A_2015 : vector<16xf32>
    %div3A_2017 = arith.constant 2.000000e+02 : f32
    %div3A_2018 = vector.broadcast %div3A_2017 : f32 to vector<16xf32>
    %div3A_2019 = arith.divf %sub3A_2016, %div3A_2018 : vector<16xf32>
    %sub3A_2020 = arith.subf %gather3A_1993, %gather3A_1985 : vector<16xf32>
    %mul3A_2021 = arith.mulf %div3A_2009, %sub3A_2020 : vector<16xf32>
    %add3A_2022 = arith.addf %mul3A_2021, %gather3A_1985 : vector<16xf32>
    %sub3A_2023 = arith.subf %gather3A_1997, %gather3A_1989 : vector<16xf32>
    %mul3A_2024 = arith.mulf %div3A_2009, %sub3A_2023 : vector<16xf32>
    %add3A_2025 = arith.addf %mul3A_2024, %gather3A_1989 : vector<16xf32>
    %sub3A_2026 = arith.subf %add3A_2025, %add3A_2022 : vector<16xf32>
    %mul3A_2027 = arith.mulf %div3A_2019, %sub3A_2026 : vector<16xf32>
    %add3A_2028 = arith.addf %mul3A_2027, %add3A_2022 : vector<16xf32>
    %swap3A_2029 = arith.constant 304 : index
    %swap3A_2030 = tpu.vector_load %arg8[%swap3A_2029] {strides = array<i32>} : memref<512xf32, #tpu.memory_space<vmem>>, vector<16xf32>,
    tpu.vector_store %arg8[%swap3A_2029], %add3A_2028 {strides = array<i32>} : memref<512xf32, #tpu.memory_space<vmem>>, vector<16xf32>,
    %get3A_2031 = arith.constant 320 : index
    %get3A_2032 = tpu.vector_load %arg5[%get3A_2031] {strides = array<i32>} : memref<512xf32, #tpu.memory_space<vmem>>, vector<16xf32>,
    %get3A_2033 = arith.constant 320 : index
    %get3A_2034 = tpu.vector_load %arg6[%get3A_2033] {strides = array<i32>} : memref<512xf32, #tpu.memory_space<vmem>>, vector<16xf32>,
    %sub3A_2035 = arith.constant 1.000000e+02 : f32
    %sub3A_2036 = vector.broadcast %sub3A_2035 : f32 to vector<16xf32>
    %sub3A_2037 = arith.subf %get3A_2032, %sub3A_2036 : vector<16xf32>
    %mul3A_2038 = arith.constant 2.000000e-02 : f32
    %mul3A_2039 = vector.broadcast %mul3A_2038 : f32 to vector<16xf32>
    %mul3A_2040 = arith.mulf %sub3A_2037, %mul3A_2039 : vector<16xf32>
    %sub3A_2041 = arith.constant 2.000000e+02 : f32
    %sub3A_2042 = vector.broadcast %sub3A_2041 : f32 to vector<16xf32>
    %sub3A_2043 = arith.subf %get3A_2034, %sub3A_2042 : vector<16xf32>
    %mul3A_2044 = arith.constant 5.000000e-03 : f32
    %mul3A_2045 = vector.broadcast %mul3A_2044 : f32 to vector<16xf32>
    %mul3A_2046 = arith.mulf %sub3A_2043, %mul3A_2045 : vector<16xf32>
    %convert_element_type3A_2047 = arith.fptosi %mul3A_2040 : vector<16xf32> to vector<16xi32>
    %convert_element_type3A_2048 = arith.fptosi %mul3A_2046 : vector<16xf32> to vector<16xi32>
    %convert_element_type3A_2049 = arith.sitofp %convert_element_type3A_2047 : vector<16xi32> to vector<16xf32>
    %lt3A_2050 = arith.cmpf olt, %convert_element_type3A_2049, %mul3A_2040 : vector<16xf32>
    %jit3A_2051 = arith.constant 1 : i32
    %jit3A_2052 = arith.constant 0 : i32
    %broadcast_in_dim3A_2053 = vector.broadcast %jit3A_2051 : i32 to vector<16xi32>
    %broadcast_in_dim3A_2054 = vector.broadcast %jit3A_2052 : i32 to vector<16xi32>
    %select_n3A_2055 = arith.select %lt3A_2050, %broadcast_in_dim3A_2053, %broadcast_in_dim3A_2054 : vector<16xi1>, vector<16xi32>
    %add3A_2056 = arith.addi %convert_element_type3A_2047, %select_n3A_2055 : vector<16xi32>
    %convert_element_type3A_2057 = arith.sitofp %convert_element_type3A_2048 : vector<16xi32> to vector<16xf32>
    %lt3A_2058 = arith.cmpf olt, %convert_element_type3A_2057, %mul3A_2046 : vector<16xf32>
    %jit3A_2059 = arith.constant 1 : i32
    %jit3A_2060 = arith.constant 0 : i32
    %broadcast_in_dim3A_2061 = vector.broadcast %jit3A_2059 : i32 to vector<16xi32>
    %broadcast_in_dim3A_2062 = vector.broadcast %jit3A_2060 : i32 to vector<16xi32>
    %select_n3A_2063 = arith.select %lt3A_2058, %broadcast_in_dim3A_2061, %broadcast_in_dim3A_2062 : vector<16xi1>, vector<16xi32>
    %add3A_2064 = arith.addi %convert_element_type3A_2048, %select_n3A_2063 : vector<16xi32>
    %sub3A_2065 = arith.constant 1 : i32
    %sub3A_2066 = vector.broadcast %sub3A_2065 : i32 to vector<16xi32>
    %sub3A_2067 = arith.subi %add3A_2056, %sub3A_2066 : vector<16xi32>
    %jit3A_2068 = arith.constant 0 : i32
    %jit3A_2069 = arith.constant 8 : i32
    %max3A_2070 = vector.broadcast %jit3A_2068 : i32 to vector<16xi32>
    %max3A_2071 = arith.maxsi %max3A_2070, %sub3A_2067 : vector<16xi32>
    %min3A_2072 = vector.broadcast %jit3A_2069 : i32 to vector<16xi32>
    %min3A_2073 = arith.minsi %min3A_2072, %max3A_2071 : vector<16xi32>
    %sub3A_2074 = arith.constant 1 : i32
    %sub3A_2075 = vector.broadcast %sub3A_2074 : i32 to vector<16xi32>
    %sub3A_2076 = arith.subi %add3A_2064, %sub3A_2075 : vector<16xi32>
    %jit3A_2077 = arith.constant 0 : i32
    %jit3A_2078 = arith.constant 8 : i32
    %max3A_2079 = vector.broadcast %jit3A_2077 : i32 to vector<16xi32>
    %max3A_2080 = arith.maxsi %max3A_2079, %sub3A_2076 : vector<16xi32>
    %min3A_2081 = vector.broadcast %jit3A_2078 : i32 to vector<16xi32>
    %min3A_2082 = arith.minsi %min3A_2081, %max3A_2080 : vector<16xi32>
    %mul3A_2083 = arith.constant 10 : i32
    %mul3A_2084 = vector.broadcast %mul3A_2083 : i32 to vector<16xi32>
    %mul3A_2085 = arith.muli %min3A_2073, %mul3A_2084 : vector<16xi32>
    %add3A_2086 = arith.addi %mul3A_2085, %min3A_2082 : vector<16xi32>
    %gather3A_2087 = tpu.vector_load_idx %arg7[%add3A_2086] : memref<128xf32, #tpu.memory_space<vmem>>[vector<16xi32>], vector<16xf32>,
    %add3A_2088 = arith.constant 1 : i32
    %add3A_2089 = vector.broadcast %add3A_2088 : i32 to vector<16xi32>
    %add3A_2090 = arith.addi %add3A_2086, %add3A_2089 : vector<16xi32>
    %gather3A_2091 = tpu.vector_load_idx %arg7[%add3A_2090] : memref<128xf32, #tpu.memory_space<vmem>>[vector<16xi32>], vector<16xf32>,
    %add3A_2092 = arith.constant 10 : i32
    %add3A_2093 = vector.broadcast %add3A_2092 : i32 to vector<16xi32>
    %add3A_2094 = arith.addi %add3A_2086, %add3A_2093 : vector<16xi32>
    %gather3A_2095 = tpu.vector_load_idx %arg7[%add3A_2094] : memref<128xf32, #tpu.memory_space<vmem>>[vector<16xi32>], vector<16xf32>,
    %add3A_2096 = arith.constant 11 : i32
    %add3A_2097 = vector.broadcast %add3A_2096 : i32 to vector<16xi32>
    %add3A_2098 = arith.addi %add3A_2086, %add3A_2097 : vector<16xi32>
    %gather3A_2099 = tpu.vector_load_idx %arg7[%add3A_2098] : memref<128xf32, #tpu.memory_space<vmem>>[vector<16xi32>], vector<16xf32>,
    %convert_element_type3A_2100 = arith.sitofp %min3A_2073 : vector<16xi32> to vector<16xf32>
    %convert_element_type3A_2101 = arith.sitofp %min3A_2082 : vector<16xi32> to vector<16xf32>
    %mul3A_2102 = arith.constant 5.000000e+01 : f32
    %mul3A_2103 = vector.broadcast %mul3A_2102 : f32 to vector<16xf32>
    %mul3A_2104 = arith.mulf %mul3A_2103, %convert_element_type3A_2100 : vector<16xf32>
    %add3A_2105 = arith.constant 1.000000e+02 : f32
    %add3A_2106 = vector.broadcast %add3A_2105 : f32 to vector<16xf32>
    %add3A_2107 = arith.addf %add3A_2106, %mul3A_2104 : vector<16xf32>
    %sub3A_2108 = arith.subf %get3A_2032, %add3A_2107 : vector<16xf32>
    %div3A_2109 = arith.constant 5.000000e+01 : f32
    %div3A_2110 = vector.broadcast %div3A_2109 : f32 to vector<16xf32>
    %div3A_2111 = arith.divf %sub3A_2108, %div3A_2110 : vector<16xf32>
    %mul3A_2112 = arith.constant 2.000000e+02 : f32
    %mul3A_2113 = vector.broadcast %mul3A_2112 : f32 to vector<16xf32>
    %mul3A_2114 = arith.mulf %mul3A_2113, %convert_element_type3A_2101 : vector<16xf32>
    %add3A_2115 = arith.constant 2.000000e+02 : f32
    %add3A_2116 = vector.broadcast %add3A_2115 : f32 to vector<16xf32>
    %add3A_2117 = arith.addf %add3A_2116, %mul3A_2114 : vector<16xf32>
    %sub3A_2118 = arith.subf %get3A_2034, %add3A_2117 : vector<16xf32>
    %div3A_2119 = arith.constant 2.000000e+02 : f32
    %div3A_2120 = vector.broadcast %div3A_2119 : f32 to vector<16xf32>
    %div3A_2121 = arith.divf %sub3A_2118, %div3A_2120 : vector<16xf32>
    %sub3A_2122 = arith.subf %gather3A_2095, %gather3A_2087 : vector<16xf32>
    %mul3A_2123 = arith.mulf %div3A_2111, %sub3A_2122 : vector<16xf32>
    %add3A_2124 = arith.addf %mul3A_2123, %gather3A_2087 : vector<16xf32>
    %sub3A_2125 = arith.subf %gather3A_2099, %gather3A_2091 : vector<16xf32>
    %mul3A_2126 = arith.mulf %div3A_2111, %sub3A_2125 : vector<16xf32>
    %add3A_2127 = arith.addf %mul3A_2126, %gather3A_2091 : vector<16xf32>
    %sub3A_2128 = arith.subf %add3A_2127, %add3A_2124 : vector<16xf32>
    %mul3A_2129 = arith.mulf %div3A_2121, %sub3A_2128 : vector<16xf32>
    %add3A_2130 = arith.addf %mul3A_2129, %add3A_2124 : vector<16xf32>
    %swap3A_2131 = arith.constant 320 : index
    %swap3A_2132 = tpu.vector_load %arg8[%swap3A_2131] {strides = array<i32>} : memref<512xf32, #tpu.memory_space<vmem>>, vector<16xf32>,
    tpu.vector_store %arg8[%swap3A_2131], %add3A_2130 {strides = array<i32>} : memref<512xf32, #tpu.memory_space<vmem>>, vector<16xf32>,
    %get3A_2133 = arith.constant 336 : index
    %get3A_2134 = tpu.vector_load %arg5[%get3A_2133] {strides = array<i32>} : memref<512xf32, #tpu.memory_space<vmem>>, vector<16xf32>,
    %get3A_2135 = arith.constant 336 : index
    %get3A_2136 = tpu.vector_load %arg6[%get3A_2135] {strides = array<i32>} : memref<512xf32, #tpu.memory_space<vmem>>, vector<16xf32>,
    %sub3A_2137 = arith.constant 1.000000e+02 : f32
    %sub3A_2138 = vector.broadcast %sub3A_2137 : f32 to vector<16xf32>
    %sub3A_2139 = arith.subf %get3A_2134, %sub3A_2138 : vector<16xf32>
    %mul3A_2140 = arith.constant 2.000000e-02 : f32
    %mul3A_2141 = vector.broadcast %mul3A_2140 : f32 to vector<16xf32>
    %mul3A_2142 = arith.mulf %sub3A_2139, %mul3A_2141 : vector<16xf32>
    %sub3A_2143 = arith.constant 2.000000e+02 : f32
    %sub3A_2144 = vector.broadcast %sub3A_2143 : f32 to vector<16xf32>
    %sub3A_2145 = arith.subf %get3A_2136, %sub3A_2144 : vector<16xf32>
    %mul3A_2146 = arith.constant 5.000000e-03 : f32
    %mul3A_2147 = vector.broadcast %mul3A_2146 : f32 to vector<16xf32>
    %mul3A_2148 = arith.mulf %sub3A_2145, %mul3A_2147 : vector<16xf32>
    %convert_element_type3A_2149 = arith.fptosi %mul3A_2142 : vector<16xf32> to vector<16xi32>
    %convert_element_type3A_2150 = arith.fptosi %mul3A_2148 : vector<16xf32> to vector<16xi32>
    %convert_element_type3A_2151 = arith.sitofp %convert_element_type3A_2149 : vector<16xi32> to vector<16xf32>
    %lt3A_2152 = arith.cmpf olt, %convert_element_type3A_2151, %mul3A_2142 : vector<16xf32>
    %jit3A_2153 = arith.constant 1 : i32
    %jit3A_2154 = arith.constant 0 : i32
    %broadcast_in_dim3A_2155 = vector.broadcast %jit3A_2153 : i32 to vector<16xi32>
    %broadcast_in_dim3A_2156 = vector.broadcast %jit3A_2154 : i32 to vector<16xi32>
    %select_n3A_2157 = arith.select %lt3A_2152, %broadcast_in_dim3A_2155, %broadcast_in_dim3A_2156 : vector<16xi1>, vector<16xi32>
    %add3A_2158 = arith.addi %convert_element_type3A_2149, %select_n3A_2157 : vector<16xi32>
    %convert_element_type3A_2159 = arith.sitofp %convert_element_type3A_2150 : vector<16xi32> to vector<16xf32>
    %lt3A_2160 = arith.cmpf olt, %convert_element_type3A_2159, %mul3A_2148 : vector<16xf32>
    %jit3A_2161 = arith.constant 1 : i32
    %jit3A_2162 = arith.constant 0 : i32
    %broadcast_in_dim3A_2163 = vector.broadcast %jit3A_2161 : i32 to vector<16xi32>
    %broadcast_in_dim3A_2164 = vector.broadcast %jit3A_2162 : i32 to vector<16xi32>
    %select_n3A_2165 = arith.select %lt3A_2160, %broadcast_in_dim3A_2163, %broadcast_in_dim3A_2164 : vector<16xi1>, vector<16xi32>
    %add3A_2166 = arith.addi %convert_element_type3A_2150, %select_n3A_2165 : vector<16xi32>
    %sub3A_2167 = arith.constant 1 : i32
    %sub3A_2168 = vector.broadcast %sub3A_2167 : i32 to vector<16xi32>
    %sub3A_2169 = arith.subi %add3A_2158, %sub3A_2168 : vector<16xi32>
    %jit3A_2170 = arith.constant 0 : i32
    %jit3A_2171 = arith.constant 8 : i32
    %max3A_2172 = vector.broadcast %jit3A_2170 : i32 to vector<16xi32>
    %max3A_2173 = arith.maxsi %max3A_2172, %sub3A_2169 : vector<16xi32>
    %min3A_2174 = vector.broadcast %jit3A_2171 : i32 to vector<16xi32>
    %min3A_2175 = arith.minsi %min3A_2174, %max3A_2173 : vector<16xi32>
    %sub3A_2176 = arith.constant 1 : i32
    %sub3A_2177 = vector.broadcast %sub3A_2176 : i32 to vector<16xi32>
    %sub3A_2178 = arith.subi %add3A_2166, %sub3A_2177 : vector<16xi32>
    %jit3A_2179 = arith.constant 0 : i32
    %jit3A_2180 = arith.constant 8 : i32
    %max3A_2181 = vector.broadcast %jit3A_2179 : i32 to vector<16xi32>
    %max3A_2182 = arith.maxsi %max3A_2181, %sub3A_2178 : vector<16xi32>
    %min3A_2183 = vector.broadcast %jit3A_2180 : i32 to vector<16xi32>
    %min3A_2184 = arith.minsi %min3A_2183, %max3A_2182 : vector<16xi32>
    %mul3A_2185 = arith.constant 10 : i32
    %mul3A_2186 = vector.broadcast %mul3A_2185 : i32 to vector<16xi32>
    %mul3A_2187 = arith.muli %min3A_2175, %mul3A_2186 : vector<16xi32>
    %add3A_2188 = arith.addi %mul3A_2187, %min3A_2184 : vector<16xi32>
    %gather3A_2189 = tpu.vector_load_idx %arg7[%add3A_2188] : memref<128xf32, #tpu.memory_space<vmem>>[vector<16xi32>], vector<16xf32>,
    %add3A_2190 = arith.constant 1 : i32
    %add3A_2191 = vector.broadcast %add3A_2190 : i32 to vector<16xi32>
    %add3A_2192 = arith.addi %add3A_2188, %add3A_2191 : vector<16xi32>
    %gather3A_2193 = tpu.vector_load_idx %arg7[%add3A_2192] : memref<128xf32, #tpu.memory_space<vmem>>[vector<16xi32>], vector<16xf32>,
    %add3A_2194 = arith.constant 10 : i32
    %add3A_2195 = vector.broadcast %add3A_2194 : i32 to vector<16xi32>
    %add3A_2196 = arith.addi %add3A_2188, %add3A_2195 : vector<16xi32>
    %gather3A_2197 = tpu.vector_load_idx %arg7[%add3A_2196] : memref<128xf32, #tpu.memory_space<vmem>>[vector<16xi32>], vector<16xf32>,
    %add3A_2198 = arith.constant 11 : i32
    %add3A_2199 = vector.broadcast %add3A_2198 : i32 to vector<16xi32>
    %add3A_2200 = arith.addi %add3A_2188, %add3A_2199 : vector<16xi32>
    %gather3A_2201 = tpu.vector_load_idx %arg7[%add3A_2200] : memref<128xf32, #tpu.memory_space<vmem>>[vector<16xi32>], vector<16xf32>,
    %convert_element_type3A_2202 = arith.sitofp %min3A_2175 : vector<16xi32> to vector<16xf32>
    %convert_element_type3A_2203 = arith.sitofp %min3A_2184 : vector<16xi32> to vector<16xf32>
    %mul3A_2204 = arith.constant 5.000000e+01 : f32
    %mul3A_2205 = vector.broadcast %mul3A_2204 : f32 to vector<16xf32>
    %mul3A_2206 = arith.mulf %mul3A_2205, %convert_element_type3A_2202 : vector<16xf32>
    %add3A_2207 = arith.constant 1.000000e+02 : f32
    %add3A_2208 = vector.broadcast %add3A_2207 : f32 to vector<16xf32>
    %add3A_2209 = arith.addf %add3A_2208, %mul3A_2206 : vector<16xf32>
    %sub3A_2210 = arith.subf %get3A_2134, %add3A_2209 : vector<16xf32>
    %div3A_2211 = arith.constant 5.000000e+01 : f32
    %div3A_2212 = vector.broadcast %div3A_2211 : f32 to vector<16xf32>
    %div3A_2213 = arith.divf %sub3A_2210, %div3A_2212 : vector<16xf32>
    %mul3A_2214 = arith.constant 2.000000e+02 : f32
    %mul3A_2215 = vector.broadcast %mul3A_2214 : f32 to vector<16xf32>
    %mul3A_2216 = arith.mulf %mul3A_2215, %convert_element_type3A_2203 : vector<16xf32>
    %add3A_2217 = arith.constant 2.000000e+02 : f32
    %add3A_2218 = vector.broadcast %add3A_2217 : f32 to vector<16xf32>
    %add3A_2219 = arith.addf %add3A_2218, %mul3A_2216 : vector<16xf32>
    %sub3A_2220 = arith.subf %get3A_2136, %add3A_2219 : vector<16xf32>
    %div3A_2221 = arith.constant 2.000000e+02 : f32
    %div3A_2222 = vector.broadcast %div3A_2221 : f32 to vector<16xf32>
    %div3A_2223 = arith.divf %sub3A_2220, %div3A_2222 : vector<16xf32>
    %sub3A_2224 = arith.subf %gather3A_2197, %gather3A_2189 : vector<16xf32>
    %mul3A_2225 = arith.mulf %div3A_2213, %sub3A_2224 : vector<16xf32>
    %add3A_2226 = arith.addf %mul3A_2225, %gather3A_2189 : vector<16xf32>
    %sub3A_2227 = arith.subf %gather3A_2201, %gather3A_2193 : vector<16xf32>
    %mul3A_2228 = arith.mulf %div3A_2213, %sub3A_2227 : vector<16xf32>
    %add3A_2229 = arith.addf %mul3A_2228, %gather3A_2193 : vector<16xf32>
    %sub3A_2230 = arith.subf %add3A_2229, %add3A_2226 : vector<16xf32>
    %mul3A_2231 = arith.mulf %div3A_2223, %sub3A_2230 : vector<16xf32>
    %add3A_2232 = arith.addf %mul3A_2231, %add3A_2226 : vector<16xf32>
    %swap3A_2233 = arith.constant 336 : index
    %swap3A_2234 = tpu.vector_load %arg8[%swap3A_2233] {strides = array<i32>} : memref<512xf32, #tpu.memory_space<vmem>>, vector<16xf32>,
    tpu.vector_store %arg8[%swap3A_2233], %add3A_2232 {strides = array<i32>} : memref<512xf32, #tpu.memory_space<vmem>>, vector<16xf32>,
    %get3A_2235 = arith.constant 352 : index
    %get3A_2236 = tpu.vector_load %arg5[%get3A_2235] {strides = array<i32>} : memref<512xf32, #tpu.memory_space<vmem>>, vector<16xf32>,
    %get3A_2237 = arith.constant 352 : index
    %get3A_2238 = tpu.vector_load %arg6[%get3A_2237] {strides = array<i32>} : memref<512xf32, #tpu.memory_space<vmem>>, vector<16xf32>,
    %sub3A_2239 = arith.constant 1.000000e+02 : f32
    %sub3A_2240 = vector.broadcast %sub3A_2239 : f32 to vector<16xf32>
    %sub3A_2241 = arith.subf %get3A_2236, %sub3A_2240 : vector<16xf32>
    %mul3A_2242 = arith.constant 2.000000e-02 : f32
    %mul3A_2243 = vector.broadcast %mul3A_2242 : f32 to vector<16xf32>
    %mul3A_2244 = arith.mulf %sub3A_2241, %mul3A_2243 : vector<16xf32>
    %sub3A_2245 = arith.constant 2.000000e+02 : f32
    %sub3A_2246 = vector.broadcast %sub3A_2245 : f32 to vector<16xf32>
    %sub3A_2247 = arith.subf %get3A_2238, %sub3A_2246 : vector<16xf32>
    %mul3A_2248 = arith.constant 5.000000e-03 : f32
    %mul3A_2249 = vector.broadcast %mul3A_2248 : f32 to vector<16xf32>
    %mul3A_2250 = arith.mulf %sub3A_2247, %mul3A_2249 : vector<16xf32>
    %convert_element_type3A_2251 = arith.fptosi %mul3A_2244 : vector<16xf32> to vector<16xi32>
    %convert_element_type3A_2252 = arith.fptosi %mul3A_2250 : vector<16xf32> to vector<16xi32>
    %convert_element_type3A_2253 = arith.sitofp %convert_element_type3A_2251 : vector<16xi32> to vector<16xf32>
    %lt3A_2254 = arith.cmpf olt, %convert_element_type3A_2253, %mul3A_2244 : vector<16xf32>
    %jit3A_2255 = arith.constant 1 : i32
    %jit3A_2256 = arith.constant 0 : i32
    %broadcast_in_dim3A_2257 = vector.broadcast %jit3A_2255 : i32 to vector<16xi32>
    %broadcast_in_dim3A_2258 = vector.broadcast %jit3A_2256 : i32 to vector<16xi32>
    %select_n3A_2259 = arith.select %lt3A_2254, %broadcast_in_dim3A_2257, %broadcast_in_dim3A_2258 : vector<16xi1>, vector<16xi32>
    %add3A_2260 = arith.addi %convert_element_type3A_2251, %select_n3A_2259 : vector<16xi32>
    %convert_element_type3A_2261 = arith.sitofp %convert_element_type3A_2252 : vector<16xi32> to vector<16xf32>
    %lt3A_2262 = arith.cmpf olt, %convert_element_type3A_2261, %mul3A_2250 : vector<16xf32>
    %jit3A_2263 = arith.constant 1 : i32
    %jit3A_2264 = arith.constant 0 : i32
    %broadcast_in_dim3A_2265 = vector.broadcast %jit3A_2263 : i32 to vector<16xi32>
    %broadcast_in_dim3A_2266 = vector.broadcast %jit3A_2264 : i32 to vector<16xi32>
    %select_n3A_2267 = arith.select %lt3A_2262, %broadcast_in_dim3A_2265, %broadcast_in_dim3A_2266 : vector<16xi1>, vector<16xi32>
    %add3A_2268 = arith.addi %convert_element_type3A_2252, %select_n3A_2267 : vector<16xi32>
    %sub3A_2269 = arith.constant 1 : i32
    %sub3A_2270 = vector.broadcast %sub3A_2269 : i32 to vector<16xi32>
    %sub3A_2271 = arith.subi %add3A_2260, %sub3A_2270 : vector<16xi32>
    %jit3A_2272 = arith.constant 0 : i32
    %jit3A_2273 = arith.constant 8 : i32
    %max3A_2274 = vector.broadcast %jit3A_2272 : i32 to vector<16xi32>
    %max3A_2275 = arith.maxsi %max3A_2274, %sub3A_2271 : vector<16xi32>
    %min3A_2276 = vector.broadcast %jit3A_2273 : i32 to vector<16xi32>
    %min3A_2277 = arith.minsi %min3A_2276, %max3A_2275 : vector<16xi32>
    %sub3A_2278 = arith.constant 1 : i32
    %sub3A_2279 = vector.broadcast %sub3A_2278 : i32 to vector<16xi32>
    %sub3A_2280 = arith.subi %add3A_2268, %sub3A_2279 : vector<16xi32>
    %jit3A_2281 = arith.constant 0 : i32
    %jit3A_2282 = arith.constant 8 : i32
    %max3A_2283 = vector.broadcast %jit3A_2281 : i32 to vector<16xi32>
    %max3A_2284 = arith.maxsi %max3A_2283, %sub3A_2280 : vector<16xi32>
    %min3A_2285 = vector.broadcast %jit3A_2282 : i32 to vector<16xi32>
    %min3A_2286 = arith.minsi %min3A_2285, %max3A_2284 : vector<16xi32>
    %mul3A_2287 = arith.constant 10 : i32
    %mul3A_2288 = vector.broadcast %mul3A_2287 : i32 to vector<16xi32>
    %mul3A_2289 = arith.muli %min3A_2277, %mul3A_2288 : vector<16xi32>
    %add3A_2290 = arith.addi %mul3A_2289, %min3A_2286 : vector<16xi32>
    %gather3A_2291 = tpu.vector_load_idx %arg7[%add3A_2290] : memref<128xf32, #tpu.memory_space<vmem>>[vector<16xi32>], vector<16xf32>,
    %add3A_2292 = arith.constant 1 : i32
    %add3A_2293 = vector.broadcast %add3A_2292 : i32 to vector<16xi32>
    %add3A_2294 = arith.addi %add3A_2290, %add3A_2293 : vector<16xi32>
    %gather3A_2295 = tpu.vector_load_idx %arg7[%add3A_2294] : memref<128xf32, #tpu.memory_space<vmem>>[vector<16xi32>], vector<16xf32>,
    %add3A_2296 = arith.constant 10 : i32
    %add3A_2297 = vector.broadcast %add3A_2296 : i32 to vector<16xi32>
    %add3A_2298 = arith.addi %add3A_2290, %add3A_2297 : vector<16xi32>
    %gather3A_2299 = tpu.vector_load_idx %arg7[%add3A_2298] : memref<128xf32, #tpu.memory_space<vmem>>[vector<16xi32>], vector<16xf32>,
    %add3A_2300 = arith.constant 11 : i32
    %add3A_2301 = vector.broadcast %add3A_2300 : i32 to vector<16xi32>
    %add3A_2302 = arith.addi %add3A_2290, %add3A_2301 : vector<16xi32>
    %gather3A_2303 = tpu.vector_load_idx %arg7[%add3A_2302] : memref<128xf32, #tpu.memory_space<vmem>>[vector<16xi32>], vector<16xf32>,
    %convert_element_type3A_2304 = arith.sitofp %min3A_2277 : vector<16xi32> to vector<16xf32>
    %convert_element_type3A_2305 = arith.sitofp %min3A_2286 : vector<16xi32> to vector<16xf32>
    %mul3A_2306 = arith.constant 5.000000e+01 : f32
    %mul3A_2307 = vector.broadcast %mul3A_2306 : f32 to vector<16xf32>
    %mul3A_2308 = arith.mulf %mul3A_2307, %convert_element_type3A_2304 : vector<16xf32>
    %add3A_2309 = arith.constant 1.000000e+02 : f32
    %add3A_2310 = vector.broadcast %add3A_2309 : f32 to vector<16xf32>
    %add3A_2311 = arith.addf %add3A_2310, %mul3A_2308 : vector<16xf32>
    %sub3A_2312 = arith.subf %get3A_2236, %add3A_2311 : vector<16xf32>
    %div3A_2313 = arith.constant 5.000000e+01 : f32
    %div3A_2314 = vector.broadcast %div3A_2313 : f32 to vector<16xf32>
    %div3A_2315 = arith.divf %sub3A_2312, %div3A_2314 : vector<16xf32>
    %mul3A_2316 = arith.constant 2.000000e+02 : f32
    %mul3A_2317 = vector.broadcast %mul3A_2316 : f32 to vector<16xf32>
    %mul3A_2318 = arith.mulf %mul3A_2317, %convert_element_type3A_2305 : vector<16xf32>
    %add3A_2319 = arith.constant 2.000000e+02 : f32
    %add3A_2320 = vector.broadcast %add3A_2319 : f32 to vector<16xf32>
    %add3A_2321 = arith.addf %add3A_2320, %mul3A_2318 : vector<16xf32>
    %sub3A_2322 = arith.subf %get3A_2238, %add3A_2321 : vector<16xf32>
    %div3A_2323 = arith.constant 2.000000e+02 : f32
    %div3A_2324 = vector.broadcast %div3A_2323 : f32 to vector<16xf32>
    %div3A_2325 = arith.divf %sub3A_2322, %div3A_2324 : vector<16xf32>
    %sub3A_2326 = arith.subf %gather3A_2299, %gather3A_2291 : vector<16xf32>
    %mul3A_2327 = arith.mulf %div3A_2315, %sub3A_2326 : vector<16xf32>
    %add3A_2328 = arith.addf %mul3A_2327, %gather3A_2291 : vector<16xf32>
    %sub3A_2329 = arith.subf %gather3A_2303, %gather3A_2295 : vector<16xf32>
    %mul3A_2330 = arith.mulf %div3A_2315, %sub3A_2329 : vector<16xf32>
    %add3A_2331 = arith.addf %mul3A_2330, %gather3A_2295 : vector<16xf32>
    %sub3A_2332 = arith.subf %add3A_2331, %add3A_2328 : vector<16xf32>
    %mul3A_2333 = arith.mulf %div3A_2325, %sub3A_2332 : vector<16xf32>
    %add3A_2334 = arith.addf %mul3A_2333, %add3A_2328 : vector<16xf32>
    %swap3A_2335 = arith.constant 352 : index
    %swap3A_2336 = tpu.vector_load %arg8[%swap3A_2335] {strides = array<i32>} : memref<512xf32, #tpu.memory_space<vmem>>, vector<16xf32>,
    tpu.vector_store %arg8[%swap3A_2335], %add3A_2334 {strides = array<i32>} : memref<512xf32, #tpu.memory_space<vmem>>, vector<16xf32>,
    %get3A_2337 = arith.constant 368 : index
    %get3A_2338 = tpu.vector_load %arg5[%get3A_2337] {strides = array<i32>} : memref<512xf32, #tpu.memory_space<vmem>>, vector<16xf32>,
    %get3A_2339 = arith.constant 368 : index
    %get3A_2340 = tpu.vector_load %arg6[%get3A_2339] {strides = array<i32>} : memref<512xf32, #tpu.memory_space<vmem>>, vector<16xf32>,
    %sub3A_2341 = arith.constant 1.000000e+02 : f32
    %sub3A_2342 = vector.broadcast %sub3A_2341 : f32 to vector<16xf32>
    %sub3A_2343 = arith.subf %get3A_2338, %sub3A_2342 : vector<16xf32>
    %mul3A_2344 = arith.constant 2.000000e-02 : f32
    %mul3A_2345 = vector.broadcast %mul3A_2344 : f32 to vector<16xf32>
    %mul3A_2346 = arith.mulf %sub3A_2343, %mul3A_2345 : vector<16xf32>
    %sub3A_2347 = arith.constant 2.000000e+02 : f32
    %sub3A_2348 = vector.broadcast %sub3A_2347 : f32 to vector<16xf32>
    %sub3A_2349 = arith.subf %get3A_2340, %sub3A_2348 : vector<16xf32>
    %mul3A_2350 = arith.constant 5.000000e-03 : f32
    %mul3A_2351 = vector.broadcast %mul3A_2350 : f32 to vector<16xf32>
    %mul3A_2352 = arith.mulf %sub3A_2349, %mul3A_2351 : vector<16xf32>
    %convert_element_type3A_2353 = arith.fptosi %mul3A_2346 : vector<16xf32> to vector<16xi32>
    %convert_element_type3A_2354 = arith.fptosi %mul3A_2352 : vector<16xf32> to vector<16xi32>
    %convert_element_type3A_2355 = arith.sitofp %convert_element_type3A_2353 : vector<16xi32> to vector<16xf32>
    %lt3A_2356 = arith.cmpf olt, %convert_element_type3A_2355, %mul3A_2346 : vector<16xf32>
    %jit3A_2357 = arith.constant 1 : i32
    %jit3A_2358 = arith.constant 0 : i32
    %broadcast_in_dim3A_2359 = vector.broadcast %jit3A_2357 : i32 to vector<16xi32>
    %broadcast_in_dim3A_2360 = vector.broadcast %jit3A_2358 : i32 to vector<16xi32>
    %select_n3A_2361 = arith.select %lt3A_2356, %broadcast_in_dim3A_2359, %broadcast_in_dim3A_2360 : vector<16xi1>, vector<16xi32>
    %add3A_2362 = arith.addi %convert_element_type3A_2353, %select_n3A_2361 : vector<16xi32>
    %convert_element_type3A_2363 = arith.sitofp %convert_element_type3A_2354 : vector<16xi32> to vector<16xf32>
    %lt3A_2364 = arith.cmpf olt, %convert_element_type3A_2363, %mul3A_2352 : vector<16xf32>
    %jit3A_2365 = arith.constant 1 : i32
    %jit3A_2366 = arith.constant 0 : i32
    %broadcast_in_dim3A_2367 = vector.broadcast %jit3A_2365 : i32 to vector<16xi32>
    %broadcast_in_dim3A_2368 = vector.broadcast %jit3A_2366 : i32 to vector<16xi32>
    %select_n3A_2369 = arith.select %lt3A_2364, %broadcast_in_dim3A_2367, %broadcast_in_dim3A_2368 : vector<16xi1>, vector<16xi32>
    %add3A_2370 = arith.addi %convert_element_type3A_2354, %select_n3A_2369 : vector<16xi32>
    %sub3A_2371 = arith.constant 1 : i32
    %sub3A_2372 = vector.broadcast %sub3A_2371 : i32 to vector<16xi32>
    %sub3A_2373 = arith.subi %add3A_2362, %sub3A_2372 : vector<16xi32>
    %jit3A_2374 = arith.constant 0 : i32
    %jit3A_2375 = arith.constant 8 : i32
    %max3A_2376 = vector.broadcast %jit3A_2374 : i32 to vector<16xi32>
    %max3A_2377 = arith.maxsi %max3A_2376, %sub3A_2373 : vector<16xi32>
    %min3A_2378 = vector.broadcast %jit3A_2375 : i32 to vector<16xi32>
    %min3A_2379 = arith.minsi %min3A_2378, %max3A_2377 : vector<16xi32>
    %sub3A_2380 = arith.constant 1 : i32
    %sub3A_2381 = vector.broadcast %sub3A_2380 : i32 to vector<16xi32>
    %sub3A_2382 = arith.subi %add3A_2370, %sub3A_2381 : vector<16xi32>
    %jit3A_2383 = arith.constant 0 : i32
    %jit3A_2384 = arith.constant 8 : i32
    %max3A_2385 = vector.broadcast %jit3A_2383 : i32 to vector<16xi32>
    %max3A_2386 = arith.maxsi %max3A_2385, %sub3A_2382 : vector<16xi32>
    %min3A_2387 = vector.broadcast %jit3A_2384 : i32 to vector<16xi32>
    %min3A_2388 = arith.minsi %min3A_2387, %max3A_2386 : vector<16xi32>
    %mul3A_2389 = arith.constant 10 : i32
    %mul3A_2390 = vector.broadcast %mul3A_2389 : i32 to vector<16xi32>
    %mul3A_2391 = arith.muli %min3A_2379, %mul3A_2390 : vector<16xi32>
    %add3A_2392 = arith.addi %mul3A_2391, %min3A_2388 : vector<16xi32>
    %gather3A_2393 = tpu.vector_load_idx %arg7[%add3A_2392] : memref<128xf32, #tpu.memory_space<vmem>>[vector<16xi32>], vector<16xf32>,
    %add3A_2394 = arith.constant 1 : i32
    %add3A_2395 = vector.broadcast %add3A_2394 : i32 to vector<16xi32>
    %add3A_2396 = arith.addi %add3A_2392, %add3A_2395 : vector<16xi32>
    %gather3A_2397 = tpu.vector_load_idx %arg7[%add3A_2396] : memref<128xf32, #tpu.memory_space<vmem>>[vector<16xi32>], vector<16xf32>,
    %add3A_2398 = arith.constant 10 : i32
    %add3A_2399 = vector.broadcast %add3A_2398 : i32 to vector<16xi32>
    %add3A_2400 = arith.addi %add3A_2392, %add3A_2399 : vector<16xi32>
    %gather3A_2401 = tpu.vector_load_idx %arg7[%add3A_2400] : memref<128xf32, #tpu.memory_space<vmem>>[vector<16xi32>], vector<16xf32>,
    %add3A_2402 = arith.constant 11 : i32
    %add3A_2403 = vector.broadcast %add3A_2402 : i32 to vector<16xi32>
    %add3A_2404 = arith.addi %add3A_2392, %add3A_2403 : vector<16xi32>
    %gather3A_2405 = tpu.vector_load_idx %arg7[%add3A_2404] : memref<128xf32, #tpu.memory_space<vmem>>[vector<16xi32>], vector<16xf32>,
    %convert_element_type3A_2406 = arith.sitofp %min3A_2379 : vector<16xi32> to vector<16xf32>
    %convert_element_type3A_2407 = arith.sitofp %min3A_2388 : vector<16xi32> to vector<16xf32>
    %mul3A_2408 = arith.constant 5.000000e+01 : f32
    %mul3A_2409 = vector.broadcast %mul3A_2408 : f32 to vector<16xf32>
    %mul3A_2410 = arith.mulf %mul3A_2409, %convert_element_type3A_2406 : vector<16xf32>
    %add3A_2411 = arith.constant 1.000000e+02 : f32
    %add3A_2412 = vector.broadcast %add3A_2411 : f32 to vector<16xf32>
    %add3A_2413 = arith.addf %add3A_2412, %mul3A_2410 : vector<16xf32>
    %sub3A_2414 = arith.subf %get3A_2338, %add3A_2413 : vector<16xf32>
    %div3A_2415 = arith.constant 5.000000e+01 : f32
    %div3A_2416 = vector.broadcast %div3A_2415 : f32 to vector<16xf32>
    %div3A_2417 = arith.divf %sub3A_2414, %div3A_2416 : vector<16xf32>
    %mul3A_2418 = arith.constant 2.000000e+02 : f32
    %mul3A_2419 = vector.broadcast %mul3A_2418 : f32 to vector<16xf32>
    %mul3A_2420 = arith.mulf %mul3A_2419, %convert_element_type3A_2407 : vector<16xf32>
    %add3A_2421 = arith.constant 2.000000e+02 : f32
    %add3A_2422 = vector.broadcast %add3A_2421 : f32 to vector<16xf32>
    %add3A_2423 = arith.addf %add3A_2422, %mul3A_2420 : vector<16xf32>
    %sub3A_2424 = arith.subf %get3A_2340, %add3A_2423 : vector<16xf32>
    %div3A_2425 = arith.constant 2.000000e+02 : f32
    %div3A_2426 = vector.broadcast %div3A_2425 : f32 to vector<16xf32>
    %div3A_2427 = arith.divf %sub3A_2424, %div3A_2426 : vector<16xf32>
    %sub3A_2428 = arith.subf %gather3A_2401, %gather3A_2393 : vector<16xf32>
    %mul3A_2429 = arith.mulf %div3A_2417, %sub3A_2428 : vector<16xf32>
    %add3A_2430 = arith.addf %mul3A_2429, %gather3A_2393 : vector<16xf32>
    %sub3A_2431 = arith.subf %gather3A_2405, %gather3A_2397 : vector<16xf32>
    %mul3A_2432 = arith.mulf %div3A_2417, %sub3A_2431 : vector<16xf32>
    %add3A_2433 = arith.addf %mul3A_2432, %gather3A_2397 : vector<16xf32>
    %sub3A_2434 = arith.subf %add3A_2433, %add3A_2430 : vector<16xf32>
    %mul3A_2435 = arith.mulf %div3A_2427, %sub3A_2434 : vector<16xf32>
    %add3A_2436 = arith.addf %mul3A_2435, %add3A_2430 : vector<16xf32>
    %swap3A_2437 = arith.constant 368 : index
    %swap3A_2438 = tpu.vector_load %arg8[%swap3A_2437] {strides = array<i32>} : memref<512xf32, #tpu.memory_space<vmem>>, vector<16xf32>,
    tpu.vector_store %arg8[%swap3A_2437], %add3A_2436 {strides = array<i32>} : memref<512xf32, #tpu.memory_space<vmem>>, vector<16xf32>,
    %get3A_2439 = arith.constant 384 : index
    %get3A_2440 = tpu.vector_load %arg5[%get3A_2439] {strides = array<i32>} : memref<512xf32, #tpu.memory_space<vmem>>, vector<16xf32>,
    %get3A_2441 = arith.constant 384 : index
    %get3A_2442 = tpu.vector_load %arg6[%get3A_2441] {strides = array<i32>} : memref<512xf32, #tpu.memory_space<vmem>>, vector<16xf32>,
    %sub3A_2443 = arith.constant 1.000000e+02 : f32
    %sub3A_2444 = vector.broadcast %sub3A_2443 : f32 to vector<16xf32>
    %sub3A_2445 = arith.subf %get3A_2440, %sub3A_2444 : vector<16xf32>
    %mul3A_2446 = arith.constant 2.000000e-02 : f32
    %mul3A_2447 = vector.broadcast %mul3A_2446 : f32 to vector<16xf32>
    %mul3A_2448 = arith.mulf %sub3A_2445, %mul3A_2447 : vector<16xf32>
    %sub3A_2449 = arith.constant 2.000000e+02 : f32
    %sub3A_2450 = vector.broadcast %sub3A_2449 : f32 to vector<16xf32>
    %sub3A_2451 = arith.subf %get3A_2442, %sub3A_2450 : vector<16xf32>
    %mul3A_2452 = arith.constant 5.000000e-03 : f32
    %mul3A_2453 = vector.broadcast %mul3A_2452 : f32 to vector<16xf32>
    %mul3A_2454 = arith.mulf %sub3A_2451, %mul3A_2453 : vector<16xf32>
    %convert_element_type3A_2455 = arith.fptosi %mul3A_2448 : vector<16xf32> to vector<16xi32>
    %convert_element_type3A_2456 = arith.fptosi %mul3A_2454 : vector<16xf32> to vector<16xi32>
    %convert_element_type3A_2457 = arith.sitofp %convert_element_type3A_2455 : vector<16xi32> to vector<16xf32>
    %lt3A_2458 = arith.cmpf olt, %convert_element_type3A_2457, %mul3A_2448 : vector<16xf32>
    %jit3A_2459 = arith.constant 1 : i32
    %jit3A_2460 = arith.constant 0 : i32
    %broadcast_in_dim3A_2461 = vector.broadcast %jit3A_2459 : i32 to vector<16xi32>
    %broadcast_in_dim3A_2462 = vector.broadcast %jit3A_2460 : i32 to vector<16xi32>
    %select_n3A_2463 = arith.select %lt3A_2458, %broadcast_in_dim3A_2461, %broadcast_in_dim3A_2462 : vector<16xi1>, vector<16xi32>
    %add3A_2464 = arith.addi %convert_element_type3A_2455, %select_n3A_2463 : vector<16xi32>
    %convert_element_type3A_2465 = arith.sitofp %convert_element_type3A_2456 : vector<16xi32> to vector<16xf32>
    %lt3A_2466 = arith.cmpf olt, %convert_element_type3A_2465, %mul3A_2454 : vector<16xf32>
    %jit3A_2467 = arith.constant 1 : i32
    %jit3A_2468 = arith.constant 0 : i32
    %broadcast_in_dim3A_2469 = vector.broadcast %jit3A_2467 : i32 to vector<16xi32>
    %broadcast_in_dim3A_2470 = vector.broadcast %jit3A_2468 : i32 to vector<16xi32>
    %select_n3A_2471 = arith.select %lt3A_2466, %broadcast_in_dim3A_2469, %broadcast_in_dim3A_2470 : vector<16xi1>, vector<16xi32>
    %add3A_2472 = arith.addi %convert_element_type3A_2456, %select_n3A_2471 : vector<16xi32>
    %sub3A_2473 = arith.constant 1 : i32
    %sub3A_2474 = vector.broadcast %sub3A_2473 : i32 to vector<16xi32>
    %sub3A_2475 = arith.subi %add3A_2464, %sub3A_2474 : vector<16xi32>
    %jit3A_2476 = arith.constant 0 : i32
    %jit3A_2477 = arith.constant 8 : i32
    %max3A_2478 = vector.broadcast %jit3A_2476 : i32 to vector<16xi32>
    %max3A_2479 = arith.maxsi %max3A_2478, %sub3A_2475 : vector<16xi32>
    %min3A_2480 = vector.broadcast %jit3A_2477 : i32 to vector<16xi32>
    %min3A_2481 = arith.minsi %min3A_2480, %max3A_2479 : vector<16xi32>
    %sub3A_2482 = arith.constant 1 : i32
    %sub3A_2483 = vector.broadcast %sub3A_2482 : i32 to vector<16xi32>
    %sub3A_2484 = arith.subi %add3A_2472, %sub3A_2483 : vector<16xi32>
    %jit3A_2485 = arith.constant 0 : i32
    %jit3A_2486 = arith.constant 8 : i32
    %max3A_2487 = vector.broadcast %jit3A_2485 : i32 to vector<16xi32>
    %max3A_2488 = arith.maxsi %max3A_2487, %sub3A_2484 : vector<16xi32>
    %min3A_2489 = vector.broadcast %jit3A_2486 : i32 to vector<16xi32>
    %min3A_2490 = arith.minsi %min3A_2489, %max3A_2488 : vector<16xi32>
    %mul3A_2491 = arith.constant 10 : i32
    %mul3A_2492 = vector.broadcast %mul3A_2491 : i32 to vector<16xi32>
    %mul3A_2493 = arith.muli %min3A_2481, %mul3A_2492 : vector<16xi32>
    %add3A_2494 = arith.addi %mul3A_2493, %min3A_2490 : vector<16xi32>
    %gather3A_2495 = tpu.vector_load_idx %arg7[%add3A_2494] : memref<128xf32, #tpu.memory_space<vmem>>[vector<16xi32>], vector<16xf32>,
    %add3A_2496 = arith.constant 1 : i32
    %add3A_2497 = vector.broadcast %add3A_2496 : i32 to vector<16xi32>
    %add3A_2498 = arith.addi %add3A_2494, %add3A_2497 : vector<16xi32>
    %gather3A_2499 = tpu.vector_load_idx %arg7[%add3A_2498] : memref<128xf32, #tpu.memory_space<vmem>>[vector<16xi32>], vector<16xf32>,
    %add3A_2500 = arith.constant 10 : i32
    %add3A_2501 = vector.broadcast %add3A_2500 : i32 to vector<16xi32>
    %add3A_2502 = arith.addi %add3A_2494, %add3A_2501 : vector<16xi32>
    %gather3A_2503 = tpu.vector_load_idx %arg7[%add3A_2502] : memref<128xf32, #tpu.memory_space<vmem>>[vector<16xi32>], vector<16xf32>,
    %add3A_2504 = arith.constant 11 : i32
    %add3A_2505 = vector.broadcast %add3A_2504 : i32 to vector<16xi32>
    %add3A_2506 = arith.addi %add3A_2494, %add3A_2505 : vector<16xi32>
    %gather3A_2507 = tpu.vector_load_idx %arg7[%add3A_2506] : memref<128xf32, #tpu.memory_space<vmem>>[vector<16xi32>], vector<16xf32>,
    %convert_element_type3A_2508 = arith.sitofp %min3A_2481 : vector<16xi32> to vector<16xf32>
    %convert_element_type3A_2509 = arith.sitofp %min3A_2490 : vector<16xi32> to vector<16xf32>
    %mul3A_2510 = arith.constant 5.000000e+01 : f32
    %mul3A_2511 = vector.broadcast %mul3A_2510 : f32 to vector<16xf32>
    %mul3A_2512 = arith.mulf %mul3A_2511, %convert_element_type3A_2508 : vector<16xf32>
    %add3A_2513 = arith.constant 1.000000e+02 : f32
    %add3A_2514 = vector.broadcast %add3A_2513 : f32 to vector<16xf32>
    %add3A_2515 = arith.addf %add3A_2514, %mul3A_2512 : vector<16xf32>
    %sub3A_2516 = arith.subf %get3A_2440, %add3A_2515 : vector<16xf32>
    %div3A_2517 = arith.constant 5.000000e+01 : f32
    %div3A_2518 = vector.broadcast %div3A_2517 : f32 to vector<16xf32>
    %div3A_2519 = arith.divf %sub3A_2516, %div3A_2518 : vector<16xf32>
    %mul3A_2520 = arith.constant 2.000000e+02 : f32
    %mul3A_2521 = vector.broadcast %mul3A_2520 : f32 to vector<16xf32>
    %mul3A_2522 = arith.mulf %mul3A_2521, %convert_element_type3A_2509 : vector<16xf32>
    %add3A_2523 = arith.constant 2.000000e+02 : f32
    %add3A_2524 = vector.broadcast %add3A_2523 : f32 to vector<16xf32>
    %add3A_2525 = arith.addf %add3A_2524, %mul3A_2522 : vector<16xf32>
    %sub3A_2526 = arith.subf %get3A_2442, %add3A_2525 : vector<16xf32>
    %div3A_2527 = arith.constant 2.000000e+02 : f32
    %div3A_2528 = vector.broadcast %div3A_2527 : f32 to vector<16xf32>
    %div3A_2529 = arith.divf %sub3A_2526, %div3A_2528 : vector<16xf32>
    %sub3A_2530 = arith.subf %gather3A_2503, %gather3A_2495 : vector<16xf32>
    %mul3A_2531 = arith.mulf %div3A_2519, %sub3A_2530 : vector<16xf32>
    %add3A_2532 = arith.addf %mul3A_2531, %gather3A_2495 : vector<16xf32>
    %sub3A_2533 = arith.subf %gather3A_2507, %gather3A_2499 : vector<16xf32>
    %mul3A_2534 = arith.mulf %div3A_2519, %sub3A_2533 : vector<16xf32>
    %add3A_2535 = arith.addf %mul3A_2534, %gather3A_2499 : vector<16xf32>
    %sub3A_2536 = arith.subf %add3A_2535, %add3A_2532 : vector<16xf32>
    %mul3A_2537 = arith.mulf %div3A_2529, %sub3A_2536 : vector<16xf32>
    %add3A_2538 = arith.addf %mul3A_2537, %add3A_2532 : vector<16xf32>
    %swap3A_2539 = arith.constant 384 : index
    %swap3A_2540 = tpu.vector_load %arg8[%swap3A_2539] {strides = array<i32>} : memref<512xf32, #tpu.memory_space<vmem>>, vector<16xf32>,
    tpu.vector_store %arg8[%swap3A_2539], %add3A_2538 {strides = array<i32>} : memref<512xf32, #tpu.memory_space<vmem>>, vector<16xf32>,
    %get3A_2541 = arith.constant 400 : index
    %get3A_2542 = tpu.vector_load %arg5[%get3A_2541] {strides = array<i32>} : memref<512xf32, #tpu.memory_space<vmem>>, vector<16xf32>,
    %get3A_2543 = arith.constant 400 : index
    %get3A_2544 = tpu.vector_load %arg6[%get3A_2543] {strides = array<i32>} : memref<512xf32, #tpu.memory_space<vmem>>, vector<16xf32>,
    %sub3A_2545 = arith.constant 1.000000e+02 : f32
    %sub3A_2546 = vector.broadcast %sub3A_2545 : f32 to vector<16xf32>
    %sub3A_2547 = arith.subf %get3A_2542, %sub3A_2546 : vector<16xf32>
    %mul3A_2548 = arith.constant 2.000000e-02 : f32
    %mul3A_2549 = vector.broadcast %mul3A_2548 : f32 to vector<16xf32>
    %mul3A_2550 = arith.mulf %sub3A_2547, %mul3A_2549 : vector<16xf32>
    %sub3A_2551 = arith.constant 2.000000e+02 : f32
    %sub3A_2552 = vector.broadcast %sub3A_2551 : f32 to vector<16xf32>
    %sub3A_2553 = arith.subf %get3A_2544, %sub3A_2552 : vector<16xf32>
    %mul3A_2554 = arith.constant 5.000000e-03 : f32
    %mul3A_2555 = vector.broadcast %mul3A_2554 : f32 to vector<16xf32>
    %mul3A_2556 = arith.mulf %sub3A_2553, %mul3A_2555 : vector<16xf32>
    %convert_element_type3A_2557 = arith.fptosi %mul3A_2550 : vector<16xf32> to vector<16xi32>
    %convert_element_type3A_2558 = arith.fptosi %mul3A_2556 : vector<16xf32> to vector<16xi32>
    %convert_element_type3A_2559 = arith.sitofp %convert_element_type3A_2557 : vector<16xi32> to vector<16xf32>
    %lt3A_2560 = arith.cmpf olt, %convert_element_type3A_2559, %mul3A_2550 : vector<16xf32>
    %jit3A_2561 = arith.constant 1 : i32
    %jit3A_2562 = arith.constant 0 : i32
    %broadcast_in_dim3A_2563 = vector.broadcast %jit3A_2561 : i32 to vector<16xi32>
    %broadcast_in_dim3A_2564 = vector.broadcast %jit3A_2562 : i32 to vector<16xi32>
    %select_n3A_2565 = arith.select %lt3A_2560, %broadcast_in_dim3A_2563, %broadcast_in_dim3A_2564 : vector<16xi1>, vector<16xi32>
    %add3A_2566 = arith.addi %convert_element_type3A_2557, %select_n3A_2565 : vector<16xi32>
    %convert_element_type3A_2567 = arith.sitofp %convert_element_type3A_2558 : vector<16xi32> to vector<16xf32>
    %lt3A_2568 = arith.cmpf olt, %convert_element_type3A_2567, %mul3A_2556 : vector<16xf32>
    %jit3A_2569 = arith.constant 1 : i32
    %jit3A_2570 = arith.constant 0 : i32
    %broadcast_in_dim3A_2571 = vector.broadcast %jit3A_2569 : i32 to vector<16xi32>
    %broadcast_in_dim3A_2572 = vector.broadcast %jit3A_2570 : i32 to vector<16xi32>
    %select_n3A_2573 = arith.select %lt3A_2568, %broadcast_in_dim3A_2571, %broadcast_in_dim3A_2572 : vector<16xi1>, vector<16xi32>
    %add3A_2574 = arith.addi %convert_element_type3A_2558, %select_n3A_2573 : vector<16xi32>
    %sub3A_2575 = arith.constant 1 : i32
    %sub3A_2576 = vector.broadcast %sub3A_2575 : i32 to vector<16xi32>
    %sub3A_2577 = arith.subi %add3A_2566, %sub3A_2576 : vector<16xi32>
    %jit3A_2578 = arith.constant 0 : i32
    %jit3A_2579 = arith.constant 8 : i32
    %max3A_2580 = vector.broadcast %jit3A_2578 : i32 to vector<16xi32>
    %max3A_2581 = arith.maxsi %max3A_2580, %sub3A_2577 : vector<16xi32>
    %min3A_2582 = vector.broadcast %jit3A_2579 : i32 to vector<16xi32>
    %min3A_2583 = arith.minsi %min3A_2582, %max3A_2581 : vector<16xi32>
    %sub3A_2584 = arith.constant 1 : i32
    %sub3A_2585 = vector.broadcast %sub3A_2584 : i32 to vector<16xi32>
    %sub3A_2586 = arith.subi %add3A_2574, %sub3A_2585 : vector<16xi32>
    %jit3A_2587 = arith.constant 0 : i32
    %jit3A_2588 = arith.constant 8 : i32
    %max3A_2589 = vector.broadcast %jit3A_2587 : i32 to vector<16xi32>
    %max3A_2590 = arith.maxsi %max3A_2589, %sub3A_2586 : vector<16xi32>
    %min3A_2591 = vector.broadcast %jit3A_2588 : i32 to vector<16xi32>
    %min3A_2592 = arith.minsi %min3A_2591, %max3A_2590 : vector<16xi32>
    %mul3A_2593 = arith.constant 10 : i32
    %mul3A_2594 = vector.broadcast %mul3A_2593 : i32 to vector<16xi32>
    %mul3A_2595 = arith.muli %min3A_2583, %mul3A_2594 : vector<16xi32>
    %add3A_2596 = arith.addi %mul3A_2595, %min3A_2592 : vector<16xi32>
    %gather3A_2597 = tpu.vector_load_idx %arg7[%add3A_2596] : memref<128xf32, #tpu.memory_space<vmem>>[vector<16xi32>], vector<16xf32>,
    %add3A_2598 = arith.constant 1 : i32
    %add3A_2599 = vector.broadcast %add3A_2598 : i32 to vector<16xi32>
    %add3A_2600 = arith.addi %add3A_2596, %add3A_2599 : vector<16xi32>
    %gather3A_2601 = tpu.vector_load_idx %arg7[%add3A_2600] : memref<128xf32, #tpu.memory_space<vmem>>[vector<16xi32>], vector<16xf32>,
    %add3A_2602 = arith.constant 10 : i32
    %add3A_2603 = vector.broadcast %add3A_2602 : i32 to vector<16xi32>
    %add3A_2604 = arith.addi %add3A_2596, %add3A_2603 : vector<16xi32>
    %gather3A_2605 = tpu.vector_load_idx %arg7[%add3A_2604] : memref<128xf32, #tpu.memory_space<vmem>>[vector<16xi32>], vector<16xf32>,
    %add3A_2606 = arith.constant 11 : i32
    %add3A_2607 = vector.broadcast %add3A_2606 : i32 to vector<16xi32>
    %add3A_2608 = arith.addi %add3A_2596, %add3A_2607 : vector<16xi32>
    %gather3A_2609 = tpu.vector_load_idx %arg7[%add3A_2608] : memref<128xf32, #tpu.memory_space<vmem>>[vector<16xi32>], vector<16xf32>,
    %convert_element_type3A_2610 = arith.sitofp %min3A_2583 : vector<16xi32> to vector<16xf32>
    %convert_element_type3A_2611 = arith.sitofp %min3A_2592 : vector<16xi32> to vector<16xf32>
    %mul3A_2612 = arith.constant 5.000000e+01 : f32
    %mul3A_2613 = vector.broadcast %mul3A_2612 : f32 to vector<16xf32>
    %mul3A_2614 = arith.mulf %mul3A_2613, %convert_element_type3A_2610 : vector<16xf32>
    %add3A_2615 = arith.constant 1.000000e+02 : f32
    %add3A_2616 = vector.broadcast %add3A_2615 : f32 to vector<16xf32>
    %add3A_2617 = arith.addf %add3A_2616, %mul3A_2614 : vector<16xf32>
    %sub3A_2618 = arith.subf %get3A_2542, %add3A_2617 : vector<16xf32>
    %div3A_2619 = arith.constant 5.000000e+01 : f32
    %div3A_2620 = vector.broadcast %div3A_2619 : f32 to vector<16xf32>
    %div3A_2621 = arith.divf %sub3A_2618, %div3A_2620 : vector<16xf32>
    %mul3A_2622 = arith.constant 2.000000e+02 : f32
    %mul3A_2623 = vector.broadcast %mul3A_2622 : f32 to vector<16xf32>
    %mul3A_2624 = arith.mulf %mul3A_2623, %convert_element_type3A_2611 : vector<16xf32>
    %add3A_2625 = arith.constant 2.000000e+02 : f32
    %add3A_2626 = vector.broadcast %add3A_2625 : f32 to vector<16xf32>
    %add3A_2627 = arith.addf %add3A_2626, %mul3A_2624 : vector<16xf32>
    %sub3A_2628 = arith.subf %get3A_2544, %add3A_2627 : vector<16xf32>
    %div3A_2629 = arith.constant 2.000000e+02 : f32
    %div3A_2630 = vector.broadcast %div3A_2629 : f32 to vector<16xf32>
    %div3A_2631 = arith.divf %sub3A_2628, %div3A_2630 : vector<16xf32>
    %sub3A_2632 = arith.subf %gather3A_2605, %gather3A_2597 : vector<16xf32>
    %mul3A_2633 = arith.mulf %div3A_2621, %sub3A_2632 : vector<16xf32>
    %add3A_2634 = arith.addf %mul3A_2633, %gather3A_2597 : vector<16xf32>
    %sub3A_2635 = arith.subf %gather3A_2609, %gather3A_2601 : vector<16xf32>
    %mul3A_2636 = arith.mulf %div3A_2621, %sub3A_2635 : vector<16xf32>
    %add3A_2637 = arith.addf %mul3A_2636, %gather3A_2601 : vector<16xf32>
    %sub3A_2638 = arith.subf %add3A_2637, %add3A_2634 : vector<16xf32>
    %mul3A_2639 = arith.mulf %div3A_2631, %sub3A_2638 : vector<16xf32>
    %add3A_2640 = arith.addf %mul3A_2639, %add3A_2634 : vector<16xf32>
    %swap3A_2641 = arith.constant 400 : index
    %swap3A_2642 = tpu.vector_load %arg8[%swap3A_2641] {strides = array<i32>} : memref<512xf32, #tpu.memory_space<vmem>>, vector<16xf32>,
    tpu.vector_store %arg8[%swap3A_2641], %add3A_2640 {strides = array<i32>} : memref<512xf32, #tpu.memory_space<vmem>>, vector<16xf32>,
    %get3A_2643 = arith.constant 416 : index
    %get3A_2644 = tpu.vector_load %arg5[%get3A_2643] {strides = array<i32>} : memref<512xf32, #tpu.memory_space<vmem>>, vector<16xf32>,
    %get3A_2645 = arith.constant 416 : index
    %get3A_2646 = tpu.vector_load %arg6[%get3A_2645] {strides = array<i32>} : memref<512xf32, #tpu.memory_space<vmem>>, vector<16xf32>,
    %sub3A_2647 = arith.constant 1.000000e+02 : f32
    %sub3A_2648 = vector.broadcast %sub3A_2647 : f32 to vector<16xf32>
    %sub3A_2649 = arith.subf %get3A_2644, %sub3A_2648 : vector<16xf32>
    %mul3A_2650 = arith.constant 2.000000e-02 : f32
    %mul3A_2651 = vector.broadcast %mul3A_2650 : f32 to vector<16xf32>
    %mul3A_2652 = arith.mulf %sub3A_2649, %mul3A_2651 : vector<16xf32>
    %sub3A_2653 = arith.constant 2.000000e+02 : f32
    %sub3A_2654 = vector.broadcast %sub3A_2653 : f32 to vector<16xf32>
    %sub3A_2655 = arith.subf %get3A_2646, %sub3A_2654 : vector<16xf32>
    %mul3A_2656 = arith.constant 5.000000e-03 : f32
    %mul3A_2657 = vector.broadcast %mul3A_2656 : f32 to vector<16xf32>
    %mul3A_2658 = arith.mulf %sub3A_2655, %mul3A_2657 : vector<16xf32>
    %convert_element_type3A_2659 = arith.fptosi %mul3A_2652 : vector<16xf32> to vector<16xi32>
    %convert_element_type3A_2660 = arith.fptosi %mul3A_2658 : vector<16xf32> to vector<16xi32>
    %convert_element_type3A_2661 = arith.sitofp %convert_element_type3A_2659 : vector<16xi32> to vector<16xf32>
    %lt3A_2662 = arith.cmpf olt, %convert_element_type3A_2661, %mul3A_2652 : vector<16xf32>
    %jit3A_2663 = arith.constant 1 : i32
    %jit3A_2664 = arith.constant 0 : i32
    %broadcast_in_dim3A_2665 = vector.broadcast %jit3A_2663 : i32 to vector<16xi32>
    %broadcast_in_dim3A_2666 = vector.broadcast %jit3A_2664 : i32 to vector<16xi32>
    %select_n3A_2667 = arith.select %lt3A_2662, %broadcast_in_dim3A_2665, %broadcast_in_dim3A_2666 : vector<16xi1>, vector<16xi32>
    %add3A_2668 = arith.addi %convert_element_type3A_2659, %select_n3A_2667 : vector<16xi32>
    %convert_element_type3A_2669 = arith.sitofp %convert_element_type3A_2660 : vector<16xi32> to vector<16xf32>
    %lt3A_2670 = arith.cmpf olt, %convert_element_type3A_2669, %mul3A_2658 : vector<16xf32>
    %jit3A_2671 = arith.constant 1 : i32
    %jit3A_2672 = arith.constant 0 : i32
    %broadcast_in_dim3A_2673 = vector.broadcast %jit3A_2671 : i32 to vector<16xi32>
    %broadcast_in_dim3A_2674 = vector.broadcast %jit3A_2672 : i32 to vector<16xi32>
    %select_n3A_2675 = arith.select %lt3A_2670, %broadcast_in_dim3A_2673, %broadcast_in_dim3A_2674 : vector<16xi1>, vector<16xi32>
    %add3A_2676 = arith.addi %convert_element_type3A_2660, %select_n3A_2675 : vector<16xi32>
    %sub3A_2677 = arith.constant 1 : i32
    %sub3A_2678 = vector.broadcast %sub3A_2677 : i32 to vector<16xi32>
    %sub3A_2679 = arith.subi %add3A_2668, %sub3A_2678 : vector<16xi32>
    %jit3A_2680 = arith.constant 0 : i32
    %jit3A_2681 = arith.constant 8 : i32
    %max3A_2682 = vector.broadcast %jit3A_2680 : i32 to vector<16xi32>
    %max3A_2683 = arith.maxsi %max3A_2682, %sub3A_2679 : vector<16xi32>
    %min3A_2684 = vector.broadcast %jit3A_2681 : i32 to vector<16xi32>
    %min3A_2685 = arith.minsi %min3A_2684, %max3A_2683 : vector<16xi32>
    %sub3A_2686 = arith.constant 1 : i32
    %sub3A_2687 = vector.broadcast %sub3A_2686 : i32 to vector<16xi32>
    %sub3A_2688 = arith.subi %add3A_2676, %sub3A_2687 : vector<16xi32>
    %jit3A_2689 = arith.constant 0 : i32
    %jit3A_2690 = arith.constant 8 : i32
    %max3A_2691 = vector.broadcast %jit3A_2689 : i32 to vector<16xi32>
    %max3A_2692 = arith.maxsi %max3A_2691, %sub3A_2688 : vector<16xi32>
    %min3A_2693 = vector.broadcast %jit3A_2690 : i32 to vector<16xi32>
    %min3A_2694 = arith.minsi %min3A_2693, %max3A_2692 : vector<16xi32>
    %mul3A_2695 = arith.constant 10 : i32
    %mul3A_2696 = vector.broadcast %mul3A_2695 : i32 to vector<16xi32>
    %mul3A_2697 = arith.muli %min3A_2685, %mul3A_2696 : vector<16xi32>
    %add3A_2698 = arith.addi %mul3A_2697, %min3A_2694 : vector<16xi32>
    %gather3A_2699 = tpu.vector_load_idx %arg7[%add3A_2698] : memref<128xf32, #tpu.memory_space<vmem>>[vector<16xi32>], vector<16xf32>,
    %add3A_2700 = arith.constant 1 : i32
    %add3A_2701 = vector.broadcast %add3A_2700 : i32 to vector<16xi32>
    %add3A_2702 = arith.addi %add3A_2698, %add3A_2701 : vector<16xi32>
    %gather3A_2703 = tpu.vector_load_idx %arg7[%add3A_2702] : memref<128xf32, #tpu.memory_space<vmem>>[vector<16xi32>], vector<16xf32>,
    %add3A_2704 = arith.constant 10 : i32
    %add3A_2705 = vector.broadcast %add3A_2704 : i32 to vector<16xi32>
    %add3A_2706 = arith.addi %add3A_2698, %add3A_2705 : vector<16xi32>
    %gather3A_2707 = tpu.vector_load_idx %arg7[%add3A_2706] : memref<128xf32, #tpu.memory_space<vmem>>[vector<16xi32>], vector<16xf32>,
    %add3A_2708 = arith.constant 11 : i32
    %add3A_2709 = vector.broadcast %add3A_2708 : i32 to vector<16xi32>
    %add3A_2710 = arith.addi %add3A_2698, %add3A_2709 : vector<16xi32>
    %gather3A_2711 = tpu.vector_load_idx %arg7[%add3A_2710] : memref<128xf32, #tpu.memory_space<vmem>>[vector<16xi32>], vector<16xf32>,
    %convert_element_type3A_2712 = arith.sitofp %min3A_2685 : vector<16xi32> to vector<16xf32>
    %convert_element_type3A_2713 = arith.sitofp %min3A_2694 : vector<16xi32> to vector<16xf32>
    %mul3A_2714 = arith.constant 5.000000e+01 : f32
    %mul3A_2715 = vector.broadcast %mul3A_2714 : f32 to vector<16xf32>
    %mul3A_2716 = arith.mulf %mul3A_2715, %convert_element_type3A_2712 : vector<16xf32>
    %add3A_2717 = arith.constant 1.000000e+02 : f32
    %add3A_2718 = vector.broadcast %add3A_2717 : f32 to vector<16xf32>
    %add3A_2719 = arith.addf %add3A_2718, %mul3A_2716 : vector<16xf32>
    %sub3A_2720 = arith.subf %get3A_2644, %add3A_2719 : vector<16xf32>
    %div3A_2721 = arith.constant 5.000000e+01 : f32
    %div3A_2722 = vector.broadcast %div3A_2721 : f32 to vector<16xf32>
    %div3A_2723 = arith.divf %sub3A_2720, %div3A_2722 : vector<16xf32>
    %mul3A_2724 = arith.constant 2.000000e+02 : f32
    %mul3A_2725 = vector.broadcast %mul3A_2724 : f32 to vector<16xf32>
    %mul3A_2726 = arith.mulf %mul3A_2725, %convert_element_type3A_2713 : vector<16xf32>
    %add3A_2727 = arith.constant 2.000000e+02 : f32
    %add3A_2728 = vector.broadcast %add3A_2727 : f32 to vector<16xf32>
    %add3A_2729 = arith.addf %add3A_2728, %mul3A_2726 : vector<16xf32>
    %sub3A_2730 = arith.subf %get3A_2646, %add3A_2729 : vector<16xf32>
    %div3A_2731 = arith.constant 2.000000e+02 : f32
    %div3A_2732 = vector.broadcast %div3A_2731 : f32 to vector<16xf32>
    %div3A_2733 = arith.divf %sub3A_2730, %div3A_2732 : vector<16xf32>
    %sub3A_2734 = arith.subf %gather3A_2707, %gather3A_2699 : vector<16xf32>
    %mul3A_2735 = arith.mulf %div3A_2723, %sub3A_2734 : vector<16xf32>
    %add3A_2736 = arith.addf %mul3A_2735, %gather3A_2699 : vector<16xf32>
    %sub3A_2737 = arith.subf %gather3A_2711, %gather3A_2703 : vector<16xf32>
    %mul3A_2738 = arith.mulf %div3A_2723, %sub3A_2737 : vector<16xf32>
    %add3A_2739 = arith.addf %mul3A_2738, %gather3A_2703 : vector<16xf32>
    %sub3A_2740 = arith.subf %add3A_2739, %add3A_2736 : vector<16xf32>
    %mul3A_2741 = arith.mulf %div3A_2733, %sub3A_2740 : vector<16xf32>
    %add3A_2742 = arith.addf %mul3A_2741, %add3A_2736 : vector<16xf32>
    %swap3A_2743 = arith.constant 416 : index
    %swap3A_2744 = tpu.vector_load %arg8[%swap3A_2743] {strides = array<i32>} : memref<512xf32, #tpu.memory_space<vmem>>, vector<16xf32>,
    tpu.vector_store %arg8[%swap3A_2743], %add3A_2742 {strides = array<i32>} : memref<512xf32, #tpu.memory_space<vmem>>, vector<16xf32>,
    %get3A_2745 = arith.constant 432 : index
    %get3A_2746 = tpu.vector_load %arg5[%get3A_2745] {strides = array<i32>} : memref<512xf32, #tpu.memory_space<vmem>>, vector<16xf32>,
    %get3A_2747 = arith.constant 432 : index
    %get3A_2748 = tpu.vector_load %arg6[%get3A_2747] {strides = array<i32>} : memref<512xf32, #tpu.memory_space<vmem>>, vector<16xf32>,
    %sub3A_2749 = arith.constant 1.000000e+02 : f32
    %sub3A_2750 = vector.broadcast %sub3A_2749 : f32 to vector<16xf32>
    %sub3A_2751 = arith.subf %get3A_2746, %sub3A_2750 : vector<16xf32>
    %mul3A_2752 = arith.constant 2.000000e-02 : f32
    %mul3A_2753 = vector.broadcast %mul3A_2752 : f32 to vector<16xf32>
    %mul3A_2754 = arith.mulf %sub3A_2751, %mul3A_2753 : vector<16xf32>
    %sub3A_2755 = arith.constant 2.000000e+02 : f32
    %sub3A_2756 = vector.broadcast %sub3A_2755 : f32 to vector<16xf32>
    %sub3A_2757 = arith.subf %get3A_2748, %sub3A_2756 : vector<16xf32>
    %mul3A_2758 = arith.constant 5.000000e-03 : f32
    %mul3A_2759 = vector.broadcast %mul3A_2758 : f32 to vector<16xf32>
    %mul3A_2760 = arith.mulf %sub3A_2757, %mul3A_2759 : vector<16xf32>
    %convert_element_type3A_2761 = arith.fptosi %mul3A_2754 : vector<16xf32> to vector<16xi32>
    %convert_element_type3A_2762 = arith.fptosi %mul3A_2760 : vector<16xf32> to vector<16xi32>
    %convert_element_type3A_2763 = arith.sitofp %convert_element_type3A_2761 : vector<16xi32> to vector<16xf32>
    %lt3A_2764 = arith.cmpf olt, %convert_element_type3A_2763, %mul3A_2754 : vector<16xf32>
    %jit3A_2765 = arith.constant 1 : i32
    %jit3A_2766 = arith.constant 0 : i32
    %broadcast_in_dim3A_2767 = vector.broadcast %jit3A_2765 : i32 to vector<16xi32>
    %broadcast_in_dim3A_2768 = vector.broadcast %jit3A_2766 : i32 to vector<16xi32>
    %select_n3A_2769 = arith.select %lt3A_2764, %broadcast_in_dim3A_2767, %broadcast_in_dim3A_2768 : vector<16xi1>, vector<16xi32>
    %add3A_2770 = arith.addi %convert_element_type3A_2761, %select_n3A_2769 : vector<16xi32>
    %convert_element_type3A_2771 = arith.sitofp %convert_element_type3A_2762 : vector<16xi32> to vector<16xf32>
    %lt3A_2772 = arith.cmpf olt, %convert_element_type3A_2771, %mul3A_2760 : vector<16xf32>
    %jit3A_2773 = arith.constant 1 : i32
    %jit3A_2774 = arith.constant 0 : i32
    %broadcast_in_dim3A_2775 = vector.broadcast %jit3A_2773 : i32 to vector<16xi32>
    %broadcast_in_dim3A_2776 = vector.broadcast %jit3A_2774 : i32 to vector<16xi32>
    %select_n3A_2777 = arith.select %lt3A_2772, %broadcast_in_dim3A_2775, %broadcast_in_dim3A_2776 : vector<16xi1>, vector<16xi32>
    %add3A_2778 = arith.addi %convert_element_type3A_2762, %select_n3A_2777 : vector<16xi32>
    %sub3A_2779 = arith.constant 1 : i32
    %sub3A_2780 = vector.broadcast %sub3A_2779 : i32 to vector<16xi32>
    %sub3A_2781 = arith.subi %add3A_2770, %sub3A_2780 : vector<16xi32>
    %jit3A_2782 = arith.constant 0 : i32
    %jit3A_2783 = arith.constant 8 : i32
    %max3A_2784 = vector.broadcast %jit3A_2782 : i32 to vector<16xi32>
    %max3A_2785 = arith.maxsi %max3A_2784, %sub3A_2781 : vector<16xi32>
    %min3A_2786 = vector.broadcast %jit3A_2783 : i32 to vector<16xi32>
    %min3A_2787 = arith.minsi %min3A_2786, %max3A_2785 : vector<16xi32>
    %sub3A_2788 = arith.constant 1 : i32
    %sub3A_2789 = vector.broadcast %sub3A_2788 : i32 to vector<16xi32>
    %sub3A_2790 = arith.subi %add3A_2778, %sub3A_2789 : vector<16xi32>
    %jit3A_2791 = arith.constant 0 : i32
    %jit3A_2792 = arith.constant 8 : i32
    %max3A_2793 = vector.broadcast %jit3A_2791 : i32 to vector<16xi32>
    %max3A_2794 = arith.maxsi %max3A_2793, %sub3A_2790 : vector<16xi32>
    %min3A_2795 = vector.broadcast %jit3A_2792 : i32 to vector<16xi32>
    %min3A_2796 = arith.minsi %min3A_2795, %max3A_2794 : vector<16xi32>
    %mul3A_2797 = arith.constant 10 : i32
    %mul3A_2798 = vector.broadcast %mul3A_2797 : i32 to vector<16xi32>
    %mul3A_2799 = arith.muli %min3A_2787, %mul3A_2798 : vector<16xi32>
    %add3A_2800 = arith.addi %mul3A_2799, %min3A_2796 : vector<16xi32>
    %gather3A_2801 = tpu.vector_load_idx %arg7[%add3A_2800] : memref<128xf32, #tpu.memory_space<vmem>>[vector<16xi32>], vector<16xf32>,
    %add3A_2802 = arith.constant 1 : i32
    %add3A_2803 = vector.broadcast %add3A_2802 : i32 to vector<16xi32>
    %add3A_2804 = arith.addi %add3A_2800, %add3A_2803 : vector<16xi32>
    %gather3A_2805 = tpu.vector_load_idx %arg7[%add3A_2804] : memref<128xf32, #tpu.memory_space<vmem>>[vector<16xi32>], vector<16xf32>,
    %add3A_2806 = arith.constant 10 : i32
    %add3A_2807 = vector.broadcast %add3A_2806 : i32 to vector<16xi32>
    %add3A_2808 = arith.addi %add3A_2800, %add3A_2807 : vector<16xi32>
    %gather3A_2809 = tpu.vector_load_idx %arg7[%add3A_2808] : memref<128xf32, #tpu.memory_space<vmem>>[vector<16xi32>], vector<16xf32>,
    %add3A_2810 = arith.constant 11 : i32
    %add3A_2811 = vector.broadcast %add3A_2810 : i32 to vector<16xi32>
    %add3A_2812 = arith.addi %add3A_2800, %add3A_2811 : vector<16xi32>
    %gather3A_2813 = tpu.vector_load_idx %arg7[%add3A_2812] : memref<128xf32, #tpu.memory_space<vmem>>[vector<16xi32>], vector<16xf32>,
    %convert_element_type3A_2814 = arith.sitofp %min3A_2787 : vector<16xi32> to vector<16xf32>
    %convert_element_type3A_2815 = arith.sitofp %min3A_2796 : vector<16xi32> to vector<16xf32>
    %mul3A_2816 = arith.constant 5.000000e+01 : f32
    %mul3A_2817 = vector.broadcast %mul3A_2816 : f32 to vector<16xf32>
    %mul3A_2818 = arith.mulf %mul3A_2817, %convert_element_type3A_2814 : vector<16xf32>
    %add3A_2819 = arith.constant 1.000000e+02 : f32
    %add3A_2820 = vector.broadcast %add3A_2819 : f32 to vector<16xf32>
    %add3A_2821 = arith.addf %add3A_2820, %mul3A_2818 : vector<16xf32>
    %sub3A_2822 = arith.subf %get3A_2746, %add3A_2821 : vector<16xf32>
    %div3A_2823 = arith.constant 5.000000e+01 : f32
    %div3A_2824 = vector.broadcast %div3A_2823 : f32 to vector<16xf32>
    %div3A_2825 = arith.divf %sub3A_2822, %div3A_2824 : vector<16xf32>
    %mul3A_2826 = arith.constant 2.000000e+02 : f32
    %mul3A_2827 = vector.broadcast %mul3A_2826 : f32 to vector<16xf32>
    %mul3A_2828 = arith.mulf %mul3A_2827, %convert_element_type3A_2815 : vector<16xf32>
    %add3A_2829 = arith.constant 2.000000e+02 : f32
    %add3A_2830 = vector.broadcast %add3A_2829 : f32 to vector<16xf32>
    %add3A_2831 = arith.addf %add3A_2830, %mul3A_2828 : vector<16xf32>
    %sub3A_2832 = arith.subf %get3A_2748, %add3A_2831 : vector<16xf32>
    %div3A_2833 = arith.constant 2.000000e+02 : f32
    %div3A_2834 = vector.broadcast %div3A_2833 : f32 to vector<16xf32>
    %div3A_2835 = arith.divf %sub3A_2832, %div3A_2834 : vector<16xf32>
    %sub3A_2836 = arith.subf %gather3A_2809, %gather3A_2801 : vector<16xf32>
    %mul3A_2837 = arith.mulf %div3A_2825, %sub3A_2836 : vector<16xf32>
    %add3A_2838 = arith.addf %mul3A_2837, %gather3A_2801 : vector<16xf32>
    %sub3A_2839 = arith.subf %gather3A_2813, %gather3A_2805 : vector<16xf32>
    %mul3A_2840 = arith.mulf %div3A_2825, %sub3A_2839 : vector<16xf32>
    %add3A_2841 = arith.addf %mul3A_2840, %gather3A_2805 : vector<16xf32>
    %sub3A_2842 = arith.subf %add3A_2841, %add3A_2838 : vector<16xf32>
    %mul3A_2843 = arith.mulf %div3A_2835, %sub3A_2842 : vector<16xf32>
    %add3A_2844 = arith.addf %mul3A_2843, %add3A_2838 : vector<16xf32>
    %swap3A_2845 = arith.constant 432 : index
    %swap3A_2846 = tpu.vector_load %arg8[%swap3A_2845] {strides = array<i32>} : memref<512xf32, #tpu.memory_space<vmem>>, vector<16xf32>,
    tpu.vector_store %arg8[%swap3A_2845], %add3A_2844 {strides = array<i32>} : memref<512xf32, #tpu.memory_space<vmem>>, vector<16xf32>,
    %get3A_2847 = arith.constant 448 : index
    %get3A_2848 = tpu.vector_load %arg5[%get3A_2847] {strides = array<i32>} : memref<512xf32, #tpu.memory_space<vmem>>, vector<16xf32>,
    %get3A_2849 = arith.constant 448 : index
    %get3A_2850 = tpu.vector_load %arg6[%get3A_2849] {strides = array<i32>} : memref<512xf32, #tpu.memory_space<vmem>>, vector<16xf32>,
    %sub3A_2851 = arith.constant 1.000000e+02 : f32
    %sub3A_2852 = vector.broadcast %sub3A_2851 : f32 to vector<16xf32>
    %sub3A_2853 = arith.subf %get3A_2848, %sub3A_2852 : vector<16xf32>
    %mul3A_2854 = arith.constant 2.000000e-02 : f32
    %mul3A_2855 = vector.broadcast %mul3A_2854 : f32 to vector<16xf32>
    %mul3A_2856 = arith.mulf %sub3A_2853, %mul3A_2855 : vector<16xf32>
    %sub3A_2857 = arith.constant 2.000000e+02 : f32
    %sub3A_2858 = vector.broadcast %sub3A_2857 : f32 to vector<16xf32>
    %sub3A_2859 = arith.subf %get3A_2850, %sub3A_2858 : vector<16xf32>
    %mul3A_2860 = arith.constant 5.000000e-03 : f32
    %mul3A_2861 = vector.broadcast %mul3A_2860 : f32 to vector<16xf32>
    %mul3A_2862 = arith.mulf %sub3A_2859, %mul3A_2861 : vector<16xf32>
    %convert_element_type3A_2863 = arith.fptosi %mul3A_2856 : vector<16xf32> to vector<16xi32>
    %convert_element_type3A_2864 = arith.fptosi %mul3A_2862 : vector<16xf32> to vector<16xi32>
    %convert_element_type3A_2865 = arith.sitofp %convert_element_type3A_2863 : vector<16xi32> to vector<16xf32>
    %lt3A_2866 = arith.cmpf olt, %convert_element_type3A_2865, %mul3A_2856 : vector<16xf32>
    %jit3A_2867 = arith.constant 1 : i32
    %jit3A_2868 = arith.constant 0 : i32
    %broadcast_in_dim3A_2869 = vector.broadcast %jit3A_2867 : i32 to vector<16xi32>
    %broadcast_in_dim3A_2870 = vector.broadcast %jit3A_2868 : i32 to vector<16xi32>
    %select_n3A_2871 = arith.select %lt3A_2866, %broadcast_in_dim3A_2869, %broadcast_in_dim3A_2870 : vector<16xi1>, vector<16xi32>
    %add3A_2872 = arith.addi %convert_element_type3A_2863, %select_n3A_2871 : vector<16xi32>
    %convert_element_type3A_2873 = arith.sitofp %convert_element_type3A_2864 : vector<16xi32> to vector<16xf32>
    %lt3A_2874 = arith.cmpf olt, %convert_element_type3A_2873, %mul3A_2862 : vector<16xf32>
    %jit3A_2875 = arith.constant 1 : i32
    %jit3A_2876 = arith.constant 0 : i32
    %broadcast_in_dim3A_2877 = vector.broadcast %jit3A_2875 : i32 to vector<16xi32>
    %broadcast_in_dim3A_2878 = vector.broadcast %jit3A_2876 : i32 to vector<16xi32>
    %select_n3A_2879 = arith.select %lt3A_2874, %broadcast_in_dim3A_2877, %broadcast_in_dim3A_2878 : vector<16xi1>, vector<16xi32>
    %add3A_2880 = arith.addi %convert_element_type3A_2864, %select_n3A_2879 : vector<16xi32>
    %sub3A_2881 = arith.constant 1 : i32
    %sub3A_2882 = vector.broadcast %sub3A_2881 : i32 to vector<16xi32>
    %sub3A_2883 = arith.subi %add3A_2872, %sub3A_2882 : vector<16xi32>
    %jit3A_2884 = arith.constant 0 : i32
    %jit3A_2885 = arith.constant 8 : i32
    %max3A_2886 = vector.broadcast %jit3A_2884 : i32 to vector<16xi32>
    %max3A_2887 = arith.maxsi %max3A_2886, %sub3A_2883 : vector<16xi32>
    %min3A_2888 = vector.broadcast %jit3A_2885 : i32 to vector<16xi32>
    %min3A_2889 = arith.minsi %min3A_2888, %max3A_2887 : vector<16xi32>
    %sub3A_2890 = arith.constant 1 : i32
    %sub3A_2891 = vector.broadcast %sub3A_2890 : i32 to vector<16xi32>
    %sub3A_2892 = arith.subi %add3A_2880, %sub3A_2891 : vector<16xi32>
    %jit3A_2893 = arith.constant 0 : i32
    %jit3A_2894 = arith.constant 8 : i32
    %max3A_2895 = vector.broadcast %jit3A_2893 : i32 to vector<16xi32>
    %max3A_2896 = arith.maxsi %max3A_2895, %sub3A_2892 : vector<16xi32>
    %min3A_2897 = vector.broadcast %jit3A_2894 : i32 to vector<16xi32>
    %min3A_2898 = arith.minsi %min3A_2897, %max3A_2896 : vector<16xi32>
    %mul3A_2899 = arith.constant 10 : i32
    %mul3A_2900 = vector.broadcast %mul3A_2899 : i32 to vector<16xi32>
    %mul3A_2901 = arith.muli %min3A_2889, %mul3A_2900 : vector<16xi32>
    %add3A_2902 = arith.addi %mul3A_2901, %min3A_2898 : vector<16xi32>
    %gather3A_2903 = tpu.vector_load_idx %arg7[%add3A_2902] : memref<128xf32, #tpu.memory_space<vmem>>[vector<16xi32>], vector<16xf32>,
    %add3A_2904 = arith.constant 1 : i32
    %add3A_2905 = vector.broadcast %add3A_2904 : i32 to vector<16xi32>
    %add3A_2906 = arith.addi %add3A_2902, %add3A_2905 : vector<16xi32>
    %gather3A_2907 = tpu.vector_load_idx %arg7[%add3A_2906] : memref<128xf32, #tpu.memory_space<vmem>>[vector<16xi32>], vector<16xf32>,
    %add3A_2908 = arith.constant 10 : i32
    %add3A_2909 = vector.broadcast %add3A_2908 : i32 to vector<16xi32>
    %add3A_2910 = arith.addi %add3A_2902, %add3A_2909 : vector<16xi32>
    %gather3A_2911 = tpu.vector_load_idx %arg7[%add3A_2910] : memref<128xf32, #tpu.memory_space<vmem>>[vector<16xi32>], vector<16xf32>,
    %add3A_2912 = arith.constant 11 : i32
    %add3A_2913 = vector.broadcast %add3A_2912 : i32 to vector<16xi32>
    %add3A_2914 = arith.addi %add3A_2902, %add3A_2913 : vector<16xi32>
    %gather3A_2915 = tpu.vector_load_idx %arg7[%add3A_2914] : memref<128xf32, #tpu.memory_space<vmem>>[vector<16xi32>], vector<16xf32>,
    %convert_element_type3A_2916 = arith.sitofp %min3A_2889 : vector<16xi32> to vector<16xf32>
    %convert_element_type3A_2917 = arith.sitofp %min3A_2898 : vector<16xi32> to vector<16xf32>
    %mul3A_2918 = arith.constant 5.000000e+01 : f32
    %mul3A_2919 = vector.broadcast %mul3A_2918 : f32 to vector<16xf32>
    %mul3A_2920 = arith.mulf %mul3A_2919, %convert_element_type3A_2916 : vector<16xf32>
    %add3A_2921 = arith.constant 1.000000e+02 : f32
    %add3A_2922 = vector.broadcast %add3A_2921 : f32 to vector<16xf32>
    %add3A_2923 = arith.addf %add3A_2922, %mul3A_2920 : vector<16xf32>
    %sub3A_2924 = arith.subf %get3A_2848, %add3A_2923 : vector<16xf32>
    %div3A_2925 = arith.constant 5.000000e+01 : f32
    %div3A_2926 = vector.broadcast %div3A_2925 : f32 to vector<16xf32>
    %div3A_2927 = arith.divf %sub3A_2924, %div3A_2926 : vector<16xf32>
    %mul3A_2928 = arith.constant 2.000000e+02 : f32
    %mul3A_2929 = vector.broadcast %mul3A_2928 : f32 to vector<16xf32>
    %mul3A_2930 = arith.mulf %mul3A_2929, %convert_element_type3A_2917 : vector<16xf32>
    %add3A_2931 = arith.constant 2.000000e+02 : f32
    %add3A_2932 = vector.broadcast %add3A_2931 : f32 to vector<16xf32>
    %add3A_2933 = arith.addf %add3A_2932, %mul3A_2930 : vector<16xf32>
    %sub3A_2934 = arith.subf %get3A_2850, %add3A_2933 : vector<16xf32>
    %div3A_2935 = arith.constant 2.000000e+02 : f32
    %div3A_2936 = vector.broadcast %div3A_2935 : f32 to vector<16xf32>
    %div3A_2937 = arith.divf %sub3A_2934, %div3A_2936 : vector<16xf32>
    %sub3A_2938 = arith.subf %gather3A_2911, %gather3A_2903 : vector<16xf32>
    %mul3A_2939 = arith.mulf %div3A_2927, %sub3A_2938 : vector<16xf32>
    %add3A_2940 = arith.addf %mul3A_2939, %gather3A_2903 : vector<16xf32>
    %sub3A_2941 = arith.subf %gather3A_2915, %gather3A_2907 : vector<16xf32>
    %mul3A_2942 = arith.mulf %div3A_2927, %sub3A_2941 : vector<16xf32>
    %add3A_2943 = arith.addf %mul3A_2942, %gather3A_2907 : vector<16xf32>
    %sub3A_2944 = arith.subf %add3A_2943, %add3A_2940 : vector<16xf32>
    %mul3A_2945 = arith.mulf %div3A_2937, %sub3A_2944 : vector<16xf32>
    %add3A_2946 = arith.addf %mul3A_2945, %add3A_2940 : vector<16xf32>
    %swap3A_2947 = arith.constant 448 : index
    %swap3A_2948 = tpu.vector_load %arg8[%swap3A_2947] {strides = array<i32>} : memref<512xf32, #tpu.memory_space<vmem>>, vector<16xf32>,
    tpu.vector_store %arg8[%swap3A_2947], %add3A_2946 {strides = array<i32>} : memref<512xf32, #tpu.memory_space<vmem>>, vector<16xf32>,
    %get3A_2949 = arith.constant 464 : index
    %get3A_2950 = tpu.vector_load %arg5[%get3A_2949] {strides = array<i32>} : memref<512xf32, #tpu.memory_space<vmem>>, vector<16xf32>,
    %get3A_2951 = arith.constant 464 : index
    %get3A_2952 = tpu.vector_load %arg6[%get3A_2951] {strides = array<i32>} : memref<512xf32, #tpu.memory_space<vmem>>, vector<16xf32>,
    %sub3A_2953 = arith.constant 1.000000e+02 : f32
    %sub3A_2954 = vector.broadcast %sub3A_2953 : f32 to vector<16xf32>
    %sub3A_2955 = arith.subf %get3A_2950, %sub3A_2954 : vector<16xf32>
    %mul3A_2956 = arith.constant 2.000000e-02 : f32
    %mul3A_2957 = vector.broadcast %mul3A_2956 : f32 to vector<16xf32>
    %mul3A_2958 = arith.mulf %sub3A_2955, %mul3A_2957 : vector<16xf32>
    %sub3A_2959 = arith.constant 2.000000e+02 : f32
    %sub3A_2960 = vector.broadcast %sub3A_2959 : f32 to vector<16xf32>
    %sub3A_2961 = arith.subf %get3A_2952, %sub3A_2960 : vector<16xf32>
    %mul3A_2962 = arith.constant 5.000000e-03 : f32
    %mul3A_2963 = vector.broadcast %mul3A_2962 : f32 to vector<16xf32>
    %mul3A_2964 = arith.mulf %sub3A_2961, %mul3A_2963 : vector<16xf32>
    %convert_element_type3A_2965 = arith.fptosi %mul3A_2958 : vector<16xf32> to vector<16xi32>
    %convert_element_type3A_2966 = arith.fptosi %mul3A_2964 : vector<16xf32> to vector<16xi32>
    %convert_element_type3A_2967 = arith.sitofp %convert_element_type3A_2965 : vector<16xi32> to vector<16xf32>
    %lt3A_2968 = arith.cmpf olt, %convert_element_type3A_2967, %mul3A_2958 : vector<16xf32>
    %jit3A_2969 = arith.constant 1 : i32
    %jit3A_2970 = arith.constant 0 : i32
    %broadcast_in_dim3A_2971 = vector.broadcast %jit3A_2969 : i32 to vector<16xi32>
    %broadcast_in_dim3A_2972 = vector.broadcast %jit3A_2970 : i32 to vector<16xi32>
    %select_n3A_2973 = arith.select %lt3A_2968, %broadcast_in_dim3A_2971, %broadcast_in_dim3A_2972 : vector<16xi1>, vector<16xi32>
    %add3A_2974 = arith.addi %convert_element_type3A_2965, %select_n3A_2973 : vector<16xi32>
    %convert_element_type3A_2975 = arith.sitofp %convert_element_type3A_2966 : vector<16xi32> to vector<16xf32>
    %lt3A_2976 = arith.cmpf olt, %convert_element_type3A_2975, %mul3A_2964 : vector<16xf32>
    %jit3A_2977 = arith.constant 1 : i32
    %jit3A_2978 = arith.constant 0 : i32
    %broadcast_in_dim3A_2979 = vector.broadcast %jit3A_2977 : i32 to vector<16xi32>
    %broadcast_in_dim3A_2980 = vector.broadcast %jit3A_2978 : i32 to vector<16xi32>
    %select_n3A_2981 = arith.select %lt3A_2976, %broadcast_in_dim3A_2979, %broadcast_in_dim3A_2980 : vector<16xi1>, vector<16xi32>
    %add3A_2982 = arith.addi %convert_element_type3A_2966, %select_n3A_2981 : vector<16xi32>
    %sub3A_2983 = arith.constant 1 : i32
    %sub3A_2984 = vector.broadcast %sub3A_2983 : i32 to vector<16xi32>
    %sub3A_2985 = arith.subi %add3A_2974, %sub3A_2984 : vector<16xi32>
    %jit3A_2986 = arith.constant 0 : i32
    %jit3A_2987 = arith.constant 8 : i32
    %max3A_2988 = vector.broadcast %jit3A_2986 : i32 to vector<16xi32>
    %max3A_2989 = arith.maxsi %max3A_2988, %sub3A_2985 : vector<16xi32>
    %min3A_2990 = vector.broadcast %jit3A_2987 : i32 to vector<16xi32>
    %min3A_2991 = arith.minsi %min3A_2990, %max3A_2989 : vector<16xi32>
    %sub3A_2992 = arith.constant 1 : i32
    %sub3A_2993 = vector.broadcast %sub3A_2992 : i32 to vector<16xi32>
    %sub3A_2994 = arith.subi %add3A_2982, %sub3A_2993 : vector<16xi32>
    %jit3A_2995 = arith.constant 0 : i32
    %jit3A_2996 = arith.constant 8 : i32
    %max3A_2997 = vector.broadcast %jit3A_2995 : i32 to vector<16xi32>
    %max3A_2998 = arith.maxsi %max3A_2997, %sub3A_2994 : vector<16xi32>
    %min3A_2999 = vector.broadcast %jit3A_2996 : i32 to vector<16xi32>
    %min3A_3000 = arith.minsi %min3A_2999, %max3A_2998 : vector<16xi32>
    %mul3A_3001 = arith.constant 10 : i32
    %mul3A_3002 = vector.broadcast %mul3A_3001 : i32 to vector<16xi32>
    %mul3A_3003 = arith.muli %min3A_2991, %mul3A_3002 : vector<16xi32>
    %add3A_3004 = arith.addi %mul3A_3003, %min3A_3000 : vector<16xi32>
    %gather3A_3005 = tpu.vector_load_idx %arg7[%add3A_3004] : memref<128xf32, #tpu.memory_space<vmem>>[vector<16xi32>], vector<16xf32>,
    %add3A_3006 = arith.constant 1 : i32
    %add3A_3007 = vector.broadcast %add3A_3006 : i32 to vector<16xi32>
    %add3A_3008 = arith.addi %add3A_3004, %add3A_3007 : vector<16xi32>
    %gather3A_3009 = tpu.vector_load_idx %arg7[%add3A_3008] : memref<128xf32, #tpu.memory_space<vmem>>[vector<16xi32>], vector<16xf32>,
    %add3A_3010 = arith.constant 10 : i32
    %add3A_3011 = vector.broadcast %add3A_3010 : i32 to vector<16xi32>
    %add3A_3012 = arith.addi %add3A_3004, %add3A_3011 : vector<16xi32>
    %gather3A_3013 = tpu.vector_load_idx %arg7[%add3A_3012] : memref<128xf32, #tpu.memory_space<vmem>>[vector<16xi32>], vector<16xf32>,
    %add3A_3014 = arith.constant 11 : i32
    %add3A_3015 = vector.broadcast %add3A_3014 : i32 to vector<16xi32>
    %add3A_3016 = arith.addi %add3A_3004, %add3A_3015 : vector<16xi32>
    %gather3A_3017 = tpu.vector_load_idx %arg7[%add3A_3016] : memref<128xf32, #tpu.memory_space<vmem>>[vector<16xi32>], vector<16xf32>,
    %convert_element_type3A_3018 = arith.sitofp %min3A_2991 : vector<16xi32> to vector<16xf32>
    %convert_element_type3A_3019 = arith.sitofp %min3A_3000 : vector<16xi32> to vector<16xf32>
    %mul3A_3020 = arith.constant 5.000000e+01 : f32
    %mul3A_3021 = vector.broadcast %mul3A_3020 : f32 to vector<16xf32>
    %mul3A_3022 = arith.mulf %mul3A_3021, %convert_element_type3A_3018 : vector<16xf32>
    %add3A_3023 = arith.constant 1.000000e+02 : f32
    %add3A_3024 = vector.broadcast %add3A_3023 : f32 to vector<16xf32>
    %add3A_3025 = arith.addf %add3A_3024, %mul3A_3022 : vector<16xf32>
    %sub3A_3026 = arith.subf %get3A_2950, %add3A_3025 : vector<16xf32>
    %div3A_3027 = arith.constant 5.000000e+01 : f32
    %div3A_3028 = vector.broadcast %div3A_3027 : f32 to vector<16xf32>
    %div3A_3029 = arith.divf %sub3A_3026, %div3A_3028 : vector<16xf32>
    %mul3A_3030 = arith.constant 2.000000e+02 : f32
    %mul3A_3031 = vector.broadcast %mul3A_3030 : f32 to vector<16xf32>
    %mul3A_3032 = arith.mulf %mul3A_3031, %convert_element_type3A_3019 : vector<16xf32>
    %add3A_3033 = arith.constant 2.000000e+02 : f32
    %add3A_3034 = vector.broadcast %add3A_3033 : f32 to vector<16xf32>
    %add3A_3035 = arith.addf %add3A_3034, %mul3A_3032 : vector<16xf32>
    %sub3A_3036 = arith.subf %get3A_2952, %add3A_3035 : vector<16xf32>
    %div3A_3037 = arith.constant 2.000000e+02 : f32
    %div3A_3038 = vector.broadcast %div3A_3037 : f32 to vector<16xf32>
    %div3A_3039 = arith.divf %sub3A_3036, %div3A_3038 : vector<16xf32>
    %sub3A_3040 = arith.subf %gather3A_3013, %gather3A_3005 : vector<16xf32>
    %mul3A_3041 = arith.mulf %div3A_3029, %sub3A_3040 : vector<16xf32>
    %add3A_3042 = arith.addf %mul3A_3041, %gather3A_3005 : vector<16xf32>
    %sub3A_3043 = arith.subf %gather3A_3017, %gather3A_3009 : vector<16xf32>
    %mul3A_3044 = arith.mulf %div3A_3029, %sub3A_3043 : vector<16xf32>
    %add3A_3045 = arith.addf %mul3A_3044, %gather3A_3009 : vector<16xf32>
    %sub3A_3046 = arith.subf %add3A_3045, %add3A_3042 : vector<16xf32>
    %mul3A_3047 = arith.mulf %div3A_3039, %sub3A_3046 : vector<16xf32>
    %add3A_3048 = arith.addf %mul3A_3047, %add3A_3042 : vector<16xf32>
    %swap3A_3049 = arith.constant 464 : index
    %swap3A_3050 = tpu.vector_load %arg8[%swap3A_3049] {strides = array<i32>} : memref<512xf32, #tpu.memory_space<vmem>>, vector<16xf32>,
    tpu.vector_store %arg8[%swap3A_3049], %add3A_3048 {strides = array<i32>} : memref<512xf32, #tpu.memory_space<vmem>>, vector<16xf32>,
    %get3A_3051 = arith.constant 480 : index
    %get3A_3052 = tpu.vector_load %arg5[%get3A_3051] {strides = array<i32>} : memref<512xf32, #tpu.memory_space<vmem>>, vector<16xf32>,
    %get3A_3053 = arith.constant 480 : index
    %get3A_3054 = tpu.vector_load %arg6[%get3A_3053] {strides = array<i32>} : memref<512xf32, #tpu.memory_space<vmem>>, vector<16xf32>,
    %sub3A_3055 = arith.constant 1.000000e+02 : f32
    %sub3A_3056 = vector.broadcast %sub3A_3055 : f32 to vector<16xf32>
    %sub3A_3057 = arith.subf %get3A_3052, %sub3A_3056 : vector<16xf32>
    %mul3A_3058 = arith.constant 2.000000e-02 : f32
    %mul3A_3059 = vector.broadcast %mul3A_3058 : f32 to vector<16xf32>
    %mul3A_3060 = arith.mulf %sub3A_3057, %mul3A_3059 : vector<16xf32>
    %sub3A_3061 = arith.constant 2.000000e+02 : f32
    %sub3A_3062 = vector.broadcast %sub3A_3061 : f32 to vector<16xf32>
    %sub3A_3063 = arith.subf %get3A_3054, %sub3A_3062 : vector<16xf32>
    %mul3A_3064 = arith.constant 5.000000e-03 : f32
    %mul3A_3065 = vector.broadcast %mul3A_3064 : f32 to vector<16xf32>
    %mul3A_3066 = arith.mulf %sub3A_3063, %mul3A_3065 : vector<16xf32>
    %convert_element_type3A_3067 = arith.fptosi %mul3A_3060 : vector<16xf32> to vector<16xi32>
    %convert_element_type3A_3068 = arith.fptosi %mul3A_3066 : vector<16xf32> to vector<16xi32>
    %convert_element_type3A_3069 = arith.sitofp %convert_element_type3A_3067 : vector<16xi32> to vector<16xf32>
    %lt3A_3070 = arith.cmpf olt, %convert_element_type3A_3069, %mul3A_3060 : vector<16xf32>
    %jit3A_3071 = arith.constant 1 : i32
    %jit3A_3072 = arith.constant 0 : i32
    %broadcast_in_dim3A_3073 = vector.broadcast %jit3A_3071 : i32 to vector<16xi32>
    %broadcast_in_dim3A_3074 = vector.broadcast %jit3A_3072 : i32 to vector<16xi32>
    %select_n3A_3075 = arith.select %lt3A_3070, %broadcast_in_dim3A_3073, %broadcast_in_dim3A_3074 : vector<16xi1>, vector<16xi32>
    %add3A_3076 = arith.addi %convert_element_type3A_3067, %select_n3A_3075 : vector<16xi32>
    %convert_element_type3A_3077 = arith.sitofp %convert_element_type3A_3068 : vector<16xi32> to vector<16xf32>
    %lt3A_3078 = arith.cmpf olt, %convert_element_type3A_3077, %mul3A_3066 : vector<16xf32>
    %jit3A_3079 = arith.constant 1 : i32
    %jit3A_3080 = arith.constant 0 : i32
    %broadcast_in_dim3A_3081 = vector.broadcast %jit3A_3079 : i32 to vector<16xi32>
    %broadcast_in_dim3A_3082 = vector.broadcast %jit3A_3080 : i32 to vector<16xi32>
    %select_n3A_3083 = arith.select %lt3A_3078, %broadcast_in_dim3A_3081, %broadcast_in_dim3A_3082 : vector<16xi1>, vector<16xi32>
    %add3A_3084 = arith.addi %convert_element_type3A_3068, %select_n3A_3083 : vector<16xi32>
    %sub3A_3085 = arith.constant 1 : i32
    %sub3A_3086 = vector.broadcast %sub3A_3085 : i32 to vector<16xi32>
    %sub3A_3087 = arith.subi %add3A_3076, %sub3A_3086 : vector<16xi32>
    %jit3A_3088 = arith.constant 0 : i32
    %jit3A_3089 = arith.constant 8 : i32
    %max3A_3090 = vector.broadcast %jit3A_3088 : i32 to vector<16xi32>
    %max3A_3091 = arith.maxsi %max3A_3090, %sub3A_3087 : vector<16xi32>
    %min3A_3092 = vector.broadcast %jit3A_3089 : i32 to vector<16xi32>
    %min3A_3093 = arith.minsi %min3A_3092, %max3A_3091 : vector<16xi32>
    %sub3A_3094 = arith.constant 1 : i32
    %sub3A_3095 = vector.broadcast %sub3A_3094 : i32 to vector<16xi32>
    %sub3A_3096 = arith.subi %add3A_3084, %sub3A_3095 : vector<16xi32>
    %jit3A_3097 = arith.constant 0 : i32
    %jit3A_3098 = arith.constant 8 : i32
    %max3A_3099 = vector.broadcast %jit3A_3097 : i32 to vector<16xi32>
    %max3A_3100 = arith.maxsi %max3A_3099, %sub3A_3096 : vector<16xi32>
    %min3A_3101 = vector.broadcast %jit3A_3098 : i32 to vector<16xi32>
    %min3A_3102 = arith.minsi %min3A_3101, %max3A_3100 : vector<16xi32>
    %mul3A_3103 = arith.constant 10 : i32
    %mul3A_3104 = vector.broadcast %mul3A_3103 : i32 to vector<16xi32>
    %mul3A_3105 = arith.muli %min3A_3093, %mul3A_3104 : vector<16xi32>
    %add3A_3106 = arith.addi %mul3A_3105, %min3A_3102 : vector<16xi32>
    %gather3A_3107 = tpu.vector_load_idx %arg7[%add3A_3106] : memref<128xf32, #tpu.memory_space<vmem>>[vector<16xi32>], vector<16xf32>,
    %add3A_3108 = arith.constant 1 : i32
    %add3A_3109 = vector.broadcast %add3A_3108 : i32 to vector<16xi32>
    %add3A_3110 = arith.addi %add3A_3106, %add3A_3109 : vector<16xi32>
    %gather3A_3111 = tpu.vector_load_idx %arg7[%add3A_3110] : memref<128xf32, #tpu.memory_space<vmem>>[vector<16xi32>], vector<16xf32>,
    %add3A_3112 = arith.constant 10 : i32
    %add3A_3113 = vector.broadcast %add3A_3112 : i32 to vector<16xi32>
    %add3A_3114 = arith.addi %add3A_3106, %add3A_3113 : vector<16xi32>
    %gather3A_3115 = tpu.vector_load_idx %arg7[%add3A_3114] : memref<128xf32, #tpu.memory_space<vmem>>[vector<16xi32>], vector<16xf32>,
    %add3A_3116 = arith.constant 11 : i32
    %add3A_3117 = vector.broadcast %add3A_3116 : i32 to vector<16xi32>
    %add3A_3118 = arith.addi %add3A_3106, %add3A_3117 : vector<16xi32>
    %gather3A_3119 = tpu.vector_load_idx %arg7[%add3A_3118] : memref<128xf32, #tpu.memory_space<vmem>>[vector<16xi32>], vector<16xf32>,
    %convert_element_type3A_3120 = arith.sitofp %min3A_3093 : vector<16xi32> to vector<16xf32>
    %convert_element_type3A_3121 = arith.sitofp %min3A_3102 : vector<16xi32> to vector<16xf32>
    %mul3A_3122 = arith.constant 5.000000e+01 : f32
    %mul3A_3123 = vector.broadcast %mul3A_3122 : f32 to vector<16xf32>
    %mul3A_3124 = arith.mulf %mul3A_3123, %convert_element_type3A_3120 : vector<16xf32>
    %add3A_3125 = arith.constant 1.000000e+02 : f32
    %add3A_3126 = vector.broadcast %add3A_3125 : f32 to vector<16xf32>
    %add3A_3127 = arith.addf %add3A_3126, %mul3A_3124 : vector<16xf32>
    %sub3A_3128 = arith.subf %get3A_3052, %add3A_3127 : vector<16xf32>
    %div3A_3129 = arith.constant 5.000000e+01 : f32
    %div3A_3130 = vector.broadcast %div3A_3129 : f32 to vector<16xf32>
    %div3A_3131 = arith.divf %sub3A_3128, %div3A_3130 : vector<16xf32>
    %mul3A_3132 = arith.constant 2.000000e+02 : f32
    %mul3A_3133 = vector.broadcast %mul3A_3132 : f32 to vector<16xf32>
    %mul3A_3134 = arith.mulf %mul3A_3133, %convert_element_type3A_3121 : vector<16xf32>
    %add3A_3135 = arith.constant 2.000000e+02 : f32
    %add3A_3136 = vector.broadcast %add3A_3135 : f32 to vector<16xf32>
    %add3A_3137 = arith.addf %add3A_3136, %mul3A_3134 : vector<16xf32>
    %sub3A_3138 = arith.subf %get3A_3054, %add3A_3137 : vector<16xf32>
    %div3A_3139 = arith.constant 2.000000e+02 : f32
    %div3A_3140 = vector.broadcast %div3A_3139 : f32 to vector<16xf32>
    %div3A_3141 = arith.divf %sub3A_3138, %div3A_3140 : vector<16xf32>
    %sub3A_3142 = arith.subf %gather3A_3115, %gather3A_3107 : vector<16xf32>
    %mul3A_3143 = arith.mulf %div3A_3131, %sub3A_3142 : vector<16xf32>
    %add3A_3144 = arith.addf %mul3A_3143, %gather3A_3107 : vector<16xf32>
    %sub3A_3145 = arith.subf %gather3A_3119, %gather3A_3111 : vector<16xf32>
    %mul3A_3146 = arith.mulf %div3A_3131, %sub3A_3145 : vector<16xf32>
    %add3A_3147 = arith.addf %mul3A_3146, %gather3A_3111 : vector<16xf32>
    %sub3A_3148 = arith.subf %add3A_3147, %add3A_3144 : vector<16xf32>
    %mul3A_3149 = arith.mulf %div3A_3141, %sub3A_3148 : vector<16xf32>
    %add3A_3150 = arith.addf %mul3A_3149, %add3A_3144 : vector<16xf32>
    %swap3A_3151 = arith.constant 480 : index
    %swap3A_3152 = tpu.vector_load %arg8[%swap3A_3151] {strides = array<i32>} : memref<512xf32, #tpu.memory_space<vmem>>, vector<16xf32>,
    tpu.vector_store %arg8[%swap3A_3151], %add3A_3150 {strides = array<i32>} : memref<512xf32, #tpu.memory_space<vmem>>, vector<16xf32>,
    %get3A_3153 = arith.constant 496 : index
    %get3A_3154 = tpu.vector_load %arg5[%get3A_3153] {strides = array<i32>} : memref<512xf32, #tpu.memory_space<vmem>>, vector<16xf32>,
    %get3A_3155 = arith.constant 496 : index
    %get3A_3156 = tpu.vector_load %arg6[%get3A_3155] {strides = array<i32>} : memref<512xf32, #tpu.memory_space<vmem>>, vector<16xf32>,
    %sub3A_3157 = arith.constant 1.000000e+02 : f32
    %sub3A_3158 = vector.broadcast %sub3A_3157 : f32 to vector<16xf32>
    %sub3A_3159 = arith.subf %get3A_3154, %sub3A_3158 : vector<16xf32>
    %mul3A_3160 = arith.constant 2.000000e-02 : f32
    %mul3A_3161 = vector.broadcast %mul3A_3160 : f32 to vector<16xf32>
    %mul3A_3162 = arith.mulf %sub3A_3159, %mul3A_3161 : vector<16xf32>
    %sub3A_3163 = arith.constant 2.000000e+02 : f32
    %sub3A_3164 = vector.broadcast %sub3A_3163 : f32 to vector<16xf32>
    %sub3A_3165 = arith.subf %get3A_3156, %sub3A_3164 : vector<16xf32>
    %mul3A_3166 = arith.constant 5.000000e-03 : f32
    %mul3A_3167 = vector.broadcast %mul3A_3166 : f32 to vector<16xf32>
    %mul3A_3168 = arith.mulf %sub3A_3165, %mul3A_3167 : vector<16xf32>
    %convert_element_type3A_3169 = arith.fptosi %mul3A_3162 : vector<16xf32> to vector<16xi32>
    %convert_element_type3A_3170 = arith.fptosi %mul3A_3168 : vector<16xf32> to vector<16xi32>
    %convert_element_type3A_3171 = arith.sitofp %convert_element_type3A_3169 : vector<16xi32> to vector<16xf32>
    %lt3A_3172 = arith.cmpf olt, %convert_element_type3A_3171, %mul3A_3162 : vector<16xf32>
    %jit3A_3173 = arith.constant 1 : i32
    %jit3A_3174 = arith.constant 0 : i32
    %broadcast_in_dim3A_3175 = vector.broadcast %jit3A_3173 : i32 to vector<16xi32>
    %broadcast_in_dim3A_3176 = vector.broadcast %jit3A_3174 : i32 to vector<16xi32>
    %select_n3A_3177 = arith.select %lt3A_3172, %broadcast_in_dim3A_3175, %broadcast_in_dim3A_3176 : vector<16xi1>, vector<16xi32>
    %add3A_3178 = arith.addi %convert_element_type3A_3169, %select_n3A_3177 : vector<16xi32>
    %convert_element_type3A_3179 = arith.sitofp %convert_element_type3A_3170 : vector<16xi32> to vector<16xf32>
    %lt3A_3180 = arith.cmpf olt, %convert_element_type3A_3179, %mul3A_3168 : vector<16xf32>
    %jit3A_3181 = arith.constant 1 : i32
    %jit3A_3182 = arith.constant 0 : i32
    %broadcast_in_dim3A_3183 = vector.broadcast %jit3A_3181 : i32 to vector<16xi32>
    %broadcast_in_dim3A_3184 = vector.broadcast %jit3A_3182 : i32 to vector<16xi32>
    %select_n3A_3185 = arith.select %lt3A_3180, %broadcast_in_dim3A_3183, %broadcast_in_dim3A_3184 : vector<16xi1>, vector<16xi32>
    %add3A_3186 = arith.addi %convert_element_type3A_3170, %select_n3A_3185 : vector<16xi32>
    %sub3A_3187 = arith.constant 1 : i32
    %sub3A_3188 = vector.broadcast %sub3A_3187 : i32 to vector<16xi32>
    %sub3A_3189 = arith.subi %add3A_3178, %sub3A_3188 : vector<16xi32>
    %jit3A_3190 = arith.constant 0 : i32
    %jit3A_3191 = arith.constant 8 : i32
    %max3A_3192 = vector.broadcast %jit3A_3190 : i32 to vector<16xi32>
    %max3A_3193 = arith.maxsi %max3A_3192, %sub3A_3189 : vector<16xi32>
    %min3A_3194 = vector.broadcast %jit3A_3191 : i32 to vector<16xi32>
    %min3A_3195 = arith.minsi %min3A_3194, %max3A_3193 : vector<16xi32>
    %sub3A_3196 = arith.constant 1 : i32
    %sub3A_3197 = vector.broadcast %sub3A_3196 : i32 to vector<16xi32>
    %sub3A_3198 = arith.subi %add3A_3186, %sub3A_3197 : vector<16xi32>
    %jit3A_3199 = arith.constant 0 : i32
    %jit3A_3200 = arith.constant 8 : i32
    %max3A_3201 = vector.broadcast %jit3A_3199 : i32 to vector<16xi32>
    %max3A_3202 = arith.maxsi %max3A_3201, %sub3A_3198 : vector<16xi32>
    %min3A_3203 = vector.broadcast %jit3A_3200 : i32 to vector<16xi32>
    %min3A_3204 = arith.minsi %min3A_3203, %max3A_3202 : vector<16xi32>
    %mul3A_3205 = arith.constant 10 : i32
    %mul3A_3206 = vector.broadcast %mul3A_3205 : i32 to vector<16xi32>
    %mul3A_3207 = arith.muli %min3A_3195, %mul3A_3206 : vector<16xi32>
    %add3A_3208 = arith.addi %mul3A_3207, %min3A_3204 : vector<16xi32>
    %gather3A_3209 = tpu.vector_load_idx %arg7[%add3A_3208] : memref<128xf32, #tpu.memory_space<vmem>>[vector<16xi32>], vector<16xf32>,
    %add3A_3210 = arith.constant 1 : i32
    %add3A_3211 = vector.broadcast %add3A_3210 : i32 to vector<16xi32>
    %add3A_3212 = arith.addi %add3A_3208, %add3A_3211 : vector<16xi32>
    %gather3A_3213 = tpu.vector_load_idx %arg7[%add3A_3212] : memref<128xf32, #tpu.memory_space<vmem>>[vector<16xi32>], vector<16xf32>,
    %add3A_3214 = arith.constant 10 : i32
    %add3A_3215 = vector.broadcast %add3A_3214 : i32 to vector<16xi32>
    %add3A_3216 = arith.addi %add3A_3208, %add3A_3215 : vector<16xi32>
    %gather3A_3217 = tpu.vector_load_idx %arg7[%add3A_3216] : memref<128xf32, #tpu.memory_space<vmem>>[vector<16xi32>], vector<16xf32>,
    %add3A_3218 = arith.constant 11 : i32
    %add3A_3219 = vector.broadcast %add3A_3218 : i32 to vector<16xi32>
    %add3A_3220 = arith.addi %add3A_3208, %add3A_3219 : vector<16xi32>
    %gather3A_3221 = tpu.vector_load_idx %arg7[%add3A_3220] : memref<128xf32, #tpu.memory_space<vmem>>[vector<16xi32>], vector<16xf32>,
    %convert_element_type3A_3222 = arith.sitofp %min3A_3195 : vector<16xi32> to vector<16xf32>
    %convert_element_type3A_3223 = arith.sitofp %min3A_3204 : vector<16xi32> to vector<16xf32>
    %mul3A_3224 = arith.constant 5.000000e+01 : f32
    %mul3A_3225 = vector.broadcast %mul3A_3224 : f32 to vector<16xf32>
    %mul3A_3226 = arith.mulf %mul3A_3225, %convert_element_type3A_3222 : vector<16xf32>
    %add3A_3227 = arith.constant 1.000000e+02 : f32
    %add3A_3228 = vector.broadcast %add3A_3227 : f32 to vector<16xf32>
    %add3A_3229 = arith.addf %add3A_3228, %mul3A_3226 : vector<16xf32>
    %sub3A_3230 = arith.subf %get3A_3154, %add3A_3229 : vector<16xf32>
    %div3A_3231 = arith.constant 5.000000e+01 : f32
    %div3A_3232 = vector.broadcast %div3A_3231 : f32 to vector<16xf32>
    %div3A_3233 = arith.divf %sub3A_3230, %div3A_3232 : vector<16xf32>
    %mul3A_3234 = arith.constant 2.000000e+02 : f32
    %mul3A_3235 = vector.broadcast %mul3A_3234 : f32 to vector<16xf32>
    %mul3A_3236 = arith.mulf %mul3A_3235, %convert_element_type3A_3223 : vector<16xf32>
    %add3A_3237 = arith.constant 2.000000e+02 : f32
    %add3A_3238 = vector.broadcast %add3A_3237 : f32 to vector<16xf32>
    %add3A_3239 = arith.addf %add3A_3238, %mul3A_3236 : vector<16xf32>
    %sub3A_3240 = arith.subf %get3A_3156, %add3A_3239 : vector<16xf32>
    %div3A_3241 = arith.constant 2.000000e+02 : f32
    %div3A_3242 = vector.broadcast %div3A_3241 : f32 to vector<16xf32>
    %div3A_3243 = arith.divf %sub3A_3240, %div3A_3242 : vector<16xf32>
    %sub3A_3244 = arith.subf %gather3A_3217, %gather3A_3209 : vector<16xf32>
    %mul3A_3245 = arith.mulf %div3A_3233, %sub3A_3244 : vector<16xf32>
    %add3A_3246 = arith.addf %mul3A_3245, %gather3A_3209 : vector<16xf32>
    %sub3A_3247 = arith.subf %gather3A_3221, %gather3A_3213 : vector<16xf32>
    %mul3A_3248 = arith.mulf %div3A_3233, %sub3A_3247 : vector<16xf32>
    %add3A_3249 = arith.addf %mul3A_3248, %gather3A_3213 : vector<16xf32>
    %sub3A_3250 = arith.subf %add3A_3249, %add3A_3246 : vector<16xf32>
    %mul3A_3251 = arith.mulf %div3A_3243, %sub3A_3250 : vector<16xf32>
    %add3A_3252 = arith.addf %mul3A_3251, %add3A_3246 : vector<16xf32>
    %swap3A_3253 = arith.constant 496 : index
    %swap3A_3254 = tpu.vector_load %arg8[%swap3A_3253] {strides = array<i32>} : memref<512xf32, #tpu.memory_space<vmem>>, vector<16xf32>,
    tpu.vector_store %arg8[%swap3A_3253], %add3A_3252 {strides = array<i32>} : memref<512xf32, #tpu.memory_space<vmem>>, vector<16xf32>,
    "tpu.region"() ({
      %run_scoped3A = tpu.sem_alloc : memref<!tpu.dma_semaphore, #tpu.memory_space<semaphore_mem>>
      %dma_start3A = tpu.memref_slice %arg4[%mul3A_2] : memref<16384xf32, #tpu.memory_space<hbm>> -> memref<512xf32, #tpu.memory_space<hbm>>
      %dma_start3A_3255 = tpu.memref_slice %arg4[%mul3A_2] : memref<16384xf32, #tpu.memory_space<hbm>> -> memref<512xf32, #tpu.memory_space<hbm>>
      tpu.enqueue_dma source(%arg8 : memref<512xf32, #tpu.memory_space<vmem>>) target(%dma_start3A_3255 : memref<512xf32, #tpu.memory_space<hbm>>) target_semaphore(%run_scoped3A : memref<!tpu.dma_semaphore, #tpu.memory_space<semaphore_mem>>)
      %dma_wait3A = tpu.memref_slice %arg4[%mul3A_2] : memref<16384xf32, #tpu.memory_space<hbm>> -> memref<512xf32, #tpu.memory_space<hbm>>
      %dma_wait3A_3256 = tpu.memref_slice %arg4[%mul3A_2] : memref<16384xf32, #tpu.memory_space<hbm>> -> memref<512xf32, #tpu.memory_space<hbm>>
      tpu.wait_dma2 semaphore(%run_scoped3A : memref<!tpu.dma_semaphore, #tpu.memory_space<semaphore_mem>>) src(%arg8 : memref<512xf32, #tpu.memory_space<vmem>>) dst(%dma_wait3A_3256 : memref<512xf32, #tpu.memory_space<hbm>>)
      tpu.yield
    }) : () -> ()
    return
  }
}

module attributes {stable_mosaic.version = 14 : i64} {
  func.func @_mlp_kernel(%arg0: i32, %arg1: memref<7x4096xf32, #tpu.memory_space<vmem>>, %arg2: memref<512x7xf32, #tpu.memory_space<vmem>>, %arg3: memref<1032x1xf32, #tpu.memory_space<vmem>>, %arg4: memref<256x256xf32, #tpu.memory_space<vmem>>, %arg5: memref<256x256xf32, #tpu.memory_space<vmem>>, %arg6: memref<1x256xf32, #tpu.memory_space<vmem>>, %arg7: memref<1x256xf32, #tpu.memory_space<vmem>>, %arg8: memref<2x4096xf32, #tpu.memory_space<vmem>>) attributes {dimension_semantics = [#tpu.dimension_semantics<arbitrary>], iteration_bounds = array<i64: 4>, scalar_prefetch = 0 : i64, scratch_operands = 0 : i64, tpu.core_type = #tpu.core_type<tc>, window_params = [{transform_indices = @transform_0, window_bounds = array<i64: 7, 4096>}, {pipeline_mode = #tpu.pipeline_mode<synchronous>, transform_indices = @transform_1, window_bounds = array<i64: 512, 7>}, {pipeline_mode = #tpu.pipeline_mode<synchronous>, transform_indices = @transform_2, window_bounds = array<i64: 1032, 1>}, {pipeline_mode = #tpu.pipeline_mode<synchronous>, transform_indices = @transform_3, window_bounds = array<i64: 256, 256>}, {pipeline_mode = #tpu.pipeline_mode<synchronous>, transform_indices = @transform_4, window_bounds = array<i64: 256, 256>}, {pipeline_mode = #tpu.pipeline_mode<synchronous>, transform_indices = @transform_5, window_bounds = array<i64: 1, 256>}, {pipeline_mode = #tpu.pipeline_mode<synchronous>, transform_indices = @transform_6, window_bounds = array<i64: 1, 256>}, {transform_indices = @transform_7, window_bounds = array<i64: 2, 4096>}]} {
    %get3A = arith.constant 0 : index
    %get3A_0 = arith.constant 0 : index
    %get3A_1 = vector.load %arg1[%get3A, %get3A_0] : memref<7x4096xf32, #tpu.memory_space<vmem>>, vector<7x4096xf32>
    %get3A_2 = arith.constant 0 : index
    %get3A_3 = arith.constant 0 : index
    %get3A_4 = vector.load %arg3[%get3A_2, %get3A_3] : memref<1032x1xf32, #tpu.memory_space<vmem>>, vector<512x1xf32>
    %get3A_5 = arith.constant 512 : index
    %get3A_6 = arith.constant 0 : index
    %get3A_7 = vector.load %arg3[%get3A_5, %get3A_6] : memref<1032x1xf32, #tpu.memory_space<vmem>>, vector<256x1xf32>
    %get3A_8 = arith.constant 768 : index
    %get3A_9 = arith.constant 0 : index
    %get3A_10 = vector.load %arg3[%get3A_8, %get3A_9] : memref<1032x1xf32, #tpu.memory_space<vmem>>, vector<256x1xf32>
    %get3A_11 = arith.constant 1024 : index
    %get3A_12 = arith.constant 0 : index
    %get3A_13 = vector.load %arg3[%get3A_11, %get3A_12] : memref<1032x1xf32, #tpu.memory_space<vmem>>, vector<2x1xf32>
    %get3A_14 = arith.constant 0 : index
    %get3A_15 = arith.constant 0 : index
    %get3A_16 = vector.load %arg2[%get3A_14, %get3A_15] : memref<512x7xf32, #tpu.memory_space<vmem>>, vector<512x7xf32>
    %dot_general3A = arith.constant dense<0.000000e+00> : vector<512x4096xf32>
    %dot_general3A_17 = tpu.matmul %get3A_16, %get3A_1, %dot_general3A {dimension_numbers = #tpu.dot_dimension_numbers<[1], [0], [0], [1], [0, 0, 1, 1], [], []>, transpose_lhs_hint = false} : vector<512x7xf32>, vector<7x4096xf32>, vector<512x4096xf32> -> vector<512x4096xf32>
    %add3A = vector.broadcast %get3A_4 : vector<512x1xf32> to vector<512x4096xf32>
    %add3A_18 = arith.addf %dot_general3A_17, %add3A : vector<512x4096xf32>
    %tanh3A = math.tanh %add3A_18 : vector<512x4096xf32>
    %get3A_19 = arith.constant 0 : index
    %get3A_20 = arith.constant 0 : index
    %get3A_21 = vector.load %arg4[%get3A_19, %get3A_20] : memref<256x256xf32, #tpu.memory_space<vmem>>, vector<256x256xf32>
    %slice3A = vector.extract_strided_slice %tanh3A {offsets = [0, 0], sizes = [256, 4096], strides = [1, 1]} : vector<512x4096xf32> to vector<256x4096xf32>
    %dot_general3A_22 = arith.constant dense<0.000000e+00> : vector<256x4096xf32>
    %dot_general3A_23 = tpu.matmul %get3A_21, %slice3A, %dot_general3A_22 {dimension_numbers = #tpu.dot_dimension_numbers<[1], [0], [0], [1], [0, 0, 1, 1], [], []>, transpose_lhs_hint = false} : vector<256x256xf32>, vector<256x4096xf32>, vector<256x4096xf32> -> vector<256x4096xf32>
    %add3A_24 = vector.broadcast %get3A_7 : vector<256x1xf32> to vector<256x4096xf32>
    %add3A_25 = arith.addf %dot_general3A_23, %add3A_24 : vector<256x4096xf32>
    %tanh3A_26 = math.tanh %add3A_25 : vector<256x4096xf32>
    %get3A_27 = arith.constant 0 : index
    %get3A_28 = arith.constant 0 : index
    %get3A_29 = vector.load %arg5[%get3A_27, %get3A_28] : memref<256x256xf32, #tpu.memory_space<vmem>>, vector<256x256xf32>
    %slice3A_30 = vector.extract_strided_slice %tanh3A {offsets = [256, 0], sizes = [256, 4096], strides = [1, 1]} : vector<512x4096xf32> to vector<256x4096xf32>
    %dot_general3A_31 = arith.constant dense<0.000000e+00> : vector<256x4096xf32>
    %dot_general3A_32 = tpu.matmul %get3A_29, %slice3A_30, %dot_general3A_31 {dimension_numbers = #tpu.dot_dimension_numbers<[1], [0], [0], [1], [0, 0, 1, 1], [], []>, transpose_lhs_hint = false} : vector<256x256xf32>, vector<256x4096xf32>, vector<256x4096xf32> -> vector<256x4096xf32>
    %add3A_33 = vector.broadcast %get3A_10 : vector<256x1xf32> to vector<256x4096xf32>
    %add3A_34 = arith.addf %dot_general3A_32, %add3A_33 : vector<256x4096xf32>
    %tanh3A_35 = math.tanh %add3A_34 : vector<256x4096xf32>
    %get3A_36 = arith.constant 0 : index
    %get3A_37 = arith.constant 0 : index
    %get3A_38 = vector.load %arg6[%get3A_36, %get3A_37] : memref<1x256xf32, #tpu.memory_space<vmem>>, vector<1x256xf32>
    %dot_general3A_39 = arith.constant dense<0.000000e+00> : vector<1x4096xf32>
    %dot_general3A_40 = tpu.matmul %get3A_38, %tanh3A_26, %dot_general3A_39 {dimension_numbers = #tpu.dot_dimension_numbers<[1], [0], [0], [1], [0, 0, 1, 1], [], []>, transpose_lhs_hint = false} : vector<1x256xf32>, vector<256x4096xf32>, vector<1x4096xf32> -> vector<1x4096xf32>
    %get3A_41 = arith.constant 0 : index
    %get3A_42 = arith.constant 0 : index
    %get3A_43 = vector.load %arg7[%get3A_41, %get3A_42] : memref<1x256xf32, #tpu.memory_space<vmem>>, vector<1x256xf32>
    %dot_general3A_44 = arith.constant dense<0.000000e+00> : vector<1x4096xf32>
    %dot_general3A_45 = tpu.matmul %get3A_43, %tanh3A_35, %dot_general3A_44 {dimension_numbers = #tpu.dot_dimension_numbers<[1], [0], [0], [1], [0, 0, 1, 1], [], []>, transpose_lhs_hint = false} : vector<1x256xf32>, vector<256x4096xf32>, vector<1x4096xf32> -> vector<1x4096xf32>
    %concatenate3A = tpu.concatenate %dot_general3A_40, %dot_general3A_45 in 0 : vector<1x4096xf32>, vector<1x4096xf32> -> vector<2x4096xf32>
    %add3A_46 = vector.broadcast %get3A_13 : vector<2x1xf32> to vector<2x4096xf32>
    %add3A_47 = arith.addf %concatenate3A, %add3A_46 : vector<2x4096xf32>
    %swap3A = arith.constant 0 : index
    %swap3A_48 = arith.constant 0 : index
    %swap3A_49 = vector.load %arg8[%swap3A, %swap3A_48] : memref<2x4096xf32, #tpu.memory_space<vmem>>, vector<2x4096xf32>
    tpu.vector_store %arg8[%swap3A, %swap3A_48], %add3A_47 {strides = array<i32>} : memref<2x4096xf32, #tpu.memory_space<vmem>>, vector<2x4096xf32>,
    return
  }
  func.func @transform_0(%arg0: i32) -> (i32, i32) {
    %c0_i32 = arith.constant 0 : i32
    %c0_i32_0 = arith.constant 0 : i32
    return %c0_i32, %arg0 : i32, i32
  }
  func.func @transform_1(%arg0: i32) -> (i32, i32) {
    %c0_i32 = arith.constant 0 : i32
    %c0_i32_0 = arith.constant 0 : i32
    %c0_i32_1 = arith.constant 0 : i32
    return %c0_i32, %c0_i32_0 : i32, i32
  }
  func.func @transform_2(%arg0: i32) -> (i32, i32) {
    %c0_i32 = arith.constant 0 : i32
    %c0_i32_0 = arith.constant 0 : i32
    %c0_i32_1 = arith.constant 0 : i32
    return %c0_i32, %c0_i32_0 : i32, i32
  }
  func.func @transform_3(%arg0: i32) -> (i32, i32) {
    %c0_i32 = arith.constant 0 : i32
    %c0_i32_0 = arith.constant 0 : i32
    %c0_i32_1 = arith.constant 0 : i32
    return %c0_i32, %c0_i32_0 : i32, i32
  }
  func.func @transform_4(%arg0: i32) -> (i32, i32) {
    %c0_i32 = arith.constant 0 : i32
    %c0_i32_0 = arith.constant 0 : i32
    %c0_i32_1 = arith.constant 0 : i32
    return %c0_i32, %c0_i32_0 : i32, i32
  }
  func.func @transform_5(%arg0: i32) -> (i32, i32) {
    %c0_i32 = arith.constant 0 : i32
    %c0_i32_0 = arith.constant 0 : i32
    %c0_i32_1 = arith.constant 0 : i32
    return %c0_i32, %c0_i32_0 : i32, i32
  }
  func.func @transform_6(%arg0: i32) -> (i32, i32) {
    %c0_i32 = arith.constant 0 : i32
    %c0_i32_0 = arith.constant 0 : i32
    %c0_i32_1 = arith.constant 0 : i32
    return %c0_i32, %c0_i32_0 : i32, i32
  }
  func.func @transform_7(%arg0: i32) -> (i32, i32) {
    %c0_i32 = arith.constant 0 : i32
    %c0_i32_0 = arith.constant 0 : i32
    return %c0_i32, %arg0 : i32, i32
  }
}

</mosaic_0001>

<sc_bundles>
// kernel: kernel.4.cloned.1.call-start
scs
__scs_entry_jumppad:
0x0: {  	(pc) =	sbr.rel $0x88, $3  }
0x1: {  	(tag) =	ssettag $0x0;
	lr =	simm.s32 $0x1  }
0x2: {  	[smem:$0x3F94] =	sst lr;
	_ =	strace $0xD0000000  }
0x3: {  	_ = 	snop  }
0x4: {  	_ = 	snop  }
0x5: {  	_ = 	snop  }
0x6: {  	_ = 	snop  }
0x7: {  	_ = 	snop  }
__scs_overlays_trampoline_lowered:
0x8: {  	[smem:$0x3FA3] =	sst s0  }
0x9: {  	[smem:$0x3FA4] =	sst s1  }
0xa: {  	[smem:$0x3FA5] =	sst s2  }
0xb: {  	[smem:$0x3FA6] =	sst s3  }
0xc: {  	[smem:$0x3FA7] =	sst s4  }
0xd: {  	[smem:$0x3FA8] =	sst s5  }
0xe: {  	[smem:$0x3FA9] =	sst s6  }
0xf: {  	[smem:$0x3FAA] =	sst s7  }
0x10: {  	[smem:$0x3FAB] =	sst s8  }
0x11: {  	[smem:$0x3FAC] =	sst s9;
	s0 =	simm.s32 @!p0 $0x0  }
0x12: {  	s1 =	sld [smem:$0x3F92];
	s0 =	simm.s32 @p0 $0x1  }
0x13: {  	[smem:$0x3FAD] =	sst s0;
	s0 =	simm.s32 @!p1 $0x0  }
0x14: {  	s2 =	sld [smem:$0x3F91];
	s0 =	simm.s32 @p1 $0x1  }
0x15: {  	[smem:$0x3FAE] =	sst s0;
	s0 =	simm.s32 @!p2 $0x0  }
0x16: {  	s3 =	sld [smem:$0x3FDB];
	s0 =	simm.s32 @p2 $0x1  }
0x17: {  	s4 =	simm.s32 $0x1BF5;
	[smem:$0x3FB0] =	sst s0  }
0x18: {  	s0 =	sld [smem:$0x3F93];
	_ =	swait.ge [sflag:s4], $0x0  }
0x19: {  	s7 =	sld [smem:$0x3F94]  }
0x1a: {  	s8 =	sadd.s32 $0xFFFFE003, lr  }
0x1b: {  	s9 =	sadd.s32 $0xFFFFFEF7, lr;
	s5 =	simm.s32 $0xFFFFFFFF;
	p2 =	slt.u32 s8, $0xFFFFF086  }
0x1c: {  	p1 =	slt.u32 s9, $0xF7A;
	s5 =	simm.s32 @!p2 $0x0  }
0x1d: {  	s5 =	simm.s32 @p1 $0x1;
	p0 =	seq.s32 s7, s2  }
0x1e: {  	s7 =	smul.u32 @!p0 $0xF7A, s2;
	p2 =	seq.s32 @!p0 s5, $0x0  }
0x1f: {  	s9 =	smul.u32 $0xF7A, s1;
	s8 =	simm.s32 @!p0 $0x1BF5;
	p2 =	por !p2, p0  }
0x20: {  	[sflag:s8] =	ssyncset.s32 @!p0 $0xFFFFF086;
	s6 =	sadd.s32 @!p0 s3, s7;
	s7 =	simm.s32 @!p0 $0x108  }
0x21: {  	s3 =	sadd.s32 s3, s9;
	s6 =	sadd.s32 @!p0 $0x88, s6;
	s7 =	simm.s32 @p2 $0x1082  }
0x22: {  	[simem:s7], [sflag:s8] =	dma.local @!p0 [hbm:s6], $0xF7A  }
0x23: {  	s9 =	sor.u32 $0xD0000000, s2;
	s6 =	simm.s32 $0x108;
	_ =	swait.ge @!p0 [sflag:s8], $0x0  }
0x24: {  	s3 =	sadd.s32 $0x88, s3;
	s6 =	simm.s32 @!p1 $0x1082;
	[sflag:s4] =	ssyncset.s32 $0xFFFFF086  }
0x25: {  	[simem:s6], [sflag:s4] =	dma.local [hbm:s3], $0xF7A  }
0x26: {  	[smem:$0x3F94] =	sst s1;
	(tag) =	ssettag s2;
	_ =	strace s9  }
0x27: {  	s1 =	sld [smem:$0x3FA4]  }
0x28: {  	s2 =	sld [smem:$0x3FA5]  }
0x29: {  	s4 =	sld [smem:$0x3FA7]  }
0x2a: {  	p0 =	seq.s32 s5, $0x0;
	s5 =	sld [smem:$0x3FA8]  }
0x2b: {  	s6 =	sld [smem:$0x3FA9]  }
0x2c: {  	s7 =	sld [smem:$0x3FAA]  }
0x2d: {  	s3 =	simm.s32 $0x108;
	s8 =	sld [smem:$0x3FAB]  }
0x2e: {  	s3 =	simm.s32 @!p0 $0x1082;
	s9 =	sld [smem:$0x3FAC]  }
0x2f: {  	lr =	sadd.s32 s0, s3;
	s0 =	sld [smem:$0x3FA3]  }
0x30: {  	s3 =	sld [smem:$0x3FA6]  }
0x31: {  	[smem:$0x3FAF] =	sst s10  }
0x32: {  	s10 =	sld [smem:$0x3FAD];
	_ =	sdelay $0x3  }
0x33: {  	p0 =	seq.s32 s10, $0x1;
	s10 =	sld [smem:$0x3FAF];
	_ =	sdelay $0x3  }
0x34: {  	[smem:$0x3FAF] =	sst s10  }
0x35: {  	s10 =	sld [smem:$0x3FAE];
	_ =	sdelay $0x3  }
0x36: {  	p1 =	seq.s32 s10, $0x1;
	s10 =	sld [smem:$0x3FAF];
	_ =	sdelay $0x3  }
0x37: {  	[smem:$0x3FAF] =	sst s10  }
0x38: {  	s10 =	sld [smem:$0x3FB0]  }
0x39: {  	_ = 	snop;
	(pc) =	sbr.ind lr, $3  }
0x3a: {  	_ = 	snop  }
0x3b: {  	_ = 	snop  }
0x3c: {  	p2 =	seq.s32 s10, $0x1;
	s10 =	sld [smem:$0x3FAF]  }
0x3d: {  	_ =	shalt  }
0x3e: {  	_ =	shalt  }
0x3f: {  	_ =	shalt  }
0x40: {  	_ =	shalt  }
0x41: {  	_ =	shalt  }
0x42: {  	_ =	shalt  }
0x43: {  	_ =	shalt  }
0x44: {  	_ =	shalt  }
0x45: {  	_ =	shalt  }
0x46: {  	_ =	shalt  }
0x47: {  	_ =	shalt  }
0x48: {  	_ =	shalt  }
0x49: {  	_ =	shalt  }
0x4a: {  	_ =	shalt  }
0x4b: {  	_ =	shalt  }
0x4c: {  	_ =	shalt  }
0x4d: {  	_ =	shalt  }
0x4e: {  	_ =	shalt  }
0x4f: {  	_ =	shalt  }
0x50: {  	_ =	shalt  }
0x51: {  	_ =	shalt  }
0x52: {  	_ =	shalt  }
0x53: {  	_ =	shalt  }
0x54: {  	_ =	shalt  }
0x55: {  	_ =	shalt  }
0x56: {  	_ =	shalt  }
0x57: {  	_ =	shalt  }
0x58: {  	_ =	shalt  }
0x59: {  	_ =	shalt  }
0x5a: {  	_ =	shalt  }
0x5b: {  	_ =	shalt  }
0x5c: {  	_ =	shalt  }
0x5d: {  	_ =	shalt  }
0x5e: {  	_ =	shalt  }
0x5f: {  	_ =	shalt  }
0x60: {  	_ =	shalt  }
0x61: {  	_ =	shalt  }
0x62: {  	_ =	shalt  }
0x63: {  	_ =	shalt  }
0x64: {  	_ =	shalt  }
0x65: {  	_ =	shalt  }
0x66: {  	_ =	shalt  }
0x67: {  	_ =	shalt  }
0x68: {  	_ =	shalt  }
0x69: {  	_ =	shalt  }
0x6a: {  	_ =	shalt  }
0x6b: {  	_ =	shalt  }
0x6c: {  	_ =	shalt  }
0x6d: {  	_ =	shalt  }
0x6e: {  	_ =	shalt  }
0x6f: {  	_ =	shalt  }
0x70: {  	_ =	shalt  }
0x71: {  	_ =	shalt  }
0x72: {  	_ =	shalt  }
0x73: {  	_ =	shalt  }
0x74: {  	_ =	shalt  }
0x75: {  	_ =	shalt  }
0x76: {  	_ =	shalt  }
0x77: {  	_ =	shalt  }
0x78: {  	_ =	shalt  }
0x79: {  	_ =	shalt  }
0x7a: {  	_ =	shalt  }
0x7b: {  	_ =	shalt  }
0x7c: {  	_ =	shalt  }
0x7d: {  	_ =	shalt  }
0x7e: {  	_ =	shalt  }
0x7f: {  	_ =	shalt  }
0x80: {  	_ =	shalt  }
0x81: {  	_ =	shalt  }
0x82: {  	_ =	shalt  }
0x83: {  	_ =	shalt  }
0x84: {  	_ =	shalt  }
0x85: {  	_ =	shalt  }
0x86: {  	_ =	shalt  }
0x87: {  	_ =	shalt  }
.Lfunc_end0:
.L_simem_size_0:
called_computation_lowered:
.L_overlay_start_0:
0x88: {  	s2 =	sld [smem:$0x3FD9]  }
0x89: {  	s3 =	sld [smem:$0x3FFE];
	_ =	sdelay $0x1  }
0x8a: {  	s1 =	srdreg.scid  }
0x8b: {  	s0 =	sand.u32 $0x1, s1  }
0x8c: {  	s17 =	sshll.u32 s0, $0xA;
	s2 =	sadd.s32 s3, s2  }
0x8d: {  	s2 =	sadd.s32 s2, s17  }
0x8e: {  	[smem:$0x3FBB] =	sst s2  }
0x8f: {  	_ = 	snop  }
0x90: {  	s2 =	sld [smem:$0x3FD0];
	(tm) =	ssettm $0x1  }
0x91: {  	s18 =	sld [smem:$0x3FFB];
	_ =	sdelay $0x3  }
0x92: {  	_ =	strace s18  }
0x93: {  	s3 =	sld [smem:$0x3FFC];
	_ =	sdelay $0x3  }
0x94: {  	_ =	strace s3  }
0x95: {  	s3 =	sld [smem:$0x3FFD];
	_ =	sdelay $0x3  }
0x96: {  	_ =	strace s3  }
0x97: {  	_ =	strace $0x8FFFFFFF  }
0x98: {  	s19 =	sld [smem:$0x3FDB];
	_ =	sdelay $0x1  }
0x99: {  	s4 =	simm.s32 $_scs_section_size  }
0x9a: {  	s5 =	simm.s32 $_size__tile_overlayer_lowered;
	s6 =	simm.s32 $_tile_overlayer_lowered  }
0x9b: {  	s22 =	simm.s32 $0x1BFF;
	s21 =	sshll.u32 s6, $0x1;
	s3 =	sadd.s32 s4, s19  }
0x9c: {  	s7 =	simm.s32 $0x0;
	s20 =	sshll.u32 s5, $0x1;
	s5 =	sadd.s32 s21, s3  }
0x9d: {  	[timem:s7], [sflag:s22] =	dma.local [hbm:s5], s20  }
0x9e: {  	_ =	swait.ge [sflag:s22], s20  }
0x9f: {  	s4 =	ssub.s32 $0x0, s20;
	[sflag:s22] =	ssyncset.done $0x0  }
0xa0: {  	[sflag:s22] =	ssyncadd.s32 s4;
	_ =	sdelay $0x1  }
0xa1: {  	s23 =	simm.s32 $0x1B8B  }
0xa2: {  	_ =	swait.ge [sflag:s23], $0x1  }
0xa3: {  	[sflag:s23] =	ssyncset.done $0x0  }
0xa4: {  	s25 =	simm.s32 $0x1B8E;
	s24 =	sld [smem:$0x3FFE];
	[sflag:s23] =	ssyncadd.s32 $0xFFFFFFFF  }
0xa5: {  	s26 =	simm.s32 $execute0_lowered;
	[smem:$0x3FD2] =	sst s25  }
0xa6: {  	s5 =	sshll.u32 s26, $0x1;
	_ =	strace $0x80000046;
	[dreg:$0x1] =	wrdreg $0xFFFFFFFF  }
0xa7: {  	s28 =	simm.s32 $_size_execute0_lowered;
	s3 =	sadd.s32 s3, s5;
	[dreg:$0x0] =	wrdreg $0x0  }
0xa8: {  	s5 =	sshll.u32 s28, $0x1;
	[dreg:$0x2] =	wrdreg s3  }
0xa9: {  	[dreg:$0x3] =	wrdreg s5  }
0xaa: {  	[dreg:$0x4] =	wrdreg $0xC0  }
0xab: {  	_ =	task [dreg:s7], $0x5FFFF  }
0xac: {  	[dreg:$0x1] =	wrdreg $0xFFFFFFFF  }
0xad: {  	[dreg:$0x0] =	wrdreg $0x60  }
0xae: {  	[dreg:$0x2] =	wrdreg s2  }
0xaf: {  	[dreg:$0x3] =	wrdreg s24  }
0xb0: {  	[dreg:$0x4] =	wrdreg $0x9  }
0xb1: {  	_ =	task.clear_ibuf [dreg:s7], $0x5FFFF;
	_ =	strace $0x90000046  }
0xb2: {  	s29 =	simm.s32 $0x9;
	_ =	strace $0x80000048  }
0xb3: {  	_ =	swait.ge [sflag:s29], $0x1  }
0xb4: {  	[sflag:s29] =	ssyncadd.s32 $0xFFFFFFFF  }
0xb5: {  	_ =	strace $0x90000048  }
0xb6: {  	_ =	sfence  }
0xb7: {  	s30 =	sld [smem:$0x0];
	_ =	sdelay $0x2  }
0xb8: {  	s31 =	sshll.u32 s1, $0xD;
	s1 =	sshrl.u32 s1, $0x2  }
0xb9: {  	s3 =	sand.u32 $0x4000, s31;
	s1 =	sadd.s32 s1, s30  }
0xba: {  	s0 =	sor.u32 s3, s0;
	s1 =	sshll.u32 s1, $0x11  }
0xbb: {  	s0 =	sor.u32 s1, s0  }
0xbc: {  	s0 =	sadd.s32 $0x8F2B, s0  }
0xbd: {  	[sflag:s0] =	ssyncadd.remote.s32 $0x1  }
0xbe: {  	_ =	sfence.sel $0xFFFF  }
0xbf: {  	[dreg:$0x0] =	wrdreg $0xFFFFFFFF;
	(pc) =	sbr.abs _section_cstart, $3  }
0xc0: {  	[dreg:$0x1] =	wrdreg $0xFFFFFFFF  }
0xc1: {  	_ =	task.clear_ibuf [dreg:s7], $0x2FFFF;
	_ =	strace $0x9FFFFFFF  }
0xc2: {  	(tm) =	ssettm $0x7FFFFFFF  }
0xc3: {  	_ =	shalt  }
tec
execute0_lowered:
.L_overlay_start_1:
0x0: {  	(tag) =	ssettag $0x1  }
0x1: {  	s5 =	rddreg [dreg:$0x0]  }
0x2: {  	s3 =	rddreg [dreg:$0x1];
	s1 =	simm.s32 $0x0  }
0x3: {  	[smem:$0x7FF] =	sst s1  }
0x4: {  	s0 =	rddreg [dreg:$0x2];
	v0 =	vimm.f32 $5.000000000e+01;
	_ =	strace $0x80000047  }
0x5: {  	(erf) = vrcp.f32 v0;
	v0 =	vimm.f32 $2.000000000e+02  }
0x6: {  	(erf) = vrcp.f32 v0;
	_ =	sdelay $0x2  }
0x7: {  	s4 =	srdreg.scid  }
0x8: {  	s2 =	stileid.u32;
	s9 =	simm.s32 $0x200;
	s4 =	sand.u32 $0x1, s4  }
0x9: {  	s6 =	sshll.u32 s2, $0x7;
	s7 =	sshll.u32 s4, $0x6;
	s4 =	ssub.s32 $0x2, s4  }
0xa: {  	s10 =	simm.s32 $0x400;
	s6 =	sor.u32 s7, s6;
	s31 =	sshrl.u32 s4, $0x1  }
0xb: {  	s11 =	simm.s32 $0x480;
	s8 =	sadd.s32 s6, s3;
	s7 =	ssub.s32 s4, s31  }
0xc: {  	s3 =	sadd.s32 s5, s6;
	s5 =	sadd.s32 $0x800, s5;
	s4 =	sadd.s32 $0x2200, s8;
	v0 =	vpop (erf)  }
0xd: {  	v2 =	vimm.s32 $0x0;
	s6 =	sadd.s32 $0x2A00, s8;
	s7 =	smax.u32 s7, $0x1;
	s8 =	simm.s32 $0x1;
	v1 =	vpop (erf)  }
.LBB2_1:
0xe: {  	[tilespmem:s1], [sflag:$0x1] =	stream.linear.gather [hbm4b:s3+s1], $0x200, $0x38;
	[tilespmem:$0x680] =	vst v63  }
0xf: {  	_ =	swait.ge [sflag:s8], $0x200  }
0x10: {  	[sflag:s8] =	ssyncset.done $0x0  }
0x11: {  	[sflag:s8] =	ssyncadd.s32 $0xFFFFFE00  }
0x12: {  	[tilespmem:s9], [sflag:$0x1] =	stream.linear.gather [hbm4b:s4+s1], $0x200, $0x38;
	[tilespmem:$0x680] =	vst v63  }
0x13: {  	_ =	swait.ge [sflag:s8], $0x200  }
0x14: {  	[sflag:s8] =	ssyncset.done $0x0  }
0x15: {  	[sflag:s8] =	ssyncadd.s32 $0xFFFFFE00  }
0x16: {  	[tilespmem:s10], [sflag:$0x1] =	stream.linear.gather [hbm4b:s5+s1], $0x80, $0x38;
	[tilespmem:$0x680] =	vst v63  }
0x17: {  	_ =	swait.ge [sflag:s8], $0x80  }
0x18: {  	[sflag:s8] =	ssyncset.done $0x0  }
0x19: {  	[sflag:s8] =	ssyncadd.s32 $0xFFFFFF80  }
0x1a: {  	v3 =	vld [tilespmem:$0x0];
	_ =	sdelay $0x1  }
0x1b: {  	v4 =	vld [tilespmem:$0x200];
	_ =	sdelay $0x2  }
0x1c: {  	v5 =	vadd.f32 $-1.000000000e+02, v3;
	_ =	sdelay $0x1  }
0x1d: {  	v6 =	vadd.f32 $-2.000000000e+02, v4;
	v5 =	vmul.f32 $1.999999960e-02, v5;
	_ =	sdelay $0x1  }
0x1e: {  	v6 =	vmul.f32 $4.999999890e-03, v6;
	v7 =	vtrunc.f32 v5  }
0x1f: {  	v8 =	vcvt.f32.s32 v7;
	vm0 =	vgt.f32 v5, v7  }
0x20: {  	v38 =	vtrunc.f32 v6;
	v7 =	vsel vm0, $0x1, v2  }
0x21: {  	v9 =	vcvt.f32.s32 v38;
	vm9 =	vgt.f32 v6, v38;
	v39 =	vadd.s32 v7, v8  }
0x22: {  	v6 =	vsel vm9, $0x1, v2;
	v5 =	vadd.s32 $0xFFFFFFFF, v39  }
0x23: {  	v6 =	vadd.s32 v6, v9;
	vm10 =	vgt.s32 v5, $0x0  }
0x24: {  	v6 =	vadd.s32 $0xFFFFFFFF, v6;
	v5 =	vnsel vm10, $0x0, v5  }
0x25: {  	vm11 =	vgt.s32 v6, $0x0;
	v5 =	vmin.u32 v5, $0x8  }
0x26: {  	v6 =	vnsel vm11, $0x0, v6;
	v40 =	vmul.u32 $0xA, v5  }
0x27: {  	v6 =	vmin.u32 v6, $0x8  }
0x28: {  	v7 =	vadd.s32 v6, v40  }
0x29: {  	v10 =	vld [tilespmem:$0x10]  }
0x2a: {  	v12 =	vld [tilespmem:$0x210]  }
0x2b: {  	v41 =	vadd.s32 $0xA, v7  }
0x2c: {  	v42 =	vadd.s32 $0x1, v7  }
0x2d: {  	v11 =	vld.idx.msk [tilespmem:v7+s10+$0x0], $0xffff;
	v7 =	vadd.s32 $0xB, v7  }
0x2e: {  	v13 =	vadd.f32 $-1.000000000e+02, v10  }
0x2f: {  	v45 =	vadd.f32 $-2.000000000e+02, v12;
	v5 =	vcvt.s32.f32 v5  }
0x30: {  	v44 =	vmul.f32 $1.999999960e-02, v13;
	v8 =	vld.idx.msk [tilespmem:v41+s10+$0x0], $0xffff  }
0x31: {  	v46 =	vmul.f32 $4.999999890e-03, v45;
	v5 =	vmul.f32 $5.000000000e+01, v5;
	v9 =	vld.idx.msk [tilespmem:v42+s10+$0x0], $0xffff  }
0x32: {  	v7 =	vld.idx.msk [tilespmem:v7+s10+$0x0], $0xffff  }
0x33: {  	v47 =	vtrunc.f32 v44;
	v49 =	vtrunc.f32 v46;
	v5 =	vadd.f32 $1.000000000e+02, v5  }
0x34: {  	v14 =	vcvt.f32.s32 v47;
	v6 =	vcvt.s32.f32 v6  }
0x35: {  	vm12 =	vgt.f32 v44, v47;
	vm13 =	vgt.f32 v46, v49;
	v3 =	vsub.f32 v3, v5  }
0x36: {  	v50 =	vcvt.f32.s32 v49;
	v13 =	vsel vm12, $0x1, v2;
	v6 =	vmul.f32 $2.000000000e+02, v6  }
0x37: {  	v3 =	vmul.f32 v3, v0;
	v8 =	vsub.f32 v8, v11;
	v48 =	vsub.f32 v7, v9  }
0x38: {  	v52 =	vsel vm13, $0x1, v2;
	v51 =	vadd.s32 v13, v14;
	v43 =	vadd.f32 $2.000000000e+02, v6  }
0x39: {  	v5 =	vadd.s32 v52, v50;
	v8 =	vmul.f32 v3, v8;
	v3 =	vmul.f32 v3, v48  }
0x3a: {  	v5 =	vadd.s32 $0xFFFFFFFF, v5;
	v4 =	vsub.f32 v4, v43;
	v7 =	vadd.s32 $0xFFFFFFFF, v51  }
0x3b: {  	v8 =	vadd.f32 v8, v11;
	vm14 =	vgt.s32 v7, $0x0;
	v3 =	vadd.f32 v3, v9  }
0x3c: {  	vm15 =	vgt.s32 v5, $0x0;
	v53 =	vnsel vm14, $0x0, v7  }
0x3d: {  	v4 =	vmul.f32 v4, v1;
	v6 =	vmin.u32 v53, $0x8;
	v3 =	vsub.f32 v3, v8  }
0x3e: {  	v5 =	vnsel vm15, $0x0, v5;
	v54 =	vmul.u32 $0xA, v6  }
0x3f: {  	v5 =	vmin.u32 v5, $0x8;
	v3 =	vmul.f32 v3, v4  }
0x40: {  	v56 =	vld [tilespmem:$0x20];
	v55 =	vadd.s32 v5, v54  }
0x41: {  	v58 =	vld [tilespmem:$0x220];
	v7 =	vadd.s32 $0xA, v55;
	v3 =	vadd.f32 v3, v8  }
0x42: {  	v4 =	vadd.s32 $0xB, v55  }
0x43: {  	[tilespmem:$0x480] =	vst v3;
	v3 =	vadd.s32 $0x1, v55;
	_ =	sdelay $0x1  }
0x44: {  	v59 =	vadd.f32 $-1.000000000e+02, v56;
	v6 =	vcvt.s32.f32 v6;
	v57 =	vld.idx.msk [tilespmem:v55+s10+$0x0], $0xffff  }
0x45: {  	v61 =	vadd.f32 $-2.000000000e+02, v58;
	v7 =	vld.idx.msk [tilespmem:v7+s10+$0x0], $0xffff  }
0x46: {  	v60 =	vmul.f32 $1.999999960e-02, v59;
	v6 =	vmul.f32 $5.000000000e+01, v6;
	v4 =	vld.idx.msk [tilespmem:v4+s10+$0x0], $0xffff  }
0x47: {  	v62 =	vmul.f32 $4.999999890e-03, v61;
	v5 =	vcvt.s32.f32 v5;
	v3 =	vld.idx.msk [tilespmem:v3+s10+$0x0], $0xffff  }
0x48: {  	v63 =	vtrunc.f32 v60;
	v6 =	vadd.f32 $1.000000000e+02, v6  }
0x49: {  	v17 =	vtrunc.f32 v62;
	v5 =	vmul.f32 $2.000000000e+02, v5  }
0x4a: {  	v16 =	vcvt.f32.s32 v63;
	vm4 =	vgt.f32 v60, v63;
	v6 =	vsub.f32 v10, v6  }
0x4b: {  	vm5 =	vgt.f32 v62, v17;
	v13 =	vsel vm4, $0x1, v2;
	v5 =	vadd.f32 $2.000000000e+02, v5  }
0x4c: {  	v6 =	vmul.f32 v6, v0;
	v7 =	vsub.f32 v7, v57;
	v4 =	vsub.f32 v4, v3  }
0x4d: {  	v18 =	vadd.s32 v13, v16;
	v10 =	vcvt.f32.s32 v17;
	v5 =	vsub.f32 v12, v5  }
0x4e: {  	v12 =	vadd.s32 $0xFFFFFFFF, v18;
	v7 =	vmul.f32 v6, v7;
	v4 =	vmul.f32 v6, v4  }
0x4f: {  	v19 =	vsel vm5, $0x1, v2;
	vm6 =	vgt.s32 v12, $0x0  }
0x50: {  	v7 =	vadd.f32 v7, v57;
	v6 =	vadd.s32 v19, v10;
	v3 =	vadd.f32 v4, v3  }
0x51: {  	v20 =	vnsel vm6, $0x0, v12;
	v5 =	vmul.f32 v5, v1;
	v6 =	vadd.s32 $0xFFFFFFFF, v6  }
0x52: {  	v4 =	vmin.u32 v20, $0x8;
	vm7 =	vgt.s32 v6, $0x0;
	v3 =	vsub.f32 v3, v7  }
0x53: {  	v6 =	vnsel vm7, $0x0, v6;
	v21 =	vmul.u32 $0xA, v4  }
0x54: {  	v6 =	vmin.u32 v6, $0x8;
	v3 =	vmul.f32 v3, v5  }
0x55: {  	v24 =	vld [tilespmem:$0x30];
	v22 =	vadd.s32 v6, v21  }
0x56: {  	v26 =	vld [tilespmem:$0x230];
	v23 =	vadd.s32 $0xA, v22;
	v3 =	vadd.f32 v3, v7  }
0x57: {  	v5 =	vadd.s32 $0xB, v22  }
0x58: {  	[tilespmem:$0x490] =	vst v3;
	v3 =	vadd.s32 $0x1, v22;
	_ =	sdelay $0x1  }
0x59: {  	v27 =	vadd.f32 $-1.000000000e+02, v24;
	v4 =	vcvt.s32.f32 v4;
	v25 =	vld.idx.msk [tilespmem:v22+s10+$0x0], $0xffff  }
0x5a: {  	v29 =	vadd.f32 $-2.000000000e+02, v26;
	v7 =	vld.idx.msk [tilespmem:v23+s10+$0x0], $0xffff  }
0x5b: {  	v28 =	vmul.f32 $1.999999960e-02, v27;
	v4 =	vmul.f32 $5.000000000e+01, v4;
	v5 =	vld.idx.msk [tilespmem:v5+s10+$0x0], $0xffff  }
0x5c: {  	v30 =	vmul.f32 $4.999999890e-03, v29;
	v3 =	vld.idx.msk [tilespmem:v3+s10+$0x0], $0xffff  }
0x5d: {  	v31 =	vtrunc.f32 v28;
	v4 =	vadd.f32 $1.000000000e+02, v4  }
0x5e: {  	v33 =	vtrunc.f32 v30;
	v6 =	vcvt.s32.f32 v6  }
0x5f: {  	v32 =	vcvt.f32.s32 v31;
	vm8 =	vgt.f32 v28, v31;
	v4 =	vsub.f32 v56, v4  }
0x60: {  	vm9 =	vgt.f32 v30, v33;
	v13 =	vsel vm8, $0x1, v2;
	v6 =	vmul.f32 $2.000000000e+02, v6  }
0x61: {  	v4 =	vmul.f32 v4, v0;
	v7 =	vsub.f32 v7, v25;
	v5 =	vsub.f32 v5, v3  }
0x62: {  	v34 =	vadd.s32 v13, v32;
	v8 =	vcvt.f32.s32 v33;
	v6 =	vadd.f32 $2.000000000e+02, v6  }
0x63: {  	v11 =	vadd.s32 $0xFFFFFFFF, v34;
	v7 =	vmul.f32 v4, v7;
	v4 =	vmul.f32 v4, v5  }
0x64: {  	v35 =	vsel vm9, $0x1, v2;
	vm10 =	vgt.s32 v11, $0x0;
	v6 =	vsub.f32 v58, v6  }
0x65: {  	v7 =	vadd.f32 v7, v25;
	v5 =	vadd.s32 v35, v8;
	v3 =	vadd.f32 v4, v3  }
0x66: {  	v36 =	vnsel vm10, $0x0, v11;
	v6 =	vmul.f32 v6, v1;
	v5 =	vadd.s32 $0xFFFFFFFF, v5  }
0x67: {  	v4 =	vmin.u32 v36, $0x8;
	vm11 =	vgt.s32 v5, $0x0;
	v3 =	vsub.f32 v3, v7  }
0x68: {  	v5 =	vnsel vm11, $0x0, v5;
	v37 =	vmul.u32 $0xA, v4  }
0x69: {  	v5 =	vmin.u32 v5, $0x8;
	v3 =	vmul.f32 v3, v6  }
0x6a: {  	v40 =	vld [tilespmem:$0x40];
	v38 =	vadd.s32 v5, v37  }
0x6b: {  	v39 =	vadd.s32 $0xA, v38;
	v3 =	vadd.f32 v3, v7  }
0x6c: {  	v42 =	vld [tilespmem:$0x240];
	v6 =	vadd.s32 $0xB, v38  }
0x6d: {  	[tilespmem:$0x4A0] =	vst v3;
	v3 =	vadd.s32 $0x1, v38;
	_ =	sdelay $0x1  }
0x6e: {  	v43 =	vadd.f32 $-1.000000000e+02, v40;
	v4 =	vcvt.s32.f32 v4;
	v41 =	vld.idx.msk [tilespmem:v38+s10+$0x0], $0xffff  }
0x6f: {  	v7 =	vld.idx.msk [tilespmem:v39+s10+$0x0], $0xffff  }
0x70: {  	v44 =	vmul.f32 $1.999999960e-02, v43;
	v45 =	vadd.f32 $-2.000000000e+02, v42;
	v4 =	vmul.f32 $5.000000000e+01, v4;
	v6 =	vld.idx.msk [tilespmem:v6+s10+$0x0], $0xffff  }
0x71: {  	v3 =	vld.idx.msk [tilespmem:v3+s10+$0x0], $0xffff  }
0x72: {  	v47 =	vtrunc.f32 v44;
	v46 =	vmul.f32 $4.999999890e-03, v45;
	v4 =	vadd.f32 $1.000000000e+02, v4  }
0x73: {  	vm12 =	vgt.f32 v44, v47;
	v5 =	vcvt.s32.f32 v5  }
0x74: {  	v13 =	vsel vm12, $0x1, v2;
	v49 =	vtrunc.f32 v46;
	v4 =	vsub.f32 v24, v4  }
0x75: {  	vm13 =	vgt.f32 v46, v49;
	v48 =	vcvt.f32.s32 v47;
	v5 =	vmul.f32 $2.000000000e+02, v5  }
0x76: {  	v4 =	vmul.f32 v4, v0;
	v7 =	vsub.f32 v7, v41;
	v6 =	vsub.f32 v6, v3  }
0x77: {  	v9 =	vcvt.f32.s32 v49;
	v50 =	vadd.s32 v13, v48;
	v5 =	vadd.f32 $2.000000000e+02, v5  }
0x78: {  	v12 =	vadd.s32 $0xFFFFFFFF, v50;
	v7 =	vmul.f32 v4, v7;
	v4 =	vmul.f32 v4, v6  }
0x79: {  	v51 =	vsel vm13, $0x1, v2;
	vm14 =	vgt.s32 v12, $0x0;
	v5 =	vsub.f32 v26, v5  }
0x7a: {  	v7 =	vadd.f32 v7, v41;
	v6 =	vadd.s32 v51, v9;
	v3 =	vadd.f32 v4, v3  }
0x7b: {  	v52 =	vnsel vm14, $0x0, v12;
	v5 =	vmul.f32 v5, v1;
	v6 =	vadd.s32 $0xFFFFFFFF, v6  }
0x7c: {  	v4 =	vmin.u32 v52, $0x8;
	vm15 =	vgt.s32 v6, $0x0;
	v3 =	vsub.f32 v3, v7  }
0x7d: {  	v6 =	vnsel vm15, $0x0, v6;
	v53 =	vmul.u32 $0xA, v4  }
0x7e: {  	v6 =	vmin.u32 v6, $0x8;
	v3 =	vmul.f32 v3, v5  }
0x7f: {  	v56 =	vld [tilespmem:$0x50];
	v54 =	vadd.s32 v6, v53  }
0x80: {  	v55 =	vadd.s32 $0xA, v54;
	v3 =	vadd.f32 v3, v7  }
0x81: {  	v58 =	vld [tilespmem:$0x250];
	v5 =	vadd.s32 $0xB, v54  }
0x82: {  	[tilespmem:$0x4B0] =	vst v3;
	v3 =	vadd.s32 $0x1, v54;
	_ =	sdelay $0x1  }
0x83: {  	v59 =	vadd.f32 $-1.000000000e+02, v56;
	v4 =	vcvt.s32.f32 v4;
	v57 =	vld.idx.msk [tilespmem:v54+s10+$0x0], $0xffff  }
0x84: {  	v7 =	vld.idx.msk [tilespmem:v55+s10+$0x0], $0xffff  }
0x85: {  	v60 =	vmul.f32 $1.999999960e-02, v59;
	v61 =	vadd.f32 $-2.000000000e+02, v58;
	v4 =	vmul.f32 $5.000000000e+01, v4;
	v5 =	vld.idx.msk [tilespmem:v5+s10+$0x0], $0xffff  }
0x86: {  	v3 =	vld.idx.msk [tilespmem:v3+s10+$0x0], $0xffff  }
0x87: {  	v62 =	vmul.f32 $4.999999890e-03, v61;
	v63 =	vtrunc.f32 v60;
	v4 =	vadd.f32 $1.000000000e+02, v4  }
0x88: {  	v16 =	vcvt.f32.s32 v63;
	v6 =	vcvt.s32.f32 v6  }
0x89: {  	vm4 =	vgt.f32 v60, v63;
	v17 =	vtrunc.f32 v62;
	v4 =	vsub.f32 v40, v4  }
0x8a: {  	v13 =	vsel vm4, $0x1, v2;
	vm5 =	vgt.f32 v62, v17;
	v6 =	vmul.f32 $2.000000000e+02, v6  }
0x8b: {  	v4 =	vmul.f32 v4, v0;
	v7 =	vsub.f32 v7, v57;
	v5 =	vsub.f32 v5, v3  }
0x8c: {  	v18 =	vadd.s32 v13, v16;
	v8 =	vcvt.f32.s32 v17;
	v6 =	vadd.f32 $2.000000000e+02, v6  }
0x8d: {  	v11 =	vadd.s32 $0xFFFFFFFF, v18;
	v7 =	vmul.f32 v4, v7;
	v4 =	vmul.f32 v4, v5  }
0x8e: {  	v19 =	vsel vm5, $0x1, v2;
	vm6 =	vgt.s32 v11, $0x0;
	v6 =	vsub.f32 v42, v6  }
0x8f: {  	v7 =	vadd.f32 v7, v57;
	v5 =	vadd.s32 v19, v8;
	v3 =	vadd.f32 v4, v3  }
0x90: {  	v20 =	vnsel vm6, $0x0, v11;
	v6 =	vmul.f32 v6, v1;
	v5 =	vadd.s32 $0xFFFFFFFF, v5  }
0x91: {  	v4 =	vmin.u32 v20, $0x8;
	vm7 =	vgt.s32 v5, $0x0;
	v3 =	vsub.f32 v3, v7  }
0x92: {  	v5 =	vnsel vm7, $0x0, v5;
	v21 =	vmul.u32 $0xA, v4  }
0x93: {  	v5 =	vmin.u32 v5, $0x8;
	v3 =	vmul.f32 v3, v6  }
0x94: {  	v24 =	vld [tilespmem:$0x60];
	v22 =	vadd.s32 v5, v21  }
0x95: {  	v23 =	vadd.s32 $0xA, v22;
	v3 =	vadd.f32 v3, v7  }
0x96: {  	v26 =	vld [tilespmem:$0x260];
	v6 =	vadd.s32 $0xB, v22  }
0x97: {  	[tilespmem:$0x4C0] =	vst v3;
	v3 =	vadd.s32 $0x1, v22;
	_ =	sdelay $0x1  }
0x98: {  	v27 =	vadd.f32 $-1.000000000e+02, v24;
	v4 =	vcvt.s32.f32 v4;
	v25 =	vld.idx.msk [tilespmem:v22+s10+$0x0], $0xffff  }
0x99: {  	v7 =	vld.idx.msk [tilespmem:v23+s10+$0x0], $0xffff  }
0x9a: {  	v28 =	vmul.f32 $1.999999960e-02, v27;
	v29 =	vadd.f32 $-2.000000000e+02, v26;
	v4 =	vmul.f32 $5.000000000e+01, v4;
	v6 =	vld.idx.msk [tilespmem:v6+s10+$0x0], $0xffff  }
0x9b: {  	v3 =	vld.idx.msk [tilespmem:v3+s10+$0x0], $0xffff  }
0x9c: {  	v30 =	vmul.f32 $4.999999890e-03, v29;
	v31 =	vtrunc.f32 v28;
	v4 =	vadd.f32 $1.000000000e+02, v4  }
0x9d: {  	v32 =	vcvt.f32.s32 v31;
	v5 =	vcvt.s32.f32 v5  }
0x9e: {  	vm8 =	vgt.f32 v28, v31;
	v33 =	vtrunc.f32 v30;
	v4 =	vsub.f32 v56, v4  }
0x9f: {  	v13 =	vsel vm8, $0x1, v2;
	vm9 =	vgt.f32 v30, v33;
	v5 =	vmul.f32 $2.000000000e+02, v5  }
0xa0: {  	v4 =	vmul.f32 v4, v0;
	v7 =	vsub.f32 v7, v25;
	v6 =	vsub.f32 v6, v3  }
0xa1: {  	v34 =	vadd.s32 v13, v32;
	v9 =	vcvt.f32.s32 v33;
	v5 =	vadd.f32 $2.000000000e+02, v5  }
0xa2: {  	v12 =	vadd.s32 $0xFFFFFFFF, v34;
	v7 =	vmul.f32 v4, v7;
	v4 =	vmul.f32 v4, v6  }
0xa3: {  	v35 =	vsel vm9, $0x1, v2;
	vm10 =	vgt.s32 v12, $0x0;
	v5 =	vsub.f32 v58, v5  }
0xa4: {  	v7 =	vadd.f32 v7, v25;
	v6 =	vadd.s32 v35, v9;
	v3 =	vadd.f32 v4, v3  }
0xa5: {  	v36 =	vnsel vm10, $0x0, v12;
	v5 =	vmul.f32 v5, v1;
	v6 =	vadd.s32 $0xFFFFFFFF, v6  }
0xa6: {  	v4 =	vmin.u32 v36, $0x8;
	vm11 =	vgt.s32 v6, $0x0;
	v3 =	vsub.f32 v3, v7  }
0xa7: {  	v6 =	vnsel vm11, $0x0, v6;
	v37 =	vmul.u32 $0xA, v4  }
0xa8: {  	v6 =	vmin.u32 v6, $0x8;
	v3 =	vmul.f32 v3, v5  }
0xa9: {  	v40 =	vld [tilespmem:$0x70];
	v38 =	vadd.s32 v6, v37  }
0xaa: {  	v39 =	vadd.s32 $0xA, v38;
	v3 =	vadd.f32 v3, v7  }
0xab: {  	v42 =	vld [tilespmem:$0x270];
	v5 =	vadd.s32 $0xB, v38  }
0xac: {  	[tilespmem:$0x4D0] =	vst v3;
	v3 =	vadd.s32 $0x1, v38;
	_ =	sdelay $0x1  }
0xad: {  	v43 =	vadd.f32 $-1.000000000e+02, v40;
	v4 =	vcvt.s32.f32 v4;
	v41 =	vld.idx.msk [tilespmem:v38+s10+$0x0], $0xffff  }
0xae: {  	v7 =	vld.idx.msk [tilespmem:v39+s10+$0x0], $0xffff  }
0xaf: {  	v44 =	vmul.f32 $1.999999960e-02, v43;
	v45 =	vadd.f32 $-2.000000000e+02, v42;
	v4 =	vmul.f32 $5.000000000e+01, v4;
	v5 =	vld.idx.msk [tilespmem:v5+s10+$0x0], $0xffff  }
0xb0: {  	v3 =	vld.idx.msk [tilespmem:v3+s10+$0x0], $0xffff  }
0xb1: {  	v46 =	vmul.f32 $4.999999890e-03, v45;
	v47 =	vtrunc.f32 v44;
	v4 =	vadd.f32 $1.000000000e+02, v4  }
0xb2: {  	v48 =	vcvt.f32.s32 v47;
	v6 =	vcvt.s32.f32 v6  }
0xb3: {  	vm12 =	vgt.f32 v44, v47;
	v49 =	vtrunc.f32 v46;
	v4 =	vsub.f32 v24, v4  }
0xb4: {  	v13 =	vsel vm12, $0x1, v2;
	vm13 =	vgt.f32 v46, v49;
	v6 =	vmul.f32 $2.000000000e+02, v6  }
0xb5: {  	v4 =	vmul.f32 v4, v0;
	v7 =	vsub.f32 v7, v41;
	v5 =	vsub.f32 v5, v3  }
0xb6: {  	v50 =	vadd.s32 v13, v48;
	v8 =	vcvt.f32.s32 v49;
	v6 =	vadd.f32 $2.000000000e+02, v6  }
0xb7: {  	v11 =	vadd.s32 $0xFFFFFFFF, v50;
	v7 =	vmul.f32 v4, v7;
	v4 =	vmul.f32 v4, v5  }
0xb8: {  	v51 =	vsel vm13, $0x1, v2;
	vm14 =	vgt.s32 v11, $0x0;
	v6 =	vsub.f32 v26, v6  }
0xb9: {  	v7 =	vadd.f32 v7, v41;
	v5 =	vadd.s32 v51, v8;
	v3 =	vadd.f32 v4, v3  }
0xba: {  	v52 =	vnsel vm14, $0x0, v11;
	v6 =	vmul.f32 v6, v1;
	v5 =	vadd.s32 $0xFFFFFFFF, v5  }
0xbb: {  	v4 =	vmin.u32 v52, $0x8;
	vm15 =	vgt.s32 v5, $0x0;
	v3 =	vsub.f32 v3, v7  }
0xbc: {  	v5 =	vnsel vm15, $0x0, v5;
	v53 =	vmul.u32 $0xA, v4  }
0xbd: {  	v5 =	vmin.u32 v5, $0x8;
	v3 =	vmul.f32 v3, v6  }
0xbe: {  	v56 =	vld [tilespmem:$0x80];
	v54 =	vadd.s32 v5, v53  }
0xbf: {  	v55 =	vadd.s32 $0xA, v54;
	v3 =	vadd.f32 v3, v7  }
0xc0: {  	v58 =	vld [tilespmem:$0x280];
	v6 =	vadd.s32 $0xB, v54  }
0xc1: {  	[tilespmem:$0x4E0] =	vst v3;
	v3 =	vadd.s32 $0x1, v54;
	_ =	sdelay $0x1  }
0xc2: {  	v59 =	vadd.f32 $-1.000000000e+02, v56;
	v4 =	vcvt.s32.f32 v4;
	v57 =	vld.idx.msk [tilespmem:v54+s10+$0x0], $0xffff  }
0xc3: {  	v7 =	vld.idx.msk [tilespmem:v55+s10+$0x0], $0xffff  }
0xc4: {  	v60 =	vmul.f32 $1.999999960e-02, v59;
	v61 =	vadd.f32 $-2.000000000e+02, v58;
	v4 =	vmul.f32 $5.000000000e+01, v4;
	v6 =	vld.idx.msk [tilespmem:v6+s10+$0x0], $0xffff  }
0xc5: {  	v3 =	vld.idx.msk [tilespmem:v3+s10+$0x0], $0xffff  }
0xc6: {  	v62 =	vmul.f32 $4.999999890e-03, v61;
	v63 =	vtrunc.f32 v60;
	v4 =	vadd.f32 $1.000000000e+02, v4  }
0xc7: {  	v16 =	vcvt.f32.s32 v63;
	v5 =	vcvt.s32.f32 v5  }
0xc8: {  	vm4 =	vgt.f32 v60, v63;
	v17 =	vtrunc.f32 v62;
	v4 =	vsub.f32 v40, v4  }
0xc9: {  	v13 =	vsel vm4, $0x1, v2;
	vm5 =	vgt.f32 v62, v17;
	v5 =	vmul.f32 $2.000000000e+02, v5  }
0xca: {  	v4 =	vmul.f32 v4, v0;
	v7 =	vsub.f32 v7, v57;
	v6 =	vsub.f32 v6, v3  }
0xcb: {  	v18 =	vadd.s32 v13, v16;
	v9 =	vcvt.f32.s32 v17;
	v5 =	vadd.f32 $2.000000000e+02, v5  }
0xcc: {  	v12 =	vadd.s32 $0xFFFFFFFF, v18;
	v7 =	vmul.f32 v4, v7;
	v4 =	vmul.f32 v4, v6  }
0xcd: {  	v19 =	vsel vm5, $0x1, v2;
	vm6 =	vgt.s32 v12, $0x0;
	v5 =	vsub.f32 v42, v5  }
0xce: {  	v7 =	vadd.f32 v7, v57;
	v6 =	vadd.s32 v19, v9;
	v3 =	vadd.f32 v4, v3  }
0xcf: {  	v20 =	vnsel vm6, $0x0, v12;
	v5 =	vmul.f32 v5, v1;
	v6 =	vadd.s32 $0xFFFFFFFF, v6  }
0xd0: {  	v4 =	vmin.u32 v20, $0x8;
	vm7 =	vgt.s32 v6, $0x0;
	v3 =	vsub.f32 v3, v7  }
0xd1: {  	v6 =	vnsel vm7, $0x0, v6;
	v21 =	vmul.u32 $0xA, v4  }
0xd2: {  	v6 =	vmin.u32 v6, $0x8;
	v3 =	vmul.f32 v3, v5  }
0xd3: {  	v24 =	vld [tilespmem:$0x90];
	v22 =	vadd.s32 v6, v21  }
0xd4: {  	v23 =	vadd.s32 $0xA, v22;
	v3 =	vadd.f32 v3, v7  }
0xd5: {  	v26 =	vld [tilespmem:$0x290];
	v5 =	vadd.s32 $0xB, v22  }
0xd6: {  	[tilespmem:$0x4F0] =	vst v3;
	v3 =	vadd.s32 $0x1, v22;
	_ =	sdelay $0x1  }
0xd7: {  	v27 =	vadd.f32 $-1.000000000e+02, v24;
	v4 =	vcvt.s32.f32 v4;
	v25 =	vld.idx.msk [tilespmem:v22+s10+$0x0], $0xffff  }
0xd8: {  	v7 =	vld.idx.msk [tilespmem:v23+s10+$0x0], $0xffff  }
0xd9: {  	v28 =	vmul.f32 $1.999999960e-02, v27;
	v29 =	vadd.f32 $-2.000000000e+02, v26;
	v4 =	vmul.f32 $5.000000000e+01, v4;
	v5 =	vld.idx.msk [tilespmem:v5+s10+$0x0], $0xffff  }
0xda: {  	v3 =	vld.idx.msk [tilespmem:v3+s10+$0x0], $0xffff  }
0xdb: {  	v30 =	vmul.f32 $4.999999890e-03, v29;
	v31 =	vtrunc.f32 v28;
	v4 =	vadd.f32 $1.000000000e+02, v4  }
0xdc: {  	v32 =	vcvt.f32.s32 v31;
	v6 =	vcvt.s32.f32 v6  }
0xdd: {  	vm8 =	vgt.f32 v28, v31;
	v33 =	vtrunc.f32 v30;
	v4 =	vsub.f32 v56, v4  }
0xde: {  	v13 =	vsel vm8, $0x1, v2;
	vm9 =	vgt.f32 v30, v33;
	v6 =	vmul.f32 $2.000000000e+02, v6  }
0xdf: {  	v4 =	vmul.f32 v4, v0;
	v7 =	vsub.f32 v7, v25;
	v5 =	vsub.f32 v5, v3  }
0xe0: {  	v34 =	vadd.s32 v13, v32;
	v8 =	vcvt.f32.s32 v33;
	v6 =	vadd.f32 $2.000000000e+02, v6  }
0xe1: {  	v11 =	vadd.s32 $0xFFFFFFFF, v34;
	v7 =	vmul.f32 v4, v7;
	v4 =	vmul.f32 v4, v5  }
0xe2: {  	v35 =	vsel vm9, $0x1, v2;
	vm10 =	vgt.s32 v11, $0x0;
	v6 =	vsub.f32 v58, v6  }
0xe3: {  	v7 =	vadd.f32 v7, v25;
	v5 =	vadd.s32 v35, v8;
	v3 =	vadd.f32 v4, v3  }
0xe4: {  	v36 =	vnsel vm10, $0x0, v11;
	v6 =	vmul.f32 v6, v1;
	v5 =	vadd.s32 $0xFFFFFFFF, v5  }
0xe5: {  	v4 =	vmin.u32 v36, $0x8;
	vm11 =	vgt.s32 v5, $0x0;
	v3 =	vsub.f32 v3, v7  }
0xe6: {  	v5 =	vnsel vm11, $0x0, v5;
	v37 =	vmul.u32 $0xA, v4  }
0xe7: {  	v5 =	vmin.u32 v5, $0x8;
	v3 =	vmul.f32 v3, v6  }
0xe8: {  	v40 =	vld [tilespmem:$0xA0];
	v38 =	vadd.s32 v5, v37  }
0xe9: {  	v39 =	vadd.s32 $0xA, v38;
	v3 =	vadd.f32 v3, v7  }
0xea: {  	v42 =	vld [tilespmem:$0x2A0];
	v6 =	vadd.s32 $0xB, v38  }
0xeb: {  	[tilespmem:$0x500] =	vst v3;
	v3 =	vadd.s32 $0x1, v38;
	_ =	sdelay $0x1  }
0xec: {  	v43 =	vadd.f32 $-1.000000000e+02, v40;
	v4 =	vcvt.s32.f32 v4;
	v41 =	vld.idx.msk [tilespmem:v38+s10+$0x0], $0xffff  }
0xed: {  	v7 =	vld.idx.msk [tilespmem:v39+s10+$0x0], $0xffff  }
0xee: {  	v44 =	vmul.f32 $1.999999960e-02, v43;
	v45 =	vadd.f32 $-2.000000000e+02, v42;
	v4 =	vmul.f32 $5.000000000e+01, v4;
	v6 =	vld.idx.msk [tilespmem:v6+s10+$0x0], $0xffff  }
0xef: {  	v3 =	vld.idx.msk [tilespmem:v3+s10+$0x0], $0xffff  }
0xf0: {  	v46 =	vmul.f32 $4.999999890e-03, v45;
	v47 =	vtrunc.f32 v44;
	v4 =	vadd.f32 $1.000000000e+02, v4  }
0xf1: {  	v48 =	vcvt.f32.s32 v47;
	v5 =	vcvt.s32.f32 v5  }
0xf2: {  	vm12 =	vgt.f32 v44, v47;
	v49 =	vtrunc.f32 v46;
	v4 =	vsub.f32 v24, v4  }
0xf3: {  	v13 =	vsel vm12, $0x1, v2;
	vm13 =	vgt.f32 v46, v49;
	v5 =	vmul.f32 $2.000000000e+02, v5  }
0xf4: {  	v4 =	vmul.f32 v4, v0;
	v7 =	vsub.f32 v7, v41;
	v6 =	vsub.f32 v6, v3  }
0xf5: {  	v50 =	vadd.s32 v13, v48;
	v9 =	vcvt.f32.s32 v49;
	v5 =	vadd.f32 $2.000000000e+02, v5  }
0xf6: {  	v12 =	vadd.s32 $0xFFFFFFFF, v50;
	v7 =	vmul.f32 v4, v7;
	v4 =	vmul.f32 v4, v6  }
0xf7: {  	v51 =	vsel vm13, $0x1, v2;
	vm14 =	vgt.s32 v12, $0x0;
	v5 =	vsub.f32 v26, v5  }
0xf8: {  	v7 =	vadd.f32 v7, v41;
	v6 =	vadd.s32 v51, v9;
	v3 =	vadd.f32 v4, v3  }
0xf9: {  	v52 =	vnsel vm14, $0x0, v12;
	v5 =	vmul.f32 v5, v1;
	v6 =	vadd.s32 $0xFFFFFFFF, v6  }
0xfa: {  	v4 =	vmin.u32 v52, $0x8;
	vm15 =	vgt.s32 v6, $0x0;
	v3 =	vsub.f32 v3, v7  }
0xfb: {  	v6 =	vnsel vm15, $0x0, v6;
	v53 =	vmul.u32 $0xA, v4  }
0xfc: {  	v6 =	vmin.u32 v6, $0x8;
	v3 =	vmul.f32 v3, v5  }
0xfd: {  	v56 =	vld [tilespmem:$0xB0];
	v54 =	vadd.s32 v6, v53  }
0xfe: {  	v55 =	vadd.s32 $0xA, v54;
	v3 =	vadd.f32 v3, v7  }
0xff: {  	v58 =	vld [tilespmem:$0x2B0];
	v5 =	vadd.s32 $0xB, v54  }
0x100: {  	[tilespmem:$0x510] =	vst v3;
	v3 =	vadd.s32 $0x1, v54;
	_ =	sdelay $0x1  }
0x101: {  	v59 =	vadd.f32 $-1.000000000e+02, v56;
	v4 =	vcvt.s32.f32 v4;
	v57 =	vld.idx.msk [tilespmem:v54+s10+$0x0], $0xffff  }
0x102: {  	v7 =	vld.idx.msk [tilespmem:v55+s10+$0x0], $0xffff  }
0x103: {  	v60 =	vmul.f32 $1.999999960e-02, v59;
	v61 =	vadd.f32 $-2.000000000e+02, v58;
	v4 =	vmul.f32 $5.000000000e+01, v4;
	v5 =	vld.idx.msk [tilespmem:v5+s10+$0x0], $0xffff  }
0x104: {  	v3 =	vld.idx.msk [tilespmem:v3+s10+$0x0], $0xffff  }
0x105: {  	v62 =	vmul.f32 $4.999999890e-03, v61;
	v63 =	vtrunc.f32 v60;
	v4 =	vadd.f32 $1.000000000e+02, v4  }
0x106: {  	v16 =	vcvt.f32.s32 v63;
	v6 =	vcvt.s32.f32 v6  }
0x107: {  	vm4 =	vgt.f32 v60, v63;
	v17 =	vtrunc.f32 v62;
	v4 =	vsub.f32 v40, v4  }
0x108: {  	v13 =	vsel vm4, $0x1, v2;
	vm5 =	vgt.f32 v62, v17;
	v6 =	vmul.f32 $2.000000000e+02, v6  }
0x109: {  	v4 =	vmul.f32 v4, v0;
	v7 =	vsub.f32 v7, v57;
	v5 =	vsub.f32 v5, v3  }
0x10a: {  	v18 =	vadd.s32 v13, v16;
	v8 =	vcvt.f32.s32 v17;
	v6 =	vadd.f32 $2.000000000e+02, v6  }
0x10b: {  	v11 =	vadd.s32 $0xFFFFFFFF, v18;
	v7 =	vmul.f32 v4, v7;
	v4 =	vmul.f32 v4, v5  }
0x10c: {  	v19 =	vsel vm5, $0x1, v2;
	vm6 =	vgt.s32 v11, $0x0;
	v6 =	vsub.f32 v42, v6  }
0x10d: {  	v7 =	vadd.f32 v7, v57;
	v5 =	vadd.s32 v19, v8;
	v3 =	vadd.f32 v4, v3  }
0x10e: {  	v20 =	vnsel vm6, $0x0, v11;
	v6 =	vmul.f32 v6, v1;
	v5 =	vadd.s32 $0xFFFFFFFF, v5  }
0x10f: {  	v4 =	vmin.u32 v20, $0x8;
	vm7 =	vgt.s32 v5, $0x0;
	v3 =	vsub.f32 v3, v7  }
0x110: {  	v5 =	vnsel vm7, $0x0, v5;
	v21 =	vmul.u32 $0xA, v4  }
0x111: {  	v5 =	vmin.u32 v5, $0x8;
	v3 =	vmul.f32 v3, v6  }
0x112: {  	v24 =	vld [tilespmem:$0xC0];
	v22 =	vadd.s32 v5, v21  }
0x113: {  	v23 =	vadd.s32 $0xA, v22;
	v3 =	vadd.f32 v3, v7  }
0x114: {  	v26 =	vld [tilespmem:$0x2C0];
	v6 =	vadd.s32 $0xB, v22  }
0x115: {  	[tilespmem:$0x520] =	vst v3;
	v3 =	vadd.s32 $0x1, v22;
	_ =	sdelay $0x1  }
0x116: {  	v27 =	vadd.f32 $-1.000000000e+02, v24;
	v4 =	vcvt.s32.f32 v4;
	v25 =	vld.idx.msk [tilespmem:v22+s10+$0x0], $0xffff  }
0x117: {  	v7 =	vld.idx.msk [tilespmem:v23+s10+$0x0], $0xffff  }
0x118: {  	v28 =	vmul.f32 $1.999999960e-02, v27;
	v29 =	vadd.f32 $-2.000000000e+02, v26;
	v4 =	vmul.f32 $5.000000000e+01, v4;
	v6 =	vld.idx.msk [tilespmem:v6+s10+$0x0], $0xffff  }
0x119: {  	v3 =	vld.idx.msk [tilespmem:v3+s10+$0x0], $0xffff  }
0x11a: {  	v30 =	vmul.f32 $4.999999890e-03, v29;
	v31 =	vtrunc.f32 v28;
	v4 =	vadd.f32 $1.000000000e+02, v4  }
0x11b: {  	v32 =	vcvt.f32.s32 v31;
	v5 =	vcvt.s32.f32 v5  }
0x11c: {  	vm8 =	vgt.f32 v28, v31;
	v33 =	vtrunc.f32 v30;
	v4 =	vsub.f32 v56, v4  }
0x11d: {  	v13 =	vsel vm8, $0x1, v2;
	vm9 =	vgt.f32 v30, v33;
	v5 =	vmul.f32 $2.000000000e+02, v5  }
0x11e: {  	v4 =	vmul.f32 v4, v0;
	v7 =	vsub.f32 v7, v25;
	v6 =	vsub.f32 v6, v3  }
0x11f: {  	v34 =	vadd.s32 v13, v32;
	v9 =	vcvt.f32.s32 v33;
	v5 =	vadd.f32 $2.000000000e+02, v5  }
0x120: {  	v12 =	vadd.s32 $0xFFFFFFFF, v34;
	v7 =	vmul.f32 v4, v7;
	v4 =	vmul.f32 v4, v6  }
0x121: {  	v35 =	vsel vm9, $0x1, v2;
	vm10 =	vgt.s32 v12, $0x0;
	v5 =	vsub.f32 v58, v5  }
0x122: {  	v7 =	vadd.f32 v7, v25;
	v6 =	vadd.s32 v35, v9;
	v3 =	vadd.f32 v4, v3  }
0x123: {  	v36 =	vnsel vm10, $0x0, v12;
	v5 =	vmul.f32 v5, v1;
	v6 =	vadd.s32 $0xFFFFFFFF, v6  }
0x124: {  	v4 =	vmin.u32 v36, $0x8;
	vm11 =	vgt.s32 v6, $0x0;
	v3 =	vsub.f32 v3, v7  }
0x125: {  	v6 =	vnsel vm11, $0x0, v6;
	v37 =	vmul.u32 $0xA, v4  }
0x126: {  	v6 =	vmin.u32 v6, $0x8;
	v3 =	vmul.f32 v3, v5  }
0x127: {  	v40 =	vld [tilespmem:$0xD0];
	v38 =	vadd.s32 v6, v37  }
0x128: {  	v39 =	vadd.s32 $0xA, v38;
	v3 =	vadd.f32 v3, v7  }
0x129: {  	v42 =	vld [tilespmem:$0x2D0];
	v5 =	vadd.s32 $0xB, v38  }
0x12a: {  	[tilespmem:$0x530] =	vst v3;
	v3 =	vadd.s32 $0x1, v38;
	_ =	sdelay $0x1  }
0x12b: {  	v43 =	vadd.f32 $-1.000000000e+02, v40;
	v4 =	vcvt.s32.f32 v4;
	v41 =	vld.idx.msk [tilespmem:v38+s10+$0x0], $0xffff  }
0x12c: {  	v7 =	vld.idx.msk [tilespmem:v39+s10+$0x0], $0xffff  }
0x12d: {  	v44 =	vmul.f32 $1.999999960e-02, v43;
	v45 =	vadd.f32 $-2.000000000e+02, v42;
	v4 =	vmul.f32 $5.000000000e+01, v4;
	v5 =	vld.idx.msk [tilespmem:v5+s10+$0x0], $0xffff  }
0x12e: {  	v3 =	vld.idx.msk [tilespmem:v3+s10+$0x0], $0xffff  }
0x12f: {  	v46 =	vmul.f32 $4.999999890e-03, v45;
	v47 =	vtrunc.f32 v44;
	v4 =	vadd.f32 $1.000000000e+02, v4  }
0x130: {  	v48 =	vcvt.f32.s32 v47;
	v6 =	vcvt.s32.f32 v6  }
0x131: {  	vm12 =	vgt.f32 v44, v47;
	v49 =	vtrunc.f32 v46;
	v4 =	vsub.f32 v24, v4  }
0x132: {  	v13 =	vsel vm12, $0x1, v2;
	vm13 =	vgt.f32 v46, v49;
	v6 =	vmul.f32 $2.000000000e+02, v6  }
0x133: {  	v4 =	vmul.f32 v4, v0;
	v7 =	vsub.f32 v7, v41;
	v5 =	vsub.f32 v5, v3  }
0x134: {  	v50 =	vadd.s32 v13, v48;
	v8 =	vcvt.f32.s32 v49;
	v6 =	vadd.f32 $2.000000000e+02, v6  }
0x135: {  	v11 =	vadd.s32 $0xFFFFFFFF, v50;
	v7 =	vmul.f32 v4, v7;
	v4 =	vmul.f32 v4, v5  }
0x136: {  	v51 =	vsel vm13, $0x1, v2;
	vm14 =	vgt.s32 v11, $0x0;
	v6 =	vsub.f32 v26, v6  }
0x137: {  	v7 =	vadd.f32 v7, v41;
	v5 =	vadd.s32 v51, v8;
	v3 =	vadd.f32 v4, v3  }
0x138: {  	v52 =	vnsel vm14, $0x0, v11;
	v6 =	vmul.f32 v6, v1;
	v5 =	vadd.s32 $0xFFFFFFFF, v5  }
0x139: {  	v4 =	vmin.u32 v52, $0x8;
	vm15 =	vgt.s32 v5, $0x0;
	v3 =	vsub.f32 v3, v7  }
0x13a: {  	v5 =	vnsel vm15, $0x0, v5;
	v53 =	vmul.u32 $0xA, v4  }
0x13b: {  	v5 =	vmin.u32 v5, $0x8;
	v3 =	vmul.f32 v3, v6  }
0x13c: {  	v56 =	vld [tilespmem:$0xE0];
	v54 =	vadd.s32 v5, v53  }
0x13d: {  	v55 =	vadd.s32 $0xA, v54;
	v3 =	vadd.f32 v3, v7  }
0x13e: {  	v58 =	vld [tilespmem:$0x2E0];
	v6 =	vadd.s32 $0xB, v54  }
0x13f: {  	[tilespmem:$0x540] =	vst v3;
	v3 =	vadd.s32 $0x1, v54;
	_ =	sdelay $0x1  }
0x140: {  	v59 =	vadd.f32 $-1.000000000e+02, v56;
	v4 =	vcvt.s32.f32 v4;
	v57 =	vld.idx.msk [tilespmem:v54+s10+$0x0], $0xffff  }
0x141: {  	v7 =	vld.idx.msk [tilespmem:v55+s10+$0x0], $0xffff  }
0x142: {  	v60 =	vmul.f32 $1.999999960e-02, v59;
	v61 =	vadd.f32 $-2.000000000e+02, v58;
	v4 =	vmul.f32 $5.000000000e+01, v4;
	v6 =	vld.idx.msk [tilespmem:v6+s10+$0x0], $0xffff  }
0x143: {  	v3 =	vld.idx.msk [tilespmem:v3+s10+$0x0], $0xffff  }
0x144: {  	v62 =	vmul.f32 $4.999999890e-03, v61;
	v63 =	vtrunc.f32 v60;
	v4 =	vadd.f32 $1.000000000e+02, v4  }
0x145: {  	v16 =	vcvt.f32.s32 v63;
	v5 =	vcvt.s32.f32 v5  }
0x146: {  	vm4 =	vgt.f32 v60, v63;
	v17 =	vtrunc.f32 v62;
	v4 =	vsub.f32 v40, v4  }
0x147: {  	v13 =	vsel vm4, $0x1, v2;
	vm5 =	vgt.f32 v62, v17;
	v5 =	vmul.f32 $2.000000000e+02, v5  }
0x148: {  	v4 =	vmul.f32 v4, v0;
	v7 =	vsub.f32 v7, v57;
	v6 =	vsub.f32 v6, v3  }
0x149: {  	v18 =	vadd.s32 v13, v16;
	v9 =	vcvt.f32.s32 v17;
	v5 =	vadd.f32 $2.000000000e+02, v5  }
0x14a: {  	v12 =	vadd.s32 $0xFFFFFFFF, v18;
	v7 =	vmul.f32 v4, v7;
	v4 =	vmul.f32 v4, v6  }
0x14b: {  	v19 =	vsel vm5, $0x1, v2;
	vm6 =	vgt.s32 v12, $0x0;
	v5 =	vsub.f32 v42, v5  }
0x14c: {  	v7 =	vadd.f32 v7, v57;
	v6 =	vadd.s32 v19, v9;
	v3 =	vadd.f32 v4, v3  }
0x14d: {  	v20 =	vnsel vm6, $0x0, v12;
	v5 =	vmul.f32 v5, v1;
	v6 =	vadd.s32 $0xFFFFFFFF, v6  }
0x14e: {  	v4 =	vmin.u32 v20, $0x8;
	vm7 =	vgt.s32 v6, $0x0;
	v3 =	vsub.f32 v3, v7  }
0x14f: {  	v6 =	vnsel vm7, $0x0, v6;
	v21 =	vmul.u32 $0xA, v4  }
0x150: {  	v6 =	vmin.u32 v6, $0x8;
	v3 =	vmul.f32 v3, v5  }
0x151: {  	v24 =	vld [tilespmem:$0xF0];
	v22 =	vadd.s32 v6, v21  }
0x152: {  	v23 =	vadd.s32 $0xA, v22;
	v3 =	vadd.f32 v3, v7  }
0x153: {  	v26 =	vld [tilespmem:$0x2F0];
	v5 =	vadd.s32 $0xB, v22  }
0x154: {  	[tilespmem:$0x550] =	vst v3;
	v3 =	vadd.s32 $0x1, v22;
	_ =	sdelay $0x1  }
0x155: {  	v27 =	vadd.f32 $-1.000000000e+02, v24;
	v4 =	vcvt.s32.f32 v4;
	v25 =	vld.idx.msk [tilespmem:v22+s10+$0x0], $0xffff  }
0x156: {  	v7 =	vld.idx.msk [tilespmem:v23+s10+$0x0], $0xffff  }
0x157: {  	v28 =	vmul.f32 $1.999999960e-02, v27;
	v29 =	vadd.f32 $-2.000000000e+02, v26;
	v4 =	vmul.f32 $5.000000000e+01, v4;
	v5 =	vld.idx.msk [tilespmem:v5+s10+$0x0], $0xffff  }
0x158: {  	v3 =	vld.idx.msk [tilespmem:v3+s10+$0x0], $0xffff  }
0x159: {  	v30 =	vmul.f32 $4.999999890e-03, v29;
	v31 =	vtrunc.f32 v28;
	v4 =	vadd.f32 $1.000000000e+02, v4  }
0x15a: {  	v32 =	vcvt.f32.s32 v31;
	v6 =	vcvt.s32.f32 v6  }
0x15b: {  	vm8 =	vgt.f32 v28, v31;
	v33 =	vtrunc.f32 v30;
	v4 =	vsub.f32 v56, v4  }
0x15c: {  	v13 =	vsel vm8, $0x1, v2;
	vm9 =	vgt.f32 v30, v33;
	v6 =	vmul.f32 $2.000000000e+02, v6  }
0x15d: {  	v4 =	vmul.f32 v4, v0;
	v7 =	vsub.f32 v7, v25;
	v5 =	vsub.f32 v5, v3  }
0x15e: {  	v34 =	vadd.s32 v13, v32;
	v8 =	vcvt.f32.s32 v33;
	v6 =	vadd.f32 $2.000000000e+02, v6  }
0x15f: {  	v11 =	vadd.s32 $0xFFFFFFFF, v34;
	v7 =	vmul.f32 v4, v7;
	v4 =	vmul.f32 v4, v5  }
0x160: {  	v35 =	vsel vm9, $0x1, v2;
	vm10 =	vgt.s32 v11, $0x0;
	v6 =	vsub.f32 v58, v6  }
0x161: {  	v7 =	vadd.f32 v7, v25;
	v5 =	vadd.s32 v35, v8;
	v3 =	vadd.f32 v4, v3  }
0x162: {  	v36 =	vnsel vm10, $0x0, v11;
	v6 =	vmul.f32 v6, v1;
	v5 =	vadd.s32 $0xFFFFFFFF, v5  }
0x163: {  	v4 =	vmin.u32 v36, $0x8;
	vm11 =	vgt.s32 v5, $0x0;
	v3 =	vsub.f32 v3, v7  }
0x164: {  	v5 =	vnsel vm11, $0x0, v5;
	v37 =	vmul.u32 $0xA, v4  }
0x165: {  	v5 =	vmin.u32 v5, $0x8;
	v3 =	vmul.f32 v3, v6  }
0x166: {  	v40 =	vld [tilespmem:$0x100];
	v38 =	vadd.s32 v5, v37  }
0x167: {  	v39 =	vadd.s32 $0xA, v38;
	v3 =	vadd.f32 v3, v7  }
0x168: {  	v42 =	vld [tilespmem:$0x300];
	v6 =	vadd.s32 $0xB, v38  }
0x169: {  	[tilespmem:$0x560] =	vst v3;
	v3 =	vadd.s32 $0x1, v38;
	_ =	sdelay $0x1  }
0x16a: {  	v43 =	vadd.f32 $-1.000000000e+02, v40;
	v4 =	vcvt.s32.f32 v4;
	v41 =	vld.idx.msk [tilespmem:v38+s10+$0x0], $0xffff  }
0x16b: {  	v7 =	vld.idx.msk [tilespmem:v39+s10+$0x0], $0xffff  }
0x16c: {  	v44 =	vmul.f32 $1.999999960e-02, v43;
	v45 =	vadd.f32 $-2.000000000e+02, v42;
	v4 =	vmul.f32 $5.000000000e+01, v4;
	v6 =	vld.idx.msk [tilespmem:v6+s10+$0x0], $0xffff  }
0x16d: {  	v3 =	vld.idx.msk [tilespmem:v3+s10+$0x0], $0xffff  }
0x16e: {  	v46 =	vmul.f32 $4.999999890e-03, v45;
	v47 =	vtrunc.f32 v44;
	v4 =	vadd.f32 $1.000000000e+02, v4  }
0x16f: {  	v48 =	vcvt.f32.s32 v47;
	v5 =	vcvt.s32.f32 v5  }
0x170: {  	vm12 =	vgt.f32 v44, v47;
	v49 =	vtrunc.f32 v46;
	v4 =	vsub.f32 v24, v4  }
0x171: {  	v13 =	vsel vm12, $0x1, v2;
	vm13 =	vgt.f32 v46, v49;
	v5 =	vmul.f32 $2.000000000e+02, v5  }
0x172: {  	v4 =	vmul.f32 v4, v0;
	v7 =	vsub.f32 v7, v41;
	v6 =	vsub.f32 v6, v3  }
0x173: {  	v50 =	vadd.s32 v13, v48;
	v9 =	vcvt.f32.s32 v49;
	v5 =	vadd.f32 $2.000000000e+02, v5  }
0x174: {  	v12 =	vadd.s32 $0xFFFFFFFF, v50;
	v7 =	vmul.f32 v4, v7;
	v4 =	vmul.f32 v4, v6  }
0x175: {  	v51 =	vsel vm13, $0x1, v2;
	vm14 =	vgt.s32 v12, $0x0;
	v5 =	vsub.f32 v26, v5  }
0x176: {  	v7 =	vadd.f32 v7, v41;
	v6 =	vadd.s32 v51, v9;
	v3 =	vadd.f32 v4, v3  }
0x177: {  	v52 =	vnsel vm14, $0x0, v12;
	v5 =	vmul.f32 v5, v1;
	v6 =	vadd.s32 $0xFFFFFFFF, v6  }
0x178: {  	v4 =	vmin.u32 v52, $0x8;
	vm15 =	vgt.s32 v6, $0x0;
	v3 =	vsub.f32 v3, v7  }
0x179: {  	v6 =	vnsel vm15, $0x0, v6;
	v53 =	vmul.u32 $0xA, v4  }
0x17a: {  	v6 =	vmin.u32 v6, $0x8;
	v3 =	vmul.f32 v3, v5  }
0x17b: {  	v56 =	vld [tilespmem:$0x110];
	v54 =	vadd.s32 v6, v53  }
0x17c: {  	v55 =	vadd.s32 $0xA, v54;
	v3 =	vadd.f32 v3, v7  }
0x17d: {  	v58 =	vld [tilespmem:$0x310];
	v5 =	vadd.s32 $0xB, v54  }
0x17e: {  	[tilespmem:$0x570] =	vst v3;
	v3 =	vadd.s32 $0x1, v54;
	_ =	sdelay $0x1  }
0x17f: {  	v59 =	vadd.f32 $-1.000000000e+02, v56;
	v4 =	vcvt.s32.f32 v4;
	v57 =	vld.idx.msk [tilespmem:v54+s10+$0x0], $0xffff  }
0x180: {  	v7 =	vld.idx.msk [tilespmem:v55+s10+$0x0], $0xffff  }
0x181: {  	v60 =	vmul.f32 $1.999999960e-02, v59;
	v61 =	vadd.f32 $-2.000000000e+02, v58;
	v4 =	vmul.f32 $5.000000000e+01, v4;
	v5 =	vld.idx.msk [tilespmem:v5+s10+$0x0], $0xffff  }
0x182: {  	v3 =	vld.idx.msk [tilespmem:v3+s10+$0x0], $0xffff  }
0x183: {  	v62 =	vmul.f32 $4.999999890e-03, v61;
	v63 =	vtrunc.f32 v60;
	v4 =	vadd.f32 $1.000000000e+02, v4  }
0x184: {  	v16 =	vcvt.f32.s32 v63;
	v6 =	vcvt.s32.f32 v6  }
0x185: {  	vm4 =	vgt.f32 v60, v63;
	v17 =	vtrunc.f32 v62;
	v4 =	vsub.f32 v40, v4  }
0x186: {  	v13 =	vsel vm4, $0x1, v2;
	vm5 =	vgt.f32 v62, v17;
	v6 =	vmul.f32 $2.000000000e+02, v6  }
0x187: {  	v4 =	vmul.f32 v4, v0;
	v7 =	vsub.f32 v7, v57;
	v5 =	vsub.f32 v5, v3  }
0x188: {  	v18 =	vadd.s32 v13, v16;
	v8 =	vcvt.f32.s32 v17;
	v6 =	vadd.f32 $2.000000000e+02, v6  }
0x189: {  	v11 =	vadd.s32 $0xFFFFFFFF, v18;
	v7 =	vmul.f32 v4, v7;
	v4 =	vmul.f32 v4, v5  }
0x18a: {  	v19 =	vsel vm5, $0x1, v2;
	vm6 =	vgt.s32 v11, $0x0;
	v6 =	vsub.f32 v42, v6  }
0x18b: {  	v7 =	vadd.f32 v7, v57;
	v5 =	vadd.s32 v19, v8;
	v3 =	vadd.f32 v4, v3  }
0x18c: {  	v20 =	vnsel vm6, $0x0, v11;
	v6 =	vmul.f32 v6, v1;
	v5 =	vadd.s32 $0xFFFFFFFF, v5  }
0x18d: {  	v4 =	vmin.u32 v20, $0x8;
	vm7 =	vgt.s32 v5, $0x0;
	v3 =	vsub.f32 v3, v7  }
0x18e: {  	v5 =	vnsel vm7, $0x0, v5;
	v21 =	vmul.u32 $0xA, v4  }
0x18f: {  	v5 =	vmin.u32 v5, $0x8;
	v3 =	vmul.f32 v3, v6  }
0x190: {  	v24 =	vld [tilespmem:$0x120];
	v22 =	vadd.s32 v5, v21  }
0x191: {  	v23 =	vadd.s32 $0xA, v22;
	v3 =	vadd.f32 v3, v7  }
0x192: {  	v26 =	vld [tilespmem:$0x320];
	v6 =	vadd.s32 $0xB, v22  }
0x193: {  	[tilespmem:$0x580] =	vst v3;
	v3 =	vadd.s32 $0x1, v22;
	_ =	sdelay $0x1  }
0x194: {  	v27 =	vadd.f32 $-1.000000000e+02, v24;
	v4 =	vcvt.s32.f32 v4;
	v25 =	vld.idx.msk [tilespmem:v22+s10+$0x0], $0xffff  }
0x195: {  	v7 =	vld.idx.msk [tilespmem:v23+s10+$0x0], $0xffff  }
0x196: {  	v28 =	vmul.f32 $1.999999960e-02, v27;
	v29 =	vadd.f32 $-2.000000000e+02, v26;
	v4 =	vmul.f32 $5.000000000e+01, v4;
	v6 =	vld.idx.msk [tilespmem:v6+s10+$0x0], $0xffff  }
0x197: {  	v3 =	vld.idx.msk [tilespmem:v3+s10+$0x0], $0xffff  }
0x198: {  	v30 =	vmul.f32 $4.999999890e-03, v29;
	v31 =	vtrunc.f32 v28;
	v4 =	vadd.f32 $1.000000000e+02, v4  }
0x199: {  	v32 =	vcvt.f32.s32 v31;
	v5 =	vcvt.s32.f32 v5  }
0x19a: {  	vm8 =	vgt.f32 v28, v31;
	v33 =	vtrunc.f32 v30;
	v4 =	vsub.f32 v56, v4  }
0x19b: {  	v13 =	vsel vm8, $0x1, v2;
	vm9 =	vgt.f32 v30, v33;
	v5 =	vmul.f32 $2.000000000e+02, v5  }
0x19c: {  	v4 =	vmul.f32 v4, v0;
	v7 =	vsub.f32 v7, v25;
	v6 =	vsub.f32 v6, v3  }
0x19d: {  	v34 =	vadd.s32 v13, v32;
	v9 =	vcvt.f32.s32 v33;
	v5 =	vadd.f32 $2.000000000e+02, v5  }
0x19e: {  	v12 =	vadd.s32 $0xFFFFFFFF, v34;
	v7 =	vmul.f32 v4, v7;
	v4 =	vmul.f32 v4, v6  }
0x19f: {  	v35 =	vsel vm9, $0x1, v2;
	vm10 =	vgt.s32 v12, $0x0;
	v5 =	vsub.f32 v58, v5  }
0x1a0: {  	v7 =	vadd.f32 v7, v25;
	v6 =	vadd.s32 v35, v9;
	v3 =	vadd.f32 v4, v3  }
0x1a1: {  	v36 =	vnsel vm10, $0x0, v12;
	v5 =	vmul.f32 v5, v1;
	v6 =	vadd.s32 $0xFFFFFFFF, v6  }
0x1a2: {  	v4 =	vmin.u32 v36, $0x8;
	vm11 =	vgt.s32 v6, $0x0;
	v3 =	vsub.f32 v3, v7  }
0x1a3: {  	v6 =	vnsel vm11, $0x0, v6;
	v37 =	vmul.u32 $0xA, v4  }
0x1a4: {  	v6 =	vmin.u32 v6, $0x8;
	v3 =	vmul.f32 v3, v5  }
0x1a5: {  	v40 =	vld [tilespmem:$0x130];
	v38 =	vadd.s32 v6, v37  }
0x1a6: {  	v39 =	vadd.s32 $0xA, v38;
	v3 =	vadd.f32 v3, v7  }
0x1a7: {  	v42 =	vld [tilespmem:$0x330];
	v5 =	vadd.s32 $0xB, v38  }
0x1a8: {  	[tilespmem:$0x590] =	vst v3;
	v3 =	vadd.s32 $0x1, v38;
	_ =	sdelay $0x1  }
0x1a9: {  	v43 =	vadd.f32 $-1.000000000e+02, v40;
	v4 =	vcvt.s32.f32 v4;
	v41 =	vld.idx.msk [tilespmem:v38+s10+$0x0], $0xffff  }
0x1aa: {  	v7 =	vld.idx.msk [tilespmem:v39+s10+$0x0], $0xffff  }
0x1ab: {  	v44 =	vmul.f32 $1.999999960e-02, v43;
	v45 =	vadd.f32 $-2.000000000e+02, v42;
	v4 =	vmul.f32 $5.000000000e+01, v4;
	v5 =	vld.idx.msk [tilespmem:v5+s10+$0x0], $0xffff  }
0x1ac: {  	v3 =	vld.idx.msk [tilespmem:v3+s10+$0x0], $0xffff  }
0x1ad: {  	v46 =	vmul.f32 $4.999999890e-03, v45;
	v47 =	vtrunc.f32 v44;
	v4 =	vadd.f32 $1.000000000e+02, v4  }
0x1ae: {  	v48 =	vcvt.f32.s32 v47;
	v6 =	vcvt.s32.f32 v6  }
0x1af: {  	vm12 =	vgt.f32 v44, v47;
	v49 =	vtrunc.f32 v46;
	v4 =	vsub.f32 v24, v4  }
0x1b0: {  	v13 =	vsel vm12, $0x1, v2;
	vm13 =	vgt.f32 v46, v49;
	v6 =	vmul.f32 $2.000000000e+02, v6  }
0x1b1: {  	v4 =	vmul.f32 v4, v0;
	v7 =	vsub.f32 v7, v41;
	v5 =	vsub.f32 v5, v3  }
0x1b2: {  	v50 =	vadd.s32 v13, v48;
	v8 =	vcvt.f32.s32 v49;
	v6 =	vadd.f32 $2.000000000e+02, v6  }
0x1b3: {  	v11 =	vadd.s32 $0xFFFFFFFF, v50;
	v7 =	vmul.f32 v4, v7;
	v4 =	vmul.f32 v4, v5  }
0x1b4: {  	v51 =	vsel vm13, $0x1, v2;
	vm14 =	vgt.s32 v11, $0x0;
	v6 =	vsub.f32 v26, v6  }
0x1b5: {  	v7 =	vadd.f32 v7, v41;
	v5 =	vadd.s32 v51, v8;
	v3 =	vadd.f32 v4, v3  }
0x1b6: {  	v52 =	vnsel vm14, $0x0, v11;
	v6 =	vmul.f32 v6, v1;
	v5 =	vadd.s32 $0xFFFFFFFF, v5  }
0x1b7: {  	v4 =	vmin.u32 v52, $0x8;
	vm15 =	vgt.s32 v5, $0x0;
	v3 =	vsub.f32 v3, v7  }
0x1b8: {  	v5 =	vnsel vm15, $0x0, v5;
	v53 =	vmul.u32 $0xA, v4  }
0x1b9: {  	v5 =	vmin.u32 v5, $0x8;
	v3 =	vmul.f32 v3, v6  }
0x1ba: {  	v56 =	vld [tilespmem:$0x140];
	v54 =	vadd.s32 v5, v53  }
0x1bb: {  	v55 =	vadd.s32 $0xA, v54;
	v3 =	vadd.f32 v3, v7  }
0x1bc: {  	v58 =	vld [tilespmem:$0x340];
	v6 =	vadd.s32 $0xB, v54  }
0x1bd: {  	[tilespmem:$0x5A0] =	vst v3;
	v3 =	vadd.s32 $0x1, v54;
	_ =	sdelay $0x1  }
0x1be: {  	v59 =	vadd.f32 $-1.000000000e+02, v56;
	v4 =	vcvt.s32.f32 v4;
	v57 =	vld.idx.msk [tilespmem:v54+s10+$0x0], $0xffff  }
0x1bf: {  	v7 =	vld.idx.msk [tilespmem:v55+s10+$0x0], $0xffff  }
0x1c0: {  	v60 =	vmul.f32 $1.999999960e-02, v59;
	v61 =	vadd.f32 $-2.000000000e+02, v58;
	v4 =	vmul.f32 $5.000000000e+01, v4;
	v6 =	vld.idx.msk [tilespmem:v6+s10+$0x0], $0xffff  }
0x1c1: {  	v3 =	vld.idx.msk [tilespmem:v3+s10+$0x0], $0xffff  }
0x1c2: {  	v62 =	vmul.f32 $4.999999890e-03, v61;
	v63 =	vtrunc.f32 v60;
	v4 =	vadd.f32 $1.000000000e+02, v4  }
0x1c3: {  	v16 =	vcvt.f32.s32 v63;
	v5 =	vcvt.s32.f32 v5  }
0x1c4: {  	vm4 =	vgt.f32 v60, v63;
	v17 =	vtrunc.f32 v62;
	v4 =	vsub.f32 v40, v4  }
0x1c5: {  	v13 =	vsel vm4, $0x1, v2;
	vm5 =	vgt.f32 v62, v17;
	v5 =	vmul.f32 $2.000000000e+02, v5  }
0x1c6: {  	v4 =	vmul.f32 v4, v0;
	v7 =	vsub.f32 v7, v57;
	v6 =	vsub.f32 v6, v3  }
0x1c7: {  	v18 =	vadd.s32 v13, v16;
	v9 =	vcvt.f32.s32 v17;
	v5 =	vadd.f32 $2.000000000e+02, v5  }
0x1c8: {  	v12 =	vadd.s32 $0xFFFFFFFF, v18;
	v7 =	vmul.f32 v4, v7;
	v4 =	vmul.f32 v4, v6  }
0x1c9: {  	v19 =	vsel vm5, $0x1, v2;
	vm6 =	vgt.s32 v12, $0x0;
	v5 =	vsub.f32 v42, v5  }
0x1ca: {  	v7 =	vadd.f32 v7, v57;
	v6 =	vadd.s32 v19, v9;
	v3 =	vadd.f32 v4, v3  }
0x1cb: {  	v20 =	vnsel vm6, $0x0, v12;
	v5 =	vmul.f32 v5, v1;
	v6 =	vadd.s32 $0xFFFFFFFF, v6  }
0x1cc: {  	v4 =	vmin.u32 v20, $0x8;
	vm7 =	vgt.s32 v6, $0x0;
	v3 =	vsub.f32 v3, v7  }
0x1cd: {  	v6 =	vnsel vm7, $0x0, v6;
	v21 =	vmul.u32 $0xA, v4  }
0x1ce: {  	v6 =	vmin.u32 v6, $0x8;
	v3 =	vmul.f32 v3, v5  }
0x1cf: {  	v24 =	vld [tilespmem:$0x150];
	v22 =	vadd.s32 v6, v21  }
0x1d0: {  	v23 =	vadd.s32 $0xA, v22;
	v3 =	vadd.f32 v3, v7  }
0x1d1: {  	v26 =	vld [tilespmem:$0x350];
	v5 =	vadd.s32 $0xB, v22  }
0x1d2: {  	[tilespmem:$0x5B0] =	vst v3;
	v3 =	vadd.s32 $0x1, v22;
	_ =	sdelay $0x1  }
0x1d3: {  	v27 =	vadd.f32 $-1.000000000e+02, v24;
	v4 =	vcvt.s32.f32 v4;
	v25 =	vld.idx.msk [tilespmem:v22+s10+$0x0], $0xffff  }
0x1d4: {  	v7 =	vld.idx.msk [tilespmem:v23+s10+$0x0], $0xffff  }
0x1d5: {  	v28 =	vmul.f32 $1.999999960e-02, v27;
	v29 =	vadd.f32 $-2.000000000e+02, v26;
	v4 =	vmul.f32 $5.000000000e+01, v4;
	v5 =	vld.idx.msk [tilespmem:v5+s10+$0x0], $0xffff  }
0x1d6: {  	v3 =	vld.idx.msk [tilespmem:v3+s10+$0x0], $0xffff  }
0x1d7: {  	v30 =	vmul.f32 $4.999999890e-03, v29;
	v31 =	vtrunc.f32 v28;
	v4 =	vadd.f32 $1.000000000e+02, v4  }
0x1d8: {  	v32 =	vcvt.f32.s32 v31;
	v6 =	vcvt.s32.f32 v6  }
0x1d9: {  	vm8 =	vgt.f32 v28, v31;
	v33 =	vtrunc.f32 v30;
	v4 =	vsub.f32 v56, v4  }
0x1da: {  	v13 =	vsel vm8, $0x1, v2;
	vm9 =	vgt.f32 v30, v33;
	v6 =	vmul.f32 $2.000000000e+02, v6  }
0x1db: {  	v4 =	vmul.f32 v4, v0;
	v7 =	vsub.f32 v7, v25;
	v5 =	vsub.f32 v5, v3  }
0x1dc: {  	v34 =	vadd.s32 v13, v32;
	v8 =	vcvt.f32.s32 v33;
	v6 =	vadd.f32 $2.000000000e+02, v6  }
0x1dd: {  	v11 =	vadd.s32 $0xFFFFFFFF, v34;
	v7 =	vmul.f32 v4, v7;
	v4 =	vmul.f32 v4, v5  }
0x1de: {  	v35 =	vsel vm9, $0x1, v2;
	vm10 =	vgt.s32 v11, $0x0;
	v6 =	vsub.f32 v58, v6  }
0x1df: {  	v7 =	vadd.f32 v7, v25;
	v5 =	vadd.s32 v35, v8;
	v3 =	vadd.f32 v4, v3  }
0x1e0: {  	v36 =	vnsel vm10, $0x0, v11;
	v6 =	vmul.f32 v6, v1;
	v5 =	vadd.s32 $0xFFFFFFFF, v5  }
0x1e1: {  	v4 =	vmin.u32 v36, $0x8;
	vm11 =	vgt.s32 v5, $0x0;
	v3 =	vsub.f32 v3, v7  }
0x1e2: {  	v5 =	vnsel vm11, $0x0, v5;
	v37 =	vmul.u32 $0xA, v4  }
0x1e3: {  	v5 =	vmin.u32 v5, $0x8;
	v3 =	vmul.f32 v3, v6  }
0x1e4: {  	v40 =	vld [tilespmem:$0x160];
	v38 =	vadd.s32 v5, v37  }
0x1e5: {  	v39 =	vadd.s32 $0xA, v38;
	v3 =	vadd.f32 v3, v7  }
0x1e6: {  	v42 =	vld [tilespmem:$0x360];
	v6 =	vadd.s32 $0xB, v38  }
0x1e7: {  	[tilespmem:$0x5C0] =	vst v3;
	v3 =	vadd.s32 $0x1, v38;
	_ =	sdelay $0x1  }
0x1e8: {  	v43 =	vadd.f32 $-1.000000000e+02, v40;
	v4 =	vcvt.s32.f32 v4;
	v41 =	vld.idx.msk [tilespmem:v38+s10+$0x0], $0xffff  }
0x1e9: {  	v7 =	vld.idx.msk [tilespmem:v39+s10+$0x0], $0xffff  }
0x1ea: {  	v44 =	vmul.f32 $1.999999960e-02, v43;
	v45 =	vadd.f32 $-2.000000000e+02, v42;
	v4 =	vmul.f32 $5.000000000e+01, v4;
	v6 =	vld.idx.msk [tilespmem:v6+s10+$0x0], $0xffff  }
0x1eb: {  	v3 =	vld.idx.msk [tilespmem:v3+s10+$0x0], $0xffff  }
0x1ec: {  	v46 =	vmul.f32 $4.999999890e-03, v45;
	v47 =	vtrunc.f32 v44;
	v4 =	vadd.f32 $1.000000000e+02, v4  }
0x1ed: {  	v48 =	vcvt.f32.s32 v47;
	v5 =	vcvt.s32.f32 v5  }
0x1ee: {  	vm12 =	vgt.f32 v44, v47;
	v49 =	vtrunc.f32 v46;
	v4 =	vsub.f32 v24, v4  }
0x1ef: {  	v13 =	vsel vm12, $0x1, v2;
	vm13 =	vgt.f32 v46, v49;
	v5 =	vmul.f32 $2.000000000e+02, v5  }
0x1f0: {  	v4 =	vmul.f32 v4, v0;
	v7 =	vsub.f32 v7, v41;
	v6 =	vsub.f32 v6, v3  }
0x1f1: {  	v50 =	vadd.s32 v13, v48;
	v9 =	vcvt.f32.s32 v49;
	v5 =	vadd.f32 $2.000000000e+02, v5  }
0x1f2: {  	v12 =	vadd.s32 $0xFFFFFFFF, v50;
	v7 =	vmul.f32 v4, v7;
	v4 =	vmul.f32 v4, v6  }
0x1f3: {  	v51 =	vsel vm13, $0x1, v2;
	vm14 =	vgt.s32 v12, $0x0;
	v5 =	vsub.f32 v26, v5  }
0x1f4: {  	v7 =	vadd.f32 v7, v41;
	v6 =	vadd.s32 v51, v9;
	v3 =	vadd.f32 v4, v3  }
0x1f5: {  	v52 =	vnsel vm14, $0x0, v12;
	v5 =	vmul.f32 v5, v1;
	v6 =	vadd.s32 $0xFFFFFFFF, v6  }
0x1f6: {  	v4 =	vmin.u32 v52, $0x8;
	vm15 =	vgt.s32 v6, $0x0;
	v3 =	vsub.f32 v3, v7  }
0x1f7: {  	v6 =	vnsel vm15, $0x0, v6;
	v53 =	vmul.u32 $0xA, v4  }
0x1f8: {  	v6 =	vmin.u32 v6, $0x8;
	v3 =	vmul.f32 v3, v5  }
0x1f9: {  	v56 =	vld [tilespmem:$0x170];
	v54 =	vadd.s32 v6, v53  }
0x1fa: {  	v55 =	vadd.s32 $0xA, v54;
	v3 =	vadd.f32 v3, v7  }
0x1fb: {  	v58 =	vld [tilespmem:$0x370];
	v5 =	vadd.s32 $0xB, v54  }
0x1fc: {  	[tilespmem:$0x5D0] =	vst v3;
	v3 =	vadd.s32 $0x1, v54;
	_ =	sdelay $0x1  }
0x1fd: {  	v59 =	vadd.f32 $-1.000000000e+02, v56;
	v4 =	vcvt.s32.f32 v4;
	v57 =	vld.idx.msk [tilespmem:v54+s10+$0x0], $0xffff  }
0x1fe: {  	v7 =	vld.idx.msk [tilespmem:v55+s10+$0x0], $0xffff  }
0x1ff: {  	v60 =	vmul.f32 $1.999999960e-02, v59;
	v61 =	vadd.f32 $-2.000000000e+02, v58;
	v4 =	vmul.f32 $5.000000000e+01, v4;
	v5 =	vld.idx.msk [tilespmem:v5+s10+$0x0], $0xffff  }
0x200: {  	v3 =	vld.idx.msk [tilespmem:v3+s10+$0x0], $0xffff  }
0x201: {  	v62 =	vmul.f32 $4.999999890e-03, v61;
	v63 =	vtrunc.f32 v60;
	v4 =	vadd.f32 $1.000000000e+02, v4  }
0x202: {  	v16 =	vcvt.f32.s32 v63;
	v6 =	vcvt.s32.f32 v6  }
0x203: {  	vm4 =	vgt.f32 v60, v63;
	v17 =	vtrunc.f32 v62;
	v4 =	vsub.f32 v40, v4  }
0x204: {  	v13 =	vsel vm4, $0x1, v2;
	vm5 =	vgt.f32 v62, v17;
	v6 =	vmul.f32 $2.000000000e+02, v6  }
0x205: {  	v4 =	vmul.f32 v4, v0;
	v7 =	vsub.f32 v7, v57;
	v5 =	vsub.f32 v5, v3  }
0x206: {  	v18 =	vadd.s32 v13, v16;
	v8 =	vcvt.f32.s32 v17;
	v6 =	vadd.f32 $2.000000000e+02, v6  }
0x207: {  	v11 =	vadd.s32 $0xFFFFFFFF, v18;
	v7 =	vmul.f32 v4, v7;
	v4 =	vmul.f32 v4, v5  }
0x208: {  	v19 =	vsel vm5, $0x1, v2;
	vm6 =	vgt.s32 v11, $0x0;
	v6 =	vsub.f32 v42, v6  }
0x209: {  	v7 =	vadd.f32 v7, v57;
	v5 =	vadd.s32 v19, v8;
	v3 =	vadd.f32 v4, v3  }
0x20a: {  	v20 =	vnsel vm6, $0x0, v11;
	v6 =	vmul.f32 v6, v1;
	v5 =	vadd.s32 $0xFFFFFFFF, v5  }
0x20b: {  	v4 =	vmin.u32 v20, $0x8;
	vm7 =	vgt.s32 v5, $0x0;
	v3 =	vsub.f32 v3, v7  }
0x20c: {  	v5 =	vnsel vm7, $0x0, v5;
	v21 =	vmul.u32 $0xA, v4  }
0x20d: {  	v5 =	vmin.u32 v5, $0x8;
	v3 =	vmul.f32 v3, v6  }
0x20e: {  	v24 =	vld [tilespmem:$0x180];
	v22 =	vadd.s32 v5, v21  }
0x20f: {  	v23 =	vadd.s32 $0xA, v22;
	v3 =	vadd.f32 v3, v7  }
0x210: {  	v26 =	vld [tilespmem:$0x380];
	v6 =	vadd.s32 $0xB, v22  }
0x211: {  	[tilespmem:$0x5E0] =	vst v3;
	v3 =	vadd.s32 $0x1, v22;
	_ =	sdelay $0x1  }
0x212: {  	v27 =	vadd.f32 $-1.000000000e+02, v24;
	v4 =	vcvt.s32.f32 v4;
	v25 =	vld.idx.msk [tilespmem:v22+s10+$0x0], $0xffff  }
0x213: {  	v7 =	vld.idx.msk [tilespmem:v23+s10+$0x0], $0xffff  }
0x214: {  	v28 =	vmul.f32 $1.999999960e-02, v27;
	v29 =	vadd.f32 $-2.000000000e+02, v26;
	v4 =	vmul.f32 $5.000000000e+01, v4;
	v6 =	vld.idx.msk [tilespmem:v6+s10+$0x0], $0xffff  }
0x215: {  	v3 =	vld.idx.msk [tilespmem:v3+s10+$0x0], $0xffff  }
0x216: {  	v30 =	vmul.f32 $4.999999890e-03, v29;
	v31 =	vtrunc.f32 v28;
	v4 =	vadd.f32 $1.000000000e+02, v4  }
0x217: {  	v32 =	vcvt.f32.s32 v31;
	v5 =	vcvt.s32.f32 v5  }
0x218: {  	vm8 =	vgt.f32 v28, v31;
	v33 =	vtrunc.f32 v30;
	v4 =	vsub.f32 v56, v4  }
0x219: {  	v13 =	vsel vm8, $0x1, v2;
	vm9 =	vgt.f32 v30, v33;
	v5 =	vmul.f32 $2.000000000e+02, v5  }
0x21a: {  	v4 =	vmul.f32 v4, v0;
	v7 =	vsub.f32 v7, v25;
	v6 =	vsub.f32 v6, v3  }
0x21b: {  	v34 =	vadd.s32 v13, v32;
	v9 =	vcvt.f32.s32 v33;
	v5 =	vadd.f32 $2.000000000e+02, v5  }
0x21c: {  	v12 =	vadd.s32 $0xFFFFFFFF, v34;
	v7 =	vmul.f32 v4, v7;
	v4 =	vmul.f32 v4, v6  }
0x21d: {  	v35 =	vsel vm9, $0x1, v2;
	vm10 =	vgt.s32 v12, $0x0;
	v5 =	vsub.f32 v58, v5  }
0x21e: {  	v7 =	vadd.f32 v7, v25;
	v6 =	vadd.s32 v35, v9;
	v3 =	vadd.f32 v4, v3  }
0x21f: {  	v36 =	vnsel vm10, $0x0, v12;
	v5 =	vmul.f32 v5, v1;
	v6 =	vadd.s32 $0xFFFFFFFF, v6  }
0x220: {  	v4 =	vmin.u32 v36, $0x8;
	vm11 =	vgt.s32 v6, $0x0;
	v3 =	vsub.f32 v3, v7  }
0x221: {  	v6 =	vnsel vm11, $0x0, v6;
	v37 =	vmul.u32 $0xA, v4  }
0x222: {  	v6 =	vmin.u32 v6, $0x8;
	v3 =	vmul.f32 v3, v5  }
0x223: {  	v40 =	vld [tilespmem:$0x190];
	v38 =	vadd.s32 v6, v37  }
0x224: {  	v39 =	vadd.s32 $0xA, v38;
	v3 =	vadd.f32 v3, v7  }
0x225: {  	v42 =	vld [tilespmem:$0x390];
	v5 =	vadd.s32 $0xB, v38  }
0x226: {  	[tilespmem:$0x5F0] =	vst v3;
	v3 =	vadd.s32 $0x1, v38;
	_ =	sdelay $0x1  }
0x227: {  	v43 =	vadd.f32 $-1.000000000e+02, v40;
	v4 =	vcvt.s32.f32 v4;
	v41 =	vld.idx.msk [tilespmem:v38+s10+$0x0], $0xffff  }
0x228: {  	v7 =	vld.idx.msk [tilespmem:v39+s10+$0x0], $0xffff  }
0x229: {  	v44 =	vmul.f32 $1.999999960e-02, v43;
	v45 =	vadd.f32 $-2.000000000e+02, v42;
	v4 =	vmul.f32 $5.000000000e+01, v4;
	v5 =	vld.idx.msk [tilespmem:v5+s10+$0x0], $0xffff  }
0x22a: {  	v3 =	vld.idx.msk [tilespmem:v3+s10+$0x0], $0xffff  }
0x22b: {  	v46 =	vmul.f32 $4.999999890e-03, v45;
	v47 =	vtrunc.f32 v44;
	v4 =	vadd.f32 $1.000000000e+02, v4  }
0x22c: {  	v48 =	vcvt.f32.s32 v47;
	v6 =	vcvt.s32.f32 v6  }
0x22d: {  	vm12 =	vgt.f32 v44, v47;
	v49 =	vtrunc.f32 v46;
	v4 =	vsub.f32 v24, v4  }
0x22e: {  	v13 =	vsel vm12, $0x1, v2;
	vm13 =	vgt.f32 v46, v49;
	v6 =	vmul.f32 $2.000000000e+02, v6  }
0x22f: {  	v4 =	vmul.f32 v4, v0;
	v7 =	vsub.f32 v7, v41;
	v5 =	vsub.f32 v5, v3  }
0x230: {  	v50 =	vadd.s32 v13, v48;
	v8 =	vcvt.f32.s32 v49;
	v6 =	vadd.f32 $2.000000000e+02, v6  }
0x231: {  	v11 =	vadd.s32 $0xFFFFFFFF, v50;
	v7 =	vmul.f32 v4, v7;
	v4 =	vmul.f32 v4, v5  }
0x232: {  	v51 =	vsel vm13, $0x1, v2;
	vm14 =	vgt.s32 v11, $0x0;
	v6 =	vsub.f32 v26, v6  }
0x233: {  	v7 =	vadd.f32 v7, v41;
	v5 =	vadd.s32 v51, v8;
	v3 =	vadd.f32 v4, v3  }
0x234: {  	v52 =	vnsel vm14, $0x0, v11;
	v6 =	vmul.f32 v6, v1;
	v5 =	vadd.s32 $0xFFFFFFFF, v5  }
0x235: {  	v4 =	vmin.u32 v52, $0x8;
	vm15 =	vgt.s32 v5, $0x0;
	v3 =	vsub.f32 v3, v7  }
0x236: {  	v5 =	vnsel vm15, $0x0, v5;
	v53 =	vmul.u32 $0xA, v4  }
0x237: {  	v5 =	vmin.u32 v5, $0x8;
	v3 =	vmul.f32 v3, v6  }
0x238: {  	v56 =	vld [tilespmem:$0x1A0];
	v54 =	vadd.s32 v5, v53  }
0x239: {  	v55 =	vadd.s32 $0xA, v54;
	v3 =	vadd.f32 v3, v7  }
0x23a: {  	v58 =	vld [tilespmem:$0x3A0];
	v6 =	vadd.s32 $0xB, v54  }
0x23b: {  	[tilespmem:$0x600] =	vst v3;
	v3 =	vadd.s32 $0x1, v54;
	_ =	sdelay $0x1  }
0x23c: {  	v59 =	vadd.f32 $-1.000000000e+02, v56;
	v4 =	vcvt.s32.f32 v4;
	v57 =	vld.idx.msk [tilespmem:v54+s10+$0x0], $0xffff  }
0x23d: {  	v7 =	vld.idx.msk [tilespmem:v55+s10+$0x0], $0xffff  }
0x23e: {  	v60 =	vmul.f32 $1.999999960e-02, v59;
	v61 =	vadd.f32 $-2.000000000e+02, v58;
	v4 =	vmul.f32 $5.000000000e+01, v4;
	v6 =	vld.idx.msk [tilespmem:v6+s10+$0x0], $0xffff  }
0x23f: {  	v3 =	vld.idx.msk [tilespmem:v3+s10+$0x0], $0xffff  }
0x240: {  	v62 =	vmul.f32 $4.999999890e-03, v61;
	v63 =	vtrunc.f32 v60;
	v4 =	vadd.f32 $1.000000000e+02, v4  }
0x241: {  	v16 =	vcvt.f32.s32 v63;
	v5 =	vcvt.s32.f32 v5  }
0x242: {  	vm4 =	vgt.f32 v60, v63;
	v17 =	vtrunc.f32 v62;
	v4 =	vsub.f32 v40, v4  }
0x243: {  	v13 =	vsel vm4, $0x1, v2;
	vm5 =	vgt.f32 v62, v17;
	v5 =	vmul.f32 $2.000000000e+02, v5  }
0x244: {  	v4 =	vmul.f32 v4, v0;
	v7 =	vsub.f32 v7, v57;
	v6 =	vsub.f32 v6, v3  }
0x245: {  	v18 =	vadd.s32 v13, v16;
	v9 =	vcvt.f32.s32 v17;
	v5 =	vadd.f32 $2.000000000e+02, v5  }
0x246: {  	v12 =	vadd.s32 $0xFFFFFFFF, v18;
	v7 =	vmul.f32 v4, v7;
	v4 =	vmul.f32 v4, v6  }
0x247: {  	v19 =	vsel vm5, $0x1, v2;
	vm6 =	vgt.s32 v12, $0x0;
	v5 =	vsub.f32 v42, v5  }
0x248: {  	v7 =	vadd.f32 v7, v57;
	v6 =	vadd.s32 v19, v9;
	v3 =	vadd.f32 v4, v3  }
0x249: {  	v20 =	vnsel vm6, $0x0, v12;
	v5 =	vmul.f32 v5, v1;
	v6 =	vadd.s32 $0xFFFFFFFF, v6  }
0x24a: {  	v4 =	vmin.u32 v20, $0x8;
	vm7 =	vgt.s32 v6, $0x0;
	v3 =	vsub.f32 v3, v7  }
0x24b: {  	v6 =	vnsel vm7, $0x0, v6;
	v21 =	vmul.u32 $0xA, v4  }
0x24c: {  	v6 =	vmin.u32 v6, $0x8;
	v3 =	vmul.f32 v3, v5  }
0x24d: {  	v24 =	vld [tilespmem:$0x1B0];
	v22 =	vadd.s32 v6, v21  }
0x24e: {  	v23 =	vadd.s32 $0xA, v22;
	v3 =	vadd.f32 v3, v7  }
0x24f: {  	v26 =	vld [tilespmem:$0x3B0];
	v5 =	vadd.s32 $0xB, v22  }
0x250: {  	[tilespmem:$0x610] =	vst v3;
	v3 =	vadd.s32 $0x1, v22;
	_ =	sdelay $0x1  }
0x251: {  	v27 =	vadd.f32 $-1.000000000e+02, v24;
	v4 =	vcvt.s32.f32 v4;
	v25 =	vld.idx.msk [tilespmem:v22+s10+$0x0], $0xffff  }
0x252: {  	v7 =	vld.idx.msk [tilespmem:v23+s10+$0x0], $0xffff  }
0x253: {  	v28 =	vmul.f32 $1.999999960e-02, v27;
	v29 =	vadd.f32 $-2.000000000e+02, v26;
	v4 =	vmul.f32 $5.000000000e+01, v4;
	v5 =	vld.idx.msk [tilespmem:v5+s10+$0x0], $0xffff  }
0x254: {  	v3 =	vld.idx.msk [tilespmem:v3+s10+$0x0], $0xffff  }
0x255: {  	v30 =	vmul.f32 $4.999999890e-03, v29;
	v31 =	vtrunc.f32 v28;
	v4 =	vadd.f32 $1.000000000e+02, v4  }
0x256: {  	v32 =	vcvt.f32.s32 v31;
	v6 =	vcvt.s32.f32 v6  }
0x257: {  	vm8 =	vgt.f32 v28, v31;
	v33 =	vtrunc.f32 v30;
	v4 =	vsub.f32 v56, v4  }
0x258: {  	v13 =	vsel vm8, $0x1, v2;
	vm9 =	vgt.f32 v30, v33;
	v6 =	vmul.f32 $2.000000000e+02, v6  }
0x259: {  	v4 =	vmul.f32 v4, v0;
	v7 =	vsub.f32 v7, v25;
	v5 =	vsub.f32 v5, v3  }
0x25a: {  	v34 =	vadd.s32 v13, v32;
	v8 =	vcvt.f32.s32 v33;
	v6 =	vadd.f32 $2.000000000e+02, v6  }
0x25b: {  	v11 =	vadd.s32 $0xFFFFFFFF, v34;
	v7 =	vmul.f32 v4, v7;
	v4 =	vmul.f32 v4, v5  }
0x25c: {  	v35 =	vsel vm9, $0x1, v2;
	vm10 =	vgt.s32 v11, $0x0;
	v6 =	vsub.f32 v58, v6  }
0x25d: {  	v7 =	vadd.f32 v7, v25;
	v5 =	vadd.s32 v35, v8;
	v3 =	vadd.f32 v4, v3  }
0x25e: {  	v36 =	vnsel vm10, $0x0, v11;
	v6 =	vmul.f32 v6, v1;
	v5 =	vadd.s32 $0xFFFFFFFF, v5  }
0x25f: {  	v4 =	vmin.u32 v36, $0x8;
	vm11 =	vgt.s32 v5, $0x0;
	v3 =	vsub.f32 v3, v7  }
0x260: {  	v5 =	vnsel vm11, $0x0, v5;
	v37 =	vmul.u32 $0xA, v4  }
0x261: {  	v5 =	vmin.u32 v5, $0x8;
	v3 =	vmul.f32 v3, v6  }
0x262: {  	v40 =	vld [tilespmem:$0x1C0];
	v38 =	vadd.s32 v5, v37  }
0x263: {  	v39 =	vadd.s32 $0xA, v38;
	v3 =	vadd.f32 v3, v7  }
0x264: {  	v42 =	vld [tilespmem:$0x3C0];
	v6 =	vadd.s32 $0xB, v38  }
0x265: {  	[tilespmem:$0x620] =	vst v3;
	v3 =	vadd.s32 $0x1, v38;
	_ =	sdelay $0x1  }
0x266: {  	v43 =	vadd.f32 $-1.000000000e+02, v40;
	v4 =	vcvt.s32.f32 v4;
	v41 =	vld.idx.msk [tilespmem:v38+s10+$0x0], $0xffff  }
0x267: {  	v7 =	vld.idx.msk [tilespmem:v39+s10+$0x0], $0xffff  }
0x268: {  	v44 =	vmul.f32 $1.999999960e-02, v43;
	v45 =	vadd.f32 $-2.000000000e+02, v42;
	v4 =	vmul.f32 $5.000000000e+01, v4;
	v6 =	vld.idx.msk [tilespmem:v6+s10+$0x0], $0xffff  }
0x269: {  	v3 =	vld.idx.msk [tilespmem:v3+s10+$0x0], $0xffff  }
0x26a: {  	v46 =	vmul.f32 $4.999999890e-03, v45;
	v47 =	vtrunc.f32 v44;
	v4 =	vadd.f32 $1.000000000e+02, v4  }
0x26b: {  	v48 =	vcvt.f32.s32 v47;
	v5 =	vcvt.s32.f32 v5  }
0x26c: {  	vm12 =	vgt.f32 v44, v47;
	v49 =	vtrunc.f32 v46;
	v4 =	vsub.f32 v24, v4  }
0x26d: {  	v13 =	vsel vm12, $0x1, v2;
	vm13 =	vgt.f32 v46, v49;
	v5 =	vmul.f32 $2.000000000e+02, v5  }
0x26e: {  	v4 =	vmul.f32 v4, v0;
	v7 =	vsub.f32 v7, v41;
	v6 =	vsub.f32 v6, v3  }
0x26f: {  	v50 =	vadd.s32 v13, v48;
	v9 =	vcvt.f32.s32 v49;
	v5 =	vadd.f32 $2.000000000e+02, v5  }
0x270: {  	v12 =	vadd.s32 $0xFFFFFFFF, v50;
	v7 =	vmul.f32 v4, v7;
	v4 =	vmul.f32 v4, v6  }
0x271: {  	v51 =	vsel vm13, $0x1, v2;
	vm14 =	vgt.s32 v12, $0x0;
	v5 =	vsub.f32 v26, v5  }
0x272: {  	v7 =	vadd.f32 v7, v41;
	v6 =	vadd.s32 v51, v9;
	v3 =	vadd.f32 v4, v3  }
0x273: {  	v52 =	vnsel vm14, $0x0, v12;
	v5 =	vmul.f32 v5, v1;
	v6 =	vadd.s32 $0xFFFFFFFF, v6  }
0x274: {  	v4 =	vmin.u32 v52, $0x8;
	vm15 =	vgt.s32 v6, $0x0;
	v3 =	vsub.f32 v3, v7  }
0x275: {  	v6 =	vnsel vm15, $0x0, v6;
	v53 =	vmul.u32 $0xA, v4  }
0x276: {  	v6 =	vmin.u32 v6, $0x8;
	v3 =	vmul.f32 v3, v5  }
0x277: {  	v56 =	vld [tilespmem:$0x1D0];
	v54 =	vadd.s32 v6, v53  }
0x278: {  	v55 =	vadd.s32 $0xA, v54;
	v3 =	vadd.f32 v3, v7  }
0x279: {  	v58 =	vld [tilespmem:$0x3D0];
	v5 =	vadd.s32 $0xB, v54  }
0x27a: {  	[tilespmem:$0x630] =	vst v3;
	v3 =	vadd.s32 $0x1, v54;
	_ =	sdelay $0x1  }
0x27b: {  	v59 =	vadd.f32 $-1.000000000e+02, v56;
	v4 =	vcvt.s32.f32 v4;
	v57 =	vld.idx.msk [tilespmem:v54+s10+$0x0], $0xffff  }
0x27c: {  	v7 =	vld.idx.msk [tilespmem:v55+s10+$0x0], $0xffff  }
0x27d: {  	v60 =	vmul.f32 $1.999999960e-02, v59;
	v61 =	vadd.f32 $-2.000000000e+02, v58;
	v4 =	vmul.f32 $5.000000000e+01, v4;
	v5 =	vld.idx.msk [tilespmem:v5+s10+$0x0], $0xffff  }
0x27e: {  	v3 =	vld.idx.msk [tilespmem:v3+s10+$0x0], $0xffff  }
0x27f: {  	v62 =	vmul.f32 $4.999999890e-03, v61;
	v63 =	vtrunc.f32 v60;
	v4 =	vadd.f32 $1.000000000e+02, v4  }
0x280: {  	v16 =	vcvt.f32.s32 v63;
	v6 =	vcvt.s32.f32 v6  }
0x281: {  	vm4 =	vgt.f32 v60, v63;
	v17 =	vtrunc.f32 v62;
	v4 =	vsub.f32 v40, v4  }
0x282: {  	v13 =	vsel vm4, $0x1, v2;
	vm5 =	vgt.f32 v62, v17;
	v6 =	vmul.f32 $2.000000000e+02, v6  }
0x283: {  	v4 =	vmul.f32 v4, v0;
	v7 =	vsub.f32 v7, v57;
	v5 =	vsub.f32 v5, v3  }
0x284: {  	v18 =	vadd.s32 v13, v16;
	v8 =	vcvt.f32.s32 v17;
	v6 =	vadd.f32 $2.000000000e+02, v6  }
0x285: {  	v11 =	vadd.s32 $0xFFFFFFFF, v18;
	v7 =	vmul.f32 v4, v7;
	v4 =	vmul.f32 v4, v5  }
0x286: {  	v19 =	vsel vm5, $0x1, v2;
	vm6 =	vgt.s32 v11, $0x0;
	v6 =	vsub.f32 v42, v6  }
0x287: {  	v7 =	vadd.f32 v7, v57;
	v5 =	vadd.s32 v19, v8;
	v3 =	vadd.f32 v4, v3  }
0x288: {  	v20 =	vnsel vm6, $0x0, v11;
	v6 =	vmul.f32 v6, v1;
	v5 =	vadd.s32 $0xFFFFFFFF, v5  }
0x289: {  	v4 =	vmin.u32 v20, $0x8;
	vm7 =	vgt.s32 v5, $0x0;
	v3 =	vsub.f32 v3, v7  }
0x28a: {  	v5 =	vnsel vm7, $0x0, v5;
	v21 =	vmul.u32 $0xA, v4  }
0x28b: {  	v24 =	vld [tilespmem:$0x1E0];
	v5 =	vmin.u32 v5, $0x8;
	v3 =	vmul.f32 v3, v6  }
0x28c: {  	v22 =	vadd.s32 v5, v21  }
0x28d: {  	v26 =	vld [tilespmem:$0x3E0];
	v23 =	vadd.s32 $0xA, v22;
	v3 =	vadd.f32 v3, v7  }
0x28e: {  	v6 =	vadd.s32 $0xB, v22  }
0x28f: {  	[tilespmem:$0x640] =	vst v3;
	v3 =	vadd.s32 $0x1, v22  }
0x290: {  	v27 =	vadd.f32 $-1.000000000e+02, v24  }
0x291: {  	v4 =	vcvt.s32.f32 v4;
	v25 =	vld.idx.msk [tilespmem:v22+s10+$0x0], $0xffff  }
0x292: {  	v28 =	vmul.f32 $1.999999960e-02, v27;
	v29 =	vadd.f32 $-2.000000000e+02, v26;
	v7 =	vld.idx.msk [tilespmem:v23+s10+$0x0], $0xffff  }
0x293: {  	v4 =	vmul.f32 $5.000000000e+01, v4;
	v6 =	vld.idx.msk [tilespmem:v6+s10+$0x0], $0xffff  }
0x294: {  	v30 =	vmul.f32 $4.999999890e-03, v29;
	v31 =	vtrunc.f32 v28;
	v3 =	vld.idx.msk [tilespmem:v3+s10+$0x0], $0xffff  }
0x295: {  	v32 =	vcvt.f32.s32 v31;
	v4 =	vadd.f32 $1.000000000e+02, v4  }
0x296: {  	vm8 =	vgt.f32 v28, v31;
	v33 =	vtrunc.f32 v30;
	v5 =	vcvt.s32.f32 v5  }
0x297: {  	v13 =	vsel vm8, $0x1, v2;
	vm9 =	vgt.f32 v30, v33;
	v4 =	vsub.f32 v56, v4  }
0x298: {  	v34 =	vadd.s32 v13, v32;
	v9 =	vcvt.f32.s32 v33;
	v5 =	vmul.f32 $2.000000000e+02, v5  }
0x299: {  	v4 =	vmul.f32 v4, v0;
	v7 =	vsub.f32 v7, v25;
	v6 =	vsub.f32 v6, v3  }
0x29a: {  	v35 =	vsel vm9, $0x1, v2;
	v12 =	vadd.s32 $0xFFFFFFFF, v34;
	v5 =	vadd.f32 $2.000000000e+02, v5  }
0x29b: {  	vm10 =	vgt.s32 v12, $0x0;
	v7 =	vmul.f32 v4, v7;
	v4 =	vmul.f32 v4, v6  }
0x29c: {  	v36 =	vnsel vm10, $0x0, v12;
	v5 =	vsub.f32 v58, v5;
	v6 =	vadd.s32 v35, v9  }
0x29d: {  	v7 =	vadd.f32 v7, v25;
	v6 =	vadd.s32 $0xFFFFFFFF, v6;
	v3 =	vadd.f32 v4, v3  }
0x29e: {  	v5 =	vmul.f32 v5, v1;
	v4 =	vmin.u32 v36, $0x8;
	vm11 =	vgt.s32 v6, $0x0  }
0x29f: {  	v6 =	vnsel vm11, $0x0, v6;
	v37 =	vmul.u32 $0xA, v4;
	v3 =	vsub.f32 v3, v7  }
0x2a0: {  	v42 =	vld [tilespmem:$0x3F0];
	v6 =	vmin.u32 v6, $0x8  }
0x2a1: {  	v38 =	vadd.s32 v6, v37;
	v3 =	vmul.f32 v3, v5  }
0x2a2: {  	v40 =	vld [tilespmem:$0x1F0];
	v9 =	vadd.s32 $0xA, v38  }
0x2a3: {  	v39 =	vadd.s32 $0x1, v38;
	v3 =	vadd.f32 v3, v7  }
0x2a4: {  	v41 =	vadd.s32 $0xB, v38  }
0x2a5: {  	v47 =	vadd.f32 $-2.000000000e+02, v42;
	v4 =	vcvt.s32.f32 v4;
	[tilespmem:$0x650] =	vst v3  }
0x2a6: {  	v43 =	vld.idx.msk [tilespmem:v38+s10+$0x0], $0xffff  }
0x2a7: {  	v46 =	vadd.f32 $-1.000000000e+02, v40;
	v8 =	vmul.f32 $4.999999890e-03, v47;
	v3 =	vmul.f32 $5.000000000e+01, v4;
	v45 =	vld.idx.msk [tilespmem:v9+s10+$0x0], $0xffff  }
0x2a8: {  	v7 =	vld.idx.msk [tilespmem:v39+s10+$0x0], $0xffff  }
0x2a9: {  	v50 =	vtrunc.f32 v8;
	v12 =	vld.idx.msk [tilespmem:v41+s10+$0x0], $0xffff;
	v9 =	vmul.f32 $1.999999960e-02, v46;
	v3 =	vadd.f32 $1.000000000e+02, v3  }
0x2aa: {  	vm13 =	vgt.f32 v8, v50  }
0x2ab: {  	v44 =	vcvt.s32.f32 v6;
	v48 =	vtrunc.f32 v9;
	v3 =	vsub.f32 v24, v3  }
0x2ac: {  	v52 =	vsel vm13, $0x1, v2;
	v49 =	vcvt.f32.s32 v48;
	vm12 =	vgt.f32 v9, v48  }
0x2ad: {  	v5 =	vmul.f32 $2.000000000e+02, v44;
	v11 =	vsel vm12, $0x1, v2;
	v3 =	vmul.f32 v3, v0  }
0x2ae: {  	v6 =	vsub.f32 v45, v43;
	v51 =	vsub.f32 v12, v7;
	v11 =	vadd.s32 v11, v49  }
0x2af: {  	v5 =	vadd.f32 $2.000000000e+02, v5;
	v9 =	vcvt.f32.s32 v50;
	v11 =	vadd.s32 $0xFFFFFFFF, v11  }
0x2b0: {  	v6 =	vmul.f32 v3, v6;
	v3 =	vmul.f32 v3, v51;
	vm14 =	vgt.s32 v11, $0x0  }
0x2b1: {  	v5 =	vsub.f32 v26, v5;
	v53 =	vadd.s32 v52, v9;
	v54 =	vnsel vm14, $0x0, v11  }
0x2b2: {  	v4 =	vadd.f32 v6, v43;
	v3 =	vadd.f32 v3, v7;
	v6 =	vadd.s32 $0xFFFFFFFF, v53  }
0x2b3: {  	v5 =	vmul.f32 v5, v1;
	v7 =	vmin.u32 v54, $0x8;
	vm15 =	vgt.s32 v6, $0x0  }
0x2b4: {  	v55 =	vmul.u32 $0xA, v7;
	v3 =	vsub.f32 v3, v4;
	v6 =	vnsel vm15, $0x0, v6  }
0x2b5: {  	v6 =	vmin.u32 v6, $0x8  }
0x2b6: {  	v3 =	vmul.f32 v3, v5;
	v56 =	vadd.s32 v6, v55  }
0x2b7: {  	v8 =	vadd.s32 $0x1, v56  }
0x2b8: {  	v57 =	vadd.s32 $0xA, v56;
	v3 =	vadd.f32 v3, v4  }
0x2b9: {  	v58 =	vadd.s32 $0xB, v56  }
0x2ba: {  	[tilespmem:$0x660] =	vst v3  }
0x2bb: {  	v59 =	vcvt.s32.f32 v7;
	v3 =	vld.idx.msk [tilespmem:v56+s10+$0x0], $0xffff  }
0x2bc: {  	v60 =	vld.idx.msk [tilespmem:v8+s10+$0x0], $0xffff  }
0x2bd: {  	v5 =	vmul.f32 $5.000000000e+01, v59;
	v4 =	vld.idx.msk [tilespmem:v57+s10+$0x0], $0xffff  }
0x2be: {  	v61 =	vld.idx.msk [tilespmem:v58+s10+$0x0], $0xffff  }
0x2bf: {  	v5 =	vadd.f32 $1.000000000e+02, v5  }
0x2c0: {  	v6 =	vcvt.s32.f32 v6  }
0x2c1: {  	v5 =	vsub.f32 v40, v5  }
0x2c2: {  	v6 =	vmul.f32 $2.000000000e+02, v6  }
0x2c3: {  	v5 =	vmul.f32 v5, v0;
	v4 =	vsub.f32 v4, v3;
	v8 =	vsub.f32 v61, v60  }
0x2c4: {  	v6 =	vadd.f32 $2.000000000e+02, v6  }
0x2c5: {  	v4 =	vmul.f32 v5, v4;
	v5 =	vmul.f32 v5, v8  }
0x2c6: {  	v6 =	vsub.f32 v42, v6  }
0x2c7: {  	v3 =	vadd.f32 v4, v3;
	v62 =	vadd.f32 v5, v60;
	_ =	sdelay $0x1  }
0x2c8: {  	v63 =	vmul.f32 v6, v1;
	v4 =	vsub.f32 v62, v3;
	_ =	sdelay $0x1  }
0x2c9: {  	v4 =	vmul.f32 v4, v63;
	_ =	sdelay $0x1  }
0x2ca: {  	v3 =	vadd.f32 v4, v3  }
0x2cb: {  	p0 =	sne.s32 s7, $0x1  }
.Ltmp0:
0x2cc: {  	[tilespmem:$0x670] =	vst v3;
	(pc) =	sbr.rel @p0 .LBB2_1-.Ltmp0, $4  }
0x2cd: {  	[hbm4b:s6+s1] =	stream.linear.scatter [tilespmem:s11], [sflag:$0x1], $0x200, $0x38;
	[tilespmem:$0x680] =	vst v63  }
0x2ce: {  	_ =	swait.ge [sflag:s8], $0x200  }
0x2cf: {  	[sflag:s8] =	ssyncset.done $0x0  }
0x2d0: {  	s7 =	sadd.s32 $0xFFFFFFFF, s7;
	[sflag:s8] =	ssyncadd.s32 $0xFFFFFE00  }
0x2d1: {  	_ =	sfence.sel $0x180000  }
0x2d2: {  	[bflag:$0x0] =	sbarrier.arrive $0xFFFF  }
0x2d3: {  	p0 =	sne.s32 s2, $0x0;
	_ =	strace $0x90000047  }
0x2d4: {  	s0 =	sadd.s32 @!p0 $0x100000, s0;
	[bflag:$0x2] =	sbarrier.arrive $0xFFFF  }
0x2d5: {  	[sflag:s0] =	ssyncadd.tile.s32 @!p0 $0x1;
	_ =	shalt  }
.Lfunc_end2:
_tile_overlayer_lowered:
.L_overlay_start_2:
0x2d6: {  	(tag) =	ssettag $0x2  }
0x2d7: {  	s0 =	rddreg [dreg:$0x0];
	s2 =	stileid.u32  }
0x2d8: {  	s1 =	rddreg [dreg:$0x1];
	p0 =	sne.s32 s2, $0x0  }
0x2d9: {  	s3 =	rddreg [dreg:$0x2];
	[bflag:$0x3] =	sbarrier.arrive $0xFFFF;
	s2 =	simm.s32 @!p0 $0x1C01  }
0x2da: {  	[timem:s3], [sflag:s2] =	dma.local @!p0 [hbm:s0], s1  }
0x2db: {  	s0 =	simm.s32 @!p0 $0x1  }
0x2dc: {  	_ =	swait.ge @!p0 [sflag:s0], s1  }
0x2dd: {  	s1 =	ssub.s32 @!p0 $0x0, s1;
	[sflag:s0] =	ssyncset.done @!p0 $0x0  }
0x2de: {  	[sflag:s0] =	ssyncadd.s32 @!p0 s1  }
0x2df: {  	[bflag:$0x3] =	sbarrier.arrive $0xFFFF  }
0x2e0: {  	_ =	shalt  }

</sc_bundles>
